<compile_context>
chip_gen: v7x
topology: tpu7x:2x2x1
jax: 0.10.2.dev20260603
libtpu: 0.0.44.dev20260713+nightly
codegen_flags: <defaults>
</compile_context>

<pallas_src>
import functools

import jax
import jax.numpy as jnp
from jax import lax
from jax.experimental import pallas as pl
from jax.experimental.pallas import tpu as pltpu
from jax.experimental.pallas import tpu_sc as plsc

L = 200
B = 4096
D = 32
C = 10
NW = 32
GROUPS = B // (NW * 16)
CHUNKS = ((0, 112), (112, 88))
SL = 208

_mesh = plsc.VectorSubcoreMesh(core_axis_name="c", subcore_axis_name="s")


@functools.partial(
    pl.kernel,
    out_type=jax.ShapeDtypeStruct((B, C), jnp.float32),
    mesh=_mesh,
    compiler_params=pltpu.CompilerParams(
        use_tc_tiling_on_sc=False, needs_layout_passes=False),
    scratch_types=[
        pltpu.VMEM((L, 16), jnp.int32),
        pltpu.VMEM((16, L), jnp.int32),
        pltpu.VMEM((16 * SL,), jnp.float32),
        pltpu.VMEM((16 * L, D), jnp.float32),
        pltpu.VMEM((16 + C * D,), jnp.float32),
        pltpu.VMEM((32,), jnp.float32),
        pltpu.VMEM((16, C), jnp.float32),
        pltpu.SemaphoreType.DMA,
        pltpu.SemaphoreType.DMA,
    ],
)
def _sc_weighted_boe(x_hbm, attn_hbm, emb_hbm, w_hbm, bias_hbm, out_hbm,
                     xcols_t, xcols_v, scores_v, rows_v, wv, biasv, outv,
                     sem_s, sem_e):
    wid = lax.axis_index("s") * 2 + lax.axis_index("c")
    iota = lax.broadcasted_iota(jnp.int32, (16,), 0)
    zeros16 = jnp.zeros((16,), jnp.int32)

    pltpu.sync_copy(w_hbm, wv)
    pltpu.sync_copy(bias_hbm, biasv)

    def group_body(g, carry):
        b0 = (wid * GROUPS + g) * 16
        pltpu.sync_copy(x_hbm.at[:, pl.ds(b0, 16)], xcols_t)

        def transpose_body(l, valid):
            v = plsc.load_gather(xcols_t, [zeros16 + l, iota])
            plsc.store_scatter(xcols_v, [iota, zeros16 + l], v)
            return valid + jnp.where(v != 0, 1.0, 0.0).astype(jnp.float32)

        valid = lax.fori_loop(0, L, transpose_body,
                              jnp.zeros((16,), jnp.float32))

        score_waits = []
        emb_waits = []
        for bb in range(16):
            for (st, ln) in CHUNKS:
                idx = xcols_v.at[bb, pl.ds(st, ln)]
                score_waits.append(pltpu.async_copy(
                    attn_hbm.at[idx], scores_v.at[pl.ds(bb * SL + st, ln)],
                    sem_s))
        for bb in range(16):
            for (st, ln) in CHUNKS:
                idx = xcols_v.at[bb, pl.ds(st, ln)]
                emb_waits.append(pltpu.async_copy(
                    emb_hbm.at[idx], rows_v.at[pl.ds(bb * L + st, ln), :],
                    sem_e))
        for w_ in score_waits:
            w_.wait()
        for w_ in emb_waits:
            w_.wait()

        def main_body(l, st):
            z = st[0]
            accs = st[1]
            s = plsc.load_gather(scores_v, [iota * SL + l])
            w = jnp.exp(s)
            z = z + w
            ridx = iota * L + l
            new_accs = tuple(
                accs[dd] + w * plsc.load_gather(rows_v, [ridx, zeros16 + dd])
                for dd in range(D))
            return (z, new_accs)

        z, accs = lax.fori_loop(
            0, L, main_body,
            (jnp.zeros((16,), jnp.float32),
             tuple(jnp.zeros((16,), jnp.float32) for _ in range(D))))

        scale = 1.0 / (z * valid)
        h = [accs[dd] * scale for dd in range(D)]

        for cc in range(C):
            o = plsc.load_gather(biasv, [zeros16 + (16 + cc)])
            for dd in range(D):
                wsc = plsc.load_gather(wv, [zeros16 + (16 + cc * D + dd)])
                o = o + wsc * h[dd]
            plsc.store_scatter(outv, [iota, zeros16 + cc], o)

        pltpu.sync_copy(outv, out_hbm.at[pl.ds(b0, 16), :])
        return carry

    lax.fori_loop(0, GROUPS, group_body, 0)


def kernel(x, emb_table, attn_table, W, b):
    w_flat = jnp.pad(W.reshape(-1), (16, 0))
    bias_p = jnp.pad(b, (16, 32 - 16 - C))
    return _sc_weighted_boe(x, attn_table[:, 0], emb_table, w_flat,
                            bias_p)

# --- scband reference (transcript-rebuilt; emitter-appended) ---
"""Pipeline reference for scband-weighted-boe-9070970929671 (READ-ONLY COPY).

The authoritative reference and input builder live on the scoring server;
editing this copy changes nothing except your own understanding.
"""

import jax, jax.numpy as jnp
import numpy as np

VOCAB = 1000000
D = 32
N_CLASSES = 10
L = 200
B = 4096
ZERO_INDS = [0]


def setup_inputs(seed: int = 0) -> dict:
    key = jax.random.key(seed)
    k1, k2, k3, k4 = jax.random.split(key, 4)
    x = jax.random.randint(k1, (L, B), 0, VOCAB, dtype=jnp.int32)
    emb_table = jax.random.normal(k2, (VOCAB, D), dtype=jnp.float32) * 0.02
    emb_table = emb_table.at[0].set(0.0)  # padding_idx=0 row is zero
    attn_table = jax.random.normal(k3, (VOCAB, 1), dtype=jnp.float32) * 0.02
    attn_table = attn_table.at[0].set(0.0)  # padding_idx=0 row is zero
    W = jax.random.normal(k4, (N_CLASSES, D), dtype=jnp.float32) * 0.02
    b = jnp.zeros((N_CLASSES,), dtype=jnp.float32)
    return {"x": x, "emb_table": emb_table, "attn_table": attn_table, "W": W, "b": b}


def reference(x, emb_table, attn_table, W, b):
    # Permute(1, 0): (n_words, batch) -> (batch, n_words)
    xT = jnp.transpose(x, (1, 0))
    # mask: True where token is NOT in zero_inds
    acc = jnp.zeros(xT.shape, dtype=jnp.float32)
    for i in ZERO_INDS:
        acc = acc + (xT == i).astype(jnp.float32)
    mask = (acc == 0.0)
    valid_length = mask.astype(jnp.float32).sum(axis=1)  # (B,)
    # embedding lookups (gather)
    emb = jnp.take(emb_table, xT, axis=0)   # (B, L, D)
    hilf = jnp.take(attn_table, xT, axis=0)  # (B, L, 1)
    attn = jax.nn.softmax(hilf, axis=1)      # softmax over sequence dim
    h = attn * emb                            # (B, L, D)
    h = h.sum(axis=1) / valid_length[:, None]  # (B, D)
    logits = h @ W.T + b                      # (B, n_classes)
    return logits

if __name__ == "__main__":
    import jax
    _d = setup_inputs()
    print(jax.jit(kernel)(*tuple(_d.values())))

</pallas_src>

<mosaic_0001>
#map = affine_map<(d0, d1) -> (0, 0)>
#map1 = affine_map<(d0, d1) -> (0)>
module attributes {stable_mosaic.version = 14 : i64} {
  func.func @_sc_weighted_boe(%arg0: i32, %arg1: i32, %arg2: memref<200x4096xi32, #tpu.memory_space<hbm>>, %arg3: memref<1000000xf32, #tpu.memory_space<hbm>>, %arg4: memref<1000000x32xf32, #tpu.memory_space<hbm>>, %arg5: memref<336xf32, #tpu.memory_space<hbm>>, %arg6: memref<32xf32, #tpu.memory_space<hbm>>, %arg7: memref<4096x10xf32, #tpu.memory_space<hbm>>, %arg8: memref<200x16xi32, #tpu.memory_space<vmem>>, %arg9: memref<16x200xi32, #tpu.memory_space<vmem>>, %arg10: memref<3328xf32, #tpu.memory_space<vmem>>, %arg11: memref<3200x32xf32, #tpu.memory_space<vmem>>, %arg12: memref<336xf32, #tpu.memory_space<vmem>>, %arg13: memref<32xf32, #tpu.memory_space<vmem>>, %arg14: memref<16x10xf32, #tpu.memory_space<vmem>>, %arg15: memref<!tpu.dma_semaphore, #tpu.memory_space<semaphore_mem>>, %arg16: memref<!tpu.dma_semaphore, #tpu.memory_space<semaphore_mem>>) attributes {dimension_semantics = [#tpu.dimension_semantics<core_parallel>, #tpu.dimension_semantics<subcore_parallel>], iteration_bounds = array<i64: 2, 16>, scalar_prefetch = 0 : i64, scratch_operands = 9 : i64, tpu.core_type = #tpu.core_type<sc_vector_subcore>, window_params = [{transform_indices = #map}, {transform_indices = #map1}, {transform_indices = #map}, {transform_indices = #map1}, {transform_indices = #map1}, {transform_indices = #map}]} {
    %mul3A = arith.constant 2 : i32
    %mul3A_0 = arith.muli %arg1, %mul3A : i32
    %add3A = arith.addi %mul3A_0, %arg0 : i32
    %iota3A = tpu.iota {dimensions = array<i32: 0>} : vector<16xi32>
    %broadcast_in_dim3A = arith.constant 0 : i32
    %broadcast_in_dim3A_1 = vector.broadcast %broadcast_in_dim3A : i32 to vector<16xi32>
    "tpu.region"() ({
      %run_scoped3A = tpu.sem_alloc : memref<!tpu.dma_semaphore, #tpu.memory_space<semaphore_mem>>
      tpu.enqueue_dma source(%arg5 : memref<336xf32, #tpu.memory_space<hbm>>) target(%arg12 : memref<336xf32, #tpu.memory_space<vmem>>) target_semaphore(%run_scoped3A : memref<!tpu.dma_semaphore, #tpu.memory_space<semaphore_mem>>)
      tpu.wait_dma2 semaphore(%run_scoped3A : memref<!tpu.dma_semaphore, #tpu.memory_space<semaphore_mem>>) src(%arg5 : memref<336xf32, #tpu.memory_space<hbm>>) dst(%arg12 : memref<336xf32, #tpu.memory_space<vmem>>)
      tpu.yield
    }) : () -> ()
    "tpu.region"() ({
      %run_scoped3A = tpu.sem_alloc : memref<!tpu.dma_semaphore, #tpu.memory_space<semaphore_mem>>
      tpu.enqueue_dma source(%arg6 : memref<32xf32, #tpu.memory_space<hbm>>) target(%arg13 : memref<32xf32, #tpu.memory_space<vmem>>) target_semaphore(%run_scoped3A : memref<!tpu.dma_semaphore, #tpu.memory_space<semaphore_mem>>)
      tpu.wait_dma2 semaphore(%run_scoped3A : memref<!tpu.dma_semaphore, #tpu.memory_space<semaphore_mem>>) src(%arg6 : memref<32xf32, #tpu.memory_space<hbm>>) dst(%arg13 : memref<32xf32, #tpu.memory_space<vmem>>)
      tpu.yield
    }) : () -> ()
    %scan3A = arith.constant 0 : i32
    %scan3A_2 = arith.constant 0 : i32
    %scan3A_3 = arith.constant 8 : i32
    %scan3A_4 = arith.addi %scan3A_2, %scan3A_3 : i32
    %scan3A_5 = arith.constant 1 : i32
    scf.for %scan3A_7 = %scan3A_2 to %scan3A_4 step %scan3A_5  : i32 {
      %mul3A_8 = arith.constant 8 : i32
      %mul3A_9 = arith.muli %add3A, %mul3A_8 : i32
      %add3A_10 = arith.addi %mul3A_9, %scan3A_7 : i32
      %mul3A_11 = arith.constant 16 : i32
      %mul3A_12 = arith.muli %add3A_10, %mul3A_11 : i32
      "tpu.region"() ({
        %run_scoped3A = tpu.sem_alloc : memref<!tpu.dma_semaphore, #tpu.memory_space<semaphore_mem>>
        %dma_start3A_3267 = arith.constant 0 : i32
        %dma_start3A_3268 = tpu.memref_slice %arg2[%dma_start3A_3267, %mul3A_12] : memref<200x4096xi32, #tpu.memory_space<hbm>> -> memref<200x16xi32, #tpu.memory_space<hbm>>
        %dma_start3A_3269 = arith.constant 0 : i32
        %dma_start3A_3270 = tpu.memref_slice %arg2[%dma_start3A_3269, %mul3A_12] : memref<200x4096xi32, #tpu.memory_space<hbm>> -> memref<200x16xi32, #tpu.memory_space<hbm>>
        tpu.enqueue_dma source(%dma_start3A_3270 : memref<200x16xi32, #tpu.memory_space<hbm>>) target(%arg8 : memref<200x16xi32, #tpu.memory_space<vmem>>) target_semaphore(%run_scoped3A : memref<!tpu.dma_semaphore, #tpu.memory_space<semaphore_mem>>)
        %dma_wait3A_3271 = arith.constant 0 : i32
        %dma_wait3A_3272 = tpu.memref_slice %arg2[%dma_wait3A_3271, %mul3A_12] : memref<200x4096xi32, #tpu.memory_space<hbm>> -> memref<200x16xi32, #tpu.memory_space<hbm>>
        %dma_wait3A_3273 = arith.constant 0 : i32
        %dma_wait3A_3274 = tpu.memref_slice %arg2[%dma_wait3A_3273, %mul3A_12] : memref<200x4096xi32, #tpu.memory_space<hbm>> -> memref<200x16xi32, #tpu.memory_space<hbm>>
        tpu.wait_dma2 semaphore(%run_scoped3A : memref<!tpu.dma_semaphore, #tpu.memory_space<semaphore_mem>>) src(%dma_wait3A_3274 : memref<200x16xi32, #tpu.memory_space<hbm>>) dst(%arg8 : memref<200x16xi32, #tpu.memory_space<vmem>>)
        tpu.yield
      }) : () -> ()
      %broadcast_in_dim3A_13 = arith.constant 0.000000e+00 : f32
      %broadcast_in_dim3A_14 = vector.broadcast %broadcast_in_dim3A_13 : f32 to vector<16xf32>
      %scan3A_15 = arith.constant 0 : i32
      %scan3A_16 = arith.constant 200 : i32
      %scan3A_17 = arith.addi %scan3A_15, %scan3A_16 : i32
      %scan3A_18 = arith.constant 1 : i32
      %scan3A_19 = scf.for %scan3A_3267 = %scan3A_15 to %scan3A_17 step %scan3A_18 iter_args(%scan3A_3268 = %broadcast_in_dim3A_14) -> (vector<16xf32>)  : i32 {
        %add3A_3269 = vector.broadcast %scan3A_3267 : i32 to vector<16xi32>
        %add3A_3270 = arith.addi %broadcast_in_dim3A_1, %add3A_3269 : vector<16xi32>
        %gather3A_3271 = tpu.vector_load_idx %arg8[%add3A_3270, %iota3A] : memref<200x16xi32, #tpu.memory_space<vmem>>[vector<16xi32>, vector<16xi32>], vector<16xi32>,
        %add3A_3272 = vector.broadcast %scan3A_3267 : i32 to vector<16xi32>
        %add3A_3273 = arith.addi %broadcast_in_dim3A_1, %add3A_3272 : vector<16xi32>
        tpu.vector_store_idx %arg9[%iota3A, %add3A_3273], %gather3A_3271 : memref<16x200xi32, #tpu.memory_space<vmem>>[vector<16xi32>, vector<16xi32>], vector<16xi32>,
        %ne3A = arith.constant 0 : i32
        %ne3A_3274 = vector.broadcast %ne3A : i32 to vector<16xi32>
        %ne3A_3275 = arith.cmpi ne, %gather3A_3271, %ne3A_3274 : vector<16xi32>
        %jit3A = arith.constant 1.000000e+00 : f32
        %jit3A_3276 = arith.constant 0.000000e+00 : f32
        %broadcast_in_dim3A_3277 = vector.broadcast %jit3A : f32 to vector<16xf32>
        %broadcast_in_dim3A_3278 = vector.broadcast %jit3A_3276 : f32 to vector<16xf32>
        %select_n3A = arith.select %ne3A_3275, %broadcast_in_dim3A_3277, %broadcast_in_dim3A_3278 : vector<16xi1>, vector<16xf32>
        %add3A_3279 = arith.addf %scan3A_3268, %select_n3A : vector<16xf32>
        scf.yield %add3A_3279 : vector<16xf32>
      }
      %scan3A_20 = arith.constant 200 : i32
      %dma_start3A = arith.constant 0 : i32
      %dma_start3A_21 = arith.constant 0 : i32
      %dma_start3A_22 = tpu.memref_slice %arg10[%dma_start3A_21] : memref<3328xf32, #tpu.memory_space<vmem>> -> memref<112xf32, #tpu.memory_space<vmem>>
      %dma_start3A_23 = arith.constant 0 : i32
      %dma_start3A_24 = tpu.memref_slice %arg9[%dma_start3A, %dma_start3A_23] : memref<16x200xi32, #tpu.memory_space<vmem>> -> memref<1x112xi32, #tpu.memory_space<vmem>>
      %dma_start3A_25 = tpu.memref_squeeze %dma_start3A_24 : memref<1x112xi32, #tpu.memory_space<vmem>> -> memref<112xi32, #tpu.memory_space<vmem>>
      %dma_start3A_26 = arith.constant 0 : i32
      %dma_start3A_27 = tpu.memref_slice %arg3[%dma_start3A_26] : memref<1000000xf32, #tpu.memory_space<hbm>> -> memref<1000000xf32, #tpu.memory_space<hbm>>
      tpu.enqueue_indirect_dma source(%dma_start3A_27 : memref<1000000xf32, #tpu.memory_space<hbm>>) target(%dma_start3A_22 : memref<112xf32, #tpu.memory_space<vmem>>) offsets(%dma_start3A_25 : memref<112xi32, #tpu.memory_space<vmem>>) semaphore(%arg15 : memref<!tpu.dma_semaphore, #tpu.memory_space<semaphore_mem>>)
      %dma_start3A_28 = arith.constant 0 : i32
      %dma_start3A_29 = arith.constant 112 : i32
      %dma_start3A_30 = tpu.memref_slice %arg10[%dma_start3A_29] : memref<3328xf32, #tpu.memory_space<vmem>> -> memref<88xf32, #tpu.memory_space<vmem>>
      %dma_start3A_31 = arith.constant 112 : i32
      %dma_start3A_32 = tpu.memref_slice %arg9[%dma_start3A_28, %dma_start3A_31] : memref<16x200xi32, #tpu.memory_space<vmem>> -> memref<1x88xi32, #tpu.memory_space<vmem>>
      %dma_start3A_33 = tpu.memref_squeeze %dma_start3A_32 : memref<1x88xi32, #tpu.memory_space<vmem>> -> memref<88xi32, #tpu.memory_space<vmem>>
      %dma_start3A_34 = arith.constant 0 : i32
      %dma_start3A_35 = tpu.memref_slice %arg3[%dma_start3A_34] : memref<1000000xf32, #tpu.memory_space<hbm>> -> memref<1000000xf32, #tpu.memory_space<hbm>>
      tpu.enqueue_indirect_dma source(%dma_start3A_35 : memref<1000000xf32, #tpu.memory_space<hbm>>) target(%dma_start3A_30 : memref<88xf32, #tpu.memory_space<vmem>>) offsets(%dma_start3A_33 : memref<88xi32, #tpu.memory_space<vmem>>) semaphore(%arg15 : memref<!tpu.dma_semaphore, #tpu.memory_space<semaphore_mem>>)
      %dma_start3A_36 = arith.constant 1 : i32
      %dma_start3A_37 = arith.constant 208 : i32
      %dma_start3A_38 = tpu.memref_slice %arg10[%dma_start3A_37] : memref<3328xf32, #tpu.memory_space<vmem>> -> memref<112xf32, #tpu.memory_space<vmem>>
      %dma_start3A_39 = arith.constant 0 : i32
      %dma_start3A_40 = tpu.memref_slice %arg9[%dma_start3A_36, %dma_start3A_39] : memref<16x200xi32, #tpu.memory_space<vmem>> -> memref<1x112xi32, #tpu.memory_space<vmem>>
      %dma_start3A_41 = tpu.memref_squeeze %dma_start3A_40 : memref<1x112xi32, #tpu.memory_space<vmem>> -> memref<112xi32, #tpu.memory_space<vmem>>
      %dma_start3A_42 = arith.constant 0 : i32
      %dma_start3A_43 = tpu.memref_slice %arg3[%dma_start3A_42] : memref<1000000xf32, #tpu.memory_space<hbm>> -> memref<1000000xf32, #tpu.memory_space<hbm>>
      tpu.enqueue_indirect_dma source(%dma_start3A_43 : memref<1000000xf32, #tpu.memory_space<hbm>>) target(%dma_start3A_38 : memref<112xf32, #tpu.memory_space<vmem>>) offsets(%dma_start3A_41 : memref<112xi32, #tpu.memory_space<vmem>>) semaphore(%arg15 : memref<!tpu.dma_semaphore, #tpu.memory_space<semaphore_mem>>)
      %dma_start3A_44 = arith.constant 1 : i32
      %dma_start3A_45 = arith.constant 320 : i32
      %dma_start3A_46 = tpu.memref_slice %arg10[%dma_start3A_45] : memref<3328xf32, #tpu.memory_space<vmem>> -> memref<88xf32, #tpu.memory_space<vmem>>
      %dma_start3A_47 = arith.constant 112 : i32
      %dma_start3A_48 = tpu.memref_slice %arg9[%dma_start3A_44, %dma_start3A_47] : memref<16x200xi32, #tpu.memory_space<vmem>> -> memref<1x88xi32, #tpu.memory_space<vmem>>
      %dma_start3A_49 = tpu.memref_squeeze %dma_start3A_48 : memref<1x88xi32, #tpu.memory_space<vmem>> -> memref<88xi32, #tpu.memory_space<vmem>>
      %dma_start3A_50 = arith.constant 0 : i32
      %dma_start3A_51 = tpu.memref_slice %arg3[%dma_start3A_50] : memref<1000000xf32, #tpu.memory_space<hbm>> -> memref<1000000xf32, #tpu.memory_space<hbm>>
      tpu.enqueue_indirect_dma source(%dma_start3A_51 : memref<1000000xf32, #tpu.memory_space<hbm>>) target(%dma_start3A_46 : memref<88xf32, #tpu.memory_space<vmem>>) offsets(%dma_start3A_49 : memref<88xi32, #tpu.memory_space<vmem>>) semaphore(%arg15 : memref<!tpu.dma_semaphore, #tpu.memory_space<semaphore_mem>>)
      %dma_start3A_52 = arith.constant 2 : i32
      %dma_start3A_53 = arith.constant 416 : i32
      %dma_start3A_54 = tpu.memref_slice %arg10[%dma_start3A_53] : memref<3328xf32, #tpu.memory_space<vmem>> -> memref<112xf32, #tpu.memory_space<vmem>>
      %dma_start3A_55 = arith.constant 0 : i32
      %dma_start3A_56 = tpu.memref_slice %arg9[%dma_start3A_52, %dma_start3A_55] : memref<16x200xi32, #tpu.memory_space<vmem>> -> memref<1x112xi32, #tpu.memory_space<vmem>>
      %dma_start3A_57 = tpu.memref_squeeze %dma_start3A_56 : memref<1x112xi32, #tpu.memory_space<vmem>> -> memref<112xi32, #tpu.memory_space<vmem>>
      %dma_start3A_58 = arith.constant 0 : i32
      %dma_start3A_59 = tpu.memref_slice %arg3[%dma_start3A_58] : memref<1000000xf32, #tpu.memory_space<hbm>> -> memref<1000000xf32, #tpu.memory_space<hbm>>
      tpu.enqueue_indirect_dma source(%dma_start3A_59 : memref<1000000xf32, #tpu.memory_space<hbm>>) target(%dma_start3A_54 : memref<112xf32, #tpu.memory_space<vmem>>) offsets(%dma_start3A_57 : memref<112xi32, #tpu.memory_space<vmem>>) semaphore(%arg15 : memref<!tpu.dma_semaphore, #tpu.memory_space<semaphore_mem>>)
      %dma_start3A_60 = arith.constant 2 : i32
      %dma_start3A_61 = arith.constant 528 : i32
      %dma_start3A_62 = tpu.memref_slice %arg10[%dma_start3A_61] : memref<3328xf32, #tpu.memory_space<vmem>> -> memref<88xf32, #tpu.memory_space<vmem>>
      %dma_start3A_63 = arith.constant 112 : i32
      %dma_start3A_64 = tpu.memref_slice %arg9[%dma_start3A_60, %dma_start3A_63] : memref<16x200xi32, #tpu.memory_space<vmem>> -> memref<1x88xi32, #tpu.memory_space<vmem>>
      %dma_start3A_65 = tpu.memref_squeeze %dma_start3A_64 : memref<1x88xi32, #tpu.memory_space<vmem>> -> memref<88xi32, #tpu.memory_space<vmem>>
      %dma_start3A_66 = arith.constant 0 : i32
      %dma_start3A_67 = tpu.memref_slice %arg3[%dma_start3A_66] : memref<1000000xf32, #tpu.memory_space<hbm>> -> memref<1000000xf32, #tpu.memory_space<hbm>>
      tpu.enqueue_indirect_dma source(%dma_start3A_67 : memref<1000000xf32, #tpu.memory_space<hbm>>) target(%dma_start3A_62 : memref<88xf32, #tpu.memory_space<vmem>>) offsets(%dma_start3A_65 : memref<88xi32, #tpu.memory_space<vmem>>) semaphore(%arg15 : memref<!tpu.dma_semaphore, #tpu.memory_space<semaphore_mem>>)
      %dma_start3A_68 = arith.constant 3 : i32
      %dma_start3A_69 = arith.constant 624 : i32
      %dma_start3A_70 = tpu.memref_slice %arg10[%dma_start3A_69] : memref<3328xf32, #tpu.memory_space<vmem>> -> memref<112xf32, #tpu.memory_space<vmem>>
      %dma_start3A_71 = arith.constant 0 : i32
      %dma_start3A_72 = tpu.memref_slice %arg9[%dma_start3A_68, %dma_start3A_71] : memref<16x200xi32, #tpu.memory_space<vmem>> -> memref<1x112xi32, #tpu.memory_space<vmem>>
      %dma_start3A_73 = tpu.memref_squeeze %dma_start3A_72 : memref<1x112xi32, #tpu.memory_space<vmem>> -> memref<112xi32, #tpu.memory_space<vmem>>
      %dma_start3A_74 = arith.constant 0 : i32
      %dma_start3A_75 = tpu.memref_slice %arg3[%dma_start3A_74] : memref<1000000xf32, #tpu.memory_space<hbm>> -> memref<1000000xf32, #tpu.memory_space<hbm>>
      tpu.enqueue_indirect_dma source(%dma_start3A_75 : memref<1000000xf32, #tpu.memory_space<hbm>>) target(%dma_start3A_70 : memref<112xf32, #tpu.memory_space<vmem>>) offsets(%dma_start3A_73 : memref<112xi32, #tpu.memory_space<vmem>>) semaphore(%arg15 : memref<!tpu.dma_semaphore, #tpu.memory_space<semaphore_mem>>)
      %dma_start3A_76 = arith.constant 3 : i32
      %dma_start3A_77 = arith.constant 736 : i32
      %dma_start3A_78 = tpu.memref_slice %arg10[%dma_start3A_77] : memref<3328xf32, #tpu.memory_space<vmem>> -> memref<88xf32, #tpu.memory_space<vmem>>
      %dma_start3A_79 = arith.constant 112 : i32
      %dma_start3A_80 = tpu.memref_slice %arg9[%dma_start3A_76, %dma_start3A_79] : memref<16x200xi32, #tpu.memory_space<vmem>> -> memref<1x88xi32, #tpu.memory_space<vmem>>
      %dma_start3A_81 = tpu.memref_squeeze %dma_start3A_80 : memref<1x88xi32, #tpu.memory_space<vmem>> -> memref<88xi32, #tpu.memory_space<vmem>>
      %dma_start3A_82 = arith.constant 0 : i32
      %dma_start3A_83 = tpu.memref_slice %arg3[%dma_start3A_82] : memref<1000000xf32, #tpu.memory_space<hbm>> -> memref<1000000xf32, #tpu.memory_space<hbm>>
      tpu.enqueue_indirect_dma source(%dma_start3A_83 : memref<1000000xf32, #tpu.memory_space<hbm>>) target(%dma_start3A_78 : memref<88xf32, #tpu.memory_space<vmem>>) offsets(%dma_start3A_81 : memref<88xi32, #tpu.memory_space<vmem>>) semaphore(%arg15 : memref<!tpu.dma_semaphore, #tpu.memory_space<semaphore_mem>>)
      %dma_start3A_84 = arith.constant 4 : i32
      %dma_start3A_85 = arith.constant 832 : i32
      %dma_start3A_86 = tpu.memref_slice %arg10[%dma_start3A_85] : memref<3328xf32, #tpu.memory_space<vmem>> -> memref<112xf32, #tpu.memory_space<vmem>>
      %dma_start3A_87 = arith.constant 0 : i32
      %dma_start3A_88 = tpu.memref_slice %arg9[%dma_start3A_84, %dma_start3A_87] : memref<16x200xi32, #tpu.memory_space<vmem>> -> memref<1x112xi32, #tpu.memory_space<vmem>>
      %dma_start3A_89 = tpu.memref_squeeze %dma_start3A_88 : memref<1x112xi32, #tpu.memory_space<vmem>> -> memref<112xi32, #tpu.memory_space<vmem>>
      %dma_start3A_90 = arith.constant 0 : i32
      %dma_start3A_91 = tpu.memref_slice %arg3[%dma_start3A_90] : memref<1000000xf32, #tpu.memory_space<hbm>> -> memref<1000000xf32, #tpu.memory_space<hbm>>
      tpu.enqueue_indirect_dma source(%dma_start3A_91 : memref<1000000xf32, #tpu.memory_space<hbm>>) target(%dma_start3A_86 : memref<112xf32, #tpu.memory_space<vmem>>) offsets(%dma_start3A_89 : memref<112xi32, #tpu.memory_space<vmem>>) semaphore(%arg15 : memref<!tpu.dma_semaphore, #tpu.memory_space<semaphore_mem>>)
      %dma_start3A_92 = arith.constant 4 : i32
      %dma_start3A_93 = arith.constant 944 : i32
      %dma_start3A_94 = tpu.memref_slice %arg10[%dma_start3A_93] : memref<3328xf32, #tpu.memory_space<vmem>> -> memref<88xf32, #tpu.memory_space<vmem>>
      %dma_start3A_95 = arith.constant 112 : i32
      %dma_start3A_96 = tpu.memref_slice %arg9[%dma_start3A_92, %dma_start3A_95] : memref<16x200xi32, #tpu.memory_space<vmem>> -> memref<1x88xi32, #tpu.memory_space<vmem>>
      %dma_start3A_97 = tpu.memref_squeeze %dma_start3A_96 : memref<1x88xi32, #tpu.memory_space<vmem>> -> memref<88xi32, #tpu.memory_space<vmem>>
      %dma_start3A_98 = arith.constant 0 : i32
      %dma_start3A_99 = tpu.memref_slice %arg3[%dma_start3A_98] : memref<1000000xf32, #tpu.memory_space<hbm>> -> memref<1000000xf32, #tpu.memory_space<hbm>>
      tpu.enqueue_indirect_dma source(%dma_start3A_99 : memref<1000000xf32, #tpu.memory_space<hbm>>) target(%dma_start3A_94 : memref<88xf32, #tpu.memory_space<vmem>>) offsets(%dma_start3A_97 : memref<88xi32, #tpu.memory_space<vmem>>) semaphore(%arg15 : memref<!tpu.dma_semaphore, #tpu.memory_space<semaphore_mem>>)
      %dma_start3A_100 = arith.constant 5 : i32
      %dma_start3A_101 = arith.constant 1040 : i32
      %dma_start3A_102 = tpu.memref_slice %arg10[%dma_start3A_101] : memref<3328xf32, #tpu.memory_space<vmem>> -> memref<112xf32, #tpu.memory_space<vmem>>
      %dma_start3A_103 = arith.constant 0 : i32
      %dma_start3A_104 = tpu.memref_slice %arg9[%dma_start3A_100, %dma_start3A_103] : memref<16x200xi32, #tpu.memory_space<vmem>> -> memref<1x112xi32, #tpu.memory_space<vmem>>
      %dma_start3A_105 = tpu.memref_squeeze %dma_start3A_104 : memref<1x112xi32, #tpu.memory_space<vmem>> -> memref<112xi32, #tpu.memory_space<vmem>>
      %dma_start3A_106 = arith.constant 0 : i32
      %dma_start3A_107 = tpu.memref_slice %arg3[%dma_start3A_106] : memref<1000000xf32, #tpu.memory_space<hbm>> -> memref<1000000xf32, #tpu.memory_space<hbm>>
      tpu.enqueue_indirect_dma source(%dma_start3A_107 : memref<1000000xf32, #tpu.memory_space<hbm>>) target(%dma_start3A_102 : memref<112xf32, #tpu.memory_space<vmem>>) offsets(%dma_start3A_105 : memref<112xi32, #tpu.memory_space<vmem>>) semaphore(%arg15 : memref<!tpu.dma_semaphore, #tpu.memory_space<semaphore_mem>>)
      %dma_start3A_108 = arith.constant 5 : i32
      %dma_start3A_109 = arith.constant 1152 : i32
      %dma_start3A_110 = tpu.memref_slice %arg10[%dma_start3A_109] : memref<3328xf32, #tpu.memory_space<vmem>> -> memref<88xf32, #tpu.memory_space<vmem>>
      %dma_start3A_111 = arith.constant 112 : i32
      %dma_start3A_112 = tpu.memref_slice %arg9[%dma_start3A_108, %dma_start3A_111] : memref<16x200xi32, #tpu.memory_space<vmem>> -> memref<1x88xi32, #tpu.memory_space<vmem>>
      %dma_start3A_113 = tpu.memref_squeeze %dma_start3A_112 : memref<1x88xi32, #tpu.memory_space<vmem>> -> memref<88xi32, #tpu.memory_space<vmem>>
      %dma_start3A_114 = arith.constant 0 : i32
      %dma_start3A_115 = tpu.memref_slice %arg3[%dma_start3A_114] : memref<1000000xf32, #tpu.memory_space<hbm>> -> memref<1000000xf32, #tpu.memory_space<hbm>>
      tpu.enqueue_indirect_dma source(%dma_start3A_115 : memref<1000000xf32, #tpu.memory_space<hbm>>) target(%dma_start3A_110 : memref<88xf32, #tpu.memory_space<vmem>>) offsets(%dma_start3A_113 : memref<88xi32, #tpu.memory_space<vmem>>) semaphore(%arg15 : memref<!tpu.dma_semaphore, #tpu.memory_space<semaphore_mem>>)
      %dma_start3A_116 = arith.constant 6 : i32
      %dma_start3A_117 = arith.constant 1248 : i32
      %dma_start3A_118 = tpu.memref_slice %arg10[%dma_start3A_117] : memref<3328xf32, #tpu.memory_space<vmem>> -> memref<112xf32, #tpu.memory_space<vmem>>
      %dma_start3A_119 = arith.constant 0 : i32
      %dma_start3A_120 = tpu.memref_slice %arg9[%dma_start3A_116, %dma_start3A_119] : memref<16x200xi32, #tpu.memory_space<vmem>> -> memref<1x112xi32, #tpu.memory_space<vmem>>
      %dma_start3A_121 = tpu.memref_squeeze %dma_start3A_120 : memref<1x112xi32, #tpu.memory_space<vmem>> -> memref<112xi32, #tpu.memory_space<vmem>>
      %dma_start3A_122 = arith.constant 0 : i32
      %dma_start3A_123 = tpu.memref_slice %arg3[%dma_start3A_122] : memref<1000000xf32, #tpu.memory_space<hbm>> -> memref<1000000xf32, #tpu.memory_space<hbm>>
      tpu.enqueue_indirect_dma source(%dma_start3A_123 : memref<1000000xf32, #tpu.memory_space<hbm>>) target(%dma_start3A_118 : memref<112xf32, #tpu.memory_space<vmem>>) offsets(%dma_start3A_121 : memref<112xi32, #tpu.memory_space<vmem>>) semaphore(%arg15 : memref<!tpu.dma_semaphore, #tpu.memory_space<semaphore_mem>>)
      %dma_start3A_124 = arith.constant 6 : i32
      %dma_start3A_125 = arith.constant 1360 : i32
      %dma_start3A_126 = tpu.memref_slice %arg10[%dma_start3A_125] : memref<3328xf32, #tpu.memory_space<vmem>> -> memref<88xf32, #tpu.memory_space<vmem>>
      %dma_start3A_127 = arith.constant 112 : i32
      %dma_start3A_128 = tpu.memref_slice %arg9[%dma_start3A_124, %dma_start3A_127] : memref<16x200xi32, #tpu.memory_space<vmem>> -> memref<1x88xi32, #tpu.memory_space<vmem>>
      %dma_start3A_129 = tpu.memref_squeeze %dma_start3A_128 : memref<1x88xi32, #tpu.memory_space<vmem>> -> memref<88xi32, #tpu.memory_space<vmem>>
      %dma_start3A_130 = arith.constant 0 : i32
      %dma_start3A_131 = tpu.memref_slice %arg3[%dma_start3A_130] : memref<1000000xf32, #tpu.memory_space<hbm>> -> memref<1000000xf32, #tpu.memory_space<hbm>>
      tpu.enqueue_indirect_dma source(%dma_start3A_131 : memref<1000000xf32, #tpu.memory_space<hbm>>) target(%dma_start3A_126 : memref<88xf32, #tpu.memory_space<vmem>>) offsets(%dma_start3A_129 : memref<88xi32, #tpu.memory_space<vmem>>) semaphore(%arg15 : memref<!tpu.dma_semaphore, #tpu.memory_space<semaphore_mem>>)
      %dma_start3A_132 = arith.constant 7 : i32
      %dma_start3A_133 = arith.constant 1456 : i32
      %dma_start3A_134 = tpu.memref_slice %arg10[%dma_start3A_133] : memref<3328xf32, #tpu.memory_space<vmem>> -> memref<112xf32, #tpu.memory_space<vmem>>
      %dma_start3A_135 = arith.constant 0 : i32
      %dma_start3A_136 = tpu.memref_slice %arg9[%dma_start3A_132, %dma_start3A_135] : memref<16x200xi32, #tpu.memory_space<vmem>> -> memref<1x112xi32, #tpu.memory_space<vmem>>
      %dma_start3A_137 = tpu.memref_squeeze %dma_start3A_136 : memref<1x112xi32, #tpu.memory_space<vmem>> -> memref<112xi32, #tpu.memory_space<vmem>>
      %dma_start3A_138 = arith.constant 0 : i32
      %dma_start3A_139 = tpu.memref_slice %arg3[%dma_start3A_138] : memref<1000000xf32, #tpu.memory_space<hbm>> -> memref<1000000xf32, #tpu.memory_space<hbm>>
      tpu.enqueue_indirect_dma source(%dma_start3A_139 : memref<1000000xf32, #tpu.memory_space<hbm>>) target(%dma_start3A_134 : memref<112xf32, #tpu.memory_space<vmem>>) offsets(%dma_start3A_137 : memref<112xi32, #tpu.memory_space<vmem>>) semaphore(%arg15 : memref<!tpu.dma_semaphore, #tpu.memory_space<semaphore_mem>>)
      %dma_start3A_140 = arith.constant 7 : i32
      %dma_start3A_141 = arith.constant 1568 : i32
      %dma_start3A_142 = tpu.memref_slice %arg10[%dma_start3A_141] : memref<3328xf32, #tpu.memory_space<vmem>> -> memref<88xf32, #tpu.memory_space<vmem>>
      %dma_start3A_143 = arith.constant 112 : i32
      %dma_start3A_144 = tpu.memref_slice %arg9[%dma_start3A_140, %dma_start3A_143] : memref<16x200xi32, #tpu.memory_space<vmem>> -> memref<1x88xi32, #tpu.memory_space<vmem>>
      %dma_start3A_145 = tpu.memref_squeeze %dma_start3A_144 : memref<1x88xi32, #tpu.memory_space<vmem>> -> memref<88xi32, #tpu.memory_space<vmem>>
      %dma_start3A_146 = arith.constant 0 : i32
      %dma_start3A_147 = tpu.memref_slice %arg3[%dma_start3A_146] : memref<1000000xf32, #tpu.memory_space<hbm>> -> memref<1000000xf32, #tpu.memory_space<hbm>>
      tpu.enqueue_indirect_dma source(%dma_start3A_147 : memref<1000000xf32, #tpu.memory_space<hbm>>) target(%dma_start3A_142 : memref<88xf32, #tpu.memory_space<vmem>>) offsets(%dma_start3A_145 : memref<88xi32, #tpu.memory_space<vmem>>) semaphore(%arg15 : memref<!tpu.dma_semaphore, #tpu.memory_space<semaphore_mem>>)
      %dma_start3A_148 = arith.constant 8 : i32
      %dma_start3A_149 = arith.constant 1664 : i32
      %dma_start3A_150 = tpu.memref_slice %arg10[%dma_start3A_149] : memref<3328xf32, #tpu.memory_space<vmem>> -> memref<112xf32, #tpu.memory_space<vmem>>
      %dma_start3A_151 = arith.constant 0 : i32
      %dma_start3A_152 = tpu.memref_slice %arg9[%dma_start3A_148, %dma_start3A_151] : memref<16x200xi32, #tpu.memory_space<vmem>> -> memref<1x112xi32, #tpu.memory_space<vmem>>
      %dma_start3A_153 = tpu.memref_squeeze %dma_start3A_152 : memref<1x112xi32, #tpu.memory_space<vmem>> -> memref<112xi32, #tpu.memory_space<vmem>>
      %dma_start3A_154 = arith.constant 0 : i32
      %dma_start3A_155 = tpu.memref_slice %arg3[%dma_start3A_154] : memref<1000000xf32, #tpu.memory_space<hbm>> -> memref<1000000xf32, #tpu.memory_space<hbm>>
      tpu.enqueue_indirect_dma source(%dma_start3A_155 : memref<1000000xf32, #tpu.memory_space<hbm>>) target(%dma_start3A_150 : memref<112xf32, #tpu.memory_space<vmem>>) offsets(%dma_start3A_153 : memref<112xi32, #tpu.memory_space<vmem>>) semaphore(%arg15 : memref<!tpu.dma_semaphore, #tpu.memory_space<semaphore_mem>>)
      %dma_start3A_156 = arith.constant 8 : i32
      %dma_start3A_157 = arith.constant 1776 : i32
      %dma_start3A_158 = tpu.memref_slice %arg10[%dma_start3A_157] : memref<3328xf32, #tpu.memory_space<vmem>> -> memref<88xf32, #tpu.memory_space<vmem>>
      %dma_start3A_159 = arith.constant 112 : i32
      %dma_start3A_160 = tpu.memref_slice %arg9[%dma_start3A_156, %dma_start3A_159] : memref<16x200xi32, #tpu.memory_space<vmem>> -> memref<1x88xi32, #tpu.memory_space<vmem>>
      %dma_start3A_161 = tpu.memref_squeeze %dma_start3A_160 : memref<1x88xi32, #tpu.memory_space<vmem>> -> memref<88xi32, #tpu.memory_space<vmem>>
      %dma_start3A_162 = arith.constant 0 : i32
      %dma_start3A_163 = tpu.memref_slice %arg3[%dma_start3A_162] : memref<1000000xf32, #tpu.memory_space<hbm>> -> memref<1000000xf32, #tpu.memory_space<hbm>>
      tpu.enqueue_indirect_dma source(%dma_start3A_163 : memref<1000000xf32, #tpu.memory_space<hbm>>) target(%dma_start3A_158 : memref<88xf32, #tpu.memory_space<vmem>>) offsets(%dma_start3A_161 : memref<88xi32, #tpu.memory_space<vmem>>) semaphore(%arg15 : memref<!tpu.dma_semaphore, #tpu.memory_space<semaphore_mem>>)
      %dma_start3A_164 = arith.constant 9 : i32
      %dma_start3A_165 = arith.constant 1872 : i32
      %dma_start3A_166 = tpu.memref_slice %arg10[%dma_start3A_165] : memref<3328xf32, #tpu.memory_space<vmem>> -> memref<112xf32, #tpu.memory_space<vmem>>
      %dma_start3A_167 = arith.constant 0 : i32
      %dma_start3A_168 = tpu.memref_slice %arg9[%dma_start3A_164, %dma_start3A_167] : memref<16x200xi32, #tpu.memory_space<vmem>> -> memref<1x112xi32, #tpu.memory_space<vmem>>
      %dma_start3A_169 = tpu.memref_squeeze %dma_start3A_168 : memref<1x112xi32, #tpu.memory_space<vmem>> -> memref<112xi32, #tpu.memory_space<vmem>>
      %dma_start3A_170 = arith.constant 0 : i32
      %dma_start3A_171 = tpu.memref_slice %arg3[%dma_start3A_170] : memref<1000000xf32, #tpu.memory_space<hbm>> -> memref<1000000xf32, #tpu.memory_space<hbm>>
      tpu.enqueue_indirect_dma source(%dma_start3A_171 : memref<1000000xf32, #tpu.memory_space<hbm>>) target(%dma_start3A_166 : memref<112xf32, #tpu.memory_space<vmem>>) offsets(%dma_start3A_169 : memref<112xi32, #tpu.memory_space<vmem>>) semaphore(%arg15 : memref<!tpu.dma_semaphore, #tpu.memory_space<semaphore_mem>>)
      %dma_start3A_172 = arith.constant 9 : i32
      %dma_start3A_173 = arith.constant 1984 : i32
      %dma_start3A_174 = tpu.memref_slice %arg10[%dma_start3A_173] : memref<3328xf32, #tpu.memory_space<vmem>> -> memref<88xf32, #tpu.memory_space<vmem>>
      %dma_start3A_175 = arith.constant 112 : i32
      %dma_start3A_176 = tpu.memref_slice %arg9[%dma_start3A_172, %dma_start3A_175] : memref<16x200xi32, #tpu.memory_space<vmem>> -> memref<1x88xi32, #tpu.memory_space<vmem>>
      %dma_start3A_177 = tpu.memref_squeeze %dma_start3A_176 : memref<1x88xi32, #tpu.memory_space<vmem>> -> memref<88xi32, #tpu.memory_space<vmem>>
      %dma_start3A_178 = arith.constant 0 : i32
      %dma_start3A_179 = tpu.memref_slice %arg3[%dma_start3A_178] : memref<1000000xf32, #tpu.memory_space<hbm>> -> memref<1000000xf32, #tpu.memory_space<hbm>>
      tpu.enqueue_indirect_dma source(%dma_start3A_179 : memref<1000000xf32, #tpu.memory_space<hbm>>) target(%dma_start3A_174 : memref<88xf32, #tpu.memory_space<vmem>>) offsets(%dma_start3A_177 : memref<88xi32, #tpu.memory_space<vmem>>) semaphore(%arg15 : memref<!tpu.dma_semaphore, #tpu.memory_space<semaphore_mem>>)
      %dma_start3A_180 = arith.constant 10 : i32
      %dma_start3A_181 = arith.constant 2080 : i32
      %dma_start3A_182 = tpu.memref_slice %arg10[%dma_start3A_181] : memref<3328xf32, #tpu.memory_space<vmem>> -> memref<112xf32, #tpu.memory_space<vmem>>
      %dma_start3A_183 = arith.constant 0 : i32
      %dma_start3A_184 = tpu.memref_slice %arg9[%dma_start3A_180, %dma_start3A_183] : memref<16x200xi32, #tpu.memory_space<vmem>> -> memref<1x112xi32, #tpu.memory_space<vmem>>
      %dma_start3A_185 = tpu.memref_squeeze %dma_start3A_184 : memref<1x112xi32, #tpu.memory_space<vmem>> -> memref<112xi32, #tpu.memory_space<vmem>>
      %dma_start3A_186 = arith.constant 0 : i32
      %dma_start3A_187 = tpu.memref_slice %arg3[%dma_start3A_186] : memref<1000000xf32, #tpu.memory_space<hbm>> -> memref<1000000xf32, #tpu.memory_space<hbm>>
      tpu.enqueue_indirect_dma source(%dma_start3A_187 : memref<1000000xf32, #tpu.memory_space<hbm>>) target(%dma_start3A_182 : memref<112xf32, #tpu.memory_space<vmem>>) offsets(%dma_start3A_185 : memref<112xi32, #tpu.memory_space<vmem>>) semaphore(%arg15 : memref<!tpu.dma_semaphore, #tpu.memory_space<semaphore_mem>>)
      %dma_start3A_188 = arith.constant 10 : i32
      %dma_start3A_189 = arith.constant 2192 : i32
      %dma_start3A_190 = tpu.memref_slice %arg10[%dma_start3A_189] : memref<3328xf32, #tpu.memory_space<vmem>> -> memref<88xf32, #tpu.memory_space<vmem>>
      %dma_start3A_191 = arith.constant 112 : i32
      %dma_start3A_192 = tpu.memref_slice %arg9[%dma_start3A_188, %dma_start3A_191] : memref<16x200xi32, #tpu.memory_space<vmem>> -> memref<1x88xi32, #tpu.memory_space<vmem>>
      %dma_start3A_193 = tpu.memref_squeeze %dma_start3A_192 : memref<1x88xi32, #tpu.memory_space<vmem>> -> memref<88xi32, #tpu.memory_space<vmem>>
      %dma_start3A_194 = arith.constant 0 : i32
      %dma_start3A_195 = tpu.memref_slice %arg3[%dma_start3A_194] : memref<1000000xf32, #tpu.memory_space<hbm>> -> memref<1000000xf32, #tpu.memory_space<hbm>>
      tpu.enqueue_indirect_dma source(%dma_start3A_195 : memref<1000000xf32, #tpu.memory_space<hbm>>) target(%dma_start3A_190 : memref<88xf32, #tpu.memory_space<vmem>>) offsets(%dma_start3A_193 : memref<88xi32, #tpu.memory_space<vmem>>) semaphore(%arg15 : memref<!tpu.dma_semaphore, #tpu.memory_space<semaphore_mem>>)
      %dma_start3A_196 = arith.constant 11 : i32
      %dma_start3A_197 = arith.constant 2288 : i32
      %dma_start3A_198 = tpu.memref_slice %arg10[%dma_start3A_197] : memref<3328xf32, #tpu.memory_space<vmem>> -> memref<112xf32, #tpu.memory_space<vmem>>
      %dma_start3A_199 = arith.constant 0 : i32
      %dma_start3A_200 = tpu.memref_slice %arg9[%dma_start3A_196, %dma_start3A_199] : memref<16x200xi32, #tpu.memory_space<vmem>> -> memref<1x112xi32, #tpu.memory_space<vmem>>
      %dma_start3A_201 = tpu.memref_squeeze %dma_start3A_200 : memref<1x112xi32, #tpu.memory_space<vmem>> -> memref<112xi32, #tpu.memory_space<vmem>>
      %dma_start3A_202 = arith.constant 0 : i32
      %dma_start3A_203 = tpu.memref_slice %arg3[%dma_start3A_202] : memref<1000000xf32, #tpu.memory_space<hbm>> -> memref<1000000xf32, #tpu.memory_space<hbm>>
      tpu.enqueue_indirect_dma source(%dma_start3A_203 : memref<1000000xf32, #tpu.memory_space<hbm>>) target(%dma_start3A_198 : memref<112xf32, #tpu.memory_space<vmem>>) offsets(%dma_start3A_201 : memref<112xi32, #tpu.memory_space<vmem>>) semaphore(%arg15 : memref<!tpu.dma_semaphore, #tpu.memory_space<semaphore_mem>>)
      %dma_start3A_204 = arith.constant 11 : i32
      %dma_start3A_205 = arith.constant 2400 : i32
      %dma_start3A_206 = tpu.memref_slice %arg10[%dma_start3A_205] : memref<3328xf32, #tpu.memory_space<vmem>> -> memref<88xf32, #tpu.memory_space<vmem>>
      %dma_start3A_207 = arith.constant 112 : i32
      %dma_start3A_208 = tpu.memref_slice %arg9[%dma_start3A_204, %dma_start3A_207] : memref<16x200xi32, #tpu.memory_space<vmem>> -> memref<1x88xi32, #tpu.memory_space<vmem>>
      %dma_start3A_209 = tpu.memref_squeeze %dma_start3A_208 : memref<1x88xi32, #tpu.memory_space<vmem>> -> memref<88xi32, #tpu.memory_space<vmem>>
      %dma_start3A_210 = arith.constant 0 : i32
      %dma_start3A_211 = tpu.memref_slice %arg3[%dma_start3A_210] : memref<1000000xf32, #tpu.memory_space<hbm>> -> memref<1000000xf32, #tpu.memory_space<hbm>>
      tpu.enqueue_indirect_dma source(%dma_start3A_211 : memref<1000000xf32, #tpu.memory_space<hbm>>) target(%dma_start3A_206 : memref<88xf32, #tpu.memory_space<vmem>>) offsets(%dma_start3A_209 : memref<88xi32, #tpu.memory_space<vmem>>) semaphore(%arg15 : memref<!tpu.dma_semaphore, #tpu.memory_space<semaphore_mem>>)
      %dma_start3A_212 = arith.constant 12 : i32
      %dma_start3A_213 = arith.constant 2496 : i32
      %dma_start3A_214 = tpu.memref_slice %arg10[%dma_start3A_213] : memref<3328xf32, #tpu.memory_space<vmem>> -> memref<112xf32, #tpu.memory_space<vmem>>
      %dma_start3A_215 = arith.constant 0 : i32
      %dma_start3A_216 = tpu.memref_slice %arg9[%dma_start3A_212, %dma_start3A_215] : memref<16x200xi32, #tpu.memory_space<vmem>> -> memref<1x112xi32, #tpu.memory_space<vmem>>
      %dma_start3A_217 = tpu.memref_squeeze %dma_start3A_216 : memref<1x112xi32, #tpu.memory_space<vmem>> -> memref<112xi32, #tpu.memory_space<vmem>>
      %dma_start3A_218 = arith.constant 0 : i32
      %dma_start3A_219 = tpu.memref_slice %arg3[%dma_start3A_218] : memref<1000000xf32, #tpu.memory_space<hbm>> -> memref<1000000xf32, #tpu.memory_space<hbm>>
      tpu.enqueue_indirect_dma source(%dma_start3A_219 : memref<1000000xf32, #tpu.memory_space<hbm>>) target(%dma_start3A_214 : memref<112xf32, #tpu.memory_space<vmem>>) offsets(%dma_start3A_217 : memref<112xi32, #tpu.memory_space<vmem>>) semaphore(%arg15 : memref<!tpu.dma_semaphore, #tpu.memory_space<semaphore_mem>>)
      %dma_start3A_220 = arith.constant 12 : i32
      %dma_start3A_221 = arith.constant 2608 : i32
      %dma_start3A_222 = tpu.memref_slice %arg10[%dma_start3A_221] : memref<3328xf32, #tpu.memory_space<vmem>> -> memref<88xf32, #tpu.memory_space<vmem>>
      %dma_start3A_223 = arith.constant 112 : i32
      %dma_start3A_224 = tpu.memref_slice %arg9[%dma_start3A_220, %dma_start3A_223] : memref<16x200xi32, #tpu.memory_space<vmem>> -> memref<1x88xi32, #tpu.memory_space<vmem>>
      %dma_start3A_225 = tpu.memref_squeeze %dma_start3A_224 : memref<1x88xi32, #tpu.memory_space<vmem>> -> memref<88xi32, #tpu.memory_space<vmem>>
      %dma_start3A_226 = arith.constant 0 : i32
      %dma_start3A_227 = tpu.memref_slice %arg3[%dma_start3A_226] : memref<1000000xf32, #tpu.memory_space<hbm>> -> memref<1000000xf32, #tpu.memory_space<hbm>>
      tpu.enqueue_indirect_dma source(%dma_start3A_227 : memref<1000000xf32, #tpu.memory_space<hbm>>) target(%dma_start3A_222 : memref<88xf32, #tpu.memory_space<vmem>>) offsets(%dma_start3A_225 : memref<88xi32, #tpu.memory_space<vmem>>) semaphore(%arg15 : memref<!tpu.dma_semaphore, #tpu.memory_space<semaphore_mem>>)
      %dma_start3A_228 = arith.constant 13 : i32
      %dma_start3A_229 = arith.constant 2704 : i32
      %dma_start3A_230 = tpu.memref_slice %arg10[%dma_start3A_229] : memref<3328xf32, #tpu.memory_space<vmem>> -> memref<112xf32, #tpu.memory_space<vmem>>
      %dma_start3A_231 = arith.constant 0 : i32
      %dma_start3A_232 = tpu.memref_slice %arg9[%dma_start3A_228, %dma_start3A_231] : memref<16x200xi32, #tpu.memory_space<vmem>> -> memref<1x112xi32, #tpu.memory_space<vmem>>
      %dma_start3A_233 = tpu.memref_squeeze %dma_start3A_232 : memref<1x112xi32, #tpu.memory_space<vmem>> -> memref<112xi32, #tpu.memory_space<vmem>>
      %dma_start3A_234 = arith.constant 0 : i32
      %dma_start3A_235 = tpu.memref_slice %arg3[%dma_start3A_234] : memref<1000000xf32, #tpu.memory_space<hbm>> -> memref<1000000xf32, #tpu.memory_space<hbm>>
      tpu.enqueue_indirect_dma source(%dma_start3A_235 : memref<1000000xf32, #tpu.memory_space<hbm>>) target(%dma_start3A_230 : memref<112xf32, #tpu.memory_space<vmem>>) offsets(%dma_start3A_233 : memref<112xi32, #tpu.memory_space<vmem>>) semaphore(%arg15 : memref<!tpu.dma_semaphore, #tpu.memory_space<semaphore_mem>>)
      %dma_start3A_236 = arith.constant 13 : i32
      %dma_start3A_237 = arith.constant 2816 : i32
      %dma_start3A_238 = tpu.memref_slice %arg10[%dma_start3A_237] : memref<3328xf32, #tpu.memory_space<vmem>> -> memref<88xf32, #tpu.memory_space<vmem>>
      %dma_start3A_239 = arith.constant 112 : i32
      %dma_start3A_240 = tpu.memref_slice %arg9[%dma_start3A_236, %dma_start3A_239] : memref<16x200xi32, #tpu.memory_space<vmem>> -> memref<1x88xi32, #tpu.memory_space<vmem>>
      %dma_start3A_241 = tpu.memref_squeeze %dma_start3A_240 : memref<1x88xi32, #tpu.memory_space<vmem>> -> memref<88xi32, #tpu.memory_space<vmem>>
      %dma_start3A_242 = arith.constant 0 : i32
      %dma_start3A_243 = tpu.memref_slice %arg3[%dma_start3A_242] : memref<1000000xf32, #tpu.memory_space<hbm>> -> memref<1000000xf32, #tpu.memory_space<hbm>>
      tpu.enqueue_indirect_dma source(%dma_start3A_243 : memref<1000000xf32, #tpu.memory_space<hbm>>) target(%dma_start3A_238 : memref<88xf32, #tpu.memory_space<vmem>>) offsets(%dma_start3A_241 : memref<88xi32, #tpu.memory_space<vmem>>) semaphore(%arg15 : memref<!tpu.dma_semaphore, #tpu.memory_space<semaphore_mem>>)
      %dma_start3A_244 = arith.constant 14 : i32
      %dma_start3A_245 = arith.constant 2912 : i32
      %dma_start3A_246 = tpu.memref_slice %arg10[%dma_start3A_245] : memref<3328xf32, #tpu.memory_space<vmem>> -> memref<112xf32, #tpu.memory_space<vmem>>
      %dma_start3A_247 = arith.constant 0 : i32
      %dma_start3A_248 = tpu.memref_slice %arg9[%dma_start3A_244, %dma_start3A_247] : memref<16x200xi32, #tpu.memory_space<vmem>> -> memref<1x112xi32, #tpu.memory_space<vmem>>
      %dma_start3A_249 = tpu.memref_squeeze %dma_start3A_248 : memref<1x112xi32, #tpu.memory_space<vmem>> -> memref<112xi32, #tpu.memory_space<vmem>>
      %dma_start3A_250 = arith.constant 0 : i32
      %dma_start3A_251 = tpu.memref_slice %arg3[%dma_start3A_250] : memref<1000000xf32, #tpu.memory_space<hbm>> -> memref<1000000xf32, #tpu.memory_space<hbm>>
      tpu.enqueue_indirect_dma source(%dma_start3A_251 : memref<1000000xf32, #tpu.memory_space<hbm>>) target(%dma_start3A_246 : memref<112xf32, #tpu.memory_space<vmem>>) offsets(%dma_start3A_249 : memref<112xi32, #tpu.memory_space<vmem>>) semaphore(%arg15 : memref<!tpu.dma_semaphore, #tpu.memory_space<semaphore_mem>>)
      %dma_start3A_252 = arith.constant 14 : i32
      %dma_start3A_253 = arith.constant 3024 : i32
      %dma_start3A_254 = tpu.memref_slice %arg10[%dma_start3A_253] : memref<3328xf32, #tpu.memory_space<vmem>> -> memref<88xf32, #tpu.memory_space<vmem>>
      %dma_start3A_255 = arith.constant 112 : i32
      %dma_start3A_256 = tpu.memref_slice %arg9[%dma_start3A_252, %dma_start3A_255] : memref<16x200xi32, #tpu.memory_space<vmem>> -> memref<1x88xi32, #tpu.memory_space<vmem>>
      %dma_start3A_257 = tpu.memref_squeeze %dma_start3A_256 : memref<1x88xi32, #tpu.memory_space<vmem>> -> memref<88xi32, #tpu.memory_space<vmem>>
      %dma_start3A_258 = arith.constant 0 : i32
      %dma_start3A_259 = tpu.memref_slice %arg3[%dma_start3A_258] : memref<1000000xf32, #tpu.memory_space<hbm>> -> memref<1000000xf32, #tpu.memory_space<hbm>>
      tpu.enqueue_indirect_dma source(%dma_start3A_259 : memref<1000000xf32, #tpu.memory_space<hbm>>) target(%dma_start3A_254 : memref<88xf32, #tpu.memory_space<vmem>>) offsets(%dma_start3A_257 : memref<88xi32, #tpu.memory_space<vmem>>) semaphore(%arg15 : memref<!tpu.dma_semaphore, #tpu.memory_space<semaphore_mem>>)
      %dma_start3A_260 = arith.constant 15 : i32
      %dma_start3A_261 = arith.constant 3120 : i32
      %dma_start3A_262 = tpu.memref_slice %arg10[%dma_start3A_261] : memref<3328xf32, #tpu.memory_space<vmem>> -> memref<112xf32, #tpu.memory_space<vmem>>
      %dma_start3A_263 = arith.constant 0 : i32
      %dma_start3A_264 = tpu.memref_slice %arg9[%dma_start3A_260, %dma_start3A_263] : memref<16x200xi32, #tpu.memory_space<vmem>> -> memref<1x112xi32, #tpu.memory_space<vmem>>
      %dma_start3A_265 = tpu.memref_squeeze %dma_start3A_264 : memref<1x112xi32, #tpu.memory_space<vmem>> -> memref<112xi32, #tpu.memory_space<vmem>>
      %dma_start3A_266 = arith.constant 0 : i32
      %dma_start3A_267 = tpu.memref_slice %arg3[%dma_start3A_266] : memref<1000000xf32, #tpu.memory_space<hbm>> -> memref<1000000xf32, #tpu.memory_space<hbm>>
      tpu.enqueue_indirect_dma source(%dma_start3A_267 : memref<1000000xf32, #tpu.memory_space<hbm>>) target(%dma_start3A_262 : memref<112xf32, #tpu.memory_space<vmem>>) offsets(%dma_start3A_265 : memref<112xi32, #tpu.memory_space<vmem>>) semaphore(%arg15 : memref<!tpu.dma_semaphore, #tpu.memory_space<semaphore_mem>>)
      %dma_start3A_268 = arith.constant 15 : i32
      %dma_start3A_269 = arith.constant 3232 : i32
      %dma_start3A_270 = tpu.memref_slice %arg10[%dma_start3A_269] : memref<3328xf32, #tpu.memory_space<vmem>> -> memref<88xf32, #tpu.memory_space<vmem>>
      %dma_start3A_271 = arith.constant 112 : i32
      %dma_start3A_272 = tpu.memref_slice %arg9[%dma_start3A_268, %dma_start3A_271] : memref<16x200xi32, #tpu.memory_space<vmem>> -> memref<1x88xi32, #tpu.memory_space<vmem>>
      %dma_start3A_273 = tpu.memref_squeeze %dma_start3A_272 : memref<1x88xi32, #tpu.memory_space<vmem>> -> memref<88xi32, #tpu.memory_space<vmem>>
      %dma_start3A_274 = arith.constant 0 : i32
      %dma_start3A_275 = tpu.memref_slice %arg3[%dma_start3A_274] : memref<1000000xf32, #tpu.memory_space<hbm>> -> memref<1000000xf32, #tpu.memory_space<hbm>>
      tpu.enqueue_indirect_dma source(%dma_start3A_275 : memref<1000000xf32, #tpu.memory_space<hbm>>) target(%dma_start3A_270 : memref<88xf32, #tpu.memory_space<vmem>>) offsets(%dma_start3A_273 : memref<88xi32, #tpu.memory_space<vmem>>) semaphore(%arg15 : memref<!tpu.dma_semaphore, #tpu.memory_space<semaphore_mem>>)
      %dma_start3A_276 = arith.constant 0 : i32
      %dma_start3A_277 = arith.constant 0 : i32
      %dma_start3A_278 = arith.constant 0 : i32
      %dma_start3A_279 = tpu.memref_slice %arg11[%dma_start3A_277, %dma_start3A_278] : memref<3200x32xf32, #tpu.memory_space<vmem>> -> memref<112x32xf32, #tpu.memory_space<vmem>>
      %dma_start3A_280 = arith.constant 0 : i32
      %dma_start3A_281 = tpu.memref_slice %arg9[%dma_start3A_276, %dma_start3A_280] : memref<16x200xi32, #tpu.memory_space<vmem>> -> memref<1x112xi32, #tpu.memory_space<vmem>>
      %dma_start3A_282 = tpu.memref_squeeze %dma_start3A_281 : memref<1x112xi32, #tpu.memory_space<vmem>> -> memref<112xi32, #tpu.memory_space<vmem>>
      %dma_start3A_283 = arith.constant 0 : i32
      %dma_start3A_284 = arith.constant 0 : i32
      %dma_start3A_285 = tpu.memref_slice %arg4[%dma_start3A_283, %dma_start3A_284] : memref<1000000x32xf32, #tpu.memory_space<hbm>> -> memref<1000000x32xf32, #tpu.memory_space<hbm>>
      tpu.enqueue_indirect_dma source(%dma_start3A_285 : memref<1000000x32xf32, #tpu.memory_space<hbm>>) target(%dma_start3A_279 : memref<112x32xf32, #tpu.memory_space<vmem>>) offsets(%dma_start3A_282 : memref<112xi32, #tpu.memory_space<vmem>>) semaphore(%arg16 : memref<!tpu.dma_semaphore, #tpu.memory_space<semaphore_mem>>)
      %dma_start3A_286 = arith.constant 0 : i32
      %dma_start3A_287 = arith.constant 112 : i32
      %dma_start3A_288 = arith.constant 0 : i32
      %dma_start3A_289 = tpu.memref_slice %arg11[%dma_start3A_287, %dma_start3A_288] : memref<3200x32xf32, #tpu.memory_space<vmem>> -> memref<88x32xf32, #tpu.memory_space<vmem>>
      %dma_start3A_290 = arith.constant 112 : i32
      %dma_start3A_291 = tpu.memref_slice %arg9[%dma_start3A_286, %dma_start3A_290] : memref<16x200xi32, #tpu.memory_space<vmem>> -> memref<1x88xi32, #tpu.memory_space<vmem>>
      %dma_start3A_292 = tpu.memref_squeeze %dma_start3A_291 : memref<1x88xi32, #tpu.memory_space<vmem>> -> memref<88xi32, #tpu.memory_space<vmem>>
      %dma_start3A_293 = arith.constant 0 : i32
      %dma_start3A_294 = arith.constant 0 : i32
      %dma_start3A_295 = tpu.memref_slice %arg4[%dma_start3A_293, %dma_start3A_294] : memref<1000000x32xf32, #tpu.memory_space<hbm>> -> memref<1000000x32xf32, #tpu.memory_space<hbm>>
      tpu.enqueue_indirect_dma source(%dma_start3A_295 : memref<1000000x32xf32, #tpu.memory_space<hbm>>) target(%dma_start3A_289 : memref<88x32xf32, #tpu.memory_space<vmem>>) offsets(%dma_start3A_292 : memref<88xi32, #tpu.memory_space<vmem>>) semaphore(%arg16 : memref<!tpu.dma_semaphore, #tpu.memory_space<semaphore_mem>>)
      %dma_start3A_296 = arith.constant 1 : i32
      %dma_start3A_297 = arith.constant 200 : i32
      %dma_start3A_298 = arith.constant 0 : i32
      %dma_start3A_299 = tpu.memref_slice %arg11[%dma_start3A_297, %dma_start3A_298] : memref<3200x32xf32, #tpu.memory_space<vmem>> -> memref<112x32xf32, #tpu.memory_space<vmem>>
      %dma_start3A_300 = arith.constant 0 : i32
      %dma_start3A_301 = tpu.memref_slice %arg9[%dma_start3A_296, %dma_start3A_300] : memref<16x200xi32, #tpu.memory_space<vmem>> -> memref<1x112xi32, #tpu.memory_space<vmem>>
      %dma_start3A_302 = tpu.memref_squeeze %dma_start3A_301 : memref<1x112xi32, #tpu.memory_space<vmem>> -> memref<112xi32, #tpu.memory_space<vmem>>
      %dma_start3A_303 = arith.constant 0 : i32
      %dma_start3A_304 = arith.constant 0 : i32
      %dma_start3A_305 = tpu.memref_slice %arg4[%dma_start3A_303, %dma_start3A_304] : memref<1000000x32xf32, #tpu.memory_space<hbm>> -> memref<1000000x32xf32, #tpu.memory_space<hbm>>
      tpu.enqueue_indirect_dma source(%dma_start3A_305 : memref<1000000x32xf32, #tpu.memory_space<hbm>>) target(%dma_start3A_299 : memref<112x32xf32, #tpu.memory_space<vmem>>) offsets(%dma_start3A_302 : memref<112xi32, #tpu.memory_space<vmem>>) semaphore(%arg16 : memref<!tpu.dma_semaphore, #tpu.memory_space<semaphore_mem>>)
      %dma_start3A_306 = arith.constant 1 : i32
      %dma_start3A_307 = arith.constant 312 : i32
      %dma_start3A_308 = arith.constant 0 : i32
      %dma_start3A_309 = tpu.memref_slice %arg11[%dma_start3A_307, %dma_start3A_308] : memref<3200x32xf32, #tpu.memory_space<vmem>> -> memref<88x32xf32, #tpu.memory_space<vmem>>
      %dma_start3A_310 = arith.constant 112 : i32
      %dma_start3A_311 = tpu.memref_slice %arg9[%dma_start3A_306, %dma_start3A_310] : memref<16x200xi32, #tpu.memory_space<vmem>> -> memref<1x88xi32, #tpu.memory_space<vmem>>
      %dma_start3A_312 = tpu.memref_squeeze %dma_start3A_311 : memref<1x88xi32, #tpu.memory_space<vmem>> -> memref<88xi32, #tpu.memory_space<vmem>>
      %dma_start3A_313 = arith.constant 0 : i32
      %dma_start3A_314 = arith.constant 0 : i32
      %dma_start3A_315 = tpu.memref_slice %arg4[%dma_start3A_313, %dma_start3A_314] : memref<1000000x32xf32, #tpu.memory_space<hbm>> -> memref<1000000x32xf32, #tpu.memory_space<hbm>>
      tpu.enqueue_indirect_dma source(%dma_start3A_315 : memref<1000000x32xf32, #tpu.memory_space<hbm>>) target(%dma_start3A_309 : memref<88x32xf32, #tpu.memory_space<vmem>>) offsets(%dma_start3A_312 : memref<88xi32, #tpu.memory_space<vmem>>) semaphore(%arg16 : memref<!tpu.dma_semaphore, #tpu.memory_space<semaphore_mem>>)
      %dma_start3A_316 = arith.constant 2 : i32
      %dma_start3A_317 = arith.constant 400 : i32
      %dma_start3A_318 = arith.constant 0 : i32
      %dma_start3A_319 = tpu.memref_slice %arg11[%dma_start3A_317, %dma_start3A_318] : memref<3200x32xf32, #tpu.memory_space<vmem>> -> memref<112x32xf32, #tpu.memory_space<vmem>>
      %dma_start3A_320 = arith.constant 0 : i32
      %dma_start3A_321 = tpu.memref_slice %arg9[%dma_start3A_316, %dma_start3A_320] : memref<16x200xi32, #tpu.memory_space<vmem>> -> memref<1x112xi32, #tpu.memory_space<vmem>>
      %dma_start3A_322 = tpu.memref_squeeze %dma_start3A_321 : memref<1x112xi32, #tpu.memory_space<vmem>> -> memref<112xi32, #tpu.memory_space<vmem>>
      %dma_start3A_323 = arith.constant 0 : i32
      %dma_start3A_324 = arith.constant 0 : i32
      %dma_start3A_325 = tpu.memref_slice %arg4[%dma_start3A_323, %dma_start3A_324] : memref<1000000x32xf32, #tpu.memory_space<hbm>> -> memref<1000000x32xf32, #tpu.memory_space<hbm>>
      tpu.enqueue_indirect_dma source(%dma_start3A_325 : memref<1000000x32xf32, #tpu.memory_space<hbm>>) target(%dma_start3A_319 : memref<112x32xf32, #tpu.memory_space<vmem>>) offsets(%dma_start3A_322 : memref<112xi32, #tpu.memory_space<vmem>>) semaphore(%arg16 : memref<!tpu.dma_semaphore, #tpu.memory_space<semaphore_mem>>)
      %dma_start3A_326 = arith.constant 2 : i32
      %dma_start3A_327 = arith.constant 512 : i32
      %dma_start3A_328 = arith.constant 0 : i32
      %dma_start3A_329 = tpu.memref_slice %arg11[%dma_start3A_327, %dma_start3A_328] : memref<3200x32xf32, #tpu.memory_space<vmem>> -> memref<88x32xf32, #tpu.memory_space<vmem>>
      %dma_start3A_330 = arith.constant 112 : i32
      %dma_start3A_331 = tpu.memref_slice %arg9[%dma_start3A_326, %dma_start3A_330] : memref<16x200xi32, #tpu.memory_space<vmem>> -> memref<1x88xi32, #tpu.memory_space<vmem>>
      %dma_start3A_332 = tpu.memref_squeeze %dma_start3A_331 : memref<1x88xi32, #tpu.memory_space<vmem>> -> memref<88xi32, #tpu.memory_space<vmem>>
      %dma_start3A_333 = arith.constant 0 : i32
      %dma_start3A_334 = arith.constant 0 : i32
      %dma_start3A_335 = tpu.memref_slice %arg4[%dma_start3A_333, %dma_start3A_334] : memref<1000000x32xf32, #tpu.memory_space<hbm>> -> memref<1000000x32xf32, #tpu.memory_space<hbm>>
      tpu.enqueue_indirect_dma source(%dma_start3A_335 : memref<1000000x32xf32, #tpu.memory_space<hbm>>) target(%dma_start3A_329 : memref<88x32xf32, #tpu.memory_space<vmem>>) offsets(%dma_start3A_332 : memref<88xi32, #tpu.memory_space<vmem>>) semaphore(%arg16 : memref<!tpu.dma_semaphore, #tpu.memory_space<semaphore_mem>>)
      %dma_start3A_336 = arith.constant 3 : i32
      %dma_start3A_337 = arith.constant 600 : i32
      %dma_start3A_338 = arith.constant 0 : i32
      %dma_start3A_339 = tpu.memref_slice %arg11[%dma_start3A_337, %dma_start3A_338] : memref<3200x32xf32, #tpu.memory_space<vmem>> -> memref<112x32xf32, #tpu.memory_space<vmem>>
      %dma_start3A_340 = arith.constant 0 : i32
      %dma_start3A_341 = tpu.memref_slice %arg9[%dma_start3A_336, %dma_start3A_340] : memref<16x200xi32, #tpu.memory_space<vmem>> -> memref<1x112xi32, #tpu.memory_space<vmem>>
      %dma_start3A_342 = tpu.memref_squeeze %dma_start3A_341 : memref<1x112xi32, #tpu.memory_space<vmem>> -> memref<112xi32, #tpu.memory_space<vmem>>
      %dma_start3A_343 = arith.constant 0 : i32
      %dma_start3A_344 = arith.constant 0 : i32
      %dma_start3A_345 = tpu.memref_slice %arg4[%dma_start3A_343, %dma_start3A_344] : memref<1000000x32xf32, #tpu.memory_space<hbm>> -> memref<1000000x32xf32, #tpu.memory_space<hbm>>
      tpu.enqueue_indirect_dma source(%dma_start3A_345 : memref<1000000x32xf32, #tpu.memory_space<hbm>>) target(%dma_start3A_339 : memref<112x32xf32, #tpu.memory_space<vmem>>) offsets(%dma_start3A_342 : memref<112xi32, #tpu.memory_space<vmem>>) semaphore(%arg16 : memref<!tpu.dma_semaphore, #tpu.memory_space<semaphore_mem>>)
      %dma_start3A_346 = arith.constant 3 : i32
      %dma_start3A_347 = arith.constant 712 : i32
      %dma_start3A_348 = arith.constant 0 : i32
      %dma_start3A_349 = tpu.memref_slice %arg11[%dma_start3A_347, %dma_start3A_348] : memref<3200x32xf32, #tpu.memory_space<vmem>> -> memref<88x32xf32, #tpu.memory_space<vmem>>
      %dma_start3A_350 = arith.constant 112 : i32
      %dma_start3A_351 = tpu.memref_slice %arg9[%dma_start3A_346, %dma_start3A_350] : memref<16x200xi32, #tpu.memory_space<vmem>> -> memref<1x88xi32, #tpu.memory_space<vmem>>
      %dma_start3A_352 = tpu.memref_squeeze %dma_start3A_351 : memref<1x88xi32, #tpu.memory_space<vmem>> -> memref<88xi32, #tpu.memory_space<vmem>>
      %dma_start3A_353 = arith.constant 0 : i32
      %dma_start3A_354 = arith.constant 0 : i32
      %dma_start3A_355 = tpu.memref_slice %arg4[%dma_start3A_353, %dma_start3A_354] : memref<1000000x32xf32, #tpu.memory_space<hbm>> -> memref<1000000x32xf32, #tpu.memory_space<hbm>>
      tpu.enqueue_indirect_dma source(%dma_start3A_355 : memref<1000000x32xf32, #tpu.memory_space<hbm>>) target(%dma_start3A_349 : memref<88x32xf32, #tpu.memory_space<vmem>>) offsets(%dma_start3A_352 : memref<88xi32, #tpu.memory_space<vmem>>) semaphore(%arg16 : memref<!tpu.dma_semaphore, #tpu.memory_space<semaphore_mem>>)
      %dma_start3A_356 = arith.constant 4 : i32
      %dma_start3A_357 = arith.constant 800 : i32
      %dma_start3A_358 = arith.constant 0 : i32
      %dma_start3A_359 = tpu.memref_slice %arg11[%dma_start3A_357, %dma_start3A_358] : memref<3200x32xf32, #tpu.memory_space<vmem>> -> memref<112x32xf32, #tpu.memory_space<vmem>>
      %dma_start3A_360 = arith.constant 0 : i32
      %dma_start3A_361 = tpu.memref_slice %arg9[%dma_start3A_356, %dma_start3A_360] : memref<16x200xi32, #tpu.memory_space<vmem>> -> memref<1x112xi32, #tpu.memory_space<vmem>>
      %dma_start3A_362 = tpu.memref_squeeze %dma_start3A_361 : memref<1x112xi32, #tpu.memory_space<vmem>> -> memref<112xi32, #tpu.memory_space<vmem>>
      %dma_start3A_363 = arith.constant 0 : i32
      %dma_start3A_364 = arith.constant 0 : i32
      %dma_start3A_365 = tpu.memref_slice %arg4[%dma_start3A_363, %dma_start3A_364] : memref<1000000x32xf32, #tpu.memory_space<hbm>> -> memref<1000000x32xf32, #tpu.memory_space<hbm>>
      tpu.enqueue_indirect_dma source(%dma_start3A_365 : memref<1000000x32xf32, #tpu.memory_space<hbm>>) target(%dma_start3A_359 : memref<112x32xf32, #tpu.memory_space<vmem>>) offsets(%dma_start3A_362 : memref<112xi32, #tpu.memory_space<vmem>>) semaphore(%arg16 : memref<!tpu.dma_semaphore, #tpu.memory_space<semaphore_mem>>)
      %dma_start3A_366 = arith.constant 4 : i32
      %dma_start3A_367 = arith.constant 912 : i32
      %dma_start3A_368 = arith.constant 0 : i32
      %dma_start3A_369 = tpu.memref_slice %arg11[%dma_start3A_367, %dma_start3A_368] : memref<3200x32xf32, #tpu.memory_space<vmem>> -> memref<88x32xf32, #tpu.memory_space<vmem>>
      %dma_start3A_370 = arith.constant 112 : i32
      %dma_start3A_371 = tpu.memref_slice %arg9[%dma_start3A_366, %dma_start3A_370] : memref<16x200xi32, #tpu.memory_space<vmem>> -> memref<1x88xi32, #tpu.memory_space<vmem>>
      %dma_start3A_372 = tpu.memref_squeeze %dma_start3A_371 : memref<1x88xi32, #tpu.memory_space<vmem>> -> memref<88xi32, #tpu.memory_space<vmem>>
      %dma_start3A_373 = arith.constant 0 : i32
      %dma_start3A_374 = arith.constant 0 : i32
      %dma_start3A_375 = tpu.memref_slice %arg4[%dma_start3A_373, %dma_start3A_374] : memref<1000000x32xf32, #tpu.memory_space<hbm>> -> memref<1000000x32xf32, #tpu.memory_space<hbm>>
      tpu.enqueue_indirect_dma source(%dma_start3A_375 : memref<1000000x32xf32, #tpu.memory_space<hbm>>) target(%dma_start3A_369 : memref<88x32xf32, #tpu.memory_space<vmem>>) offsets(%dma_start3A_372 : memref<88xi32, #tpu.memory_space<vmem>>) semaphore(%arg16 : memref<!tpu.dma_semaphore, #tpu.memory_space<semaphore_mem>>)
      %dma_start3A_376 = arith.constant 5 : i32
      %dma_start3A_377 = arith.constant 1000 : i32
      %dma_start3A_378 = arith.constant 0 : i32
      %dma_start3A_379 = tpu.memref_slice %arg11[%dma_start3A_377, %dma_start3A_378] : memref<3200x32xf32, #tpu.memory_space<vmem>> -> memref<112x32xf32, #tpu.memory_space<vmem>>
      %dma_start3A_380 = arith.constant 0 : i32
      %dma_start3A_381 = tpu.memref_slice %arg9[%dma_start3A_376, %dma_start3A_380] : memref<16x200xi32, #tpu.memory_space<vmem>> -> memref<1x112xi32, #tpu.memory_space<vmem>>
      %dma_start3A_382 = tpu.memref_squeeze %dma_start3A_381 : memref<1x112xi32, #tpu.memory_space<vmem>> -> memref<112xi32, #tpu.memory_space<vmem>>
      %dma_start3A_383 = arith.constant 0 : i32
      %dma_start3A_384 = arith.constant 0 : i32
      %dma_start3A_385 = tpu.memref_slice %arg4[%dma_start3A_383, %dma_start3A_384] : memref<1000000x32xf32, #tpu.memory_space<hbm>> -> memref<1000000x32xf32, #tpu.memory_space<hbm>>
      tpu.enqueue_indirect_dma source(%dma_start3A_385 : memref<1000000x32xf32, #tpu.memory_space<hbm>>) target(%dma_start3A_379 : memref<112x32xf32, #tpu.memory_space<vmem>>) offsets(%dma_start3A_382 : memref<112xi32, #tpu.memory_space<vmem>>) semaphore(%arg16 : memref<!tpu.dma_semaphore, #tpu.memory_space<semaphore_mem>>)
      %dma_start3A_386 = arith.constant 5 : i32
      %dma_start3A_387 = arith.constant 1112 : i32
      %dma_start3A_388 = arith.constant 0 : i32
      %dma_start3A_389 = tpu.memref_slice %arg11[%dma_start3A_387, %dma_start3A_388] : memref<3200x32xf32, #tpu.memory_space<vmem>> -> memref<88x32xf32, #tpu.memory_space<vmem>>
      %dma_start3A_390 = arith.constant 112 : i32
      %dma_start3A_391 = tpu.memref_slice %arg9[%dma_start3A_386, %dma_start3A_390] : memref<16x200xi32, #tpu.memory_space<vmem>> -> memref<1x88xi32, #tpu.memory_space<vmem>>
      %dma_start3A_392 = tpu.memref_squeeze %dma_start3A_391 : memref<1x88xi32, #tpu.memory_space<vmem>> -> memref<88xi32, #tpu.memory_space<vmem>>
      %dma_start3A_393 = arith.constant 0 : i32
      %dma_start3A_394 = arith.constant 0 : i32
      %dma_start3A_395 = tpu.memref_slice %arg4[%dma_start3A_393, %dma_start3A_394] : memref<1000000x32xf32, #tpu.memory_space<hbm>> -> memref<1000000x32xf32, #tpu.memory_space<hbm>>
      tpu.enqueue_indirect_dma source(%dma_start3A_395 : memref<1000000x32xf32, #tpu.memory_space<hbm>>) target(%dma_start3A_389 : memref<88x32xf32, #tpu.memory_space<vmem>>) offsets(%dma_start3A_392 : memref<88xi32, #tpu.memory_space<vmem>>) semaphore(%arg16 : memref<!tpu.dma_semaphore, #tpu.memory_space<semaphore_mem>>)
      %dma_start3A_396 = arith.constant 6 : i32
      %dma_start3A_397 = arith.constant 1200 : i32
      %dma_start3A_398 = arith.constant 0 : i32
      %dma_start3A_399 = tpu.memref_slice %arg11[%dma_start3A_397, %dma_start3A_398] : memref<3200x32xf32, #tpu.memory_space<vmem>> -> memref<112x32xf32, #tpu.memory_space<vmem>>
      %dma_start3A_400 = arith.constant 0 : i32
      %dma_start3A_401 = tpu.memref_slice %arg9[%dma_start3A_396, %dma_start3A_400] : memref<16x200xi32, #tpu.memory_space<vmem>> -> memref<1x112xi32, #tpu.memory_space<vmem>>
      %dma_start3A_402 = tpu.memref_squeeze %dma_start3A_401 : memref<1x112xi32, #tpu.memory_space<vmem>> -> memref<112xi32, #tpu.memory_space<vmem>>
      %dma_start3A_403 = arith.constant 0 : i32
      %dma_start3A_404 = arith.constant 0 : i32
      %dma_start3A_405 = tpu.memref_slice %arg4[%dma_start3A_403, %dma_start3A_404] : memref<1000000x32xf32, #tpu.memory_space<hbm>> -> memref<1000000x32xf32, #tpu.memory_space<hbm>>
      tpu.enqueue_indirect_dma source(%dma_start3A_405 : memref<1000000x32xf32, #tpu.memory_space<hbm>>) target(%dma_start3A_399 : memref<112x32xf32, #tpu.memory_space<vmem>>) offsets(%dma_start3A_402 : memref<112xi32, #tpu.memory_space<vmem>>) semaphore(%arg16 : memref<!tpu.dma_semaphore, #tpu.memory_space<semaphore_mem>>)
      %dma_start3A_406 = arith.constant 6 : i32
      %dma_start3A_407 = arith.constant 1312 : i32
      %dma_start3A_408 = arith.constant 0 : i32
      %dma_start3A_409 = tpu.memref_slice %arg11[%dma_start3A_407, %dma_start3A_408] : memref<3200x32xf32, #tpu.memory_space<vmem>> -> memref<88x32xf32, #tpu.memory_space<vmem>>
      %dma_start3A_410 = arith.constant 112 : i32
      %dma_start3A_411 = tpu.memref_slice %arg9[%dma_start3A_406, %dma_start3A_410] : memref<16x200xi32, #tpu.memory_space<vmem>> -> memref<1x88xi32, #tpu.memory_space<vmem>>
      %dma_start3A_412 = tpu.memref_squeeze %dma_start3A_411 : memref<1x88xi32, #tpu.memory_space<vmem>> -> memref<88xi32, #tpu.memory_space<vmem>>
      %dma_start3A_413 = arith.constant 0 : i32
      %dma_start3A_414 = arith.constant 0 : i32
      %dma_start3A_415 = tpu.memref_slice %arg4[%dma_start3A_413, %dma_start3A_414] : memref<1000000x32xf32, #tpu.memory_space<hbm>> -> memref<1000000x32xf32, #tpu.memory_space<hbm>>
      tpu.enqueue_indirect_dma source(%dma_start3A_415 : memref<1000000x32xf32, #tpu.memory_space<hbm>>) target(%dma_start3A_409 : memref<88x32xf32, #tpu.memory_space<vmem>>) offsets(%dma_start3A_412 : memref<88xi32, #tpu.memory_space<vmem>>) semaphore(%arg16 : memref<!tpu.dma_semaphore, #tpu.memory_space<semaphore_mem>>)
      %dma_start3A_416 = arith.constant 7 : i32
      %dma_start3A_417 = arith.constant 1400 : i32
      %dma_start3A_418 = arith.constant 0 : i32
      %dma_start3A_419 = tpu.memref_slice %arg11[%dma_start3A_417, %dma_start3A_418] : memref<3200x32xf32, #tpu.memory_space<vmem>> -> memref<112x32xf32, #tpu.memory_space<vmem>>
      %dma_start3A_420 = arith.constant 0 : i32
      %dma_start3A_421 = tpu.memref_slice %arg9[%dma_start3A_416, %dma_start3A_420] : memref<16x200xi32, #tpu.memory_space<vmem>> -> memref<1x112xi32, #tpu.memory_space<vmem>>
      %dma_start3A_422 = tpu.memref_squeeze %dma_start3A_421 : memref<1x112xi32, #tpu.memory_space<vmem>> -> memref<112xi32, #tpu.memory_space<vmem>>
      %dma_start3A_423 = arith.constant 0 : i32
      %dma_start3A_424 = arith.constant 0 : i32
      %dma_start3A_425 = tpu.memref_slice %arg4[%dma_start3A_423, %dma_start3A_424] : memref<1000000x32xf32, #tpu.memory_space<hbm>> -> memref<1000000x32xf32, #tpu.memory_space<hbm>>
      tpu.enqueue_indirect_dma source(%dma_start3A_425 : memref<1000000x32xf32, #tpu.memory_space<hbm>>) target(%dma_start3A_419 : memref<112x32xf32, #tpu.memory_space<vmem>>) offsets(%dma_start3A_422 : memref<112xi32, #tpu.memory_space<vmem>>) semaphore(%arg16 : memref<!tpu.dma_semaphore, #tpu.memory_space<semaphore_mem>>)
      %dma_start3A_426 = arith.constant 7 : i32
      %dma_start3A_427 = arith.constant 1512 : i32
      %dma_start3A_428 = arith.constant 0 : i32
      %dma_start3A_429 = tpu.memref_slice %arg11[%dma_start3A_427, %dma_start3A_428] : memref<3200x32xf32, #tpu.memory_space<vmem>> -> memref<88x32xf32, #tpu.memory_space<vmem>>
      %dma_start3A_430 = arith.constant 112 : i32
      %dma_start3A_431 = tpu.memref_slice %arg9[%dma_start3A_426, %dma_start3A_430] : memref<16x200xi32, #tpu.memory_space<vmem>> -> memref<1x88xi32, #tpu.memory_space<vmem>>
      %dma_start3A_432 = tpu.memref_squeeze %dma_start3A_431 : memref<1x88xi32, #tpu.memory_space<vmem>> -> memref<88xi32, #tpu.memory_space<vmem>>
      %dma_start3A_433 = arith.constant 0 : i32
      %dma_start3A_434 = arith.constant 0 : i32
      %dma_start3A_435 = tpu.memref_slice %arg4[%dma_start3A_433, %dma_start3A_434] : memref<1000000x32xf32, #tpu.memory_space<hbm>> -> memref<1000000x32xf32, #tpu.memory_space<hbm>>
      tpu.enqueue_indirect_dma source(%dma_start3A_435 : memref<1000000x32xf32, #tpu.memory_space<hbm>>) target(%dma_start3A_429 : memref<88x32xf32, #tpu.memory_space<vmem>>) offsets(%dma_start3A_432 : memref<88xi32, #tpu.memory_space<vmem>>) semaphore(%arg16 : memref<!tpu.dma_semaphore, #tpu.memory_space<semaphore_mem>>)
      %dma_start3A_436 = arith.constant 8 : i32
      %dma_start3A_437 = arith.constant 1600 : i32
      %dma_start3A_438 = arith.constant 0 : i32
      %dma_start3A_439 = tpu.memref_slice %arg11[%dma_start3A_437, %dma_start3A_438] : memref<3200x32xf32, #tpu.memory_space<vmem>> -> memref<112x32xf32, #tpu.memory_space<vmem>>
      %dma_start3A_440 = arith.constant 0 : i32
      %dma_start3A_441 = tpu.memref_slice %arg9[%dma_start3A_436, %dma_start3A_440] : memref<16x200xi32, #tpu.memory_space<vmem>> -> memref<1x112xi32, #tpu.memory_space<vmem>>
      %dma_start3A_442 = tpu.memref_squeeze %dma_start3A_441 : memref<1x112xi32, #tpu.memory_space<vmem>> -> memref<112xi32, #tpu.memory_space<vmem>>
      %dma_start3A_443 = arith.constant 0 : i32
      %dma_start3A_444 = arith.constant 0 : i32
      %dma_start3A_445 = tpu.memref_slice %arg4[%dma_start3A_443, %dma_start3A_444] : memref<1000000x32xf32, #tpu.memory_space<hbm>> -> memref<1000000x32xf32, #tpu.memory_space<hbm>>
      tpu.enqueue_indirect_dma source(%dma_start3A_445 : memref<1000000x32xf32, #tpu.memory_space<hbm>>) target(%dma_start3A_439 : memref<112x32xf32, #tpu.memory_space<vmem>>) offsets(%dma_start3A_442 : memref<112xi32, #tpu.memory_space<vmem>>) semaphore(%arg16 : memref<!tpu.dma_semaphore, #tpu.memory_space<semaphore_mem>>)
      %dma_start3A_446 = arith.constant 8 : i32
      %dma_start3A_447 = arith.constant 1712 : i32
      %dma_start3A_448 = arith.constant 0 : i32
      %dma_start3A_449 = tpu.memref_slice %arg11[%dma_start3A_447, %dma_start3A_448] : memref<3200x32xf32, #tpu.memory_space<vmem>> -> memref<88x32xf32, #tpu.memory_space<vmem>>
      %dma_start3A_450 = arith.constant 112 : i32
      %dma_start3A_451 = tpu.memref_slice %arg9[%dma_start3A_446, %dma_start3A_450] : memref<16x200xi32, #tpu.memory_space<vmem>> -> memref<1x88xi32, #tpu.memory_space<vmem>>
      %dma_start3A_452 = tpu.memref_squeeze %dma_start3A_451 : memref<1x88xi32, #tpu.memory_space<vmem>> -> memref<88xi32, #tpu.memory_space<vmem>>
      %dma_start3A_453 = arith.constant 0 : i32
      %dma_start3A_454 = arith.constant 0 : i32
      %dma_start3A_455 = tpu.memref_slice %arg4[%dma_start3A_453, %dma_start3A_454] : memref<1000000x32xf32, #tpu.memory_space<hbm>> -> memref<1000000x32xf32, #tpu.memory_space<hbm>>
      tpu.enqueue_indirect_dma source(%dma_start3A_455 : memref<1000000x32xf32, #tpu.memory_space<hbm>>) target(%dma_start3A_449 : memref<88x32xf32, #tpu.memory_space<vmem>>) offsets(%dma_start3A_452 : memref<88xi32, #tpu.memory_space<vmem>>) semaphore(%arg16 : memref<!tpu.dma_semaphore, #tpu.memory_space<semaphore_mem>>)
      %dma_start3A_456 = arith.constant 9 : i32
      %dma_start3A_457 = arith.constant 1800 : i32
      %dma_start3A_458 = arith.constant 0 : i32
      %dma_start3A_459 = tpu.memref_slice %arg11[%dma_start3A_457, %dma_start3A_458] : memref<3200x32xf32, #tpu.memory_space<vmem>> -> memref<112x32xf32, #tpu.memory_space<vmem>>
      %dma_start3A_460 = arith.constant 0 : i32
      %dma_start3A_461 = tpu.memref_slice %arg9[%dma_start3A_456, %dma_start3A_460] : memref<16x200xi32, #tpu.memory_space<vmem>> -> memref<1x112xi32, #tpu.memory_space<vmem>>
      %dma_start3A_462 = tpu.memref_squeeze %dma_start3A_461 : memref<1x112xi32, #tpu.memory_space<vmem>> -> memref<112xi32, #tpu.memory_space<vmem>>
      %dma_start3A_463 = arith.constant 0 : i32
      %dma_start3A_464 = arith.constant 0 : i32
      %dma_start3A_465 = tpu.memref_slice %arg4[%dma_start3A_463, %dma_start3A_464] : memref<1000000x32xf32, #tpu.memory_space<hbm>> -> memref<1000000x32xf32, #tpu.memory_space<hbm>>
      tpu.enqueue_indirect_dma source(%dma_start3A_465 : memref<1000000x32xf32, #tpu.memory_space<hbm>>) target(%dma_start3A_459 : memref<112x32xf32, #tpu.memory_space<vmem>>) offsets(%dma_start3A_462 : memref<112xi32, #tpu.memory_space<vmem>>) semaphore(%arg16 : memref<!tpu.dma_semaphore, #tpu.memory_space<semaphore_mem>>)
      %dma_start3A_466 = arith.constant 9 : i32
      %dma_start3A_467 = arith.constant 1912 : i32
      %dma_start3A_468 = arith.constant 0 : i32
      %dma_start3A_469 = tpu.memref_slice %arg11[%dma_start3A_467, %dma_start3A_468] : memref<3200x32xf32, #tpu.memory_space<vmem>> -> memref<88x32xf32, #tpu.memory_space<vmem>>
      %dma_start3A_470 = arith.constant 112 : i32
      %dma_start3A_471 = tpu.memref_slice %arg9[%dma_start3A_466, %dma_start3A_470] : memref<16x200xi32, #tpu.memory_space<vmem>> -> memref<1x88xi32, #tpu.memory_space<vmem>>
      %dma_start3A_472 = tpu.memref_squeeze %dma_start3A_471 : memref<1x88xi32, #tpu.memory_space<vmem>> -> memref<88xi32, #tpu.memory_space<vmem>>
      %dma_start3A_473 = arith.constant 0 : i32
      %dma_start3A_474 = arith.constant 0 : i32
      %dma_start3A_475 = tpu.memref_slice %arg4[%dma_start3A_473, %dma_start3A_474] : memref<1000000x32xf32, #tpu.memory_space<hbm>> -> memref<1000000x32xf32, #tpu.memory_space<hbm>>
      tpu.enqueue_indirect_dma source(%dma_start3A_475 : memref<1000000x32xf32, #tpu.memory_space<hbm>>) target(%dma_start3A_469 : memref<88x32xf32, #tpu.memory_space<vmem>>) offsets(%dma_start3A_472 : memref<88xi32, #tpu.memory_space<vmem>>) semaphore(%arg16 : memref<!tpu.dma_semaphore, #tpu.memory_space<semaphore_mem>>)
      %dma_start3A_476 = arith.constant 10 : i32
      %dma_start3A_477 = arith.constant 2000 : i32
      %dma_start3A_478 = arith.constant 0 : i32
      %dma_start3A_479 = tpu.memref_slice %arg11[%dma_start3A_477, %dma_start3A_478] : memref<3200x32xf32, #tpu.memory_space<vmem>> -> memref<112x32xf32, #tpu.memory_space<vmem>>
      %dma_start3A_480 = arith.constant 0 : i32
      %dma_start3A_481 = tpu.memref_slice %arg9[%dma_start3A_476, %dma_start3A_480] : memref<16x200xi32, #tpu.memory_space<vmem>> -> memref<1x112xi32, #tpu.memory_space<vmem>>
      %dma_start3A_482 = tpu.memref_squeeze %dma_start3A_481 : memref<1x112xi32, #tpu.memory_space<vmem>> -> memref<112xi32, #tpu.memory_space<vmem>>
      %dma_start3A_483 = arith.constant 0 : i32
      %dma_start3A_484 = arith.constant 0 : i32
      %dma_start3A_485 = tpu.memref_slice %arg4[%dma_start3A_483, %dma_start3A_484] : memref<1000000x32xf32, #tpu.memory_space<hbm>> -> memref<1000000x32xf32, #tpu.memory_space<hbm>>
      tpu.enqueue_indirect_dma source(%dma_start3A_485 : memref<1000000x32xf32, #tpu.memory_space<hbm>>) target(%dma_start3A_479 : memref<112x32xf32, #tpu.memory_space<vmem>>) offsets(%dma_start3A_482 : memref<112xi32, #tpu.memory_space<vmem>>) semaphore(%arg16 : memref<!tpu.dma_semaphore, #tpu.memory_space<semaphore_mem>>)
      %dma_start3A_486 = arith.constant 10 : i32
      %dma_start3A_487 = arith.constant 2112 : i32
      %dma_start3A_488 = arith.constant 0 : i32
      %dma_start3A_489 = tpu.memref_slice %arg11[%dma_start3A_487, %dma_start3A_488] : memref<3200x32xf32, #tpu.memory_space<vmem>> -> memref<88x32xf32, #tpu.memory_space<vmem>>
      %dma_start3A_490 = arith.constant 112 : i32
      %dma_start3A_491 = tpu.memref_slice %arg9[%dma_start3A_486, %dma_start3A_490] : memref<16x200xi32, #tpu.memory_space<vmem>> -> memref<1x88xi32, #tpu.memory_space<vmem>>
      %dma_start3A_492 = tpu.memref_squeeze %dma_start3A_491 : memref<1x88xi32, #tpu.memory_space<vmem>> -> memref<88xi32, #tpu.memory_space<vmem>>
      %dma_start3A_493 = arith.constant 0 : i32
      %dma_start3A_494 = arith.constant 0 : i32
      %dma_start3A_495 = tpu.memref_slice %arg4[%dma_start3A_493, %dma_start3A_494] : memref<1000000x32xf32, #tpu.memory_space<hbm>> -> memref<1000000x32xf32, #tpu.memory_space<hbm>>
      tpu.enqueue_indirect_dma source(%dma_start3A_495 : memref<1000000x32xf32, #tpu.memory_space<hbm>>) target(%dma_start3A_489 : memref<88x32xf32, #tpu.memory_space<vmem>>) offsets(%dma_start3A_492 : memref<88xi32, #tpu.memory_space<vmem>>) semaphore(%arg16 : memref<!tpu.dma_semaphore, #tpu.memory_space<semaphore_mem>>)
      %dma_start3A_496 = arith.constant 11 : i32
      %dma_start3A_497 = arith.constant 2200 : i32
      %dma_start3A_498 = arith.constant 0 : i32
      %dma_start3A_499 = tpu.memref_slice %arg11[%dma_start3A_497, %dma_start3A_498] : memref<3200x32xf32, #tpu.memory_space<vmem>> -> memref<112x32xf32, #tpu.memory_space<vmem>>
      %dma_start3A_500 = arith.constant 0 : i32
      %dma_start3A_501 = tpu.memref_slice %arg9[%dma_start3A_496, %dma_start3A_500] : memref<16x200xi32, #tpu.memory_space<vmem>> -> memref<1x112xi32, #tpu.memory_space<vmem>>
      %dma_start3A_502 = tpu.memref_squeeze %dma_start3A_501 : memref<1x112xi32, #tpu.memory_space<vmem>> -> memref<112xi32, #tpu.memory_space<vmem>>
      %dma_start3A_503 = arith.constant 0 : i32
      %dma_start3A_504 = arith.constant 0 : i32
      %dma_start3A_505 = tpu.memref_slice %arg4[%dma_start3A_503, %dma_start3A_504] : memref<1000000x32xf32, #tpu.memory_space<hbm>> -> memref<1000000x32xf32, #tpu.memory_space<hbm>>
      tpu.enqueue_indirect_dma source(%dma_start3A_505 : memref<1000000x32xf32, #tpu.memory_space<hbm>>) target(%dma_start3A_499 : memref<112x32xf32, #tpu.memory_space<vmem>>) offsets(%dma_start3A_502 : memref<112xi32, #tpu.memory_space<vmem>>) semaphore(%arg16 : memref<!tpu.dma_semaphore, #tpu.memory_space<semaphore_mem>>)
      %dma_start3A_506 = arith.constant 11 : i32
      %dma_start3A_507 = arith.constant 2312 : i32
      %dma_start3A_508 = arith.constant 0 : i32
      %dma_start3A_509 = tpu.memref_slice %arg11[%dma_start3A_507, %dma_start3A_508] : memref<3200x32xf32, #tpu.memory_space<vmem>> -> memref<88x32xf32, #tpu.memory_space<vmem>>
      %dma_start3A_510 = arith.constant 112 : i32
      %dma_start3A_511 = tpu.memref_slice %arg9[%dma_start3A_506, %dma_start3A_510] : memref<16x200xi32, #tpu.memory_space<vmem>> -> memref<1x88xi32, #tpu.memory_space<vmem>>
      %dma_start3A_512 = tpu.memref_squeeze %dma_start3A_511 : memref<1x88xi32, #tpu.memory_space<vmem>> -> memref<88xi32, #tpu.memory_space<vmem>>
      %dma_start3A_513 = arith.constant 0 : i32
      %dma_start3A_514 = arith.constant 0 : i32
      %dma_start3A_515 = tpu.memref_slice %arg4[%dma_start3A_513, %dma_start3A_514] : memref<1000000x32xf32, #tpu.memory_space<hbm>> -> memref<1000000x32xf32, #tpu.memory_space<hbm>>
      tpu.enqueue_indirect_dma source(%dma_start3A_515 : memref<1000000x32xf32, #tpu.memory_space<hbm>>) target(%dma_start3A_509 : memref<88x32xf32, #tpu.memory_space<vmem>>) offsets(%dma_start3A_512 : memref<88xi32, #tpu.memory_space<vmem>>) semaphore(%arg16 : memref<!tpu.dma_semaphore, #tpu.memory_space<semaphore_mem>>)
      %dma_start3A_516 = arith.constant 12 : i32
      %dma_start3A_517 = arith.constant 2400 : i32
      %dma_start3A_518 = arith.constant 0 : i32
      %dma_start3A_519 = tpu.memref_slice %arg11[%dma_start3A_517, %dma_start3A_518] : memref<3200x32xf32, #tpu.memory_space<vmem>> -> memref<112x32xf32, #tpu.memory_space<vmem>>
      %dma_start3A_520 = arith.constant 0 : i32
      %dma_start3A_521 = tpu.memref_slice %arg9[%dma_start3A_516, %dma_start3A_520] : memref<16x200xi32, #tpu.memory_space<vmem>> -> memref<1x112xi32, #tpu.memory_space<vmem>>
      %dma_start3A_522 = tpu.memref_squeeze %dma_start3A_521 : memref<1x112xi32, #tpu.memory_space<vmem>> -> memref<112xi32, #tpu.memory_space<vmem>>
      %dma_start3A_523 = arith.constant 0 : i32
      %dma_start3A_524 = arith.constant 0 : i32
      %dma_start3A_525 = tpu.memref_slice %arg4[%dma_start3A_523, %dma_start3A_524] : memref<1000000x32xf32, #tpu.memory_space<hbm>> -> memref<1000000x32xf32, #tpu.memory_space<hbm>>
      tpu.enqueue_indirect_dma source(%dma_start3A_525 : memref<1000000x32xf32, #tpu.memory_space<hbm>>) target(%dma_start3A_519 : memref<112x32xf32, #tpu.memory_space<vmem>>) offsets(%dma_start3A_522 : memref<112xi32, #tpu.memory_space<vmem>>) semaphore(%arg16 : memref<!tpu.dma_semaphore, #tpu.memory_space<semaphore_mem>>)
      %dma_start3A_526 = arith.constant 12 : i32
      %dma_start3A_527 = arith.constant 2512 : i32
      %dma_start3A_528 = arith.constant 0 : i32
      %dma_start3A_529 = tpu.memref_slice %arg11[%dma_start3A_527, %dma_start3A_528] : memref<3200x32xf32, #tpu.memory_space<vmem>> -> memref<88x32xf32, #tpu.memory_space<vmem>>
      %dma_start3A_530 = arith.constant 112 : i32
      %dma_start3A_531 = tpu.memref_slice %arg9[%dma_start3A_526, %dma_start3A_530] : memref<16x200xi32, #tpu.memory_space<vmem>> -> memref<1x88xi32, #tpu.memory_space<vmem>>
      %dma_start3A_532 = tpu.memref_squeeze %dma_start3A_531 : memref<1x88xi32, #tpu.memory_space<vmem>> -> memref<88xi32, #tpu.memory_space<vmem>>
      %dma_start3A_533 = arith.constant 0 : i32
      %dma_start3A_534 = arith.constant 0 : i32
      %dma_start3A_535 = tpu.memref_slice %arg4[%dma_start3A_533, %dma_start3A_534] : memref<1000000x32xf32, #tpu.memory_space<hbm>> -> memref<1000000x32xf32, #tpu.memory_space<hbm>>
      tpu.enqueue_indirect_dma source(%dma_start3A_535 : memref<1000000x32xf32, #tpu.memory_space<hbm>>) target(%dma_start3A_529 : memref<88x32xf32, #tpu.memory_space<vmem>>) offsets(%dma_start3A_532 : memref<88xi32, #tpu.memory_space<vmem>>) semaphore(%arg16 : memref<!tpu.dma_semaphore, #tpu.memory_space<semaphore_mem>>)
      %dma_start3A_536 = arith.constant 13 : i32
      %dma_start3A_537 = arith.constant 2600 : i32
      %dma_start3A_538 = arith.constant 0 : i32
      %dma_start3A_539 = tpu.memref_slice %arg11[%dma_start3A_537, %dma_start3A_538] : memref<3200x32xf32, #tpu.memory_space<vmem>> -> memref<112x32xf32, #tpu.memory_space<vmem>>
      %dma_start3A_540 = arith.constant 0 : i32
      %dma_start3A_541 = tpu.memref_slice %arg9[%dma_start3A_536, %dma_start3A_540] : memref<16x200xi32, #tpu.memory_space<vmem>> -> memref<1x112xi32, #tpu.memory_space<vmem>>
      %dma_start3A_542 = tpu.memref_squeeze %dma_start3A_541 : memref<1x112xi32, #tpu.memory_space<vmem>> -> memref<112xi32, #tpu.memory_space<vmem>>
      %dma_start3A_543 = arith.constant 0 : i32
      %dma_start3A_544 = arith.constant 0 : i32
      %dma_start3A_545 = tpu.memref_slice %arg4[%dma_start3A_543, %dma_start3A_544] : memref<1000000x32xf32, #tpu.memory_space<hbm>> -> memref<1000000x32xf32, #tpu.memory_space<hbm>>
      tpu.enqueue_indirect_dma source(%dma_start3A_545 : memref<1000000x32xf32, #tpu.memory_space<hbm>>) target(%dma_start3A_539 : memref<112x32xf32, #tpu.memory_space<vmem>>) offsets(%dma_start3A_542 : memref<112xi32, #tpu.memory_space<vmem>>) semaphore(%arg16 : memref<!tpu.dma_semaphore, #tpu.memory_space<semaphore_mem>>)
      %dma_start3A_546 = arith.constant 13 : i32
      %dma_start3A_547 = arith.constant 2712 : i32
      %dma_start3A_548 = arith.constant 0 : i32
      %dma_start3A_549 = tpu.memref_slice %arg11[%dma_start3A_547, %dma_start3A_548] : memref<3200x32xf32, #tpu.memory_space<vmem>> -> memref<88x32xf32, #tpu.memory_space<vmem>>
      %dma_start3A_550 = arith.constant 112 : i32
      %dma_start3A_551 = tpu.memref_slice %arg9[%dma_start3A_546, %dma_start3A_550] : memref<16x200xi32, #tpu.memory_space<vmem>> -> memref<1x88xi32, #tpu.memory_space<vmem>>
      %dma_start3A_552 = tpu.memref_squeeze %dma_start3A_551 : memref<1x88xi32, #tpu.memory_space<vmem>> -> memref<88xi32, #tpu.memory_space<vmem>>
      %dma_start3A_553 = arith.constant 0 : i32
      %dma_start3A_554 = arith.constant 0 : i32
      %dma_start3A_555 = tpu.memref_slice %arg4[%dma_start3A_553, %dma_start3A_554] : memref<1000000x32xf32, #tpu.memory_space<hbm>> -> memref<1000000x32xf32, #tpu.memory_space<hbm>>
      tpu.enqueue_indirect_dma source(%dma_start3A_555 : memref<1000000x32xf32, #tpu.memory_space<hbm>>) target(%dma_start3A_549 : memref<88x32xf32, #tpu.memory_space<vmem>>) offsets(%dma_start3A_552 : memref<88xi32, #tpu.memory_space<vmem>>) semaphore(%arg16 : memref<!tpu.dma_semaphore, #tpu.memory_space<semaphore_mem>>)
      %dma_start3A_556 = arith.constant 14 : i32
      %dma_start3A_557 = arith.constant 2800 : i32
      %dma_start3A_558 = arith.constant 0 : i32
      %dma_start3A_559 = tpu.memref_slice %arg11[%dma_start3A_557, %dma_start3A_558] : memref<3200x32xf32, #tpu.memory_space<vmem>> -> memref<112x32xf32, #tpu.memory_space<vmem>>
      %dma_start3A_560 = arith.constant 0 : i32
      %dma_start3A_561 = tpu.memref_slice %arg9[%dma_start3A_556, %dma_start3A_560] : memref<16x200xi32, #tpu.memory_space<vmem>> -> memref<1x112xi32, #tpu.memory_space<vmem>>
      %dma_start3A_562 = tpu.memref_squeeze %dma_start3A_561 : memref<1x112xi32, #tpu.memory_space<vmem>> -> memref<112xi32, #tpu.memory_space<vmem>>
      %dma_start3A_563 = arith.constant 0 : i32
      %dma_start3A_564 = arith.constant 0 : i32
      %dma_start3A_565 = tpu.memref_slice %arg4[%dma_start3A_563, %dma_start3A_564] : memref<1000000x32xf32, #tpu.memory_space<hbm>> -> memref<1000000x32xf32, #tpu.memory_space<hbm>>
      tpu.enqueue_indirect_dma source(%dma_start3A_565 : memref<1000000x32xf32, #tpu.memory_space<hbm>>) target(%dma_start3A_559 : memref<112x32xf32, #tpu.memory_space<vmem>>) offsets(%dma_start3A_562 : memref<112xi32, #tpu.memory_space<vmem>>) semaphore(%arg16 : memref<!tpu.dma_semaphore, #tpu.memory_space<semaphore_mem>>)
      %dma_start3A_566 = arith.constant 14 : i32
      %dma_start3A_567 = arith.constant 2912 : i32
      %dma_start3A_568 = arith.constant 0 : i32
      %dma_start3A_569 = tpu.memref_slice %arg11[%dma_start3A_567, %dma_start3A_568] : memref<3200x32xf32, #tpu.memory_space<vmem>> -> memref<88x32xf32, #tpu.memory_space<vmem>>
      %dma_start3A_570 = arith.constant 112 : i32
      %dma_start3A_571 = tpu.memref_slice %arg9[%dma_start3A_566, %dma_start3A_570] : memref<16x200xi32, #tpu.memory_space<vmem>> -> memref<1x88xi32, #tpu.memory_space<vmem>>
      %dma_start3A_572 = tpu.memref_squeeze %dma_start3A_571 : memref<1x88xi32, #tpu.memory_space<vmem>> -> memref<88xi32, #tpu.memory_space<vmem>>
      %dma_start3A_573 = arith.constant 0 : i32
      %dma_start3A_574 = arith.constant 0 : i32
      %dma_start3A_575 = tpu.memref_slice %arg4[%dma_start3A_573, %dma_start3A_574] : memref<1000000x32xf32, #tpu.memory_space<hbm>> -> memref<1000000x32xf32, #tpu.memory_space<hbm>>
      tpu.enqueue_indirect_dma source(%dma_start3A_575 : memref<1000000x32xf32, #tpu.memory_space<hbm>>) target(%dma_start3A_569 : memref<88x32xf32, #tpu.memory_space<vmem>>) offsets(%dma_start3A_572 : memref<88xi32, #tpu.memory_space<vmem>>) semaphore(%arg16 : memref<!tpu.dma_semaphore, #tpu.memory_space<semaphore_mem>>)
      %dma_start3A_576 = arith.constant 15 : i32
      %dma_start3A_577 = arith.constant 3000 : i32
      %dma_start3A_578 = arith.constant 0 : i32
      %dma_start3A_579 = tpu.memref_slice %arg11[%dma_start3A_577, %dma_start3A_578] : memref<3200x32xf32, #tpu.memory_space<vmem>> -> memref<112x32xf32, #tpu.memory_space<vmem>>
      %dma_start3A_580 = arith.constant 0 : i32
      %dma_start3A_581 = tpu.memref_slice %arg9[%dma_start3A_576, %dma_start3A_580] : memref<16x200xi32, #tpu.memory_space<vmem>> -> memref<1x112xi32, #tpu.memory_space<vmem>>
      %dma_start3A_582 = tpu.memref_squeeze %dma_start3A_581 : memref<1x112xi32, #tpu.memory_space<vmem>> -> memref<112xi32, #tpu.memory_space<vmem>>
      %dma_start3A_583 = arith.constant 0 : i32
      %dma_start3A_584 = arith.constant 0 : i32
      %dma_start3A_585 = tpu.memref_slice %arg4[%dma_start3A_583, %dma_start3A_584] : memref<1000000x32xf32, #tpu.memory_space<hbm>> -> memref<1000000x32xf32, #tpu.memory_space<hbm>>
      tpu.enqueue_indirect_dma source(%dma_start3A_585 : memref<1000000x32xf32, #tpu.memory_space<hbm>>) target(%dma_start3A_579 : memref<112x32xf32, #tpu.memory_space<vmem>>) offsets(%dma_start3A_582 : memref<112xi32, #tpu.memory_space<vmem>>) semaphore(%arg16 : memref<!tpu.dma_semaphore, #tpu.memory_space<semaphore_mem>>)
      %dma_start3A_586 = arith.constant 15 : i32
      %dma_start3A_587 = arith.constant 3112 : i32
      %dma_start3A_588 = arith.constant 0 : i32
      %dma_start3A_589 = tpu.memref_slice %arg11[%dma_start3A_587, %dma_start3A_588] : memref<3200x32xf32, #tpu.memory_space<vmem>> -> memref<88x32xf32, #tpu.memory_space<vmem>>
      %dma_start3A_590 = arith.constant 112 : i32
      %dma_start3A_591 = tpu.memref_slice %arg9[%dma_start3A_586, %dma_start3A_590] : memref<16x200xi32, #tpu.memory_space<vmem>> -> memref<1x88xi32, #tpu.memory_space<vmem>>
      %dma_start3A_592 = tpu.memref_squeeze %dma_start3A_591 : memref<1x88xi32, #tpu.memory_space<vmem>> -> memref<88xi32, #tpu.memory_space<vmem>>
      %dma_start3A_593 = arith.constant 0 : i32
      %dma_start3A_594 = arith.constant 0 : i32
      %dma_start3A_595 = tpu.memref_slice %arg4[%dma_start3A_593, %dma_start3A_594] : memref<1000000x32xf32, #tpu.memory_space<hbm>> -> memref<1000000x32xf32, #tpu.memory_space<hbm>>
      tpu.enqueue_indirect_dma source(%dma_start3A_595 : memref<1000000x32xf32, #tpu.memory_space<hbm>>) target(%dma_start3A_589 : memref<88x32xf32, #tpu.memory_space<vmem>>) offsets(%dma_start3A_592 : memref<88xi32, #tpu.memory_space<vmem>>) semaphore(%arg16 : memref<!tpu.dma_semaphore, #tpu.memory_space<semaphore_mem>>)
      %dma_wait3A = arith.constant 0 : i32
      %dma_wait3A_596 = arith.constant 0 : i32
      %dma_wait3A_597 = tpu.memref_slice %arg10[%dma_wait3A_596] : memref<3328xf32, #tpu.memory_space<vmem>> -> memref<112xf32, #tpu.memory_space<vmem>>
      %dma_wait3A_598 = arith.constant 0 : i32
      %dma_wait3A_599 = tpu.memref_slice %arg9[%dma_wait3A, %dma_wait3A_598] : memref<16x200xi32, #tpu.memory_space<vmem>> -> memref<1x112xi32, #tpu.memory_space<vmem>>
      %dma_wait3A_600 = tpu.memref_squeeze %dma_wait3A_599 : memref<1x112xi32, #tpu.memory_space<vmem>> -> memref<112xi32, #tpu.memory_space<vmem>>
      %dma_wait3A_601 = arith.constant 0 : i32
      %dma_wait3A_602 = tpu.memref_slice %arg3[%dma_wait3A_601] : memref<1000000xf32, #tpu.memory_space<hbm>> -> memref<1000000xf32, #tpu.memory_space<hbm>>
      tpu.wait_indirect_dma semaphore(%arg15 : memref<!tpu.dma_semaphore, #tpu.memory_space<semaphore_mem>>) src(%dma_wait3A_602 : memref<1000000xf32, #tpu.memory_space<hbm>>) dst(%dma_wait3A_597 : memref<112xf32, #tpu.memory_space<vmem>>)
      %dma_wait3A_603 = arith.constant 0 : i32
      %dma_wait3A_604 = arith.constant 112 : i32
      %dma_wait3A_605 = tpu.memref_slice %arg10[%dma_wait3A_604] : memref<3328xf32, #tpu.memory_space<vmem>> -> memref<88xf32, #tpu.memory_space<vmem>>
      %dma_wait3A_606 = arith.constant 112 : i32
      %dma_wait3A_607 = tpu.memref_slice %arg9[%dma_wait3A_603, %dma_wait3A_606] : memref<16x200xi32, #tpu.memory_space<vmem>> -> memref<1x88xi32, #tpu.memory_space<vmem>>
      %dma_wait3A_608 = tpu.memref_squeeze %dma_wait3A_607 : memref<1x88xi32, #tpu.memory_space<vmem>> -> memref<88xi32, #tpu.memory_space<vmem>>
      %dma_wait3A_609 = arith.constant 0 : i32
      %dma_wait3A_610 = tpu.memref_slice %arg3[%dma_wait3A_609] : memref<1000000xf32, #tpu.memory_space<hbm>> -> memref<1000000xf32, #tpu.memory_space<hbm>>
      tpu.wait_indirect_dma semaphore(%arg15 : memref<!tpu.dma_semaphore, #tpu.memory_space<semaphore_mem>>) src(%dma_wait3A_610 : memref<1000000xf32, #tpu.memory_space<hbm>>) dst(%dma_wait3A_605 : memref<88xf32, #tpu.memory_space<vmem>>)
      %dma_wait3A_611 = arith.constant 1 : i32
      %dma_wait3A_612 = arith.constant 208 : i32
      %dma_wait3A_613 = tpu.memref_slice %arg10[%dma_wait3A_612] : memref<3328xf32, #tpu.memory_space<vmem>> -> memref<112xf32, #tpu.memory_space<vmem>>
      %dma_wait3A_614 = arith.constant 0 : i32
      %dma_wait3A_615 = tpu.memref_slice %arg9[%dma_wait3A_611, %dma_wait3A_614] : memref<16x200xi32, #tpu.memory_space<vmem>> -> memref<1x112xi32, #tpu.memory_space<vmem>>
      %dma_wait3A_616 = tpu.memref_squeeze %dma_wait3A_615 : memref<1x112xi32, #tpu.memory_space<vmem>> -> memref<112xi32, #tpu.memory_space<vmem>>
      %dma_wait3A_617 = arith.constant 0 : i32
      %dma_wait3A_618 = tpu.memref_slice %arg3[%dma_wait3A_617] : memref<1000000xf32, #tpu.memory_space<hbm>> -> memref<1000000xf32, #tpu.memory_space<hbm>>
      tpu.wait_indirect_dma semaphore(%arg15 : memref<!tpu.dma_semaphore, #tpu.memory_space<semaphore_mem>>) src(%dma_wait3A_618 : memref<1000000xf32, #tpu.memory_space<hbm>>) dst(%dma_wait3A_613 : memref<112xf32, #tpu.memory_space<vmem>>)
      %dma_wait3A_619 = arith.constant 1 : i32
      %dma_wait3A_620 = arith.constant 320 : i32
      %dma_wait3A_621 = tpu.memref_slice %arg10[%dma_wait3A_620] : memref<3328xf32, #tpu.memory_space<vmem>> -> memref<88xf32, #tpu.memory_space<vmem>>
      %dma_wait3A_622 = arith.constant 112 : i32
      %dma_wait3A_623 = tpu.memref_slice %arg9[%dma_wait3A_619, %dma_wait3A_622] : memref<16x200xi32, #tpu.memory_space<vmem>> -> memref<1x88xi32, #tpu.memory_space<vmem>>
      %dma_wait3A_624 = tpu.memref_squeeze %dma_wait3A_623 : memref<1x88xi32, #tpu.memory_space<vmem>> -> memref<88xi32, #tpu.memory_space<vmem>>
      %dma_wait3A_625 = arith.constant 0 : i32
      %dma_wait3A_626 = tpu.memref_slice %arg3[%dma_wait3A_625] : memref<1000000xf32, #tpu.memory_space<hbm>> -> memref<1000000xf32, #tpu.memory_space<hbm>>
      tpu.wait_indirect_dma semaphore(%arg15 : memref<!tpu.dma_semaphore, #tpu.memory_space<semaphore_mem>>) src(%dma_wait3A_626 : memref<1000000xf32, #tpu.memory_space<hbm>>) dst(%dma_wait3A_621 : memref<88xf32, #tpu.memory_space<vmem>>)
      %dma_wait3A_627 = arith.constant 2 : i32
      %dma_wait3A_628 = arith.constant 416 : i32
      %dma_wait3A_629 = tpu.memref_slice %arg10[%dma_wait3A_628] : memref<3328xf32, #tpu.memory_space<vmem>> -> memref<112xf32, #tpu.memory_space<vmem>>
      %dma_wait3A_630 = arith.constant 0 : i32
      %dma_wait3A_631 = tpu.memref_slice %arg9[%dma_wait3A_627, %dma_wait3A_630] : memref<16x200xi32, #tpu.memory_space<vmem>> -> memref<1x112xi32, #tpu.memory_space<vmem>>
      %dma_wait3A_632 = tpu.memref_squeeze %dma_wait3A_631 : memref<1x112xi32, #tpu.memory_space<vmem>> -> memref<112xi32, #tpu.memory_space<vmem>>
      %dma_wait3A_633 = arith.constant 0 : i32
      %dma_wait3A_634 = tpu.memref_slice %arg3[%dma_wait3A_633] : memref<1000000xf32, #tpu.memory_space<hbm>> -> memref<1000000xf32, #tpu.memory_space<hbm>>
      tpu.wait_indirect_dma semaphore(%arg15 : memref<!tpu.dma_semaphore, #tpu.memory_space<semaphore_mem>>) src(%dma_wait3A_634 : memref<1000000xf32, #tpu.memory_space<hbm>>) dst(%dma_wait3A_629 : memref<112xf32, #tpu.memory_space<vmem>>)
      %dma_wait3A_635 = arith.constant 2 : i32
      %dma_wait3A_636 = arith.constant 528 : i32
      %dma_wait3A_637 = tpu.memref_slice %arg10[%dma_wait3A_636] : memref<3328xf32, #tpu.memory_space<vmem>> -> memref<88xf32, #tpu.memory_space<vmem>>
      %dma_wait3A_638 = arith.constant 112 : i32
      %dma_wait3A_639 = tpu.memref_slice %arg9[%dma_wait3A_635, %dma_wait3A_638] : memref<16x200xi32, #tpu.memory_space<vmem>> -> memref<1x88xi32, #tpu.memory_space<vmem>>
      %dma_wait3A_640 = tpu.memref_squeeze %dma_wait3A_639 : memref<1x88xi32, #tpu.memory_space<vmem>> -> memref<88xi32, #tpu.memory_space<vmem>>
      %dma_wait3A_641 = arith.constant 0 : i32
      %dma_wait3A_642 = tpu.memref_slice %arg3[%dma_wait3A_641] : memref<1000000xf32, #tpu.memory_space<hbm>> -> memref<1000000xf32, #tpu.memory_space<hbm>>
      tpu.wait_indirect_dma semaphore(%arg15 : memref<!tpu.dma_semaphore, #tpu.memory_space<semaphore_mem>>) src(%dma_wait3A_642 : memref<1000000xf32, #tpu.memory_space<hbm>>) dst(%dma_wait3A_637 : memref<88xf32, #tpu.memory_space<vmem>>)
      %dma_wait3A_643 = arith.constant 3 : i32
      %dma_wait3A_644 = arith.constant 624 : i32
      %dma_wait3A_645 = tpu.memref_slice %arg10[%dma_wait3A_644] : memref<3328xf32, #tpu.memory_space<vmem>> -> memref<112xf32, #tpu.memory_space<vmem>>
      %dma_wait3A_646 = arith.constant 0 : i32
      %dma_wait3A_647 = tpu.memref_slice %arg9[%dma_wait3A_643, %dma_wait3A_646] : memref<16x200xi32, #tpu.memory_space<vmem>> -> memref<1x112xi32, #tpu.memory_space<vmem>>
      %dma_wait3A_648 = tpu.memref_squeeze %dma_wait3A_647 : memref<1x112xi32, #tpu.memory_space<vmem>> -> memref<112xi32, #tpu.memory_space<vmem>>
      %dma_wait3A_649 = arith.constant 0 : i32
      %dma_wait3A_650 = tpu.memref_slice %arg3[%dma_wait3A_649] : memref<1000000xf32, #tpu.memory_space<hbm>> -> memref<1000000xf32, #tpu.memory_space<hbm>>
      tpu.wait_indirect_dma semaphore(%arg15 : memref<!tpu.dma_semaphore, #tpu.memory_space<semaphore_mem>>) src(%dma_wait3A_650 : memref<1000000xf32, #tpu.memory_space<hbm>>) dst(%dma_wait3A_645 : memref<112xf32, #tpu.memory_space<vmem>>)
      %dma_wait3A_651 = arith.constant 3 : i32
      %dma_wait3A_652 = arith.constant 736 : i32
      %dma_wait3A_653 = tpu.memref_slice %arg10[%dma_wait3A_652] : memref<3328xf32, #tpu.memory_space<vmem>> -> memref<88xf32, #tpu.memory_space<vmem>>
      %dma_wait3A_654 = arith.constant 112 : i32
      %dma_wait3A_655 = tpu.memref_slice %arg9[%dma_wait3A_651, %dma_wait3A_654] : memref<16x200xi32, #tpu.memory_space<vmem>> -> memref<1x88xi32, #tpu.memory_space<vmem>>
      %dma_wait3A_656 = tpu.memref_squeeze %dma_wait3A_655 : memref<1x88xi32, #tpu.memory_space<vmem>> -> memref<88xi32, #tpu.memory_space<vmem>>
      %dma_wait3A_657 = arith.constant 0 : i32
      %dma_wait3A_658 = tpu.memref_slice %arg3[%dma_wait3A_657] : memref<1000000xf32, #tpu.memory_space<hbm>> -> memref<1000000xf32, #tpu.memory_space<hbm>>
      tpu.wait_indirect_dma semaphore(%arg15 : memref<!tpu.dma_semaphore, #tpu.memory_space<semaphore_mem>>) src(%dma_wait3A_658 : memref<1000000xf32, #tpu.memory_space<hbm>>) dst(%dma_wait3A_653 : memref<88xf32, #tpu.memory_space<vmem>>)
      %dma_wait3A_659 = arith.constant 4 : i32
      %dma_wait3A_660 = arith.constant 832 : i32
      %dma_wait3A_661 = tpu.memref_slice %arg10[%dma_wait3A_660] : memref<3328xf32, #tpu.memory_space<vmem>> -> memref<112xf32, #tpu.memory_space<vmem>>
      %dma_wait3A_662 = arith.constant 0 : i32
      %dma_wait3A_663 = tpu.memref_slice %arg9[%dma_wait3A_659, %dma_wait3A_662] : memref<16x200xi32, #tpu.memory_space<vmem>> -> memref<1x112xi32, #tpu.memory_space<vmem>>
      %dma_wait3A_664 = tpu.memref_squeeze %dma_wait3A_663 : memref<1x112xi32, #tpu.memory_space<vmem>> -> memref<112xi32, #tpu.memory_space<vmem>>
      %dma_wait3A_665 = arith.constant 0 : i32
      %dma_wait3A_666 = tpu.memref_slice %arg3[%dma_wait3A_665] : memref<1000000xf32, #tpu.memory_space<hbm>> -> memref<1000000xf32, #tpu.memory_space<hbm>>
      tpu.wait_indirect_dma semaphore(%arg15 : memref<!tpu.dma_semaphore, #tpu.memory_space<semaphore_mem>>) src(%dma_wait3A_666 : memref<1000000xf32, #tpu.memory_space<hbm>>) dst(%dma_wait3A_661 : memref<112xf32, #tpu.memory_space<vmem>>)
      %dma_wait3A_667 = arith.constant 4 : i32
      %dma_wait3A_668 = arith.constant 944 : i32
      %dma_wait3A_669 = tpu.memref_slice %arg10[%dma_wait3A_668] : memref<3328xf32, #tpu.memory_space<vmem>> -> memref<88xf32, #tpu.memory_space<vmem>>
      %dma_wait3A_670 = arith.constant 112 : i32
      %dma_wait3A_671 = tpu.memref_slice %arg9[%dma_wait3A_667, %dma_wait3A_670] : memref<16x200xi32, #tpu.memory_space<vmem>> -> memref<1x88xi32, #tpu.memory_space<vmem>>
      %dma_wait3A_672 = tpu.memref_squeeze %dma_wait3A_671 : memref<1x88xi32, #tpu.memory_space<vmem>> -> memref<88xi32, #tpu.memory_space<vmem>>
      %dma_wait3A_673 = arith.constant 0 : i32
      %dma_wait3A_674 = tpu.memref_slice %arg3[%dma_wait3A_673] : memref<1000000xf32, #tpu.memory_space<hbm>> -> memref<1000000xf32, #tpu.memory_space<hbm>>
      tpu.wait_indirect_dma semaphore(%arg15 : memref<!tpu.dma_semaphore, #tpu.memory_space<semaphore_mem>>) src(%dma_wait3A_674 : memref<1000000xf32, #tpu.memory_space<hbm>>) dst(%dma_wait3A_669 : memref<88xf32, #tpu.memory_space<vmem>>)
      %dma_wait3A_675 = arith.constant 5 : i32
      %dma_wait3A_676 = arith.constant 1040 : i32
      %dma_wait3A_677 = tpu.memref_slice %arg10[%dma_wait3A_676] : memref<3328xf32, #tpu.memory_space<vmem>> -> memref<112xf32, #tpu.memory_space<vmem>>
      %dma_wait3A_678 = arith.constant 0 : i32
      %dma_wait3A_679 = tpu.memref_slice %arg9[%dma_wait3A_675, %dma_wait3A_678] : memref<16x200xi32, #tpu.memory_space<vmem>> -> memref<1x112xi32, #tpu.memory_space<vmem>>
      %dma_wait3A_680 = tpu.memref_squeeze %dma_wait3A_679 : memref<1x112xi32, #tpu.memory_space<vmem>> -> memref<112xi32, #tpu.memory_space<vmem>>
      %dma_wait3A_681 = arith.constant 0 : i32
      %dma_wait3A_682 = tpu.memref_slice %arg3[%dma_wait3A_681] : memref<1000000xf32, #tpu.memory_space<hbm>> -> memref<1000000xf32, #tpu.memory_space<hbm>>
      tpu.wait_indirect_dma semaphore(%arg15 : memref<!tpu.dma_semaphore, #tpu.memory_space<semaphore_mem>>) src(%dma_wait3A_682 : memref<1000000xf32, #tpu.memory_space<hbm>>) dst(%dma_wait3A_677 : memref<112xf32, #tpu.memory_space<vmem>>)
      %dma_wait3A_683 = arith.constant 5 : i32
      %dma_wait3A_684 = arith.constant 1152 : i32
      %dma_wait3A_685 = tpu.memref_slice %arg10[%dma_wait3A_684] : memref<3328xf32, #tpu.memory_space<vmem>> -> memref<88xf32, #tpu.memory_space<vmem>>
      %dma_wait3A_686 = arith.constant 112 : i32
      %dma_wait3A_687 = tpu.memref_slice %arg9[%dma_wait3A_683, %dma_wait3A_686] : memref<16x200xi32, #tpu.memory_space<vmem>> -> memref<1x88xi32, #tpu.memory_space<vmem>>
      %dma_wait3A_688 = tpu.memref_squeeze %dma_wait3A_687 : memref<1x88xi32, #tpu.memory_space<vmem>> -> memref<88xi32, #tpu.memory_space<vmem>>
      %dma_wait3A_689 = arith.constant 0 : i32
      %dma_wait3A_690 = tpu.memref_slice %arg3[%dma_wait3A_689] : memref<1000000xf32, #tpu.memory_space<hbm>> -> memref<1000000xf32, #tpu.memory_space<hbm>>
      tpu.wait_indirect_dma semaphore(%arg15 : memref<!tpu.dma_semaphore, #tpu.memory_space<semaphore_mem>>) src(%dma_wait3A_690 : memref<1000000xf32, #tpu.memory_space<hbm>>) dst(%dma_wait3A_685 : memref<88xf32, #tpu.memory_space<vmem>>)
      %dma_wait3A_691 = arith.constant 6 : i32
      %dma_wait3A_692 = arith.constant 1248 : i32
      %dma_wait3A_693 = tpu.memref_slice %arg10[%dma_wait3A_692] : memref<3328xf32, #tpu.memory_space<vmem>> -> memref<112xf32, #tpu.memory_space<vmem>>
      %dma_wait3A_694 = arith.constant 0 : i32
      %dma_wait3A_695 = tpu.memref_slice %arg9[%dma_wait3A_691, %dma_wait3A_694] : memref<16x200xi32, #tpu.memory_space<vmem>> -> memref<1x112xi32, #tpu.memory_space<vmem>>
      %dma_wait3A_696 = tpu.memref_squeeze %dma_wait3A_695 : memref<1x112xi32, #tpu.memory_space<vmem>> -> memref<112xi32, #tpu.memory_space<vmem>>
      %dma_wait3A_697 = arith.constant 0 : i32
      %dma_wait3A_698 = tpu.memref_slice %arg3[%dma_wait3A_697] : memref<1000000xf32, #tpu.memory_space<hbm>> -> memref<1000000xf32, #tpu.memory_space<hbm>>
      tpu.wait_indirect_dma semaphore(%arg15 : memref<!tpu.dma_semaphore, #tpu.memory_space<semaphore_mem>>) src(%dma_wait3A_698 : memref<1000000xf32, #tpu.memory_space<hbm>>) dst(%dma_wait3A_693 : memref<112xf32, #tpu.memory_space<vmem>>)
      %dma_wait3A_699 = arith.constant 6 : i32
      %dma_wait3A_700 = arith.constant 1360 : i32
      %dma_wait3A_701 = tpu.memref_slice %arg10[%dma_wait3A_700] : memref<3328xf32, #tpu.memory_space<vmem>> -> memref<88xf32, #tpu.memory_space<vmem>>
      %dma_wait3A_702 = arith.constant 112 : i32
      %dma_wait3A_703 = tpu.memref_slice %arg9[%dma_wait3A_699, %dma_wait3A_702] : memref<16x200xi32, #tpu.memory_space<vmem>> -> memref<1x88xi32, #tpu.memory_space<vmem>>
      %dma_wait3A_704 = tpu.memref_squeeze %dma_wait3A_703 : memref<1x88xi32, #tpu.memory_space<vmem>> -> memref<88xi32, #tpu.memory_space<vmem>>
      %dma_wait3A_705 = arith.constant 0 : i32
      %dma_wait3A_706 = tpu.memref_slice %arg3[%dma_wait3A_705] : memref<1000000xf32, #tpu.memory_space<hbm>> -> memref<1000000xf32, #tpu.memory_space<hbm>>
      tpu.wait_indirect_dma semaphore(%arg15 : memref<!tpu.dma_semaphore, #tpu.memory_space<semaphore_mem>>) src(%dma_wait3A_706 : memref<1000000xf32, #tpu.memory_space<hbm>>) dst(%dma_wait3A_701 : memref<88xf32, #tpu.memory_space<vmem>>)
      %dma_wait3A_707 = arith.constant 7 : i32
      %dma_wait3A_708 = arith.constant 1456 : i32
      %dma_wait3A_709 = tpu.memref_slice %arg10[%dma_wait3A_708] : memref<3328xf32, #tpu.memory_space<vmem>> -> memref<112xf32, #tpu.memory_space<vmem>>
      %dma_wait3A_710 = arith.constant 0 : i32
      %dma_wait3A_711 = tpu.memref_slice %arg9[%dma_wait3A_707, %dma_wait3A_710] : memref<16x200xi32, #tpu.memory_space<vmem>> -> memref<1x112xi32, #tpu.memory_space<vmem>>
      %dma_wait3A_712 = tpu.memref_squeeze %dma_wait3A_711 : memref<1x112xi32, #tpu.memory_space<vmem>> -> memref<112xi32, #tpu.memory_space<vmem>>
      %dma_wait3A_713 = arith.constant 0 : i32
      %dma_wait3A_714 = tpu.memref_slice %arg3[%dma_wait3A_713] : memref<1000000xf32, #tpu.memory_space<hbm>> -> memref<1000000xf32, #tpu.memory_space<hbm>>
      tpu.wait_indirect_dma semaphore(%arg15 : memref<!tpu.dma_semaphore, #tpu.memory_space<semaphore_mem>>) src(%dma_wait3A_714 : memref<1000000xf32, #tpu.memory_space<hbm>>) dst(%dma_wait3A_709 : memref<112xf32, #tpu.memory_space<vmem>>)
      %dma_wait3A_715 = arith.constant 7 : i32
      %dma_wait3A_716 = arith.constant 1568 : i32
      %dma_wait3A_717 = tpu.memref_slice %arg10[%dma_wait3A_716] : memref<3328xf32, #tpu.memory_space<vmem>> -> memref<88xf32, #tpu.memory_space<vmem>>
      %dma_wait3A_718 = arith.constant 112 : i32
      %dma_wait3A_719 = tpu.memref_slice %arg9[%dma_wait3A_715, %dma_wait3A_718] : memref<16x200xi32, #tpu.memory_space<vmem>> -> memref<1x88xi32, #tpu.memory_space<vmem>>
      %dma_wait3A_720 = tpu.memref_squeeze %dma_wait3A_719 : memref<1x88xi32, #tpu.memory_space<vmem>> -> memref<88xi32, #tpu.memory_space<vmem>>
      %dma_wait3A_721 = arith.constant 0 : i32
      %dma_wait3A_722 = tpu.memref_slice %arg3[%dma_wait3A_721] : memref<1000000xf32, #tpu.memory_space<hbm>> -> memref<1000000xf32, #tpu.memory_space<hbm>>
      tpu.wait_indirect_dma semaphore(%arg15 : memref<!tpu.dma_semaphore, #tpu.memory_space<semaphore_mem>>) src(%dma_wait3A_722 : memref<1000000xf32, #tpu.memory_space<hbm>>) dst(%dma_wait3A_717 : memref<88xf32, #tpu.memory_space<vmem>>)
      %dma_wait3A_723 = arith.constant 8 : i32
      %dma_wait3A_724 = arith.constant 1664 : i32
      %dma_wait3A_725 = tpu.memref_slice %arg10[%dma_wait3A_724] : memref<3328xf32, #tpu.memory_space<vmem>> -> memref<112xf32, #tpu.memory_space<vmem>>
      %dma_wait3A_726 = arith.constant 0 : i32
      %dma_wait3A_727 = tpu.memref_slice %arg9[%dma_wait3A_723, %dma_wait3A_726] : memref<16x200xi32, #tpu.memory_space<vmem>> -> memref<1x112xi32, #tpu.memory_space<vmem>>
      %dma_wait3A_728 = tpu.memref_squeeze %dma_wait3A_727 : memref<1x112xi32, #tpu.memory_space<vmem>> -> memref<112xi32, #tpu.memory_space<vmem>>
      %dma_wait3A_729 = arith.constant 0 : i32
      %dma_wait3A_730 = tpu.memref_slice %arg3[%dma_wait3A_729] : memref<1000000xf32, #tpu.memory_space<hbm>> -> memref<1000000xf32, #tpu.memory_space<hbm>>
      tpu.wait_indirect_dma semaphore(%arg15 : memref<!tpu.dma_semaphore, #tpu.memory_space<semaphore_mem>>) src(%dma_wait3A_730 : memref<1000000xf32, #tpu.memory_space<hbm>>) dst(%dma_wait3A_725 : memref<112xf32, #tpu.memory_space<vmem>>)
      %dma_wait3A_731 = arith.constant 8 : i32
      %dma_wait3A_732 = arith.constant 1776 : i32
      %dma_wait3A_733 = tpu.memref_slice %arg10[%dma_wait3A_732] : memref<3328xf32, #tpu.memory_space<vmem>> -> memref<88xf32, #tpu.memory_space<vmem>>
      %dma_wait3A_734 = arith.constant 112 : i32
      %dma_wait3A_735 = tpu.memref_slice %arg9[%dma_wait3A_731, %dma_wait3A_734] : memref<16x200xi32, #tpu.memory_space<vmem>> -> memref<1x88xi32, #tpu.memory_space<vmem>>
      %dma_wait3A_736 = tpu.memref_squeeze %dma_wait3A_735 : memref<1x88xi32, #tpu.memory_space<vmem>> -> memref<88xi32, #tpu.memory_space<vmem>>
      %dma_wait3A_737 = arith.constant 0 : i32
      %dma_wait3A_738 = tpu.memref_slice %arg3[%dma_wait3A_737] : memref<1000000xf32, #tpu.memory_space<hbm>> -> memref<1000000xf32, #tpu.memory_space<hbm>>
      tpu.wait_indirect_dma semaphore(%arg15 : memref<!tpu.dma_semaphore, #tpu.memory_space<semaphore_mem>>) src(%dma_wait3A_738 : memref<1000000xf32, #tpu.memory_space<hbm>>) dst(%dma_wait3A_733 : memref<88xf32, #tpu.memory_space<vmem>>)
      %dma_wait3A_739 = arith.constant 9 : i32
      %dma_wait3A_740 = arith.constant 1872 : i32
      %dma_wait3A_741 = tpu.memref_slice %arg10[%dma_wait3A_740] : memref<3328xf32, #tpu.memory_space<vmem>> -> memref<112xf32, #tpu.memory_space<vmem>>
      %dma_wait3A_742 = arith.constant 0 : i32
      %dma_wait3A_743 = tpu.memref_slice %arg9[%dma_wait3A_739, %dma_wait3A_742] : memref<16x200xi32, #tpu.memory_space<vmem>> -> memref<1x112xi32, #tpu.memory_space<vmem>>
      %dma_wait3A_744 = tpu.memref_squeeze %dma_wait3A_743 : memref<1x112xi32, #tpu.memory_space<vmem>> -> memref<112xi32, #tpu.memory_space<vmem>>
      %dma_wait3A_745 = arith.constant 0 : i32
      %dma_wait3A_746 = tpu.memref_slice %arg3[%dma_wait3A_745] : memref<1000000xf32, #tpu.memory_space<hbm>> -> memref<1000000xf32, #tpu.memory_space<hbm>>
      tpu.wait_indirect_dma semaphore(%arg15 : memref<!tpu.dma_semaphore, #tpu.memory_space<semaphore_mem>>) src(%dma_wait3A_746 : memref<1000000xf32, #tpu.memory_space<hbm>>) dst(%dma_wait3A_741 : memref<112xf32, #tpu.memory_space<vmem>>)
      %dma_wait3A_747 = arith.constant 9 : i32
      %dma_wait3A_748 = arith.constant 1984 : i32
      %dma_wait3A_749 = tpu.memref_slice %arg10[%dma_wait3A_748] : memref<3328xf32, #tpu.memory_space<vmem>> -> memref<88xf32, #tpu.memory_space<vmem>>
      %dma_wait3A_750 = arith.constant 112 : i32
      %dma_wait3A_751 = tpu.memref_slice %arg9[%dma_wait3A_747, %dma_wait3A_750] : memref<16x200xi32, #tpu.memory_space<vmem>> -> memref<1x88xi32, #tpu.memory_space<vmem>>
      %dma_wait3A_752 = tpu.memref_squeeze %dma_wait3A_751 : memref<1x88xi32, #tpu.memory_space<vmem>> -> memref<88xi32, #tpu.memory_space<vmem>>
      %dma_wait3A_753 = arith.constant 0 : i32
      %dma_wait3A_754 = tpu.memref_slice %arg3[%dma_wait3A_753] : memref<1000000xf32, #tpu.memory_space<hbm>> -> memref<1000000xf32, #tpu.memory_space<hbm>>
      tpu.wait_indirect_dma semaphore(%arg15 : memref<!tpu.dma_semaphore, #tpu.memory_space<semaphore_mem>>) src(%dma_wait3A_754 : memref<1000000xf32, #tpu.memory_space<hbm>>) dst(%dma_wait3A_749 : memref<88xf32, #tpu.memory_space<vmem>>)
      %dma_wait3A_755 = arith.constant 10 : i32
      %dma_wait3A_756 = arith.constant 2080 : i32
      %dma_wait3A_757 = tpu.memref_slice %arg10[%dma_wait3A_756] : memref<3328xf32, #tpu.memory_space<vmem>> -> memref<112xf32, #tpu.memory_space<vmem>>
      %dma_wait3A_758 = arith.constant 0 : i32
      %dma_wait3A_759 = tpu.memref_slice %arg9[%dma_wait3A_755, %dma_wait3A_758] : memref<16x200xi32, #tpu.memory_space<vmem>> -> memref<1x112xi32, #tpu.memory_space<vmem>>
      %dma_wait3A_760 = tpu.memref_squeeze %dma_wait3A_759 : memref<1x112xi32, #tpu.memory_space<vmem>> -> memref<112xi32, #tpu.memory_space<vmem>>
      %dma_wait3A_761 = arith.constant 0 : i32
      %dma_wait3A_762 = tpu.memref_slice %arg3[%dma_wait3A_761] : memref<1000000xf32, #tpu.memory_space<hbm>> -> memref<1000000xf32, #tpu.memory_space<hbm>>
      tpu.wait_indirect_dma semaphore(%arg15 : memref<!tpu.dma_semaphore, #tpu.memory_space<semaphore_mem>>) src(%dma_wait3A_762 : memref<1000000xf32, #tpu.memory_space<hbm>>) dst(%dma_wait3A_757 : memref<112xf32, #tpu.memory_space<vmem>>)
      %dma_wait3A_763 = arith.constant 10 : i32
      %dma_wait3A_764 = arith.constant 2192 : i32
      %dma_wait3A_765 = tpu.memref_slice %arg10[%dma_wait3A_764] : memref<3328xf32, #tpu.memory_space<vmem>> -> memref<88xf32, #tpu.memory_space<vmem>>
      %dma_wait3A_766 = arith.constant 112 : i32
      %dma_wait3A_767 = tpu.memref_slice %arg9[%dma_wait3A_763, %dma_wait3A_766] : memref<16x200xi32, #tpu.memory_space<vmem>> -> memref<1x88xi32, #tpu.memory_space<vmem>>
      %dma_wait3A_768 = tpu.memref_squeeze %dma_wait3A_767 : memref<1x88xi32, #tpu.memory_space<vmem>> -> memref<88xi32, #tpu.memory_space<vmem>>
      %dma_wait3A_769 = arith.constant 0 : i32
      %dma_wait3A_770 = tpu.memref_slice %arg3[%dma_wait3A_769] : memref<1000000xf32, #tpu.memory_space<hbm>> -> memref<1000000xf32, #tpu.memory_space<hbm>>
      tpu.wait_indirect_dma semaphore(%arg15 : memref<!tpu.dma_semaphore, #tpu.memory_space<semaphore_mem>>) src(%dma_wait3A_770 : memref<1000000xf32, #tpu.memory_space<hbm>>) dst(%dma_wait3A_765 : memref<88xf32, #tpu.memory_space<vmem>>)
      %dma_wait3A_771 = arith.constant 11 : i32
      %dma_wait3A_772 = arith.constant 2288 : i32
      %dma_wait3A_773 = tpu.memref_slice %arg10[%dma_wait3A_772] : memref<3328xf32, #tpu.memory_space<vmem>> -> memref<112xf32, #tpu.memory_space<vmem>>
      %dma_wait3A_774 = arith.constant 0 : i32
      %dma_wait3A_775 = tpu.memref_slice %arg9[%dma_wait3A_771, %dma_wait3A_774] : memref<16x200xi32, #tpu.memory_space<vmem>> -> memref<1x112xi32, #tpu.memory_space<vmem>>
      %dma_wait3A_776 = tpu.memref_squeeze %dma_wait3A_775 : memref<1x112xi32, #tpu.memory_space<vmem>> -> memref<112xi32, #tpu.memory_space<vmem>>
      %dma_wait3A_777 = arith.constant 0 : i32
      %dma_wait3A_778 = tpu.memref_slice %arg3[%dma_wait3A_777] : memref<1000000xf32, #tpu.memory_space<hbm>> -> memref<1000000xf32, #tpu.memory_space<hbm>>
      tpu.wait_indirect_dma semaphore(%arg15 : memref<!tpu.dma_semaphore, #tpu.memory_space<semaphore_mem>>) src(%dma_wait3A_778 : memref<1000000xf32, #tpu.memory_space<hbm>>) dst(%dma_wait3A_773 : memref<112xf32, #tpu.memory_space<vmem>>)
      %dma_wait3A_779 = arith.constant 11 : i32
      %dma_wait3A_780 = arith.constant 2400 : i32
      %dma_wait3A_781 = tpu.memref_slice %arg10[%dma_wait3A_780] : memref<3328xf32, #tpu.memory_space<vmem>> -> memref<88xf32, #tpu.memory_space<vmem>>
      %dma_wait3A_782 = arith.constant 112 : i32
      %dma_wait3A_783 = tpu.memref_slice %arg9[%dma_wait3A_779, %dma_wait3A_782] : memref<16x200xi32, #tpu.memory_space<vmem>> -> memref<1x88xi32, #tpu.memory_space<vmem>>
      %dma_wait3A_784 = tpu.memref_squeeze %dma_wait3A_783 : memref<1x88xi32, #tpu.memory_space<vmem>> -> memref<88xi32, #tpu.memory_space<vmem>>
      %dma_wait3A_785 = arith.constant 0 : i32
      %dma_wait3A_786 = tpu.memref_slice %arg3[%dma_wait3A_785] : memref<1000000xf32, #tpu.memory_space<hbm>> -> memref<1000000xf32, #tpu.memory_space<hbm>>
      tpu.wait_indirect_dma semaphore(%arg15 : memref<!tpu.dma_semaphore, #tpu.memory_space<semaphore_mem>>) src(%dma_wait3A_786 : memref<1000000xf32, #tpu.memory_space<hbm>>) dst(%dma_wait3A_781 : memref<88xf32, #tpu.memory_space<vmem>>)
      %dma_wait3A_787 = arith.constant 12 : i32
      %dma_wait3A_788 = arith.constant 2496 : i32
      %dma_wait3A_789 = tpu.memref_slice %arg10[%dma_wait3A_788] : memref<3328xf32, #tpu.memory_space<vmem>> -> memref<112xf32, #tpu.memory_space<vmem>>
      %dma_wait3A_790 = arith.constant 0 : i32
      %dma_wait3A_791 = tpu.memref_slice %arg9[%dma_wait3A_787, %dma_wait3A_790] : memref<16x200xi32, #tpu.memory_space<vmem>> -> memref<1x112xi32, #tpu.memory_space<vmem>>
      %dma_wait3A_792 = tpu.memref_squeeze %dma_wait3A_791 : memref<1x112xi32, #tpu.memory_space<vmem>> -> memref<112xi32, #tpu.memory_space<vmem>>
      %dma_wait3A_793 = arith.constant 0 : i32
      %dma_wait3A_794 = tpu.memref_slice %arg3[%dma_wait3A_793] : memref<1000000xf32, #tpu.memory_space<hbm>> -> memref<1000000xf32, #tpu.memory_space<hbm>>
      tpu.wait_indirect_dma semaphore(%arg15 : memref<!tpu.dma_semaphore, #tpu.memory_space<semaphore_mem>>) src(%dma_wait3A_794 : memref<1000000xf32, #tpu.memory_space<hbm>>) dst(%dma_wait3A_789 : memref<112xf32, #tpu.memory_space<vmem>>)
      %dma_wait3A_795 = arith.constant 12 : i32
      %dma_wait3A_796 = arith.constant 2608 : i32
      %dma_wait3A_797 = tpu.memref_slice %arg10[%dma_wait3A_796] : memref<3328xf32, #tpu.memory_space<vmem>> -> memref<88xf32, #tpu.memory_space<vmem>>
      %dma_wait3A_798 = arith.constant 112 : i32
      %dma_wait3A_799 = tpu.memref_slice %arg9[%dma_wait3A_795, %dma_wait3A_798] : memref<16x200xi32, #tpu.memory_space<vmem>> -> memref<1x88xi32, #tpu.memory_space<vmem>>
      %dma_wait3A_800 = tpu.memref_squeeze %dma_wait3A_799 : memref<1x88xi32, #tpu.memory_space<vmem>> -> memref<88xi32, #tpu.memory_space<vmem>>
      %dma_wait3A_801 = arith.constant 0 : i32
      %dma_wait3A_802 = tpu.memref_slice %arg3[%dma_wait3A_801] : memref<1000000xf32, #tpu.memory_space<hbm>> -> memref<1000000xf32, #tpu.memory_space<hbm>>
      tpu.wait_indirect_dma semaphore(%arg15 : memref<!tpu.dma_semaphore, #tpu.memory_space<semaphore_mem>>) src(%dma_wait3A_802 : memref<1000000xf32, #tpu.memory_space<hbm>>) dst(%dma_wait3A_797 : memref<88xf32, #tpu.memory_space<vmem>>)
      %dma_wait3A_803 = arith.constant 13 : i32
      %dma_wait3A_804 = arith.constant 2704 : i32
      %dma_wait3A_805 = tpu.memref_slice %arg10[%dma_wait3A_804] : memref<3328xf32, #tpu.memory_space<vmem>> -> memref<112xf32, #tpu.memory_space<vmem>>
      %dma_wait3A_806 = arith.constant 0 : i32
      %dma_wait3A_807 = tpu.memref_slice %arg9[%dma_wait3A_803, %dma_wait3A_806] : memref<16x200xi32, #tpu.memory_space<vmem>> -> memref<1x112xi32, #tpu.memory_space<vmem>>
      %dma_wait3A_808 = tpu.memref_squeeze %dma_wait3A_807 : memref<1x112xi32, #tpu.memory_space<vmem>> -> memref<112xi32, #tpu.memory_space<vmem>>
      %dma_wait3A_809 = arith.constant 0 : i32
      %dma_wait3A_810 = tpu.memref_slice %arg3[%dma_wait3A_809] : memref<1000000xf32, #tpu.memory_space<hbm>> -> memref<1000000xf32, #tpu.memory_space<hbm>>
      tpu.wait_indirect_dma semaphore(%arg15 : memref<!tpu.dma_semaphore, #tpu.memory_space<semaphore_mem>>) src(%dma_wait3A_810 : memref<1000000xf32, #tpu.memory_space<hbm>>) dst(%dma_wait3A_805 : memref<112xf32, #tpu.memory_space<vmem>>)
      %dma_wait3A_811 = arith.constant 13 : i32
      %dma_wait3A_812 = arith.constant 2816 : i32
      %dma_wait3A_813 = tpu.memref_slice %arg10[%dma_wait3A_812] : memref<3328xf32, #tpu.memory_space<vmem>> -> memref<88xf32, #tpu.memory_space<vmem>>
      %dma_wait3A_814 = arith.constant 112 : i32
      %dma_wait3A_815 = tpu.memref_slice %arg9[%dma_wait3A_811, %dma_wait3A_814] : memref<16x200xi32, #tpu.memory_space<vmem>> -> memref<1x88xi32, #tpu.memory_space<vmem>>
      %dma_wait3A_816 = tpu.memref_squeeze %dma_wait3A_815 : memref<1x88xi32, #tpu.memory_space<vmem>> -> memref<88xi32, #tpu.memory_space<vmem>>
      %dma_wait3A_817 = arith.constant 0 : i32
      %dma_wait3A_818 = tpu.memref_slice %arg3[%dma_wait3A_817] : memref<1000000xf32, #tpu.memory_space<hbm>> -> memref<1000000xf32, #tpu.memory_space<hbm>>
      tpu.wait_indirect_dma semaphore(%arg15 : memref<!tpu.dma_semaphore, #tpu.memory_space<semaphore_mem>>) src(%dma_wait3A_818 : memref<1000000xf32, #tpu.memory_space<hbm>>) dst(%dma_wait3A_813 : memref<88xf32, #tpu.memory_space<vmem>>)
      %dma_wait3A_819 = arith.constant 14 : i32
      %dma_wait3A_820 = arith.constant 2912 : i32
      %dma_wait3A_821 = tpu.memref_slice %arg10[%dma_wait3A_820] : memref<3328xf32, #tpu.memory_space<vmem>> -> memref<112xf32, #tpu.memory_space<vmem>>
      %dma_wait3A_822 = arith.constant 0 : i32
      %dma_wait3A_823 = tpu.memref_slice %arg9[%dma_wait3A_819, %dma_wait3A_822] : memref<16x200xi32, #tpu.memory_space<vmem>> -> memref<1x112xi32, #tpu.memory_space<vmem>>
      %dma_wait3A_824 = tpu.memref_squeeze %dma_wait3A_823 : memref<1x112xi32, #tpu.memory_space<vmem>> -> memref<112xi32, #tpu.memory_space<vmem>>
      %dma_wait3A_825 = arith.constant 0 : i32
      %dma_wait3A_826 = tpu.memref_slice %arg3[%dma_wait3A_825] : memref<1000000xf32, #tpu.memory_space<hbm>> -> memref<1000000xf32, #tpu.memory_space<hbm>>
      tpu.wait_indirect_dma semaphore(%arg15 : memref<!tpu.dma_semaphore, #tpu.memory_space<semaphore_mem>>) src(%dma_wait3A_826 : memref<1000000xf32, #tpu.memory_space<hbm>>) dst(%dma_wait3A_821 : memref<112xf32, #tpu.memory_space<vmem>>)
      %dma_wait3A_827 = arith.constant 14 : i32
      %dma_wait3A_828 = arith.constant 3024 : i32
      %dma_wait3A_829 = tpu.memref_slice %arg10[%dma_wait3A_828] : memref<3328xf32, #tpu.memory_space<vmem>> -> memref<88xf32, #tpu.memory_space<vmem>>
      %dma_wait3A_830 = arith.constant 112 : i32
      %dma_wait3A_831 = tpu.memref_slice %arg9[%dma_wait3A_827, %dma_wait3A_830] : memref<16x200xi32, #tpu.memory_space<vmem>> -> memref<1x88xi32, #tpu.memory_space<vmem>>
      %dma_wait3A_832 = tpu.memref_squeeze %dma_wait3A_831 : memref<1x88xi32, #tpu.memory_space<vmem>> -> memref<88xi32, #tpu.memory_space<vmem>>
      %dma_wait3A_833 = arith.constant 0 : i32
      %dma_wait3A_834 = tpu.memref_slice %arg3[%dma_wait3A_833] : memref<1000000xf32, #tpu.memory_space<hbm>> -> memref<1000000xf32, #tpu.memory_space<hbm>>
      tpu.wait_indirect_dma semaphore(%arg15 : memref<!tpu.dma_semaphore, #tpu.memory_space<semaphore_mem>>) src(%dma_wait3A_834 : memref<1000000xf32, #tpu.memory_space<hbm>>) dst(%dma_wait3A_829 : memref<88xf32, #tpu.memory_space<vmem>>)
      %dma_wait3A_835 = arith.constant 15 : i32
      %dma_wait3A_836 = arith.constant 3120 : i32
      %dma_wait3A_837 = tpu.memref_slice %arg10[%dma_wait3A_836] : memref<3328xf32, #tpu.memory_space<vmem>> -> memref<112xf32, #tpu.memory_space<vmem>>
      %dma_wait3A_838 = arith.constant 0 : i32
      %dma_wait3A_839 = tpu.memref_slice %arg9[%dma_wait3A_835, %dma_wait3A_838] : memref<16x200xi32, #tpu.memory_space<vmem>> -> memref<1x112xi32, #tpu.memory_space<vmem>>
      %dma_wait3A_840 = tpu.memref_squeeze %dma_wait3A_839 : memref<1x112xi32, #tpu.memory_space<vmem>> -> memref<112xi32, #tpu.memory_space<vmem>>
      %dma_wait3A_841 = arith.constant 0 : i32
      %dma_wait3A_842 = tpu.memref_slice %arg3[%dma_wait3A_841] : memref<1000000xf32, #tpu.memory_space<hbm>> -> memref<1000000xf32, #tpu.memory_space<hbm>>
      tpu.wait_indirect_dma semaphore(%arg15 : memref<!tpu.dma_semaphore, #tpu.memory_space<semaphore_mem>>) src(%dma_wait3A_842 : memref<1000000xf32, #tpu.memory_space<hbm>>) dst(%dma_wait3A_837 : memref<112xf32, #tpu.memory_space<vmem>>)
      %dma_wait3A_843 = arith.constant 15 : i32
      %dma_wait3A_844 = arith.constant 3232 : i32
      %dma_wait3A_845 = tpu.memref_slice %arg10[%dma_wait3A_844] : memref<3328xf32, #tpu.memory_space<vmem>> -> memref<88xf32, #tpu.memory_space<vmem>>
      %dma_wait3A_846 = arith.constant 112 : i32
      %dma_wait3A_847 = tpu.memref_slice %arg9[%dma_wait3A_843, %dma_wait3A_846] : memref<16x200xi32, #tpu.memory_space<vmem>> -> memref<1x88xi32, #tpu.memory_space<vmem>>
      %dma_wait3A_848 = tpu.memref_squeeze %dma_wait3A_847 : memref<1x88xi32, #tpu.memory_space<vmem>> -> memref<88xi32, #tpu.memory_space<vmem>>
      %dma_wait3A_849 = arith.constant 0 : i32
      %dma_wait3A_850 = tpu.memref_slice %arg3[%dma_wait3A_849] : memref<1000000xf32, #tpu.memory_space<hbm>> -> memref<1000000xf32, #tpu.memory_space<hbm>>
      tpu.wait_indirect_dma semaphore(%arg15 : memref<!tpu.dma_semaphore, #tpu.memory_space<semaphore_mem>>) src(%dma_wait3A_850 : memref<1000000xf32, #tpu.memory_space<hbm>>) dst(%dma_wait3A_845 : memref<88xf32, #tpu.memory_space<vmem>>)
      %dma_wait3A_851 = arith.constant 0 : i32
      %dma_wait3A_852 = arith.constant 0 : i32
      %dma_wait3A_853 = arith.constant 0 : i32
      %dma_wait3A_854 = tpu.memref_slice %arg11[%dma_wait3A_852, %dma_wait3A_853] : memref<3200x32xf32, #tpu.memory_space<vmem>> -> memref<112x32xf32, #tpu.memory_space<vmem>>
      %dma_wait3A_855 = arith.constant 0 : i32
      %dma_wait3A_856 = tpu.memref_slice %arg9[%dma_wait3A_851, %dma_wait3A_855] : memref<16x200xi32, #tpu.memory_space<vmem>> -> memref<1x112xi32, #tpu.memory_space<vmem>>
      %dma_wait3A_857 = tpu.memref_squeeze %dma_wait3A_856 : memref<1x112xi32, #tpu.memory_space<vmem>> -> memref<112xi32, #tpu.memory_space<vmem>>
      %dma_wait3A_858 = arith.constant 0 : i32
      %dma_wait3A_859 = arith.constant 0 : i32
      %dma_wait3A_860 = tpu.memref_slice %arg4[%dma_wait3A_858, %dma_wait3A_859] : memref<1000000x32xf32, #tpu.memory_space<hbm>> -> memref<1000000x32xf32, #tpu.memory_space<hbm>>
      tpu.wait_indirect_dma semaphore(%arg16 : memref<!tpu.dma_semaphore, #tpu.memory_space<semaphore_mem>>) src(%dma_wait3A_860 : memref<1000000x32xf32, #tpu.memory_space<hbm>>) dst(%dma_wait3A_854 : memref<112x32xf32, #tpu.memory_space<vmem>>)
      %dma_wait3A_861 = arith.constant 0 : i32
      %dma_wait3A_862 = arith.constant 112 : i32
      %dma_wait3A_863 = arith.constant 0 : i32
      %dma_wait3A_864 = tpu.memref_slice %arg11[%dma_wait3A_862, %dma_wait3A_863] : memref<3200x32xf32, #tpu.memory_space<vmem>> -> memref<88x32xf32, #tpu.memory_space<vmem>>
      %dma_wait3A_865 = arith.constant 112 : i32
      %dma_wait3A_866 = tpu.memref_slice %arg9[%dma_wait3A_861, %dma_wait3A_865] : memref<16x200xi32, #tpu.memory_space<vmem>> -> memref<1x88xi32, #tpu.memory_space<vmem>>
      %dma_wait3A_867 = tpu.memref_squeeze %dma_wait3A_866 : memref<1x88xi32, #tpu.memory_space<vmem>> -> memref<88xi32, #tpu.memory_space<vmem>>
      %dma_wait3A_868 = arith.constant 0 : i32
      %dma_wait3A_869 = arith.constant 0 : i32
      %dma_wait3A_870 = tpu.memref_slice %arg4[%dma_wait3A_868, %dma_wait3A_869] : memref<1000000x32xf32, #tpu.memory_space<hbm>> -> memref<1000000x32xf32, #tpu.memory_space<hbm>>
      tpu.wait_indirect_dma semaphore(%arg16 : memref<!tpu.dma_semaphore, #tpu.memory_space<semaphore_mem>>) src(%dma_wait3A_870 : memref<1000000x32xf32, #tpu.memory_space<hbm>>) dst(%dma_wait3A_864 : memref<88x32xf32, #tpu.memory_space<vmem>>)
      %dma_wait3A_871 = arith.constant 1 : i32
      %dma_wait3A_872 = arith.constant 200 : i32
      %dma_wait3A_873 = arith.constant 0 : i32
      %dma_wait3A_874 = tpu.memref_slice %arg11[%dma_wait3A_872, %dma_wait3A_873] : memref<3200x32xf32, #tpu.memory_space<vmem>> -> memref<112x32xf32, #tpu.memory_space<vmem>>
      %dma_wait3A_875 = arith.constant 0 : i32
      %dma_wait3A_876 = tpu.memref_slice %arg9[%dma_wait3A_871, %dma_wait3A_875] : memref<16x200xi32, #tpu.memory_space<vmem>> -> memref<1x112xi32, #tpu.memory_space<vmem>>
      %dma_wait3A_877 = tpu.memref_squeeze %dma_wait3A_876 : memref<1x112xi32, #tpu.memory_space<vmem>> -> memref<112xi32, #tpu.memory_space<vmem>>
      %dma_wait3A_878 = arith.constant 0 : i32
      %dma_wait3A_879 = arith.constant 0 : i32
      %dma_wait3A_880 = tpu.memref_slice %arg4[%dma_wait3A_878, %dma_wait3A_879] : memref<1000000x32xf32, #tpu.memory_space<hbm>> -> memref<1000000x32xf32, #tpu.memory_space<hbm>>
      tpu.wait_indirect_dma semaphore(%arg16 : memref<!tpu.dma_semaphore, #tpu.memory_space<semaphore_mem>>) src(%dma_wait3A_880 : memref<1000000x32xf32, #tpu.memory_space<hbm>>) dst(%dma_wait3A_874 : memref<112x32xf32, #tpu.memory_space<vmem>>)
      %dma_wait3A_881 = arith.constant 1 : i32
      %dma_wait3A_882 = arith.constant 312 : i32
      %dma_wait3A_883 = arith.constant 0 : i32
      %dma_wait3A_884 = tpu.memref_slice %arg11[%dma_wait3A_882, %dma_wait3A_883] : memref<3200x32xf32, #tpu.memory_space<vmem>> -> memref<88x32xf32, #tpu.memory_space<vmem>>
      %dma_wait3A_885 = arith.constant 112 : i32
      %dma_wait3A_886 = tpu.memref_slice %arg9[%dma_wait3A_881, %dma_wait3A_885] : memref<16x200xi32, #tpu.memory_space<vmem>> -> memref<1x88xi32, #tpu.memory_space<vmem>>
      %dma_wait3A_887 = tpu.memref_squeeze %dma_wait3A_886 : memref<1x88xi32, #tpu.memory_space<vmem>> -> memref<88xi32, #tpu.memory_space<vmem>>
      %dma_wait3A_888 = arith.constant 0 : i32
      %dma_wait3A_889 = arith.constant 0 : i32
      %dma_wait3A_890 = tpu.memref_slice %arg4[%dma_wait3A_888, %dma_wait3A_889] : memref<1000000x32xf32, #tpu.memory_space<hbm>> -> memref<1000000x32xf32, #tpu.memory_space<hbm>>
      tpu.wait_indirect_dma semaphore(%arg16 : memref<!tpu.dma_semaphore, #tpu.memory_space<semaphore_mem>>) src(%dma_wait3A_890 : memref<1000000x32xf32, #tpu.memory_space<hbm>>) dst(%dma_wait3A_884 : memref<88x32xf32, #tpu.memory_space<vmem>>)
      %dma_wait3A_891 = arith.constant 2 : i32
      %dma_wait3A_892 = arith.constant 400 : i32
      %dma_wait3A_893 = arith.constant 0 : i32
      %dma_wait3A_894 = tpu.memref_slice %arg11[%dma_wait3A_892, %dma_wait3A_893] : memref<3200x32xf32, #tpu.memory_space<vmem>> -> memref<112x32xf32, #tpu.memory_space<vmem>>
      %dma_wait3A_895 = arith.constant 0 : i32
      %dma_wait3A_896 = tpu.memref_slice %arg9[%dma_wait3A_891, %dma_wait3A_895] : memref<16x200xi32, #tpu.memory_space<vmem>> -> memref<1x112xi32, #tpu.memory_space<vmem>>
      %dma_wait3A_897 = tpu.memref_squeeze %dma_wait3A_896 : memref<1x112xi32, #tpu.memory_space<vmem>> -> memref<112xi32, #tpu.memory_space<vmem>>
      %dma_wait3A_898 = arith.constant 0 : i32
      %dma_wait3A_899 = arith.constant 0 : i32
      %dma_wait3A_900 = tpu.memref_slice %arg4[%dma_wait3A_898, %dma_wait3A_899] : memref<1000000x32xf32, #tpu.memory_space<hbm>> -> memref<1000000x32xf32, #tpu.memory_space<hbm>>
      tpu.wait_indirect_dma semaphore(%arg16 : memref<!tpu.dma_semaphore, #tpu.memory_space<semaphore_mem>>) src(%dma_wait3A_900 : memref<1000000x32xf32, #tpu.memory_space<hbm>>) dst(%dma_wait3A_894 : memref<112x32xf32, #tpu.memory_space<vmem>>)
      %dma_wait3A_901 = arith.constant 2 : i32
      %dma_wait3A_902 = arith.constant 512 : i32
      %dma_wait3A_903 = arith.constant 0 : i32
      %dma_wait3A_904 = tpu.memref_slice %arg11[%dma_wait3A_902, %dma_wait3A_903] : memref<3200x32xf32, #tpu.memory_space<vmem>> -> memref<88x32xf32, #tpu.memory_space<vmem>>
      %dma_wait3A_905 = arith.constant 112 : i32
      %dma_wait3A_906 = tpu.memref_slice %arg9[%dma_wait3A_901, %dma_wait3A_905] : memref<16x200xi32, #tpu.memory_space<vmem>> -> memref<1x88xi32, #tpu.memory_space<vmem>>
      %dma_wait3A_907 = tpu.memref_squeeze %dma_wait3A_906 : memref<1x88xi32, #tpu.memory_space<vmem>> -> memref<88xi32, #tpu.memory_space<vmem>>
      %dma_wait3A_908 = arith.constant 0 : i32
      %dma_wait3A_909 = arith.constant 0 : i32
      %dma_wait3A_910 = tpu.memref_slice %arg4[%dma_wait3A_908, %dma_wait3A_909] : memref<1000000x32xf32, #tpu.memory_space<hbm>> -> memref<1000000x32xf32, #tpu.memory_space<hbm>>
      tpu.wait_indirect_dma semaphore(%arg16 : memref<!tpu.dma_semaphore, #tpu.memory_space<semaphore_mem>>) src(%dma_wait3A_910 : memref<1000000x32xf32, #tpu.memory_space<hbm>>) dst(%dma_wait3A_904 : memref<88x32xf32, #tpu.memory_space<vmem>>)
      %dma_wait3A_911 = arith.constant 3 : i32
      %dma_wait3A_912 = arith.constant 600 : i32
      %dma_wait3A_913 = arith.constant 0 : i32
      %dma_wait3A_914 = tpu.memref_slice %arg11[%dma_wait3A_912, %dma_wait3A_913] : memref<3200x32xf32, #tpu.memory_space<vmem>> -> memref<112x32xf32, #tpu.memory_space<vmem>>
      %dma_wait3A_915 = arith.constant 0 : i32
      %dma_wait3A_916 = tpu.memref_slice %arg9[%dma_wait3A_911, %dma_wait3A_915] : memref<16x200xi32, #tpu.memory_space<vmem>> -> memref<1x112xi32, #tpu.memory_space<vmem>>
      %dma_wait3A_917 = tpu.memref_squeeze %dma_wait3A_916 : memref<1x112xi32, #tpu.memory_space<vmem>> -> memref<112xi32, #tpu.memory_space<vmem>>
      %dma_wait3A_918 = arith.constant 0 : i32
      %dma_wait3A_919 = arith.constant 0 : i32
      %dma_wait3A_920 = tpu.memref_slice %arg4[%dma_wait3A_918, %dma_wait3A_919] : memref<1000000x32xf32, #tpu.memory_space<hbm>> -> memref<1000000x32xf32, #tpu.memory_space<hbm>>
      tpu.wait_indirect_dma semaphore(%arg16 : memref<!tpu.dma_semaphore, #tpu.memory_space<semaphore_mem>>) src(%dma_wait3A_920 : memref<1000000x32xf32, #tpu.memory_space<hbm>>) dst(%dma_wait3A_914 : memref<112x32xf32, #tpu.memory_space<vmem>>)
      %dma_wait3A_921 = arith.constant 3 : i32
      %dma_wait3A_922 = arith.constant 712 : i32
      %dma_wait3A_923 = arith.constant 0 : i32
      %dma_wait3A_924 = tpu.memref_slice %arg11[%dma_wait3A_922, %dma_wait3A_923] : memref<3200x32xf32, #tpu.memory_space<vmem>> -> memref<88x32xf32, #tpu.memory_space<vmem>>
      %dma_wait3A_925 = arith.constant 112 : i32
      %dma_wait3A_926 = tpu.memref_slice %arg9[%dma_wait3A_921, %dma_wait3A_925] : memref<16x200xi32, #tpu.memory_space<vmem>> -> memref<1x88xi32, #tpu.memory_space<vmem>>
      %dma_wait3A_927 = tpu.memref_squeeze %dma_wait3A_926 : memref<1x88xi32, #tpu.memory_space<vmem>> -> memref<88xi32, #tpu.memory_space<vmem>>
      %dma_wait3A_928 = arith.constant 0 : i32
      %dma_wait3A_929 = arith.constant 0 : i32
      %dma_wait3A_930 = tpu.memref_slice %arg4[%dma_wait3A_928, %dma_wait3A_929] : memref<1000000x32xf32, #tpu.memory_space<hbm>> -> memref<1000000x32xf32, #tpu.memory_space<hbm>>
      tpu.wait_indirect_dma semaphore(%arg16 : memref<!tpu.dma_semaphore, #tpu.memory_space<semaphore_mem>>) src(%dma_wait3A_930 : memref<1000000x32xf32, #tpu.memory_space<hbm>>) dst(%dma_wait3A_924 : memref<88x32xf32, #tpu.memory_space<vmem>>)
      %dma_wait3A_931 = arith.constant 4 : i32
      %dma_wait3A_932 = arith.constant 800 : i32
      %dma_wait3A_933 = arith.constant 0 : i32
      %dma_wait3A_934 = tpu.memref_slice %arg11[%dma_wait3A_932, %dma_wait3A_933] : memref<3200x32xf32, #tpu.memory_space<vmem>> -> memref<112x32xf32, #tpu.memory_space<vmem>>
      %dma_wait3A_935 = arith.constant 0 : i32
      %dma_wait3A_936 = tpu.memref_slice %arg9[%dma_wait3A_931, %dma_wait3A_935] : memref<16x200xi32, #tpu.memory_space<vmem>> -> memref<1x112xi32, #tpu.memory_space<vmem>>
      %dma_wait3A_937 = tpu.memref_squeeze %dma_wait3A_936 : memref<1x112xi32, #tpu.memory_space<vmem>> -> memref<112xi32, #tpu.memory_space<vmem>>
      %dma_wait3A_938 = arith.constant 0 : i32
      %dma_wait3A_939 = arith.constant 0 : i32
      %dma_wait3A_940 = tpu.memref_slice %arg4[%dma_wait3A_938, %dma_wait3A_939] : memref<1000000x32xf32, #tpu.memory_space<hbm>> -> memref<1000000x32xf32, #tpu.memory_space<hbm>>
      tpu.wait_indirect_dma semaphore(%arg16 : memref<!tpu.dma_semaphore, #tpu.memory_space<semaphore_mem>>) src(%dma_wait3A_940 : memref<1000000x32xf32, #tpu.memory_space<hbm>>) dst(%dma_wait3A_934 : memref<112x32xf32, #tpu.memory_space<vmem>>)
      %dma_wait3A_941 = arith.constant 4 : i32
      %dma_wait3A_942 = arith.constant 912 : i32
      %dma_wait3A_943 = arith.constant 0 : i32
      %dma_wait3A_944 = tpu.memref_slice %arg11[%dma_wait3A_942, %dma_wait3A_943] : memref<3200x32xf32, #tpu.memory_space<vmem>> -> memref<88x32xf32, #tpu.memory_space<vmem>>
      %dma_wait3A_945 = arith.constant 112 : i32
      %dma_wait3A_946 = tpu.memref_slice %arg9[%dma_wait3A_941, %dma_wait3A_945] : memref<16x200xi32, #tpu.memory_space<vmem>> -> memref<1x88xi32, #tpu.memory_space<vmem>>
      %dma_wait3A_947 = tpu.memref_squeeze %dma_wait3A_946 : memref<1x88xi32, #tpu.memory_space<vmem>> -> memref<88xi32, #tpu.memory_space<vmem>>
      %dma_wait3A_948 = arith.constant 0 : i32
      %dma_wait3A_949 = arith.constant 0 : i32
      %dma_wait3A_950 = tpu.memref_slice %arg4[%dma_wait3A_948, %dma_wait3A_949] : memref<1000000x32xf32, #tpu.memory_space<hbm>> -> memref<1000000x32xf32, #tpu.memory_space<hbm>>
      tpu.wait_indirect_dma semaphore(%arg16 : memref<!tpu.dma_semaphore, #tpu.memory_space<semaphore_mem>>) src(%dma_wait3A_950 : memref<1000000x32xf32, #tpu.memory_space<hbm>>) dst(%dma_wait3A_944 : memref<88x32xf32, #tpu.memory_space<vmem>>)
      %dma_wait3A_951 = arith.constant 5 : i32
      %dma_wait3A_952 = arith.constant 1000 : i32
      %dma_wait3A_953 = arith.constant 0 : i32
      %dma_wait3A_954 = tpu.memref_slice %arg11[%dma_wait3A_952, %dma_wait3A_953] : memref<3200x32xf32, #tpu.memory_space<vmem>> -> memref<112x32xf32, #tpu.memory_space<vmem>>
      %dma_wait3A_955 = arith.constant 0 : i32
      %dma_wait3A_956 = tpu.memref_slice %arg9[%dma_wait3A_951, %dma_wait3A_955] : memref<16x200xi32, #tpu.memory_space<vmem>> -> memref<1x112xi32, #tpu.memory_space<vmem>>
      %dma_wait3A_957 = tpu.memref_squeeze %dma_wait3A_956 : memref<1x112xi32, #tpu.memory_space<vmem>> -> memref<112xi32, #tpu.memory_space<vmem>>
      %dma_wait3A_958 = arith.constant 0 : i32
      %dma_wait3A_959 = arith.constant 0 : i32
      %dma_wait3A_960 = tpu.memref_slice %arg4[%dma_wait3A_958, %dma_wait3A_959] : memref<1000000x32xf32, #tpu.memory_space<hbm>> -> memref<1000000x32xf32, #tpu.memory_space<hbm>>
      tpu.wait_indirect_dma semaphore(%arg16 : memref<!tpu.dma_semaphore, #tpu.memory_space<semaphore_mem>>) src(%dma_wait3A_960 : memref<1000000x32xf32, #tpu.memory_space<hbm>>) dst(%dma_wait3A_954 : memref<112x32xf32, #tpu.memory_space<vmem>>)
      %dma_wait3A_961 = arith.constant 5 : i32
      %dma_wait3A_962 = arith.constant 1112 : i32
      %dma_wait3A_963 = arith.constant 0 : i32
      %dma_wait3A_964 = tpu.memref_slice %arg11[%dma_wait3A_962, %dma_wait3A_963] : memref<3200x32xf32, #tpu.memory_space<vmem>> -> memref<88x32xf32, #tpu.memory_space<vmem>>
      %dma_wait3A_965 = arith.constant 112 : i32
      %dma_wait3A_966 = tpu.memref_slice %arg9[%dma_wait3A_961, %dma_wait3A_965] : memref<16x200xi32, #tpu.memory_space<vmem>> -> memref<1x88xi32, #tpu.memory_space<vmem>>
      %dma_wait3A_967 = tpu.memref_squeeze %dma_wait3A_966 : memref<1x88xi32, #tpu.memory_space<vmem>> -> memref<88xi32, #tpu.memory_space<vmem>>
      %dma_wait3A_968 = arith.constant 0 : i32
      %dma_wait3A_969 = arith.constant 0 : i32
      %dma_wait3A_970 = tpu.memref_slice %arg4[%dma_wait3A_968, %dma_wait3A_969] : memref<1000000x32xf32, #tpu.memory_space<hbm>> -> memref<1000000x32xf32, #tpu.memory_space<hbm>>
      tpu.wait_indirect_dma semaphore(%arg16 : memref<!tpu.dma_semaphore, #tpu.memory_space<semaphore_mem>>) src(%dma_wait3A_970 : memref<1000000x32xf32, #tpu.memory_space<hbm>>) dst(%dma_wait3A_964 : memref<88x32xf32, #tpu.memory_space<vmem>>)
      %dma_wait3A_971 = arith.constant 6 : i32
      %dma_wait3A_972 = arith.constant 1200 : i32
      %dma_wait3A_973 = arith.constant 0 : i32
      %dma_wait3A_974 = tpu.memref_slice %arg11[%dma_wait3A_972, %dma_wait3A_973] : memref<3200x32xf32, #tpu.memory_space<vmem>> -> memref<112x32xf32, #tpu.memory_space<vmem>>
      %dma_wait3A_975 = arith.constant 0 : i32
      %dma_wait3A_976 = tpu.memref_slice %arg9[%dma_wait3A_971, %dma_wait3A_975] : memref<16x200xi32, #tpu.memory_space<vmem>> -> memref<1x112xi32, #tpu.memory_space<vmem>>
      %dma_wait3A_977 = tpu.memref_squeeze %dma_wait3A_976 : memref<1x112xi32, #tpu.memory_space<vmem>> -> memref<112xi32, #tpu.memory_space<vmem>>
      %dma_wait3A_978 = arith.constant 0 : i32
      %dma_wait3A_979 = arith.constant 0 : i32
      %dma_wait3A_980 = tpu.memref_slice %arg4[%dma_wait3A_978, %dma_wait3A_979] : memref<1000000x32xf32, #tpu.memory_space<hbm>> -> memref<1000000x32xf32, #tpu.memory_space<hbm>>
      tpu.wait_indirect_dma semaphore(%arg16 : memref<!tpu.dma_semaphore, #tpu.memory_space<semaphore_mem>>) src(%dma_wait3A_980 : memref<1000000x32xf32, #tpu.memory_space<hbm>>) dst(%dma_wait3A_974 : memref<112x32xf32, #tpu.memory_space<vmem>>)
      %dma_wait3A_981 = arith.constant 6 : i32
      %dma_wait3A_982 = arith.constant 1312 : i32
      %dma_wait3A_983 = arith.constant 0 : i32
      %dma_wait3A_984 = tpu.memref_slice %arg11[%dma_wait3A_982, %dma_wait3A_983] : memref<3200x32xf32, #tpu.memory_space<vmem>> -> memref<88x32xf32, #tpu.memory_space<vmem>>
      %dma_wait3A_985 = arith.constant 112 : i32
      %dma_wait3A_986 = tpu.memref_slice %arg9[%dma_wait3A_981, %dma_wait3A_985] : memref<16x200xi32, #tpu.memory_space<vmem>> -> memref<1x88xi32, #tpu.memory_space<vmem>>
      %dma_wait3A_987 = tpu.memref_squeeze %dma_wait3A_986 : memref<1x88xi32, #tpu.memory_space<vmem>> -> memref<88xi32, #tpu.memory_space<vmem>>
      %dma_wait3A_988 = arith.constant 0 : i32
      %dma_wait3A_989 = arith.constant 0 : i32
      %dma_wait3A_990 = tpu.memref_slice %arg4[%dma_wait3A_988, %dma_wait3A_989] : memref<1000000x32xf32, #tpu.memory_space<hbm>> -> memref<1000000x32xf32, #tpu.memory_space<hbm>>
      tpu.wait_indirect_dma semaphore(%arg16 : memref<!tpu.dma_semaphore, #tpu.memory_space<semaphore_mem>>) src(%dma_wait3A_990 : memref<1000000x32xf32, #tpu.memory_space<hbm>>) dst(%dma_wait3A_984 : memref<88x32xf32, #tpu.memory_space<vmem>>)
      %dma_wait3A_991 = arith.constant 7 : i32
      %dma_wait3A_992 = arith.constant 1400 : i32
      %dma_wait3A_993 = arith.constant 0 : i32
      %dma_wait3A_994 = tpu.memref_slice %arg11[%dma_wait3A_992, %dma_wait3A_993] : memref<3200x32xf32, #tpu.memory_space<vmem>> -> memref<112x32xf32, #tpu.memory_space<vmem>>
      %dma_wait3A_995 = arith.constant 0 : i32
      %dma_wait3A_996 = tpu.memref_slice %arg9[%dma_wait3A_991, %dma_wait3A_995] : memref<16x200xi32, #tpu.memory_space<vmem>> -> memref<1x112xi32, #tpu.memory_space<vmem>>
      %dma_wait3A_997 = tpu.memref_squeeze %dma_wait3A_996 : memref<1x112xi32, #tpu.memory_space<vmem>> -> memref<112xi32, #tpu.memory_space<vmem>>
      %dma_wait3A_998 = arith.constant 0 : i32
      %dma_wait3A_999 = arith.constant 0 : i32
      %dma_wait3A_1000 = tpu.memref_slice %arg4[%dma_wait3A_998, %dma_wait3A_999] : memref<1000000x32xf32, #tpu.memory_space<hbm>> -> memref<1000000x32xf32, #tpu.memory_space<hbm>>
      tpu.wait_indirect_dma semaphore(%arg16 : memref<!tpu.dma_semaphore, #tpu.memory_space<semaphore_mem>>) src(%dma_wait3A_1000 : memref<1000000x32xf32, #tpu.memory_space<hbm>>) dst(%dma_wait3A_994 : memref<112x32xf32, #tpu.memory_space<vmem>>)
      %dma_wait3A_1001 = arith.constant 7 : i32
      %dma_wait3A_1002 = arith.constant 1512 : i32
      %dma_wait3A_1003 = arith.constant 0 : i32
      %dma_wait3A_1004 = tpu.memref_slice %arg11[%dma_wait3A_1002, %dma_wait3A_1003] : memref<3200x32xf32, #tpu.memory_space<vmem>> -> memref<88x32xf32, #tpu.memory_space<vmem>>
      %dma_wait3A_1005 = arith.constant 112 : i32
      %dma_wait3A_1006 = tpu.memref_slice %arg9[%dma_wait3A_1001, %dma_wait3A_1005] : memref<16x200xi32, #tpu.memory_space<vmem>> -> memref<1x88xi32, #tpu.memory_space<vmem>>
      %dma_wait3A_1007 = tpu.memref_squeeze %dma_wait3A_1006 : memref<1x88xi32, #tpu.memory_space<vmem>> -> memref<88xi32, #tpu.memory_space<vmem>>
      %dma_wait3A_1008 = arith.constant 0 : i32
      %dma_wait3A_1009 = arith.constant 0 : i32
      %dma_wait3A_1010 = tpu.memref_slice %arg4[%dma_wait3A_1008, %dma_wait3A_1009] : memref<1000000x32xf32, #tpu.memory_space<hbm>> -> memref<1000000x32xf32, #tpu.memory_space<hbm>>
      tpu.wait_indirect_dma semaphore(%arg16 : memref<!tpu.dma_semaphore, #tpu.memory_space<semaphore_mem>>) src(%dma_wait3A_1010 : memref<1000000x32xf32, #tpu.memory_space<hbm>>) dst(%dma_wait3A_1004 : memref<88x32xf32, #tpu.memory_space<vmem>>)
      %dma_wait3A_1011 = arith.constant 8 : i32
      %dma_wait3A_1012 = arith.constant 1600 : i32
      %dma_wait3A_1013 = arith.constant 0 : i32
      %dma_wait3A_1014 = tpu.memref_slice %arg11[%dma_wait3A_1012, %dma_wait3A_1013] : memref<3200x32xf32, #tpu.memory_space<vmem>> -> memref<112x32xf32, #tpu.memory_space<vmem>>
      %dma_wait3A_1015 = arith.constant 0 : i32
      %dma_wait3A_1016 = tpu.memref_slice %arg9[%dma_wait3A_1011, %dma_wait3A_1015] : memref<16x200xi32, #tpu.memory_space<vmem>> -> memref<1x112xi32, #tpu.memory_space<vmem>>
      %dma_wait3A_1017 = tpu.memref_squeeze %dma_wait3A_1016 : memref<1x112xi32, #tpu.memory_space<vmem>> -> memref<112xi32, #tpu.memory_space<vmem>>
      %dma_wait3A_1018 = arith.constant 0 : i32
      %dma_wait3A_1019 = arith.constant 0 : i32
      %dma_wait3A_1020 = tpu.memref_slice %arg4[%dma_wait3A_1018, %dma_wait3A_1019] : memref<1000000x32xf32, #tpu.memory_space<hbm>> -> memref<1000000x32xf32, #tpu.memory_space<hbm>>
      tpu.wait_indirect_dma semaphore(%arg16 : memref<!tpu.dma_semaphore, #tpu.memory_space<semaphore_mem>>) src(%dma_wait3A_1020 : memref<1000000x32xf32, #tpu.memory_space<hbm>>) dst(%dma_wait3A_1014 : memref<112x32xf32, #tpu.memory_space<vmem>>)
      %dma_wait3A_1021 = arith.constant 8 : i32
      %dma_wait3A_1022 = arith.constant 1712 : i32
      %dma_wait3A_1023 = arith.constant 0 : i32
      %dma_wait3A_1024 = tpu.memref_slice %arg11[%dma_wait3A_1022, %dma_wait3A_1023] : memref<3200x32xf32, #tpu.memory_space<vmem>> -> memref<88x32xf32, #tpu.memory_space<vmem>>
      %dma_wait3A_1025 = arith.constant 112 : i32
      %dma_wait3A_1026 = tpu.memref_slice %arg9[%dma_wait3A_1021, %dma_wait3A_1025] : memref<16x200xi32, #tpu.memory_space<vmem>> -> memref<1x88xi32, #tpu.memory_space<vmem>>
      %dma_wait3A_1027 = tpu.memref_squeeze %dma_wait3A_1026 : memref<1x88xi32, #tpu.memory_space<vmem>> -> memref<88xi32, #tpu.memory_space<vmem>>
      %dma_wait3A_1028 = arith.constant 0 : i32
      %dma_wait3A_1029 = arith.constant 0 : i32
      %dma_wait3A_1030 = tpu.memref_slice %arg4[%dma_wait3A_1028, %dma_wait3A_1029] : memref<1000000x32xf32, #tpu.memory_space<hbm>> -> memref<1000000x32xf32, #tpu.memory_space<hbm>>
      tpu.wait_indirect_dma semaphore(%arg16 : memref<!tpu.dma_semaphore, #tpu.memory_space<semaphore_mem>>) src(%dma_wait3A_1030 : memref<1000000x32xf32, #tpu.memory_space<hbm>>) dst(%dma_wait3A_1024 : memref<88x32xf32, #tpu.memory_space<vmem>>)
      %dma_wait3A_1031 = arith.constant 9 : i32
      %dma_wait3A_1032 = arith.constant 1800 : i32
      %dma_wait3A_1033 = arith.constant 0 : i32
      %dma_wait3A_1034 = tpu.memref_slice %arg11[%dma_wait3A_1032, %dma_wait3A_1033] : memref<3200x32xf32, #tpu.memory_space<vmem>> -> memref<112x32xf32, #tpu.memory_space<vmem>>
      %dma_wait3A_1035 = arith.constant 0 : i32
      %dma_wait3A_1036 = tpu.memref_slice %arg9[%dma_wait3A_1031, %dma_wait3A_1035] : memref<16x200xi32, #tpu.memory_space<vmem>> -> memref<1x112xi32, #tpu.memory_space<vmem>>
      %dma_wait3A_1037 = tpu.memref_squeeze %dma_wait3A_1036 : memref<1x112xi32, #tpu.memory_space<vmem>> -> memref<112xi32, #tpu.memory_space<vmem>>
      %dma_wait3A_1038 = arith.constant 0 : i32
      %dma_wait3A_1039 = arith.constant 0 : i32
      %dma_wait3A_1040 = tpu.memref_slice %arg4[%dma_wait3A_1038, %dma_wait3A_1039] : memref<1000000x32xf32, #tpu.memory_space<hbm>> -> memref<1000000x32xf32, #tpu.memory_space<hbm>>
      tpu.wait_indirect_dma semaphore(%arg16 : memref<!tpu.dma_semaphore, #tpu.memory_space<semaphore_mem>>) src(%dma_wait3A_1040 : memref<1000000x32xf32, #tpu.memory_space<hbm>>) dst(%dma_wait3A_1034 : memref<112x32xf32, #tpu.memory_space<vmem>>)
      %dma_wait3A_1041 = arith.constant 9 : i32
      %dma_wait3A_1042 = arith.constant 1912 : i32
      %dma_wait3A_1043 = arith.constant 0 : i32
      %dma_wait3A_1044 = tpu.memref_slice %arg11[%dma_wait3A_1042, %dma_wait3A_1043] : memref<3200x32xf32, #tpu.memory_space<vmem>> -> memref<88x32xf32, #tpu.memory_space<vmem>>
      %dma_wait3A_1045 = arith.constant 112 : i32
      %dma_wait3A_1046 = tpu.memref_slice %arg9[%dma_wait3A_1041, %dma_wait3A_1045] : memref<16x200xi32, #tpu.memory_space<vmem>> -> memref<1x88xi32, #tpu.memory_space<vmem>>
      %dma_wait3A_1047 = tpu.memref_squeeze %dma_wait3A_1046 : memref<1x88xi32, #tpu.memory_space<vmem>> -> memref<88xi32, #tpu.memory_space<vmem>>
      %dma_wait3A_1048 = arith.constant 0 : i32
      %dma_wait3A_1049 = arith.constant 0 : i32
      %dma_wait3A_1050 = tpu.memref_slice %arg4[%dma_wait3A_1048, %dma_wait3A_1049] : memref<1000000x32xf32, #tpu.memory_space<hbm>> -> memref<1000000x32xf32, #tpu.memory_space<hbm>>
      tpu.wait_indirect_dma semaphore(%arg16 : memref<!tpu.dma_semaphore, #tpu.memory_space<semaphore_mem>>) src(%dma_wait3A_1050 : memref<1000000x32xf32, #tpu.memory_space<hbm>>) dst(%dma_wait3A_1044 : memref<88x32xf32, #tpu.memory_space<vmem>>)
      %dma_wait3A_1051 = arith.constant 10 : i32
      %dma_wait3A_1052 = arith.constant 2000 : i32
      %dma_wait3A_1053 = arith.constant 0 : i32
      %dma_wait3A_1054 = tpu.memref_slice %arg11[%dma_wait3A_1052, %dma_wait3A_1053] : memref<3200x32xf32, #tpu.memory_space<vmem>> -> memref<112x32xf32, #tpu.memory_space<vmem>>
      %dma_wait3A_1055 = arith.constant 0 : i32
      %dma_wait3A_1056 = tpu.memref_slice %arg9[%dma_wait3A_1051, %dma_wait3A_1055] : memref<16x200xi32, #tpu.memory_space<vmem>> -> memref<1x112xi32, #tpu.memory_space<vmem>>
      %dma_wait3A_1057 = tpu.memref_squeeze %dma_wait3A_1056 : memref<1x112xi32, #tpu.memory_space<vmem>> -> memref<112xi32, #tpu.memory_space<vmem>>
      %dma_wait3A_1058 = arith.constant 0 : i32
      %dma_wait3A_1059 = arith.constant 0 : i32
      %dma_wait3A_1060 = tpu.memref_slice %arg4[%dma_wait3A_1058, %dma_wait3A_1059] : memref<1000000x32xf32, #tpu.memory_space<hbm>> -> memref<1000000x32xf32, #tpu.memory_space<hbm>>
      tpu.wait_indirect_dma semaphore(%arg16 : memref<!tpu.dma_semaphore, #tpu.memory_space<semaphore_mem>>) src(%dma_wait3A_1060 : memref<1000000x32xf32, #tpu.memory_space<hbm>>) dst(%dma_wait3A_1054 : memref<112x32xf32, #tpu.memory_space<vmem>>)
      %dma_wait3A_1061 = arith.constant 10 : i32
      %dma_wait3A_1062 = arith.constant 2112 : i32
      %dma_wait3A_1063 = arith.constant 0 : i32
      %dma_wait3A_1064 = tpu.memref_slice %arg11[%dma_wait3A_1062, %dma_wait3A_1063] : memref<3200x32xf32, #tpu.memory_space<vmem>> -> memref<88x32xf32, #tpu.memory_space<vmem>>
      %dma_wait3A_1065 = arith.constant 112 : i32
      %dma_wait3A_1066 = tpu.memref_slice %arg9[%dma_wait3A_1061, %dma_wait3A_1065] : memref<16x200xi32, #tpu.memory_space<vmem>> -> memref<1x88xi32, #tpu.memory_space<vmem>>
      %dma_wait3A_1067 = tpu.memref_squeeze %dma_wait3A_1066 : memref<1x88xi32, #tpu.memory_space<vmem>> -> memref<88xi32, #tpu.memory_space<vmem>>
      %dma_wait3A_1068 = arith.constant 0 : i32
      %dma_wait3A_1069 = arith.constant 0 : i32
      %dma_wait3A_1070 = tpu.memref_slice %arg4[%dma_wait3A_1068, %dma_wait3A_1069] : memref<1000000x32xf32, #tpu.memory_space<hbm>> -> memref<1000000x32xf32, #tpu.memory_space<hbm>>
      tpu.wait_indirect_dma semaphore(%arg16 : memref<!tpu.dma_semaphore, #tpu.memory_space<semaphore_mem>>) src(%dma_wait3A_1070 : memref<1000000x32xf32, #tpu.memory_space<hbm>>) dst(%dma_wait3A_1064 : memref<88x32xf32, #tpu.memory_space<vmem>>)
      %dma_wait3A_1071 = arith.constant 11 : i32
      %dma_wait3A_1072 = arith.constant 2200 : i32
      %dma_wait3A_1073 = arith.constant 0 : i32
      %dma_wait3A_1074 = tpu.memref_slice %arg11[%dma_wait3A_1072, %dma_wait3A_1073] : memref<3200x32xf32, #tpu.memory_space<vmem>> -> memref<112x32xf32, #tpu.memory_space<vmem>>
      %dma_wait3A_1075 = arith.constant 0 : i32
      %dma_wait3A_1076 = tpu.memref_slice %arg9[%dma_wait3A_1071, %dma_wait3A_1075] : memref<16x200xi32, #tpu.memory_space<vmem>> -> memref<1x112xi32, #tpu.memory_space<vmem>>
      %dma_wait3A_1077 = tpu.memref_squeeze %dma_wait3A_1076 : memref<1x112xi32, #tpu.memory_space<vmem>> -> memref<112xi32, #tpu.memory_space<vmem>>
      %dma_wait3A_1078 = arith.constant 0 : i32
      %dma_wait3A_1079 = arith.constant 0 : i32
      %dma_wait3A_1080 = tpu.memref_slice %arg4[%dma_wait3A_1078, %dma_wait3A_1079] : memref<1000000x32xf32, #tpu.memory_space<hbm>> -> memref<1000000x32xf32, #tpu.memory_space<hbm>>
      tpu.wait_indirect_dma semaphore(%arg16 : memref<!tpu.dma_semaphore, #tpu.memory_space<semaphore_mem>>) src(%dma_wait3A_1080 : memref<1000000x32xf32, #tpu.memory_space<hbm>>) dst(%dma_wait3A_1074 : memref<112x32xf32, #tpu.memory_space<vmem>>)
      %dma_wait3A_1081 = arith.constant 11 : i32
      %dma_wait3A_1082 = arith.constant 2312 : i32
      %dma_wait3A_1083 = arith.constant 0 : i32
      %dma_wait3A_1084 = tpu.memref_slice %arg11[%dma_wait3A_1082, %dma_wait3A_1083] : memref<3200x32xf32, #tpu.memory_space<vmem>> -> memref<88x32xf32, #tpu.memory_space<vmem>>
      %dma_wait3A_1085 = arith.constant 112 : i32
      %dma_wait3A_1086 = tpu.memref_slice %arg9[%dma_wait3A_1081, %dma_wait3A_1085] : memref<16x200xi32, #tpu.memory_space<vmem>> -> memref<1x88xi32, #tpu.memory_space<vmem>>
      %dma_wait3A_1087 = tpu.memref_squeeze %dma_wait3A_1086 : memref<1x88xi32, #tpu.memory_space<vmem>> -> memref<88xi32, #tpu.memory_space<vmem>>
      %dma_wait3A_1088 = arith.constant 0 : i32
      %dma_wait3A_1089 = arith.constant 0 : i32
      %dma_wait3A_1090 = tpu.memref_slice %arg4[%dma_wait3A_1088, %dma_wait3A_1089] : memref<1000000x32xf32, #tpu.memory_space<hbm>> -> memref<1000000x32xf32, #tpu.memory_space<hbm>>
      tpu.wait_indirect_dma semaphore(%arg16 : memref<!tpu.dma_semaphore, #tpu.memory_space<semaphore_mem>>) src(%dma_wait3A_1090 : memref<1000000x32xf32, #tpu.memory_space<hbm>>) dst(%dma_wait3A_1084 : memref<88x32xf32, #tpu.memory_space<vmem>>)
      %dma_wait3A_1091 = arith.constant 12 : i32
      %dma_wait3A_1092 = arith.constant 2400 : i32
      %dma_wait3A_1093 = arith.constant 0 : i32
      %dma_wait3A_1094 = tpu.memref_slice %arg11[%dma_wait3A_1092, %dma_wait3A_1093] : memref<3200x32xf32, #tpu.memory_space<vmem>> -> memref<112x32xf32, #tpu.memory_space<vmem>>
      %dma_wait3A_1095 = arith.constant 0 : i32
      %dma_wait3A_1096 = tpu.memref_slice %arg9[%dma_wait3A_1091, %dma_wait3A_1095] : memref<16x200xi32, #tpu.memory_space<vmem>> -> memref<1x112xi32, #tpu.memory_space<vmem>>
      %dma_wait3A_1097 = tpu.memref_squeeze %dma_wait3A_1096 : memref<1x112xi32, #tpu.memory_space<vmem>> -> memref<112xi32, #tpu.memory_space<vmem>>
      %dma_wait3A_1098 = arith.constant 0 : i32
      %dma_wait3A_1099 = arith.constant 0 : i32
      %dma_wait3A_1100 = tpu.memref_slice %arg4[%dma_wait3A_1098, %dma_wait3A_1099] : memref<1000000x32xf32, #tpu.memory_space<hbm>> -> memref<1000000x32xf32, #tpu.memory_space<hbm>>
      tpu.wait_indirect_dma semaphore(%arg16 : memref<!tpu.dma_semaphore, #tpu.memory_space<semaphore_mem>>) src(%dma_wait3A_1100 : memref<1000000x32xf32, #tpu.memory_space<hbm>>) dst(%dma_wait3A_1094 : memref<112x32xf32, #tpu.memory_space<vmem>>)
      %dma_wait3A_1101 = arith.constant 12 : i32
      %dma_wait3A_1102 = arith.constant 2512 : i32
      %dma_wait3A_1103 = arith.constant 0 : i32
      %dma_wait3A_1104 = tpu.memref_slice %arg11[%dma_wait3A_1102, %dma_wait3A_1103] : memref<3200x32xf32, #tpu.memory_space<vmem>> -> memref<88x32xf32, #tpu.memory_space<vmem>>
      %dma_wait3A_1105 = arith.constant 112 : i32
      %dma_wait3A_1106 = tpu.memref_slice %arg9[%dma_wait3A_1101, %dma_wait3A_1105] : memref<16x200xi32, #tpu.memory_space<vmem>> -> memref<1x88xi32, #tpu.memory_space<vmem>>
      %dma_wait3A_1107 = tpu.memref_squeeze %dma_wait3A_1106 : memref<1x88xi32, #tpu.memory_space<vmem>> -> memref<88xi32, #tpu.memory_space<vmem>>
      %dma_wait3A_1108 = arith.constant 0 : i32
      %dma_wait3A_1109 = arith.constant 0 : i32
      %dma_wait3A_1110 = tpu.memref_slice %arg4[%dma_wait3A_1108, %dma_wait3A_1109] : memref<1000000x32xf32, #tpu.memory_space<hbm>> -> memref<1000000x32xf32, #tpu.memory_space<hbm>>
      tpu.wait_indirect_dma semaphore(%arg16 : memref<!tpu.dma_semaphore, #tpu.memory_space<semaphore_mem>>) src(%dma_wait3A_1110 : memref<1000000x32xf32, #tpu.memory_space<hbm>>) dst(%dma_wait3A_1104 : memref<88x32xf32, #tpu.memory_space<vmem>>)
      %dma_wait3A_1111 = arith.constant 13 : i32
      %dma_wait3A_1112 = arith.constant 2600 : i32
      %dma_wait3A_1113 = arith.constant 0 : i32
      %dma_wait3A_1114 = tpu.memref_slice %arg11[%dma_wait3A_1112, %dma_wait3A_1113] : memref<3200x32xf32, #tpu.memory_space<vmem>> -> memref<112x32xf32, #tpu.memory_space<vmem>>
      %dma_wait3A_1115 = arith.constant 0 : i32
      %dma_wait3A_1116 = tpu.memref_slice %arg9[%dma_wait3A_1111, %dma_wait3A_1115] : memref<16x200xi32, #tpu.memory_space<vmem>> -> memref<1x112xi32, #tpu.memory_space<vmem>>
      %dma_wait3A_1117 = tpu.memref_squeeze %dma_wait3A_1116 : memref<1x112xi32, #tpu.memory_space<vmem>> -> memref<112xi32, #tpu.memory_space<vmem>>
      %dma_wait3A_1118 = arith.constant 0 : i32
      %dma_wait3A_1119 = arith.constant 0 : i32
      %dma_wait3A_1120 = tpu.memref_slice %arg4[%dma_wait3A_1118, %dma_wait3A_1119] : memref<1000000x32xf32, #tpu.memory_space<hbm>> -> memref<1000000x32xf32, #tpu.memory_space<hbm>>
      tpu.wait_indirect_dma semaphore(%arg16 : memref<!tpu.dma_semaphore, #tpu.memory_space<semaphore_mem>>) src(%dma_wait3A_1120 : memref<1000000x32xf32, #tpu.memory_space<hbm>>) dst(%dma_wait3A_1114 : memref<112x32xf32, #tpu.memory_space<vmem>>)
      %dma_wait3A_1121 = arith.constant 13 : i32
      %dma_wait3A_1122 = arith.constant 2712 : i32
      %dma_wait3A_1123 = arith.constant 0 : i32
      %dma_wait3A_1124 = tpu.memref_slice %arg11[%dma_wait3A_1122, %dma_wait3A_1123] : memref<3200x32xf32, #tpu.memory_space<vmem>> -> memref<88x32xf32, #tpu.memory_space<vmem>>
      %dma_wait3A_1125 = arith.constant 112 : i32
      %dma_wait3A_1126 = tpu.memref_slice %arg9[%dma_wait3A_1121, %dma_wait3A_1125] : memref<16x200xi32, #tpu.memory_space<vmem>> -> memref<1x88xi32, #tpu.memory_space<vmem>>
      %dma_wait3A_1127 = tpu.memref_squeeze %dma_wait3A_1126 : memref<1x88xi32, #tpu.memory_space<vmem>> -> memref<88xi32, #tpu.memory_space<vmem>>
      %dma_wait3A_1128 = arith.constant 0 : i32
      %dma_wait3A_1129 = arith.constant 0 : i32
      %dma_wait3A_1130 = tpu.memref_slice %arg4[%dma_wait3A_1128, %dma_wait3A_1129] : memref<1000000x32xf32, #tpu.memory_space<hbm>> -> memref<1000000x32xf32, #tpu.memory_space<hbm>>
      tpu.wait_indirect_dma semaphore(%arg16 : memref<!tpu.dma_semaphore, #tpu.memory_space<semaphore_mem>>) src(%dma_wait3A_1130 : memref<1000000x32xf32, #tpu.memory_space<hbm>>) dst(%dma_wait3A_1124 : memref<88x32xf32, #tpu.memory_space<vmem>>)
      %dma_wait3A_1131 = arith.constant 14 : i32
      %dma_wait3A_1132 = arith.constant 2800 : i32
      %dma_wait3A_1133 = arith.constant 0 : i32
      %dma_wait3A_1134 = tpu.memref_slice %arg11[%dma_wait3A_1132, %dma_wait3A_1133] : memref<3200x32xf32, #tpu.memory_space<vmem>> -> memref<112x32xf32, #tpu.memory_space<vmem>>
      %dma_wait3A_1135 = arith.constant 0 : i32
      %dma_wait3A_1136 = tpu.memref_slice %arg9[%dma_wait3A_1131, %dma_wait3A_1135] : memref<16x200xi32, #tpu.memory_space<vmem>> -> memref<1x112xi32, #tpu.memory_space<vmem>>
      %dma_wait3A_1137 = tpu.memref_squeeze %dma_wait3A_1136 : memref<1x112xi32, #tpu.memory_space<vmem>> -> memref<112xi32, #tpu.memory_space<vmem>>
      %dma_wait3A_1138 = arith.constant 0 : i32
      %dma_wait3A_1139 = arith.constant 0 : i32
      %dma_wait3A_1140 = tpu.memref_slice %arg4[%dma_wait3A_1138, %dma_wait3A_1139] : memref<1000000x32xf32, #tpu.memory_space<hbm>> -> memref<1000000x32xf32, #tpu.memory_space<hbm>>
      tpu.wait_indirect_dma semaphore(%arg16 : memref<!tpu.dma_semaphore, #tpu.memory_space<semaphore_mem>>) src(%dma_wait3A_1140 : memref<1000000x32xf32, #tpu.memory_space<hbm>>) dst(%dma_wait3A_1134 : memref<112x32xf32, #tpu.memory_space<vmem>>)
      %dma_wait3A_1141 = arith.constant 14 : i32
      %dma_wait3A_1142 = arith.constant 2912 : i32
      %dma_wait3A_1143 = arith.constant 0 : i32
      %dma_wait3A_1144 = tpu.memref_slice %arg11[%dma_wait3A_1142, %dma_wait3A_1143] : memref<3200x32xf32, #tpu.memory_space<vmem>> -> memref<88x32xf32, #tpu.memory_space<vmem>>
      %dma_wait3A_1145 = arith.constant 112 : i32
      %dma_wait3A_1146 = tpu.memref_slice %arg9[%dma_wait3A_1141, %dma_wait3A_1145] : memref<16x200xi32, #tpu.memory_space<vmem>> -> memref<1x88xi32, #tpu.memory_space<vmem>>
      %dma_wait3A_1147 = tpu.memref_squeeze %dma_wait3A_1146 : memref<1x88xi32, #tpu.memory_space<vmem>> -> memref<88xi32, #tpu.memory_space<vmem>>
      %dma_wait3A_1148 = arith.constant 0 : i32
      %dma_wait3A_1149 = arith.constant 0 : i32
      %dma_wait3A_1150 = tpu.memref_slice %arg4[%dma_wait3A_1148, %dma_wait3A_1149] : memref<1000000x32xf32, #tpu.memory_space<hbm>> -> memref<1000000x32xf32, #tpu.memory_space<hbm>>
      tpu.wait_indirect_dma semaphore(%arg16 : memref<!tpu.dma_semaphore, #tpu.memory_space<semaphore_mem>>) src(%dma_wait3A_1150 : memref<1000000x32xf32, #tpu.memory_space<hbm>>) dst(%dma_wait3A_1144 : memref<88x32xf32, #tpu.memory_space<vmem>>)
      %dma_wait3A_1151 = arith.constant 15 : i32
      %dma_wait3A_1152 = arith.constant 3000 : i32
      %dma_wait3A_1153 = arith.constant 0 : i32
      %dma_wait3A_1154 = tpu.memref_slice %arg11[%dma_wait3A_1152, %dma_wait3A_1153] : memref<3200x32xf32, #tpu.memory_space<vmem>> -> memref<112x32xf32, #tpu.memory_space<vmem>>
      %dma_wait3A_1155 = arith.constant 0 : i32
      %dma_wait3A_1156 = tpu.memref_slice %arg9[%dma_wait3A_1151, %dma_wait3A_1155] : memref<16x200xi32, #tpu.memory_space<vmem>> -> memref<1x112xi32, #tpu.memory_space<vmem>>
      %dma_wait3A_1157 = tpu.memref_squeeze %dma_wait3A_1156 : memref<1x112xi32, #tpu.memory_space<vmem>> -> memref<112xi32, #tpu.memory_space<vmem>>
      %dma_wait3A_1158 = arith.constant 0 : i32
      %dma_wait3A_1159 = arith.constant 0 : i32
      %dma_wait3A_1160 = tpu.memref_slice %arg4[%dma_wait3A_1158, %dma_wait3A_1159] : memref<1000000x32xf32, #tpu.memory_space<hbm>> -> memref<1000000x32xf32, #tpu.memory_space<hbm>>
      tpu.wait_indirect_dma semaphore(%arg16 : memref<!tpu.dma_semaphore, #tpu.memory_space<semaphore_mem>>) src(%dma_wait3A_1160 : memref<1000000x32xf32, #tpu.memory_space<hbm>>) dst(%dma_wait3A_1154 : memref<112x32xf32, #tpu.memory_space<vmem>>)
      %dma_wait3A_1161 = arith.constant 15 : i32
      %dma_wait3A_1162 = arith.constant 3112 : i32
      %dma_wait3A_1163 = arith.constant 0 : i32
      %dma_wait3A_1164 = tpu.memref_slice %arg11[%dma_wait3A_1162, %dma_wait3A_1163] : memref<3200x32xf32, #tpu.memory_space<vmem>> -> memref<88x32xf32, #tpu.memory_space<vmem>>
      %dma_wait3A_1165 = arith.constant 112 : i32
      %dma_wait3A_1166 = tpu.memref_slice %arg9[%dma_wait3A_1161, %dma_wait3A_1165] : memref<16x200xi32, #tpu.memory_space<vmem>> -> memref<1x88xi32, #tpu.memory_space<vmem>>
      %dma_wait3A_1167 = tpu.memref_squeeze %dma_wait3A_1166 : memref<1x88xi32, #tpu.memory_space<vmem>> -> memref<88xi32, #tpu.memory_space<vmem>>
      %dma_wait3A_1168 = arith.constant 0 : i32
      %dma_wait3A_1169 = arith.constant 0 : i32
      %dma_wait3A_1170 = tpu.memref_slice %arg4[%dma_wait3A_1168, %dma_wait3A_1169] : memref<1000000x32xf32, #tpu.memory_space<hbm>> -> memref<1000000x32xf32, #tpu.memory_space<hbm>>
      tpu.wait_indirect_dma semaphore(%arg16 : memref<!tpu.dma_semaphore, #tpu.memory_space<semaphore_mem>>) src(%dma_wait3A_1170 : memref<1000000x32xf32, #tpu.memory_space<hbm>>) dst(%dma_wait3A_1164 : memref<88x32xf32, #tpu.memory_space<vmem>>)
      %broadcast_in_dim3A_1171 = arith.constant 0.000000e+00 : f32
      %broadcast_in_dim3A_1172 = vector.broadcast %broadcast_in_dim3A_1171 : f32 to vector<16xf32>
      %broadcast_in_dim3A_1173 = arith.constant 0.000000e+00 : f32
      %broadcast_in_dim3A_1174 = vector.broadcast %broadcast_in_dim3A_1173 : f32 to vector<16xf32>
      %broadcast_in_dim3A_1175 = arith.constant 0.000000e+00 : f32
      %broadcast_in_dim3A_1176 = vector.broadcast %broadcast_in_dim3A_1175 : f32 to vector<16xf32>
      %broadcast_in_dim3A_1177 = arith.constant 0.000000e+00 : f32
      %broadcast_in_dim3A_1178 = vector.broadcast %broadcast_in_dim3A_1177 : f32 to vector<16xf32>
      %broadcast_in_dim3A_1179 = arith.constant 0.000000e+00 : f32
      %broadcast_in_dim3A_1180 = vector.broadcast %broadcast_in_dim3A_1179 : f32 to vector<16xf32>
      %broadcast_in_dim3A_1181 = arith.constant 0.000000e+00 : f32
      %broadcast_in_dim3A_1182 = vector.broadcast %broadcast_in_dim3A_1181 : f32 to vector<16xf32>
      %broadcast_in_dim3A_1183 = arith.constant 0.000000e+00 : f32
      %broadcast_in_dim3A_1184 = vector.broadcast %broadcast_in_dim3A_1183 : f32 to vector<16xf32>
      %broadcast_in_dim3A_1185 = arith.constant 0.000000e+00 : f32
      %broadcast_in_dim3A_1186 = vector.broadcast %broadcast_in_dim3A_1185 : f32 to vector<16xf32>
      %broadcast_in_dim3A_1187 = arith.constant 0.000000e+00 : f32
      %broadcast_in_dim3A_1188 = vector.broadcast %broadcast_in_dim3A_1187 : f32 to vector<16xf32>
      %broadcast_in_dim3A_1189 = arith.constant 0.000000e+00 : f32
      %broadcast_in_dim3A_1190 = vector.broadcast %broadcast_in_dim3A_1189 : f32 to vector<16xf32>
      %broadcast_in_dim3A_1191 = arith.constant 0.000000e+00 : f32
      %broadcast_in_dim3A_1192 = vector.broadcast %broadcast_in_dim3A_1191 : f32 to vector<16xf32>
      %broadcast_in_dim3A_1193 = arith.constant 0.000000e+00 : f32
      %broadcast_in_dim3A_1194 = vector.broadcast %broadcast_in_dim3A_1193 : f32 to vector<16xf32>
      %broadcast_in_dim3A_1195 = arith.constant 0.000000e+00 : f32
      %broadcast_in_dim3A_1196 = vector.broadcast %broadcast_in_dim3A_1195 : f32 to vector<16xf32>
      %broadcast_in_dim3A_1197 = arith.constant 0.000000e+00 : f32
      %broadcast_in_dim3A_1198 = vector.broadcast %broadcast_in_dim3A_1197 : f32 to vector<16xf32>
      %broadcast_in_dim3A_1199 = arith.constant 0.000000e+00 : f32
      %broadcast_in_dim3A_1200 = vector.broadcast %broadcast_in_dim3A_1199 : f32 to vector<16xf32>
      %broadcast_in_dim3A_1201 = arith.constant 0.000000e+00 : f32
      %broadcast_in_dim3A_1202 = vector.broadcast %broadcast_in_dim3A_1201 : f32 to vector<16xf32>
      %broadcast_in_dim3A_1203 = arith.constant 0.000000e+00 : f32
      %broadcast_in_dim3A_1204 = vector.broadcast %broadcast_in_dim3A_1203 : f32 to vector<16xf32>
      %broadcast_in_dim3A_1205 = arith.constant 0.000000e+00 : f32
      %broadcast_in_dim3A_1206 = vector.broadcast %broadcast_in_dim3A_1205 : f32 to vector<16xf32>
      %broadcast_in_dim3A_1207 = arith.constant 0.000000e+00 : f32
      %broadcast_in_dim3A_1208 = vector.broadcast %broadcast_in_dim3A_1207 : f32 to vector<16xf32>
      %broadcast_in_dim3A_1209 = arith.constant 0.000000e+00 : f32
      %broadcast_in_dim3A_1210 = vector.broadcast %broadcast_in_dim3A_1209 : f32 to vector<16xf32>
      %broadcast_in_dim3A_1211 = arith.constant 0.000000e+00 : f32
      %broadcast_in_dim3A_1212 = vector.broadcast %broadcast_in_dim3A_1211 : f32 to vector<16xf32>
      %broadcast_in_dim3A_1213 = arith.constant 0.000000e+00 : f32
      %broadcast_in_dim3A_1214 = vector.broadcast %broadcast_in_dim3A_1213 : f32 to vector<16xf32>
      %broadcast_in_dim3A_1215 = arith.constant 0.000000e+00 : f32
      %broadcast_in_dim3A_1216 = vector.broadcast %broadcast_in_dim3A_1215 : f32 to vector<16xf32>
      %broadcast_in_dim3A_1217 = arith.constant 0.000000e+00 : f32
      %broadcast_in_dim3A_1218 = vector.broadcast %broadcast_in_dim3A_1217 : f32 to vector<16xf32>
      %broadcast_in_dim3A_1219 = arith.constant 0.000000e+00 : f32
      %broadcast_in_dim3A_1220 = vector.broadcast %broadcast_in_dim3A_1219 : f32 to vector<16xf32>
      %broadcast_in_dim3A_1221 = arith.constant 0.000000e+00 : f32
      %broadcast_in_dim3A_1222 = vector.broadcast %broadcast_in_dim3A_1221 : f32 to vector<16xf32>
      %broadcast_in_dim3A_1223 = arith.constant 0.000000e+00 : f32
      %broadcast_in_dim3A_1224 = vector.broadcast %broadcast_in_dim3A_1223 : f32 to vector<16xf32>
      %broadcast_in_dim3A_1225 = arith.constant 0.000000e+00 : f32
      %broadcast_in_dim3A_1226 = vector.broadcast %broadcast_in_dim3A_1225 : f32 to vector<16xf32>
      %broadcast_in_dim3A_1227 = arith.constant 0.000000e+00 : f32
      %broadcast_in_dim3A_1228 = vector.broadcast %broadcast_in_dim3A_1227 : f32 to vector<16xf32>
      %broadcast_in_dim3A_1229 = arith.constant 0.000000e+00 : f32
      %broadcast_in_dim3A_1230 = vector.broadcast %broadcast_in_dim3A_1229 : f32 to vector<16xf32>
      %broadcast_in_dim3A_1231 = arith.constant 0.000000e+00 : f32
      %broadcast_in_dim3A_1232 = vector.broadcast %broadcast_in_dim3A_1231 : f32 to vector<16xf32>
      %broadcast_in_dim3A_1233 = arith.constant 0.000000e+00 : f32
      %broadcast_in_dim3A_1234 = vector.broadcast %broadcast_in_dim3A_1233 : f32 to vector<16xf32>
      %broadcast_in_dim3A_1235 = arith.constant 0.000000e+00 : f32
      %broadcast_in_dim3A_1236 = vector.broadcast %broadcast_in_dim3A_1235 : f32 to vector<16xf32>
      %scan3A_1237 = arith.constant 0 : i32
      %scan3A_1238 = arith.constant 200 : i32
      %scan3A_1239 = arith.addi %scan3A_1237, %scan3A_1238 : i32
      %scan3A_1240 = arith.constant 1 : i32
      %scan3A_1241:33 = scf.for %scan3A_3267 = %scan3A_1237 to %scan3A_1239 step %scan3A_1240 iter_args(%scan3A_3268 = %broadcast_in_dim3A_1172, %scan3A_3269 = %broadcast_in_dim3A_1174, %scan3A_3270 = %broadcast_in_dim3A_1176, %scan3A_3271 = %broadcast_in_dim3A_1178, %scan3A_3272 = %broadcast_in_dim3A_1180, %scan3A_3273 = %broadcast_in_dim3A_1182, %scan3A_3274 = %broadcast_in_dim3A_1184, %scan3A_3275 = %broadcast_in_dim3A_1186, %scan3A_3276 = %broadcast_in_dim3A_1188, %scan3A_3277 = %broadcast_in_dim3A_1190, %scan3A_3278 = %broadcast_in_dim3A_1192, %scan3A_3279 = %broadcast_in_dim3A_1194, %scan3A_3280 = %broadcast_in_dim3A_1196, %scan3A_3281 = %broadcast_in_dim3A_1198, %scan3A_3282 = %broadcast_in_dim3A_1200, %scan3A_3283 = %broadcast_in_dim3A_1202, %scan3A_3284 = %broadcast_in_dim3A_1204, %scan3A_3285 = %broadcast_in_dim3A_1206, %scan3A_3286 = %broadcast_in_dim3A_1208, %scan3A_3287 = %broadcast_in_dim3A_1210, %scan3A_3288 = %broadcast_in_dim3A_1212, %scan3A_3289 = %broadcast_in_dim3A_1214, %scan3A_3290 = %broadcast_in_dim3A_1216, %scan3A_3291 = %broadcast_in_dim3A_1218, %scan3A_3292 = %broadcast_in_dim3A_1220, %scan3A_3293 = %broadcast_in_dim3A_1222, %scan3A_3294 = %broadcast_in_dim3A_1224, %scan3A_3295 = %broadcast_in_dim3A_1226, %scan3A_3296 = %broadcast_in_dim3A_1228, %scan3A_3297 = %broadcast_in_dim3A_1230, %scan3A_3298 = %broadcast_in_dim3A_1232, %scan3A_3299 = %broadcast_in_dim3A_1234, %scan3A_3300 = %broadcast_in_dim3A_1236) -> (vector<16xf32>, vector<16xf32>, vector<16xf32>, vector<16xf32>, vector<16xf32>, vector<16xf32>, vector<16xf32>, vector<16xf32>, vector<16xf32>, vector<16xf32>, vector<16xf32>, vector<16xf32>, vector<16xf32>, vector<16xf32>, vector<16xf32>, vector<16xf32>, vector<16xf32>, vector<16xf32>, vector<16xf32>, vector<16xf32>, vector<16xf32>, vector<16xf32>, vector<16xf32>, vector<16xf32>, vector<16xf32>, vector<16xf32>, vector<16xf32>, vector<16xf32>, vector<16xf32>, vector<16xf32>, vector<16xf32>, vector<16xf32>, vector<16xf32>)  : i32 {
        %mul3A_3301 = arith.constant 208 : i32
        %mul3A_3302 = vector.broadcast %mul3A_3301 : i32 to vector<16xi32>
        %mul3A_3303 = arith.muli %iota3A, %mul3A_3302 : vector<16xi32>
        %add3A_3304 = vector.broadcast %scan3A_3267 : i32 to vector<16xi32>
        %add3A_3305 = arith.addi %mul3A_3303, %add3A_3304 : vector<16xi32>
        %gather3A_3306 = tpu.vector_load_idx %arg10[%add3A_3305] : memref<3328xf32, #tpu.memory_space<vmem>>[vector<16xi32>], vector<16xf32>,
        %exp3A = math.exp %gather3A_3306 : vector<16xf32>
        %add3A_3307 = arith.addf %scan3A_3268, %exp3A : vector<16xf32>
        %mul3A_3308 = arith.constant 200 : i32
        %mul3A_3309 = vector.broadcast %mul3A_3308 : i32 to vector<16xi32>
        %mul3A_3310 = arith.muli %iota3A, %mul3A_3309 : vector<16xi32>
        %add3A_3311 = vector.broadcast %scan3A_3267 : i32 to vector<16xi32>
        %add3A_3312 = arith.addi %mul3A_3310, %add3A_3311 : vector<16xi32>
        %add3A_3313 = arith.constant 0 : i32
        %add3A_3314 = vector.broadcast %add3A_3313 : i32 to vector<16xi32>
        %add3A_3315 = arith.addi %broadcast_in_dim3A_1, %add3A_3314 : vector<16xi32>
        %gather3A_3316 = tpu.vector_load_idx %arg11[%add3A_3312, %add3A_3315] : memref<3200x32xf32, #tpu.memory_space<vmem>>[vector<16xi32>, vector<16xi32>], vector<16xf32>,
        %mul3A_3317 = arith.mulf %exp3A, %gather3A_3316 : vector<16xf32>
        %add3A_3318 = arith.addf %scan3A_3269, %mul3A_3317 : vector<16xf32>
        %add3A_3319 = arith.constant 1 : i32
        %add3A_3320 = vector.broadcast %add3A_3319 : i32 to vector<16xi32>
        %add3A_3321 = arith.addi %broadcast_in_dim3A_1, %add3A_3320 : vector<16xi32>
        %gather3A_3322 = tpu.vector_load_idx %arg11[%add3A_3312, %add3A_3321] : memref<3200x32xf32, #tpu.memory_space<vmem>>[vector<16xi32>, vector<16xi32>], vector<16xf32>,
        %mul3A_3323 = arith.mulf %exp3A, %gather3A_3322 : vector<16xf32>
        %add3A_3324 = arith.addf %scan3A_3270, %mul3A_3323 : vector<16xf32>
        %add3A_3325 = arith.constant 2 : i32
        %add3A_3326 = vector.broadcast %add3A_3325 : i32 to vector<16xi32>
        %add3A_3327 = arith.addi %broadcast_in_dim3A_1, %add3A_3326 : vector<16xi32>
        %gather3A_3328 = tpu.vector_load_idx %arg11[%add3A_3312, %add3A_3327] : memref<3200x32xf32, #tpu.memory_space<vmem>>[vector<16xi32>, vector<16xi32>], vector<16xf32>,
        %mul3A_3329 = arith.mulf %exp3A, %gather3A_3328 : vector<16xf32>
        %add3A_3330 = arith.addf %scan3A_3271, %mul3A_3329 : vector<16xf32>
        %add3A_3331 = arith.constant 3 : i32
        %add3A_3332 = vector.broadcast %add3A_3331 : i32 to vector<16xi32>
        %add3A_3333 = arith.addi %broadcast_in_dim3A_1, %add3A_3332 : vector<16xi32>
        %gather3A_3334 = tpu.vector_load_idx %arg11[%add3A_3312, %add3A_3333] : memref<3200x32xf32, #tpu.memory_space<vmem>>[vector<16xi32>, vector<16xi32>], vector<16xf32>,
        %mul3A_3335 = arith.mulf %exp3A, %gather3A_3334 : vector<16xf32>
        %add3A_3336 = arith.addf %scan3A_3272, %mul3A_3335 : vector<16xf32>
        %add3A_3337 = arith.constant 4 : i32
        %add3A_3338 = vector.broadcast %add3A_3337 : i32 to vector<16xi32>
        %add3A_3339 = arith.addi %broadcast_in_dim3A_1, %add3A_3338 : vector<16xi32>
        %gather3A_3340 = tpu.vector_load_idx %arg11[%add3A_3312, %add3A_3339] : memref<3200x32xf32, #tpu.memory_space<vmem>>[vector<16xi32>, vector<16xi32>], vector<16xf32>,
        %mul3A_3341 = arith.mulf %exp3A, %gather3A_3340 : vector<16xf32>
        %add3A_3342 = arith.addf %scan3A_3273, %mul3A_3341 : vector<16xf32>
        %add3A_3343 = arith.constant 5 : i32
        %add3A_3344 = vector.broadcast %add3A_3343 : i32 to vector<16xi32>
        %add3A_3345 = arith.addi %broadcast_in_dim3A_1, %add3A_3344 : vector<16xi32>
        %gather3A_3346 = tpu.vector_load_idx %arg11[%add3A_3312, %add3A_3345] : memref<3200x32xf32, #tpu.memory_space<vmem>>[vector<16xi32>, vector<16xi32>], vector<16xf32>,
        %mul3A_3347 = arith.mulf %exp3A, %gather3A_3346 : vector<16xf32>
        %add3A_3348 = arith.addf %scan3A_3274, %mul3A_3347 : vector<16xf32>
        %add3A_3349 = arith.constant 6 : i32
        %add3A_3350 = vector.broadcast %add3A_3349 : i32 to vector<16xi32>
        %add3A_3351 = arith.addi %broadcast_in_dim3A_1, %add3A_3350 : vector<16xi32>
        %gather3A_3352 = tpu.vector_load_idx %arg11[%add3A_3312, %add3A_3351] : memref<3200x32xf32, #tpu.memory_space<vmem>>[vector<16xi32>, vector<16xi32>], vector<16xf32>,
        %mul3A_3353 = arith.mulf %exp3A, %gather3A_3352 : vector<16xf32>
        %add3A_3354 = arith.addf %scan3A_3275, %mul3A_3353 : vector<16xf32>
        %add3A_3355 = arith.constant 7 : i32
        %add3A_3356 = vector.broadcast %add3A_3355 : i32 to vector<16xi32>
        %add3A_3357 = arith.addi %broadcast_in_dim3A_1, %add3A_3356 : vector<16xi32>
        %gather3A_3358 = tpu.vector_load_idx %arg11[%add3A_3312, %add3A_3357] : memref<3200x32xf32, #tpu.memory_space<vmem>>[vector<16xi32>, vector<16xi32>], vector<16xf32>,
        %mul3A_3359 = arith.mulf %exp3A, %gather3A_3358 : vector<16xf32>
        %add3A_3360 = arith.addf %scan3A_3276, %mul3A_3359 : vector<16xf32>
        %add3A_3361 = arith.constant 8 : i32
        %add3A_3362 = vector.broadcast %add3A_3361 : i32 to vector<16xi32>
        %add3A_3363 = arith.addi %broadcast_in_dim3A_1, %add3A_3362 : vector<16xi32>
        %gather3A_3364 = tpu.vector_load_idx %arg11[%add3A_3312, %add3A_3363] : memref<3200x32xf32, #tpu.memory_space<vmem>>[vector<16xi32>, vector<16xi32>], vector<16xf32>,
        %mul3A_3365 = arith.mulf %exp3A, %gather3A_3364 : vector<16xf32>
        %add3A_3366 = arith.addf %scan3A_3277, %mul3A_3365 : vector<16xf32>
        %add3A_3367 = arith.constant 9 : i32
        %add3A_3368 = vector.broadcast %add3A_3367 : i32 to vector<16xi32>
        %add3A_3369 = arith.addi %broadcast_in_dim3A_1, %add3A_3368 : vector<16xi32>
        %gather3A_3370 = tpu.vector_load_idx %arg11[%add3A_3312, %add3A_3369] : memref<3200x32xf32, #tpu.memory_space<vmem>>[vector<16xi32>, vector<16xi32>], vector<16xf32>,
        %mul3A_3371 = arith.mulf %exp3A, %gather3A_3370 : vector<16xf32>
        %add3A_3372 = arith.addf %scan3A_3278, %mul3A_3371 : vector<16xf32>
        %add3A_3373 = arith.constant 10 : i32
        %add3A_3374 = vector.broadcast %add3A_3373 : i32 to vector<16xi32>
        %add3A_3375 = arith.addi %broadcast_in_dim3A_1, %add3A_3374 : vector<16xi32>
        %gather3A_3376 = tpu.vector_load_idx %arg11[%add3A_3312, %add3A_3375] : memref<3200x32xf32, #tpu.memory_space<vmem>>[vector<16xi32>, vector<16xi32>], vector<16xf32>,
        %mul3A_3377 = arith.mulf %exp3A, %gather3A_3376 : vector<16xf32>
        %add3A_3378 = arith.addf %scan3A_3279, %mul3A_3377 : vector<16xf32>
        %add3A_3379 = arith.constant 11 : i32
        %add3A_3380 = vector.broadcast %add3A_3379 : i32 to vector<16xi32>
        %add3A_3381 = arith.addi %broadcast_in_dim3A_1, %add3A_3380 : vector<16xi32>
        %gather3A_3382 = tpu.vector_load_idx %arg11[%add3A_3312, %add3A_3381] : memref<3200x32xf32, #tpu.memory_space<vmem>>[vector<16xi32>, vector<16xi32>], vector<16xf32>,
        %mul3A_3383 = arith.mulf %exp3A, %gather3A_3382 : vector<16xf32>
        %add3A_3384 = arith.addf %scan3A_3280, %mul3A_3383 : vector<16xf32>
        %add3A_3385 = arith.constant 12 : i32
        %add3A_3386 = vector.broadcast %add3A_3385 : i32 to vector<16xi32>
        %add3A_3387 = arith.addi %broadcast_in_dim3A_1, %add3A_3386 : vector<16xi32>
        %gather3A_3388 = tpu.vector_load_idx %arg11[%add3A_3312, %add3A_3387] : memref<3200x32xf32, #tpu.memory_space<vmem>>[vector<16xi32>, vector<16xi32>], vector<16xf32>,
        %mul3A_3389 = arith.mulf %exp3A, %gather3A_3388 : vector<16xf32>
        %add3A_3390 = arith.addf %scan3A_3281, %mul3A_3389 : vector<16xf32>
        %add3A_3391 = arith.constant 13 : i32
        %add3A_3392 = vector.broadcast %add3A_3391 : i32 to vector<16xi32>
        %add3A_3393 = arith.addi %broadcast_in_dim3A_1, %add3A_3392 : vector<16xi32>
        %gather3A_3394 = tpu.vector_load_idx %arg11[%add3A_3312, %add3A_3393] : memref<3200x32xf32, #tpu.memory_space<vmem>>[vector<16xi32>, vector<16xi32>], vector<16xf32>,
        %mul3A_3395 = arith.mulf %exp3A, %gather3A_3394 : vector<16xf32>
        %add3A_3396 = arith.addf %scan3A_3282, %mul3A_3395 : vector<16xf32>
        %add3A_3397 = arith.constant 14 : i32
        %add3A_3398 = vector.broadcast %add3A_3397 : i32 to vector<16xi32>
        %add3A_3399 = arith.addi %broadcast_in_dim3A_1, %add3A_3398 : vector<16xi32>
        %gather3A_3400 = tpu.vector_load_idx %arg11[%add3A_3312, %add3A_3399] : memref<3200x32xf32, #tpu.memory_space<vmem>>[vector<16xi32>, vector<16xi32>], vector<16xf32>,
        %mul3A_3401 = arith.mulf %exp3A, %gather3A_3400 : vector<16xf32>
        %add3A_3402 = arith.addf %scan3A_3283, %mul3A_3401 : vector<16xf32>
        %add3A_3403 = arith.constant 15 : i32
        %add3A_3404 = vector.broadcast %add3A_3403 : i32 to vector<16xi32>
        %add3A_3405 = arith.addi %broadcast_in_dim3A_1, %add3A_3404 : vector<16xi32>
        %gather3A_3406 = tpu.vector_load_idx %arg11[%add3A_3312, %add3A_3405] : memref<3200x32xf32, #tpu.memory_space<vmem>>[vector<16xi32>, vector<16xi32>], vector<16xf32>,
        %mul3A_3407 = arith.mulf %exp3A, %gather3A_3406 : vector<16xf32>
        %add3A_3408 = arith.addf %scan3A_3284, %mul3A_3407 : vector<16xf32>
        %add3A_3409 = arith.constant 16 : i32
        %add3A_3410 = vector.broadcast %add3A_3409 : i32 to vector<16xi32>
        %add3A_3411 = arith.addi %broadcast_in_dim3A_1, %add3A_3410 : vector<16xi32>
        %gather3A_3412 = tpu.vector_load_idx %arg11[%add3A_3312, %add3A_3411] : memref<3200x32xf32, #tpu.memory_space<vmem>>[vector<16xi32>, vector<16xi32>], vector<16xf32>,
        %mul3A_3413 = arith.mulf %exp3A, %gather3A_3412 : vector<16xf32>
        %add3A_3414 = arith.addf %scan3A_3285, %mul3A_3413 : vector<16xf32>
        %add3A_3415 = arith.constant 17 : i32
        %add3A_3416 = vector.broadcast %add3A_3415 : i32 to vector<16xi32>
        %add3A_3417 = arith.addi %broadcast_in_dim3A_1, %add3A_3416 : vector<16xi32>
        %gather3A_3418 = tpu.vector_load_idx %arg11[%add3A_3312, %add3A_3417] : memref<3200x32xf32, #tpu.memory_space<vmem>>[vector<16xi32>, vector<16xi32>], vector<16xf32>,
        %mul3A_3419 = arith.mulf %exp3A, %gather3A_3418 : vector<16xf32>
        %add3A_3420 = arith.addf %scan3A_3286, %mul3A_3419 : vector<16xf32>
        %add3A_3421 = arith.constant 18 : i32
        %add3A_3422 = vector.broadcast %add3A_3421 : i32 to vector<16xi32>
        %add3A_3423 = arith.addi %broadcast_in_dim3A_1, %add3A_3422 : vector<16xi32>
        %gather3A_3424 = tpu.vector_load_idx %arg11[%add3A_3312, %add3A_3423] : memref<3200x32xf32, #tpu.memory_space<vmem>>[vector<16xi32>, vector<16xi32>], vector<16xf32>,
        %mul3A_3425 = arith.mulf %exp3A, %gather3A_3424 : vector<16xf32>
        %add3A_3426 = arith.addf %scan3A_3287, %mul3A_3425 : vector<16xf32>
        %add3A_3427 = arith.constant 19 : i32
        %add3A_3428 = vector.broadcast %add3A_3427 : i32 to vector<16xi32>
        %add3A_3429 = arith.addi %broadcast_in_dim3A_1, %add3A_3428 : vector<16xi32>
        %gather3A_3430 = tpu.vector_load_idx %arg11[%add3A_3312, %add3A_3429] : memref<3200x32xf32, #tpu.memory_space<vmem>>[vector<16xi32>, vector<16xi32>], vector<16xf32>,
        %mul3A_3431 = arith.mulf %exp3A, %gather3A_3430 : vector<16xf32>
        %add3A_3432 = arith.addf %scan3A_3288, %mul3A_3431 : vector<16xf32>
        %add3A_3433 = arith.constant 20 : i32
        %add3A_3434 = vector.broadcast %add3A_3433 : i32 to vector<16xi32>
        %add3A_3435 = arith.addi %broadcast_in_dim3A_1, %add3A_3434 : vector<16xi32>
        %gather3A_3436 = tpu.vector_load_idx %arg11[%add3A_3312, %add3A_3435] : memref<3200x32xf32, #tpu.memory_space<vmem>>[vector<16xi32>, vector<16xi32>], vector<16xf32>,
        %mul3A_3437 = arith.mulf %exp3A, %gather3A_3436 : vector<16xf32>
        %add3A_3438 = arith.addf %scan3A_3289, %mul3A_3437 : vector<16xf32>
        %add3A_3439 = arith.constant 21 : i32
        %add3A_3440 = vector.broadcast %add3A_3439 : i32 to vector<16xi32>
        %add3A_3441 = arith.addi %broadcast_in_dim3A_1, %add3A_3440 : vector<16xi32>
        %gather3A_3442 = tpu.vector_load_idx %arg11[%add3A_3312, %add3A_3441] : memref<3200x32xf32, #tpu.memory_space<vmem>>[vector<16xi32>, vector<16xi32>], vector<16xf32>,
        %mul3A_3443 = arith.mulf %exp3A, %gather3A_3442 : vector<16xf32>
        %add3A_3444 = arith.addf %scan3A_3290, %mul3A_3443 : vector<16xf32>
        %add3A_3445 = arith.constant 22 : i32
        %add3A_3446 = vector.broadcast %add3A_3445 : i32 to vector<16xi32>
        %add3A_3447 = arith.addi %broadcast_in_dim3A_1, %add3A_3446 : vector<16xi32>
        %gather3A_3448 = tpu.vector_load_idx %arg11[%add3A_3312, %add3A_3447] : memref<3200x32xf32, #tpu.memory_space<vmem>>[vector<16xi32>, vector<16xi32>], vector<16xf32>,
        %mul3A_3449 = arith.mulf %exp3A, %gather3A_3448 : vector<16xf32>
        %add3A_3450 = arith.addf %scan3A_3291, %mul3A_3449 : vector<16xf32>
        %add3A_3451 = arith.constant 23 : i32
        %add3A_3452 = vector.broadcast %add3A_3451 : i32 to vector<16xi32>
        %add3A_3453 = arith.addi %broadcast_in_dim3A_1, %add3A_3452 : vector<16xi32>
        %gather3A_3454 = tpu.vector_load_idx %arg11[%add3A_3312, %add3A_3453] : memref<3200x32xf32, #tpu.memory_space<vmem>>[vector<16xi32>, vector<16xi32>], vector<16xf32>,
        %mul3A_3455 = arith.mulf %exp3A, %gather3A_3454 : vector<16xf32>
        %add3A_3456 = arith.addf %scan3A_3292, %mul3A_3455 : vector<16xf32>
        %add3A_3457 = arith.constant 24 : i32
        %add3A_3458 = vector.broadcast %add3A_3457 : i32 to vector<16xi32>
        %add3A_3459 = arith.addi %broadcast_in_dim3A_1, %add3A_3458 : vector<16xi32>
        %gather3A_3460 = tpu.vector_load_idx %arg11[%add3A_3312, %add3A_3459] : memref<3200x32xf32, #tpu.memory_space<vmem>>[vector<16xi32>, vector<16xi32>], vector<16xf32>,
        %mul3A_3461 = arith.mulf %exp3A, %gather3A_3460 : vector<16xf32>
        %add3A_3462 = arith.addf %scan3A_3293, %mul3A_3461 : vector<16xf32>
        %add3A_3463 = arith.constant 25 : i32
        %add3A_3464 = vector.broadcast %add3A_3463 : i32 to vector<16xi32>
        %add3A_3465 = arith.addi %broadcast_in_dim3A_1, %add3A_3464 : vector<16xi32>
        %gather3A_3466 = tpu.vector_load_idx %arg11[%add3A_3312, %add3A_3465] : memref<3200x32xf32, #tpu.memory_space<vmem>>[vector<16xi32>, vector<16xi32>], vector<16xf32>,
        %mul3A_3467 = arith.mulf %exp3A, %gather3A_3466 : vector<16xf32>
        %add3A_3468 = arith.addf %scan3A_3294, %mul3A_3467 : vector<16xf32>
        %add3A_3469 = arith.constant 26 : i32
        %add3A_3470 = vector.broadcast %add3A_3469 : i32 to vector<16xi32>
        %add3A_3471 = arith.addi %broadcast_in_dim3A_1, %add3A_3470 : vector<16xi32>
        %gather3A_3472 = tpu.vector_load_idx %arg11[%add3A_3312, %add3A_3471] : memref<3200x32xf32, #tpu.memory_space<vmem>>[vector<16xi32>, vector<16xi32>], vector<16xf32>,
        %mul3A_3473 = arith.mulf %exp3A, %gather3A_3472 : vector<16xf32>
        %add3A_3474 = arith.addf %scan3A_3295, %mul3A_3473 : vector<16xf32>
        %add3A_3475 = arith.constant 27 : i32
        %add3A_3476 = vector.broadcast %add3A_3475 : i32 to vector<16xi32>
        %add3A_3477 = arith.addi %broadcast_in_dim3A_1, %add3A_3476 : vector<16xi32>
        %gather3A_3478 = tpu.vector_load_idx %arg11[%add3A_3312, %add3A_3477] : memref<3200x32xf32, #tpu.memory_space<vmem>>[vector<16xi32>, vector<16xi32>], vector<16xf32>,
        %mul3A_3479 = arith.mulf %exp3A, %gather3A_3478 : vector<16xf32>
        %add3A_3480 = arith.addf %scan3A_3296, %mul3A_3479 : vector<16xf32>
        %add3A_3481 = arith.constant 28 : i32
        %add3A_3482 = vector.broadcast %add3A_3481 : i32 to vector<16xi32>
        %add3A_3483 = arith.addi %broadcast_in_dim3A_1, %add3A_3482 : vector<16xi32>
        %gather3A_3484 = tpu.vector_load_idx %arg11[%add3A_3312, %add3A_3483] : memref<3200x32xf32, #tpu.memory_space<vmem>>[vector<16xi32>, vector<16xi32>], vector<16xf32>,
        %mul3A_3485 = arith.mulf %exp3A, %gather3A_3484 : vector<16xf32>
        %add3A_3486 = arith.addf %scan3A_3297, %mul3A_3485 : vector<16xf32>
        %add3A_3487 = arith.constant 29 : i32
        %add3A_3488 = vector.broadcast %add3A_3487 : i32 to vector<16xi32>
        %add3A_3489 = arith.addi %broadcast_in_dim3A_1, %add3A_3488 : vector<16xi32>
        %gather3A_3490 = tpu.vector_load_idx %arg11[%add3A_3312, %add3A_3489] : memref<3200x32xf32, #tpu.memory_space<vmem>>[vector<16xi32>, vector<16xi32>], vector<16xf32>,
        %mul3A_3491 = arith.mulf %exp3A, %gather3A_3490 : vector<16xf32>
        %add3A_3492 = arith.addf %scan3A_3298, %mul3A_3491 : vector<16xf32>
        %add3A_3493 = arith.constant 30 : i32
        %add3A_3494 = vector.broadcast %add3A_3493 : i32 to vector<16xi32>
        %add3A_3495 = arith.addi %broadcast_in_dim3A_1, %add3A_3494 : vector<16xi32>
        %gather3A_3496 = tpu.vector_load_idx %arg11[%add3A_3312, %add3A_3495] : memref<3200x32xf32, #tpu.memory_space<vmem>>[vector<16xi32>, vector<16xi32>], vector<16xf32>,
        %mul3A_3497 = arith.mulf %exp3A, %gather3A_3496 : vector<16xf32>
        %add3A_3498 = arith.addf %scan3A_3299, %mul3A_3497 : vector<16xf32>
        %add3A_3499 = arith.constant 31 : i32
        %add3A_3500 = vector.broadcast %add3A_3499 : i32 to vector<16xi32>
        %add3A_3501 = arith.addi %broadcast_in_dim3A_1, %add3A_3500 : vector<16xi32>
        %gather3A_3502 = tpu.vector_load_idx %arg11[%add3A_3312, %add3A_3501] : memref<3200x32xf32, #tpu.memory_space<vmem>>[vector<16xi32>, vector<16xi32>], vector<16xf32>,
        %mul3A_3503 = arith.mulf %exp3A, %gather3A_3502 : vector<16xf32>
        %add3A_3504 = arith.addf %scan3A_3300, %mul3A_3503 : vector<16xf32>
        scf.yield %add3A_3307, %add3A_3318, %add3A_3324, %add3A_3330, %add3A_3336, %add3A_3342, %add3A_3348, %add3A_3354, %add3A_3360, %add3A_3366, %add3A_3372, %add3A_3378, %add3A_3384, %add3A_3390, %add3A_3396, %add3A_3402, %add3A_3408, %add3A_3414, %add3A_3420, %add3A_3426, %add3A_3432, %add3A_3438, %add3A_3444, %add3A_3450, %add3A_3456, %add3A_3462, %add3A_3468, %add3A_3474, %add3A_3480, %add3A_3486, %add3A_3492, %add3A_3498, %add3A_3504 : vector<16xf32>, vector<16xf32>, vector<16xf32>, vector<16xf32>, vector<16xf32>, vector<16xf32>, vector<16xf32>, vector<16xf32>, vector<16xf32>, vector<16xf32>, vector<16xf32>, vector<16xf32>, vector<16xf32>, vector<16xf32>, vector<16xf32>, vector<16xf32>, vector<16xf32>, vector<16xf32>, vector<16xf32>, vector<16xf32>, vector<16xf32>, vector<16xf32>, vector<16xf32>, vector<16xf32>, vector<16xf32>, vector<16xf32>, vector<16xf32>, vector<16xf32>, vector<16xf32>, vector<16xf32>, vector<16xf32>, vector<16xf32>, vector<16xf32>
      }
      %scan3A_1242 = arith.constant 200 : i32
      %mul3A_1243 = arith.mulf %scan3A_1241#0, %scan3A_19 : vector<16xf32>
      %div3A = arith.constant 1.000000e+00 : f32
      %div3A_1244 = vector.broadcast %div3A : f32 to vector<16xf32>
      %div3A_1245 = arith.divf %div3A_1244, %mul3A_1243 : vector<16xf32>
      %mul3A_1246 = arith.mulf %scan3A_1241#1, %div3A_1245 : vector<16xf32>
      %mul3A_1247 = arith.mulf %scan3A_1241#2, %div3A_1245 : vector<16xf32>
      %mul3A_1248 = arith.mulf %scan3A_1241#3, %div3A_1245 : vector<16xf32>
      %mul3A_1249 = arith.mulf %scan3A_1241#4, %div3A_1245 : vector<16xf32>
      %mul3A_1250 = arith.mulf %scan3A_1241#5, %div3A_1245 : vector<16xf32>
      %mul3A_1251 = arith.mulf %scan3A_1241#6, %div3A_1245 : vector<16xf32>
      %mul3A_1252 = arith.mulf %scan3A_1241#7, %div3A_1245 : vector<16xf32>
      %mul3A_1253 = arith.mulf %scan3A_1241#8, %div3A_1245 : vector<16xf32>
      %mul3A_1254 = arith.mulf %scan3A_1241#9, %div3A_1245 : vector<16xf32>
      %mul3A_1255 = arith.mulf %scan3A_1241#10, %div3A_1245 : vector<16xf32>
      %mul3A_1256 = arith.mulf %scan3A_1241#11, %div3A_1245 : vector<16xf32>
      %mul3A_1257 = arith.mulf %scan3A_1241#12, %div3A_1245 : vector<16xf32>
      %mul3A_1258 = arith.mulf %scan3A_1241#13, %div3A_1245 : vector<16xf32>
      %mul3A_1259 = arith.mulf %scan3A_1241#14, %div3A_1245 : vector<16xf32>
      %mul3A_1260 = arith.mulf %scan3A_1241#15, %div3A_1245 : vector<16xf32>
      %mul3A_1261 = arith.mulf %scan3A_1241#16, %div3A_1245 : vector<16xf32>
      %mul3A_1262 = arith.mulf %scan3A_1241#17, %div3A_1245 : vector<16xf32>
      %mul3A_1263 = arith.mulf %scan3A_1241#18, %div3A_1245 : vector<16xf32>
      %mul3A_1264 = arith.mulf %scan3A_1241#19, %div3A_1245 : vector<16xf32>
      %mul3A_1265 = arith.mulf %scan3A_1241#20, %div3A_1245 : vector<16xf32>
      %mul3A_1266 = arith.mulf %scan3A_1241#21, %div3A_1245 : vector<16xf32>
      %mul3A_1267 = arith.mulf %scan3A_1241#22, %div3A_1245 : vector<16xf32>
      %mul3A_1268 = arith.mulf %scan3A_1241#23, %div3A_1245 : vector<16xf32>
      %mul3A_1269 = arith.mulf %scan3A_1241#24, %div3A_1245 : vector<16xf32>
      %mul3A_1270 = arith.mulf %scan3A_1241#25, %div3A_1245 : vector<16xf32>
      %mul3A_1271 = arith.mulf %scan3A_1241#26, %div3A_1245 : vector<16xf32>
      %mul3A_1272 = arith.mulf %scan3A_1241#27, %div3A_1245 : vector<16xf32>
      %mul3A_1273 = arith.mulf %scan3A_1241#28, %div3A_1245 : vector<16xf32>
      %mul3A_1274 = arith.mulf %scan3A_1241#29, %div3A_1245 : vector<16xf32>
      %mul3A_1275 = arith.mulf %scan3A_1241#30, %div3A_1245 : vector<16xf32>
      %mul3A_1276 = arith.mulf %scan3A_1241#31, %div3A_1245 : vector<16xf32>
      %mul3A_1277 = arith.mulf %scan3A_1241#32, %div3A_1245 : vector<16xf32>
      %add3A_1278 = arith.constant 16 : i32
      %add3A_1279 = vector.broadcast %add3A_1278 : i32 to vector<16xi32>
      %add3A_1280 = arith.addi %broadcast_in_dim3A_1, %add3A_1279 : vector<16xi32>
      %gather3A = tpu.vector_load_idx %arg13[%add3A_1280] : memref<32xf32, #tpu.memory_space<vmem>>[vector<16xi32>], vector<16xf32>,
      %add3A_1281 = arith.constant 16 : i32
      %add3A_1282 = vector.broadcast %add3A_1281 : i32 to vector<16xi32>
      %add3A_1283 = arith.addi %broadcast_in_dim3A_1, %add3A_1282 : vector<16xi32>
      %gather3A_1284 = tpu.vector_load_idx %arg12[%add3A_1283] : memref<336xf32, #tpu.memory_space<vmem>>[vector<16xi32>], vector<16xf32>,
      %mul3A_1285 = arith.mulf %gather3A_1284, %mul3A_1246 : vector<16xf32>
      %add3A_1286 = arith.addf %gather3A, %mul3A_1285 : vector<16xf32>
      %add3A_1287 = arith.constant 17 : i32
      %add3A_1288 = vector.broadcast %add3A_1287 : i32 to vector<16xi32>
      %add3A_1289 = arith.addi %broadcast_in_dim3A_1, %add3A_1288 : vector<16xi32>
      %gather3A_1290 = tpu.vector_load_idx %arg12[%add3A_1289] : memref<336xf32, #tpu.memory_space<vmem>>[vector<16xi32>], vector<16xf32>,
      %mul3A_1291 = arith.mulf %gather3A_1290, %mul3A_1247 : vector<16xf32>
      %add3A_1292 = arith.addf %add3A_1286, %mul3A_1291 : vector<16xf32>
      %add3A_1293 = arith.constant 18 : i32
      %add3A_1294 = vector.broadcast %add3A_1293 : i32 to vector<16xi32>
      %add3A_1295 = arith.addi %broadcast_in_dim3A_1, %add3A_1294 : vector<16xi32>
      %gather3A_1296 = tpu.vector_load_idx %arg12[%add3A_1295] : memref<336xf32, #tpu.memory_space<vmem>>[vector<16xi32>], vector<16xf32>,
      %mul3A_1297 = arith.mulf %gather3A_1296, %mul3A_1248 : vector<16xf32>
      %add3A_1298 = arith.addf %add3A_1292, %mul3A_1297 : vector<16xf32>
      %add3A_1299 = arith.constant 19 : i32
      %add3A_1300 = vector.broadcast %add3A_1299 : i32 to vector<16xi32>
      %add3A_1301 = arith.addi %broadcast_in_dim3A_1, %add3A_1300 : vector<16xi32>
      %gather3A_1302 = tpu.vector_load_idx %arg12[%add3A_1301] : memref<336xf32, #tpu.memory_space<vmem>>[vector<16xi32>], vector<16xf32>,
      %mul3A_1303 = arith.mulf %gather3A_1302, %mul3A_1249 : vector<16xf32>
      %add3A_1304 = arith.addf %add3A_1298, %mul3A_1303 : vector<16xf32>
      %add3A_1305 = arith.constant 20 : i32
      %add3A_1306 = vector.broadcast %add3A_1305 : i32 to vector<16xi32>
      %add3A_1307 = arith.addi %broadcast_in_dim3A_1, %add3A_1306 : vector<16xi32>
      %gather3A_1308 = tpu.vector_load_idx %arg12[%add3A_1307] : memref<336xf32, #tpu.memory_space<vmem>>[vector<16xi32>], vector<16xf32>,
      %mul3A_1309 = arith.mulf %gather3A_1308, %mul3A_1250 : vector<16xf32>
      %add3A_1310 = arith.addf %add3A_1304, %mul3A_1309 : vector<16xf32>
      %add3A_1311 = arith.constant 21 : i32
      %add3A_1312 = vector.broadcast %add3A_1311 : i32 to vector<16xi32>
      %add3A_1313 = arith.addi %broadcast_in_dim3A_1, %add3A_1312 : vector<16xi32>
      %gather3A_1314 = tpu.vector_load_idx %arg12[%add3A_1313] : memref<336xf32, #tpu.memory_space<vmem>>[vector<16xi32>], vector<16xf32>,
      %mul3A_1315 = arith.mulf %gather3A_1314, %mul3A_1251 : vector<16xf32>
      %add3A_1316 = arith.addf %add3A_1310, %mul3A_1315 : vector<16xf32>
      %add3A_1317 = arith.constant 22 : i32
      %add3A_1318 = vector.broadcast %add3A_1317 : i32 to vector<16xi32>
      %add3A_1319 = arith.addi %broadcast_in_dim3A_1, %add3A_1318 : vector<16xi32>
      %gather3A_1320 = tpu.vector_load_idx %arg12[%add3A_1319] : memref<336xf32, #tpu.memory_space<vmem>>[vector<16xi32>], vector<16xf32>,
      %mul3A_1321 = arith.mulf %gather3A_1320, %mul3A_1252 : vector<16xf32>
      %add3A_1322 = arith.addf %add3A_1316, %mul3A_1321 : vector<16xf32>
      %add3A_1323 = arith.constant 23 : i32
      %add3A_1324 = vector.broadcast %add3A_1323 : i32 to vector<16xi32>
      %add3A_1325 = arith.addi %broadcast_in_dim3A_1, %add3A_1324 : vector<16xi32>
      %gather3A_1326 = tpu.vector_load_idx %arg12[%add3A_1325] : memref<336xf32, #tpu.memory_space<vmem>>[vector<16xi32>], vector<16xf32>,
      %mul3A_1327 = arith.mulf %gather3A_1326, %mul3A_1253 : vector<16xf32>
      %add3A_1328 = arith.addf %add3A_1322, %mul3A_1327 : vector<16xf32>
      %add3A_1329 = arith.constant 24 : i32
      %add3A_1330 = vector.broadcast %add3A_1329 : i32 to vector<16xi32>
      %add3A_1331 = arith.addi %broadcast_in_dim3A_1, %add3A_1330 : vector<16xi32>
      %gather3A_1332 = tpu.vector_load_idx %arg12[%add3A_1331] : memref<336xf32, #tpu.memory_space<vmem>>[vector<16xi32>], vector<16xf32>,
      %mul3A_1333 = arith.mulf %gather3A_1332, %mul3A_1254 : vector<16xf32>
      %add3A_1334 = arith.addf %add3A_1328, %mul3A_1333 : vector<16xf32>
      %add3A_1335 = arith.constant 25 : i32
      %add3A_1336 = vector.broadcast %add3A_1335 : i32 to vector<16xi32>
      %add3A_1337 = arith.addi %broadcast_in_dim3A_1, %add3A_1336 : vector<16xi32>
      %gather3A_1338 = tpu.vector_load_idx %arg12[%add3A_1337] : memref<336xf32, #tpu.memory_space<vmem>>[vector<16xi32>], vector<16xf32>,
      %mul3A_1339 = arith.mulf %gather3A_1338, %mul3A_1255 : vector<16xf32>
      %add3A_1340 = arith.addf %add3A_1334, %mul3A_1339 : vector<16xf32>
      %add3A_1341 = arith.constant 26 : i32
      %add3A_1342 = vector.broadcast %add3A_1341 : i32 to vector<16xi32>
      %add3A_1343 = arith.addi %broadcast_in_dim3A_1, %add3A_1342 : vector<16xi32>
      %gather3A_1344 = tpu.vector_load_idx %arg12[%add3A_1343] : memref<336xf32, #tpu.memory_space<vmem>>[vector<16xi32>], vector<16xf32>,
      %mul3A_1345 = arith.mulf %gather3A_1344, %mul3A_1256 : vector<16xf32>
      %add3A_1346 = arith.addf %add3A_1340, %mul3A_1345 : vector<16xf32>
      %add3A_1347 = arith.constant 27 : i32
      %add3A_1348 = vector.broadcast %add3A_1347 : i32 to vector<16xi32>
      %add3A_1349 = arith.addi %broadcast_in_dim3A_1, %add3A_1348 : vector<16xi32>
      %gather3A_1350 = tpu.vector_load_idx %arg12[%add3A_1349] : memref<336xf32, #tpu.memory_space<vmem>>[vector<16xi32>], vector<16xf32>,
      %mul3A_1351 = arith.mulf %gather3A_1350, %mul3A_1257 : vector<16xf32>
      %add3A_1352 = arith.addf %add3A_1346, %mul3A_1351 : vector<16xf32>
      %add3A_1353 = arith.constant 28 : i32
      %add3A_1354 = vector.broadcast %add3A_1353 : i32 to vector<16xi32>
      %add3A_1355 = arith.addi %broadcast_in_dim3A_1, %add3A_1354 : vector<16xi32>
      %gather3A_1356 = tpu.vector_load_idx %arg12[%add3A_1355] : memref<336xf32, #tpu.memory_space<vmem>>[vector<16xi32>], vector<16xf32>,
      %mul3A_1357 = arith.mulf %gather3A_1356, %mul3A_1258 : vector<16xf32>
      %add3A_1358 = arith.addf %add3A_1352, %mul3A_1357 : vector<16xf32>
      %add3A_1359 = arith.constant 29 : i32
      %add3A_1360 = vector.broadcast %add3A_1359 : i32 to vector<16xi32>
      %add3A_1361 = arith.addi %broadcast_in_dim3A_1, %add3A_1360 : vector<16xi32>
      %gather3A_1362 = tpu.vector_load_idx %arg12[%add3A_1361] : memref<336xf32, #tpu.memory_space<vmem>>[vector<16xi32>], vector<16xf32>,
      %mul3A_1363 = arith.mulf %gather3A_1362, %mul3A_1259 : vector<16xf32>
      %add3A_1364 = arith.addf %add3A_1358, %mul3A_1363 : vector<16xf32>
      %add3A_1365 = arith.constant 30 : i32
      %add3A_1366 = vector.broadcast %add3A_1365 : i32 to vector<16xi32>
      %add3A_1367 = arith.addi %broadcast_in_dim3A_1, %add3A_1366 : vector<16xi32>
      %gather3A_1368 = tpu.vector_load_idx %arg12[%add3A_1367] : memref<336xf32, #tpu.memory_space<vmem>>[vector<16xi32>], vector<16xf32>,
      %mul3A_1369 = arith.mulf %gather3A_1368, %mul3A_1260 : vector<16xf32>
      %add3A_1370 = arith.addf %add3A_1364, %mul3A_1369 : vector<16xf32>
      %add3A_1371 = arith.constant 31 : i32
      %add3A_1372 = vector.broadcast %add3A_1371 : i32 to vector<16xi32>
      %add3A_1373 = arith.addi %broadcast_in_dim3A_1, %add3A_1372 : vector<16xi32>
      %gather3A_1374 = tpu.vector_load_idx %arg12[%add3A_1373] : memref<336xf32, #tpu.memory_space<vmem>>[vector<16xi32>], vector<16xf32>,
      %mul3A_1375 = arith.mulf %gather3A_1374, %mul3A_1261 : vector<16xf32>
      %add3A_1376 = arith.addf %add3A_1370, %mul3A_1375 : vector<16xf32>
      %add3A_1377 = arith.constant 32 : i32
      %add3A_1378 = vector.broadcast %add3A_1377 : i32 to vector<16xi32>
      %add3A_1379 = arith.addi %broadcast_in_dim3A_1, %add3A_1378 : vector<16xi32>
      %gather3A_1380 = tpu.vector_load_idx %arg12[%add3A_1379] : memref<336xf32, #tpu.memory_space<vmem>>[vector<16xi32>], vector<16xf32>,
      %mul3A_1381 = arith.mulf %gather3A_1380, %mul3A_1262 : vector<16xf32>
      %add3A_1382 = arith.addf %add3A_1376, %mul3A_1381 : vector<16xf32>
      %add3A_1383 = arith.constant 33 : i32
      %add3A_1384 = vector.broadcast %add3A_1383 : i32 to vector<16xi32>
      %add3A_1385 = arith.addi %broadcast_in_dim3A_1, %add3A_1384 : vector<16xi32>
      %gather3A_1386 = tpu.vector_load_idx %arg12[%add3A_1385] : memref<336xf32, #tpu.memory_space<vmem>>[vector<16xi32>], vector<16xf32>,
      %mul3A_1387 = arith.mulf %gather3A_1386, %mul3A_1263 : vector<16xf32>
      %add3A_1388 = arith.addf %add3A_1382, %mul3A_1387 : vector<16xf32>
      %add3A_1389 = arith.constant 34 : i32
      %add3A_1390 = vector.broadcast %add3A_1389 : i32 to vector<16xi32>
      %add3A_1391 = arith.addi %broadcast_in_dim3A_1, %add3A_1390 : vector<16xi32>
      %gather3A_1392 = tpu.vector_load_idx %arg12[%add3A_1391] : memref<336xf32, #tpu.memory_space<vmem>>[vector<16xi32>], vector<16xf32>,
      %mul3A_1393 = arith.mulf %gather3A_1392, %mul3A_1264 : vector<16xf32>
      %add3A_1394 = arith.addf %add3A_1388, %mul3A_1393 : vector<16xf32>
      %add3A_1395 = arith.constant 35 : i32
      %add3A_1396 = vector.broadcast %add3A_1395 : i32 to vector<16xi32>
      %add3A_1397 = arith.addi %broadcast_in_dim3A_1, %add3A_1396 : vector<16xi32>
      %gather3A_1398 = tpu.vector_load_idx %arg12[%add3A_1397] : memref<336xf32, #tpu.memory_space<vmem>>[vector<16xi32>], vector<16xf32>,
      %mul3A_1399 = arith.mulf %gather3A_1398, %mul3A_1265 : vector<16xf32>
      %add3A_1400 = arith.addf %add3A_1394, %mul3A_1399 : vector<16xf32>
      %add3A_1401 = arith.constant 36 : i32
      %add3A_1402 = vector.broadcast %add3A_1401 : i32 to vector<16xi32>
      %add3A_1403 = arith.addi %broadcast_in_dim3A_1, %add3A_1402 : vector<16xi32>
      %gather3A_1404 = tpu.vector_load_idx %arg12[%add3A_1403] : memref<336xf32, #tpu.memory_space<vmem>>[vector<16xi32>], vector<16xf32>,
      %mul3A_1405 = arith.mulf %gather3A_1404, %mul3A_1266 : vector<16xf32>
      %add3A_1406 = arith.addf %add3A_1400, %mul3A_1405 : vector<16xf32>
      %add3A_1407 = arith.constant 37 : i32
      %add3A_1408 = vector.broadcast %add3A_1407 : i32 to vector<16xi32>
      %add3A_1409 = arith.addi %broadcast_in_dim3A_1, %add3A_1408 : vector<16xi32>
      %gather3A_1410 = tpu.vector_load_idx %arg12[%add3A_1409] : memref<336xf32, #tpu.memory_space<vmem>>[vector<16xi32>], vector<16xf32>,
      %mul3A_1411 = arith.mulf %gather3A_1410, %mul3A_1267 : vector<16xf32>
      %add3A_1412 = arith.addf %add3A_1406, %mul3A_1411 : vector<16xf32>
      %add3A_1413 = arith.constant 38 : i32
      %add3A_1414 = vector.broadcast %add3A_1413 : i32 to vector<16xi32>
      %add3A_1415 = arith.addi %broadcast_in_dim3A_1, %add3A_1414 : vector<16xi32>
      %gather3A_1416 = tpu.vector_load_idx %arg12[%add3A_1415] : memref<336xf32, #tpu.memory_space<vmem>>[vector<16xi32>], vector<16xf32>,
      %mul3A_1417 = arith.mulf %gather3A_1416, %mul3A_1268 : vector<16xf32>
      %add3A_1418 = arith.addf %add3A_1412, %mul3A_1417 : vector<16xf32>
      %add3A_1419 = arith.constant 39 : i32
      %add3A_1420 = vector.broadcast %add3A_1419 : i32 to vector<16xi32>
      %add3A_1421 = arith.addi %broadcast_in_dim3A_1, %add3A_1420 : vector<16xi32>
      %gather3A_1422 = tpu.vector_load_idx %arg12[%add3A_1421] : memref<336xf32, #tpu.memory_space<vmem>>[vector<16xi32>], vector<16xf32>,
      %mul3A_1423 = arith.mulf %gather3A_1422, %mul3A_1269 : vector<16xf32>
      %add3A_1424 = arith.addf %add3A_1418, %mul3A_1423 : vector<16xf32>
      %add3A_1425 = arith.constant 40 : i32
      %add3A_1426 = vector.broadcast %add3A_1425 : i32 to vector<16xi32>
      %add3A_1427 = arith.addi %broadcast_in_dim3A_1, %add3A_1426 : vector<16xi32>
      %gather3A_1428 = tpu.vector_load_idx %arg12[%add3A_1427] : memref<336xf32, #tpu.memory_space<vmem>>[vector<16xi32>], vector<16xf32>,
      %mul3A_1429 = arith.mulf %gather3A_1428, %mul3A_1270 : vector<16xf32>
      %add3A_1430 = arith.addf %add3A_1424, %mul3A_1429 : vector<16xf32>
      %add3A_1431 = arith.constant 41 : i32
      %add3A_1432 = vector.broadcast %add3A_1431 : i32 to vector<16xi32>
      %add3A_1433 = arith.addi %broadcast_in_dim3A_1, %add3A_1432 : vector<16xi32>
      %gather3A_1434 = tpu.vector_load_idx %arg12[%add3A_1433] : memref<336xf32, #tpu.memory_space<vmem>>[vector<16xi32>], vector<16xf32>,
      %mul3A_1435 = arith.mulf %gather3A_1434, %mul3A_1271 : vector<16xf32>
      %add3A_1436 = arith.addf %add3A_1430, %mul3A_1435 : vector<16xf32>
      %add3A_1437 = arith.constant 42 : i32
      %add3A_1438 = vector.broadcast %add3A_1437 : i32 to vector<16xi32>
      %add3A_1439 = arith.addi %broadcast_in_dim3A_1, %add3A_1438 : vector<16xi32>
      %gather3A_1440 = tpu.vector_load_idx %arg12[%add3A_1439] : memref<336xf32, #tpu.memory_space<vmem>>[vector<16xi32>], vector<16xf32>,
      %mul3A_1441 = arith.mulf %gather3A_1440, %mul3A_1272 : vector<16xf32>
      %add3A_1442 = arith.addf %add3A_1436, %mul3A_1441 : vector<16xf32>
      %add3A_1443 = arith.constant 43 : i32
      %add3A_1444 = vector.broadcast %add3A_1443 : i32 to vector<16xi32>
      %add3A_1445 = arith.addi %broadcast_in_dim3A_1, %add3A_1444 : vector<16xi32>
      %gather3A_1446 = tpu.vector_load_idx %arg12[%add3A_1445] : memref<336xf32, #tpu.memory_space<vmem>>[vector<16xi32>], vector<16xf32>,
      %mul3A_1447 = arith.mulf %gather3A_1446, %mul3A_1273 : vector<16xf32>
      %add3A_1448 = arith.addf %add3A_1442, %mul3A_1447 : vector<16xf32>
      %add3A_1449 = arith.constant 44 : i32
      %add3A_1450 = vector.broadcast %add3A_1449 : i32 to vector<16xi32>
      %add3A_1451 = arith.addi %broadcast_in_dim3A_1, %add3A_1450 : vector<16xi32>
      %gather3A_1452 = tpu.vector_load_idx %arg12[%add3A_1451] : memref<336xf32, #tpu.memory_space<vmem>>[vector<16xi32>], vector<16xf32>,
      %mul3A_1453 = arith.mulf %gather3A_1452, %mul3A_1274 : vector<16xf32>
      %add3A_1454 = arith.addf %add3A_1448, %mul3A_1453 : vector<16xf32>
      %add3A_1455 = arith.constant 45 : i32
      %add3A_1456 = vector.broadcast %add3A_1455 : i32 to vector<16xi32>
      %add3A_1457 = arith.addi %broadcast_in_dim3A_1, %add3A_1456 : vector<16xi32>
      %gather3A_1458 = tpu.vector_load_idx %arg12[%add3A_1457] : memref<336xf32, #tpu.memory_space<vmem>>[vector<16xi32>], vector<16xf32>,
      %mul3A_1459 = arith.mulf %gather3A_1458, %mul3A_1275 : vector<16xf32>
      %add3A_1460 = arith.addf %add3A_1454, %mul3A_1459 : vector<16xf32>
      %add3A_1461 = arith.constant 46 : i32
      %add3A_1462 = vector.broadcast %add3A_1461 : i32 to vector<16xi32>
      %add3A_1463 = arith.addi %broadcast_in_dim3A_1, %add3A_1462 : vector<16xi32>
      %gather3A_1464 = tpu.vector_load_idx %arg12[%add3A_1463] : memref<336xf32, #tpu.memory_space<vmem>>[vector<16xi32>], vector<16xf32>,
      %mul3A_1465 = arith.mulf %gather3A_1464, %mul3A_1276 : vector<16xf32>
      %add3A_1466 = arith.addf %add3A_1460, %mul3A_1465 : vector<16xf32>
      %add3A_1467 = arith.constant 47 : i32
      %add3A_1468 = vector.broadcast %add3A_1467 : i32 to vector<16xi32>
      %add3A_1469 = arith.addi %broadcast_in_dim3A_1, %add3A_1468 : vector<16xi32>
      %gather3A_1470 = tpu.vector_load_idx %arg12[%add3A_1469] : memref<336xf32, #tpu.memory_space<vmem>>[vector<16xi32>], vector<16xf32>,
      %mul3A_1471 = arith.mulf %gather3A_1470, %mul3A_1277 : vector<16xf32>
      %add3A_1472 = arith.addf %add3A_1466, %mul3A_1471 : vector<16xf32>
      %add3A_1473 = arith.constant 0 : i32
      %add3A_1474 = vector.broadcast %add3A_1473 : i32 to vector<16xi32>
      %add3A_1475 = arith.addi %broadcast_in_dim3A_1, %add3A_1474 : vector<16xi32>
      tpu.vector_store_idx %arg14[%iota3A, %add3A_1475], %add3A_1472 : memref<16x10xf32, #tpu.memory_space<vmem>>[vector<16xi32>, vector<16xi32>], vector<16xf32>,
      %add3A_1476 = arith.constant 17 : i32
      %add3A_1477 = vector.broadcast %add3A_1476 : i32 to vector<16xi32>
      %add3A_1478 = arith.addi %broadcast_in_dim3A_1, %add3A_1477 : vector<16xi32>
      %gather3A_1479 = tpu.vector_load_idx %arg13[%add3A_1478] : memref<32xf32, #tpu.memory_space<vmem>>[vector<16xi32>], vector<16xf32>,
      %add3A_1480 = arith.constant 48 : i32
      %add3A_1481 = vector.broadcast %add3A_1480 : i32 to vector<16xi32>
      %add3A_1482 = arith.addi %broadcast_in_dim3A_1, %add3A_1481 : vector<16xi32>
      %gather3A_1483 = tpu.vector_load_idx %arg12[%add3A_1482] : memref<336xf32, #tpu.memory_space<vmem>>[vector<16xi32>], vector<16xf32>,
      %mul3A_1484 = arith.mulf %gather3A_1483, %mul3A_1246 : vector<16xf32>
      %add3A_1485 = arith.addf %gather3A_1479, %mul3A_1484 : vector<16xf32>
      %add3A_1486 = arith.constant 49 : i32
      %add3A_1487 = vector.broadcast %add3A_1486 : i32 to vector<16xi32>
      %add3A_1488 = arith.addi %broadcast_in_dim3A_1, %add3A_1487 : vector<16xi32>
      %gather3A_1489 = tpu.vector_load_idx %arg12[%add3A_1488] : memref<336xf32, #tpu.memory_space<vmem>>[vector<16xi32>], vector<16xf32>,
      %mul3A_1490 = arith.mulf %gather3A_1489, %mul3A_1247 : vector<16xf32>
      %add3A_1491 = arith.addf %add3A_1485, %mul3A_1490 : vector<16xf32>
      %add3A_1492 = arith.constant 50 : i32
      %add3A_1493 = vector.broadcast %add3A_1492 : i32 to vector<16xi32>
      %add3A_1494 = arith.addi %broadcast_in_dim3A_1, %add3A_1493 : vector<16xi32>
      %gather3A_1495 = tpu.vector_load_idx %arg12[%add3A_1494] : memref<336xf32, #tpu.memory_space<vmem>>[vector<16xi32>], vector<16xf32>,
      %mul3A_1496 = arith.mulf %gather3A_1495, %mul3A_1248 : vector<16xf32>
      %add3A_1497 = arith.addf %add3A_1491, %mul3A_1496 : vector<16xf32>
      %add3A_1498 = arith.constant 51 : i32
      %add3A_1499 = vector.broadcast %add3A_1498 : i32 to vector<16xi32>
      %add3A_1500 = arith.addi %broadcast_in_dim3A_1, %add3A_1499 : vector<16xi32>
      %gather3A_1501 = tpu.vector_load_idx %arg12[%add3A_1500] : memref<336xf32, #tpu.memory_space<vmem>>[vector<16xi32>], vector<16xf32>,
      %mul3A_1502 = arith.mulf %gather3A_1501, %mul3A_1249 : vector<16xf32>
      %add3A_1503 = arith.addf %add3A_1497, %mul3A_1502 : vector<16xf32>
      %add3A_1504 = arith.constant 52 : i32
      %add3A_1505 = vector.broadcast %add3A_1504 : i32 to vector<16xi32>
      %add3A_1506 = arith.addi %broadcast_in_dim3A_1, %add3A_1505 : vector<16xi32>
      %gather3A_1507 = tpu.vector_load_idx %arg12[%add3A_1506] : memref<336xf32, #tpu.memory_space<vmem>>[vector<16xi32>], vector<16xf32>,
      %mul3A_1508 = arith.mulf %gather3A_1507, %mul3A_1250 : vector<16xf32>
      %add3A_1509 = arith.addf %add3A_1503, %mul3A_1508 : vector<16xf32>
      %add3A_1510 = arith.constant 53 : i32
      %add3A_1511 = vector.broadcast %add3A_1510 : i32 to vector<16xi32>
      %add3A_1512 = arith.addi %broadcast_in_dim3A_1, %add3A_1511 : vector<16xi32>
      %gather3A_1513 = tpu.vector_load_idx %arg12[%add3A_1512] : memref<336xf32, #tpu.memory_space<vmem>>[vector<16xi32>], vector<16xf32>,
      %mul3A_1514 = arith.mulf %gather3A_1513, %mul3A_1251 : vector<16xf32>
      %add3A_1515 = arith.addf %add3A_1509, %mul3A_1514 : vector<16xf32>
      %add3A_1516 = arith.constant 54 : i32
      %add3A_1517 = vector.broadcast %add3A_1516 : i32 to vector<16xi32>
      %add3A_1518 = arith.addi %broadcast_in_dim3A_1, %add3A_1517 : vector<16xi32>
      %gather3A_1519 = tpu.vector_load_idx %arg12[%add3A_1518] : memref<336xf32, #tpu.memory_space<vmem>>[vector<16xi32>], vector<16xf32>,
      %mul3A_1520 = arith.mulf %gather3A_1519, %mul3A_1252 : vector<16xf32>
      %add3A_1521 = arith.addf %add3A_1515, %mul3A_1520 : vector<16xf32>
      %add3A_1522 = arith.constant 55 : i32
      %add3A_1523 = vector.broadcast %add3A_1522 : i32 to vector<16xi32>
      %add3A_1524 = arith.addi %broadcast_in_dim3A_1, %add3A_1523 : vector<16xi32>
      %gather3A_1525 = tpu.vector_load_idx %arg12[%add3A_1524] : memref<336xf32, #tpu.memory_space<vmem>>[vector<16xi32>], vector<16xf32>,
      %mul3A_1526 = arith.mulf %gather3A_1525, %mul3A_1253 : vector<16xf32>
      %add3A_1527 = arith.addf %add3A_1521, %mul3A_1526 : vector<16xf32>
      %add3A_1528 = arith.constant 56 : i32
      %add3A_1529 = vector.broadcast %add3A_1528 : i32 to vector<16xi32>
      %add3A_1530 = arith.addi %broadcast_in_dim3A_1, %add3A_1529 : vector<16xi32>
      %gather3A_1531 = tpu.vector_load_idx %arg12[%add3A_1530] : memref<336xf32, #tpu.memory_space<vmem>>[vector<16xi32>], vector<16xf32>,
      %mul3A_1532 = arith.mulf %gather3A_1531, %mul3A_1254 : vector<16xf32>
      %add3A_1533 = arith.addf %add3A_1527, %mul3A_1532 : vector<16xf32>
      %add3A_1534 = arith.constant 57 : i32
      %add3A_1535 = vector.broadcast %add3A_1534 : i32 to vector<16xi32>
      %add3A_1536 = arith.addi %broadcast_in_dim3A_1, %add3A_1535 : vector<16xi32>
      %gather3A_1537 = tpu.vector_load_idx %arg12[%add3A_1536] : memref<336xf32, #tpu.memory_space<vmem>>[vector<16xi32>], vector<16xf32>,
      %mul3A_1538 = arith.mulf %gather3A_1537, %mul3A_1255 : vector<16xf32>
      %add3A_1539 = arith.addf %add3A_1533, %mul3A_1538 : vector<16xf32>
      %add3A_1540 = arith.constant 58 : i32
      %add3A_1541 = vector.broadcast %add3A_1540 : i32 to vector<16xi32>
      %add3A_1542 = arith.addi %broadcast_in_dim3A_1, %add3A_1541 : vector<16xi32>
      %gather3A_1543 = tpu.vector_load_idx %arg12[%add3A_1542] : memref<336xf32, #tpu.memory_space<vmem>>[vector<16xi32>], vector<16xf32>,
      %mul3A_1544 = arith.mulf %gather3A_1543, %mul3A_1256 : vector<16xf32>
      %add3A_1545 = arith.addf %add3A_1539, %mul3A_1544 : vector<16xf32>
      %add3A_1546 = arith.constant 59 : i32
      %add3A_1547 = vector.broadcast %add3A_1546 : i32 to vector<16xi32>
      %add3A_1548 = arith.addi %broadcast_in_dim3A_1, %add3A_1547 : vector<16xi32>
      %gather3A_1549 = tpu.vector_load_idx %arg12[%add3A_1548] : memref<336xf32, #tpu.memory_space<vmem>>[vector<16xi32>], vector<16xf32>,
      %mul3A_1550 = arith.mulf %gather3A_1549, %mul3A_1257 : vector<16xf32>
      %add3A_1551 = arith.addf %add3A_1545, %mul3A_1550 : vector<16xf32>
      %add3A_1552 = arith.constant 60 : i32
      %add3A_1553 = vector.broadcast %add3A_1552 : i32 to vector<16xi32>
      %add3A_1554 = arith.addi %broadcast_in_dim3A_1, %add3A_1553 : vector<16xi32>
      %gather3A_1555 = tpu.vector_load_idx %arg12[%add3A_1554] : memref<336xf32, #tpu.memory_space<vmem>>[vector<16xi32>], vector<16xf32>,
      %mul3A_1556 = arith.mulf %gather3A_1555, %mul3A_1258 : vector<16xf32>
      %add3A_1557 = arith.addf %add3A_1551, %mul3A_1556 : vector<16xf32>
      %add3A_1558 = arith.constant 61 : i32
      %add3A_1559 = vector.broadcast %add3A_1558 : i32 to vector<16xi32>
      %add3A_1560 = arith.addi %broadcast_in_dim3A_1, %add3A_1559 : vector<16xi32>
      %gather3A_1561 = tpu.vector_load_idx %arg12[%add3A_1560] : memref<336xf32, #tpu.memory_space<vmem>>[vector<16xi32>], vector<16xf32>,
      %mul3A_1562 = arith.mulf %gather3A_1561, %mul3A_1259 : vector<16xf32>
      %add3A_1563 = arith.addf %add3A_1557, %mul3A_1562 : vector<16xf32>
      %add3A_1564 = arith.constant 62 : i32
      %add3A_1565 = vector.broadcast %add3A_1564 : i32 to vector<16xi32>
      %add3A_1566 = arith.addi %broadcast_in_dim3A_1, %add3A_1565 : vector<16xi32>
      %gather3A_1567 = tpu.vector_load_idx %arg12[%add3A_1566] : memref<336xf32, #tpu.memory_space<vmem>>[vector<16xi32>], vector<16xf32>,
      %mul3A_1568 = arith.mulf %gather3A_1567, %mul3A_1260 : vector<16xf32>
      %add3A_1569 = arith.addf %add3A_1563, %mul3A_1568 : vector<16xf32>
      %add3A_1570 = arith.constant 63 : i32
      %add3A_1571 = vector.broadcast %add3A_1570 : i32 to vector<16xi32>
      %add3A_1572 = arith.addi %broadcast_in_dim3A_1, %add3A_1571 : vector<16xi32>
      %gather3A_1573 = tpu.vector_load_idx %arg12[%add3A_1572] : memref<336xf32, #tpu.memory_space<vmem>>[vector<16xi32>], vector<16xf32>,
      %mul3A_1574 = arith.mulf %gather3A_1573, %mul3A_1261 : vector<16xf32>
      %add3A_1575 = arith.addf %add3A_1569, %mul3A_1574 : vector<16xf32>
      %add3A_1576 = arith.constant 64 : i32
      %add3A_1577 = vector.broadcast %add3A_1576 : i32 to vector<16xi32>
      %add3A_1578 = arith.addi %broadcast_in_dim3A_1, %add3A_1577 : vector<16xi32>
      %gather3A_1579 = tpu.vector_load_idx %arg12[%add3A_1578] : memref<336xf32, #tpu.memory_space<vmem>>[vector<16xi32>], vector<16xf32>,
      %mul3A_1580 = arith.mulf %gather3A_1579, %mul3A_1262 : vector<16xf32>
      %add3A_1581 = arith.addf %add3A_1575, %mul3A_1580 : vector<16xf32>
      %add3A_1582 = arith.constant 65 : i32
      %add3A_1583 = vector.broadcast %add3A_1582 : i32 to vector<16xi32>
      %add3A_1584 = arith.addi %broadcast_in_dim3A_1, %add3A_1583 : vector<16xi32>
      %gather3A_1585 = tpu.vector_load_idx %arg12[%add3A_1584] : memref<336xf32, #tpu.memory_space<vmem>>[vector<16xi32>], vector<16xf32>,
      %mul3A_1586 = arith.mulf %gather3A_1585, %mul3A_1263 : vector<16xf32>
      %add3A_1587 = arith.addf %add3A_1581, %mul3A_1586 : vector<16xf32>
      %add3A_1588 = arith.constant 66 : i32
      %add3A_1589 = vector.broadcast %add3A_1588 : i32 to vector<16xi32>
      %add3A_1590 = arith.addi %broadcast_in_dim3A_1, %add3A_1589 : vector<16xi32>
      %gather3A_1591 = tpu.vector_load_idx %arg12[%add3A_1590] : memref<336xf32, #tpu.memory_space<vmem>>[vector<16xi32>], vector<16xf32>,
      %mul3A_1592 = arith.mulf %gather3A_1591, %mul3A_1264 : vector<16xf32>
      %add3A_1593 = arith.addf %add3A_1587, %mul3A_1592 : vector<16xf32>
      %add3A_1594 = arith.constant 67 : i32
      %add3A_1595 = vector.broadcast %add3A_1594 : i32 to vector<16xi32>
      %add3A_1596 = arith.addi %broadcast_in_dim3A_1, %add3A_1595 : vector<16xi32>
      %gather3A_1597 = tpu.vector_load_idx %arg12[%add3A_1596] : memref<336xf32, #tpu.memory_space<vmem>>[vector<16xi32>], vector<16xf32>,
      %mul3A_1598 = arith.mulf %gather3A_1597, %mul3A_1265 : vector<16xf32>
      %add3A_1599 = arith.addf %add3A_1593, %mul3A_1598 : vector<16xf32>
      %add3A_1600 = arith.constant 68 : i32
      %add3A_1601 = vector.broadcast %add3A_1600 : i32 to vector<16xi32>
      %add3A_1602 = arith.addi %broadcast_in_dim3A_1, %add3A_1601 : vector<16xi32>
      %gather3A_1603 = tpu.vector_load_idx %arg12[%add3A_1602] : memref<336xf32, #tpu.memory_space<vmem>>[vector<16xi32>], vector<16xf32>,
      %mul3A_1604 = arith.mulf %gather3A_1603, %mul3A_1266 : vector<16xf32>
      %add3A_1605 = arith.addf %add3A_1599, %mul3A_1604 : vector<16xf32>
      %add3A_1606 = arith.constant 69 : i32
      %add3A_1607 = vector.broadcast %add3A_1606 : i32 to vector<16xi32>
      %add3A_1608 = arith.addi %broadcast_in_dim3A_1, %add3A_1607 : vector<16xi32>
      %gather3A_1609 = tpu.vector_load_idx %arg12[%add3A_1608] : memref<336xf32, #tpu.memory_space<vmem>>[vector<16xi32>], vector<16xf32>,
      %mul3A_1610 = arith.mulf %gather3A_1609, %mul3A_1267 : vector<16xf32>
      %add3A_1611 = arith.addf %add3A_1605, %mul3A_1610 : vector<16xf32>
      %add3A_1612 = arith.constant 70 : i32
      %add3A_1613 = vector.broadcast %add3A_1612 : i32 to vector<16xi32>
      %add3A_1614 = arith.addi %broadcast_in_dim3A_1, %add3A_1613 : vector<16xi32>
      %gather3A_1615 = tpu.vector_load_idx %arg12[%add3A_1614] : memref<336xf32, #tpu.memory_space<vmem>>[vector<16xi32>], vector<16xf32>,
      %mul3A_1616 = arith.mulf %gather3A_1615, %mul3A_1268 : vector<16xf32>
      %add3A_1617 = arith.addf %add3A_1611, %mul3A_1616 : vector<16xf32>
      %add3A_1618 = arith.constant 71 : i32
      %add3A_1619 = vector.broadcast %add3A_1618 : i32 to vector<16xi32>
      %add3A_1620 = arith.addi %broadcast_in_dim3A_1, %add3A_1619 : vector<16xi32>
      %gather3A_1621 = tpu.vector_load_idx %arg12[%add3A_1620] : memref<336xf32, #tpu.memory_space<vmem>>[vector<16xi32>], vector<16xf32>,
      %mul3A_1622 = arith.mulf %gather3A_1621, %mul3A_1269 : vector<16xf32>
      %add3A_1623 = arith.addf %add3A_1617, %mul3A_1622 : vector<16xf32>
      %add3A_1624 = arith.constant 72 : i32
      %add3A_1625 = vector.broadcast %add3A_1624 : i32 to vector<16xi32>
      %add3A_1626 = arith.addi %broadcast_in_dim3A_1, %add3A_1625 : vector<16xi32>
      %gather3A_1627 = tpu.vector_load_idx %arg12[%add3A_1626] : memref<336xf32, #tpu.memory_space<vmem>>[vector<16xi32>], vector<16xf32>,
      %mul3A_1628 = arith.mulf %gather3A_1627, %mul3A_1270 : vector<16xf32>
      %add3A_1629 = arith.addf %add3A_1623, %mul3A_1628 : vector<16xf32>
      %add3A_1630 = arith.constant 73 : i32
      %add3A_1631 = vector.broadcast %add3A_1630 : i32 to vector<16xi32>
      %add3A_1632 = arith.addi %broadcast_in_dim3A_1, %add3A_1631 : vector<16xi32>
      %gather3A_1633 = tpu.vector_load_idx %arg12[%add3A_1632] : memref<336xf32, #tpu.memory_space<vmem>>[vector<16xi32>], vector<16xf32>,
      %mul3A_1634 = arith.mulf %gather3A_1633, %mul3A_1271 : vector<16xf32>
      %add3A_1635 = arith.addf %add3A_1629, %mul3A_1634 : vector<16xf32>
      %add3A_1636 = arith.constant 74 : i32
      %add3A_1637 = vector.broadcast %add3A_1636 : i32 to vector<16xi32>
      %add3A_1638 = arith.addi %broadcast_in_dim3A_1, %add3A_1637 : vector<16xi32>
      %gather3A_1639 = tpu.vector_load_idx %arg12[%add3A_1638] : memref<336xf32, #tpu.memory_space<vmem>>[vector<16xi32>], vector<16xf32>,
      %mul3A_1640 = arith.mulf %gather3A_1639, %mul3A_1272 : vector<16xf32>
      %add3A_1641 = arith.addf %add3A_1635, %mul3A_1640 : vector<16xf32>
      %add3A_1642 = arith.constant 75 : i32
      %add3A_1643 = vector.broadcast %add3A_1642 : i32 to vector<16xi32>
      %add3A_1644 = arith.addi %broadcast_in_dim3A_1, %add3A_1643 : vector<16xi32>
      %gather3A_1645 = tpu.vector_load_idx %arg12[%add3A_1644] : memref<336xf32, #tpu.memory_space<vmem>>[vector<16xi32>], vector<16xf32>,
      %mul3A_1646 = arith.mulf %gather3A_1645, %mul3A_1273 : vector<16xf32>
      %add3A_1647 = arith.addf %add3A_1641, %mul3A_1646 : vector<16xf32>
      %add3A_1648 = arith.constant 76 : i32
      %add3A_1649 = vector.broadcast %add3A_1648 : i32 to vector<16xi32>
      %add3A_1650 = arith.addi %broadcast_in_dim3A_1, %add3A_1649 : vector<16xi32>
      %gather3A_1651 = tpu.vector_load_idx %arg12[%add3A_1650] : memref<336xf32, #tpu.memory_space<vmem>>[vector<16xi32>], vector<16xf32>,
      %mul3A_1652 = arith.mulf %gather3A_1651, %mul3A_1274 : vector<16xf32>
      %add3A_1653 = arith.addf %add3A_1647, %mul3A_1652 : vector<16xf32>
      %add3A_1654 = arith.constant 77 : i32
      %add3A_1655 = vector.broadcast %add3A_1654 : i32 to vector<16xi32>
      %add3A_1656 = arith.addi %broadcast_in_dim3A_1, %add3A_1655 : vector<16xi32>
      %gather3A_1657 = tpu.vector_load_idx %arg12[%add3A_1656] : memref<336xf32, #tpu.memory_space<vmem>>[vector<16xi32>], vector<16xf32>,
      %mul3A_1658 = arith.mulf %gather3A_1657, %mul3A_1275 : vector<16xf32>
      %add3A_1659 = arith.addf %add3A_1653, %mul3A_1658 : vector<16xf32>
      %add3A_1660 = arith.constant 78 : i32
      %add3A_1661 = vector.broadcast %add3A_1660 : i32 to vector<16xi32>
      %add3A_1662 = arith.addi %broadcast_in_dim3A_1, %add3A_1661 : vector<16xi32>
      %gather3A_1663 = tpu.vector_load_idx %arg12[%add3A_1662] : memref<336xf32, #tpu.memory_space<vmem>>[vector<16xi32>], vector<16xf32>,
      %mul3A_1664 = arith.mulf %gather3A_1663, %mul3A_1276 : vector<16xf32>
      %add3A_1665 = arith.addf %add3A_1659, %mul3A_1664 : vector<16xf32>
      %add3A_1666 = arith.constant 79 : i32
      %add3A_1667 = vector.broadcast %add3A_1666 : i32 to vector<16xi32>
      %add3A_1668 = arith.addi %broadcast_in_dim3A_1, %add3A_1667 : vector<16xi32>
      %gather3A_1669 = tpu.vector_load_idx %arg12[%add3A_1668] : memref<336xf32, #tpu.memory_space<vmem>>[vector<16xi32>], vector<16xf32>,
      %mul3A_1670 = arith.mulf %gather3A_1669, %mul3A_1277 : vector<16xf32>
      %add3A_1671 = arith.addf %add3A_1665, %mul3A_1670 : vector<16xf32>
      %add3A_1672 = arith.constant 1 : i32
      %add3A_1673 = vector.broadcast %add3A_1672 : i32 to vector<16xi32>
      %add3A_1674 = arith.addi %broadcast_in_dim3A_1, %add3A_1673 : vector<16xi32>
      tpu.vector_store_idx %arg14[%iota3A, %add3A_1674], %add3A_1671 : memref<16x10xf32, #tpu.memory_space<vmem>>[vector<16xi32>, vector<16xi32>], vector<16xf32>,
      %add3A_1675 = arith.constant 18 : i32
      %add3A_1676 = vector.broadcast %add3A_1675 : i32 to vector<16xi32>
      %add3A_1677 = arith.addi %broadcast_in_dim3A_1, %add3A_1676 : vector<16xi32>
      %gather3A_1678 = tpu.vector_load_idx %arg13[%add3A_1677] : memref<32xf32, #tpu.memory_space<vmem>>[vector<16xi32>], vector<16xf32>,
      %add3A_1679 = arith.constant 80 : i32
      %add3A_1680 = vector.broadcast %add3A_1679 : i32 to vector<16xi32>
      %add3A_1681 = arith.addi %broadcast_in_dim3A_1, %add3A_1680 : vector<16xi32>
      %gather3A_1682 = tpu.vector_load_idx %arg12[%add3A_1681] : memref<336xf32, #tpu.memory_space<vmem>>[vector<16xi32>], vector<16xf32>,
      %mul3A_1683 = arith.mulf %gather3A_1682, %mul3A_1246 : vector<16xf32>
      %add3A_1684 = arith.addf %gather3A_1678, %mul3A_1683 : vector<16xf32>
      %add3A_1685 = arith.constant 81 : i32
      %add3A_1686 = vector.broadcast %add3A_1685 : i32 to vector<16xi32>
      %add3A_1687 = arith.addi %broadcast_in_dim3A_1, %add3A_1686 : vector<16xi32>
      %gather3A_1688 = tpu.vector_load_idx %arg12[%add3A_1687] : memref<336xf32, #tpu.memory_space<vmem>>[vector<16xi32>], vector<16xf32>,
      %mul3A_1689 = arith.mulf %gather3A_1688, %mul3A_1247 : vector<16xf32>
      %add3A_1690 = arith.addf %add3A_1684, %mul3A_1689 : vector<16xf32>
      %add3A_1691 = arith.constant 82 : i32
      %add3A_1692 = vector.broadcast %add3A_1691 : i32 to vector<16xi32>
      %add3A_1693 = arith.addi %broadcast_in_dim3A_1, %add3A_1692 : vector<16xi32>
      %gather3A_1694 = tpu.vector_load_idx %arg12[%add3A_1693] : memref<336xf32, #tpu.memory_space<vmem>>[vector<16xi32>], vector<16xf32>,
      %mul3A_1695 = arith.mulf %gather3A_1694, %mul3A_1248 : vector<16xf32>
      %add3A_1696 = arith.addf %add3A_1690, %mul3A_1695 : vector<16xf32>
      %add3A_1697 = arith.constant 83 : i32
      %add3A_1698 = vector.broadcast %add3A_1697 : i32 to vector<16xi32>
      %add3A_1699 = arith.addi %broadcast_in_dim3A_1, %add3A_1698 : vector<16xi32>
      %gather3A_1700 = tpu.vector_load_idx %arg12[%add3A_1699] : memref<336xf32, #tpu.memory_space<vmem>>[vector<16xi32>], vector<16xf32>,
      %mul3A_1701 = arith.mulf %gather3A_1700, %mul3A_1249 : vector<16xf32>
      %add3A_1702 = arith.addf %add3A_1696, %mul3A_1701 : vector<16xf32>
      %add3A_1703 = arith.constant 84 : i32
      %add3A_1704 = vector.broadcast %add3A_1703 : i32 to vector<16xi32>
      %add3A_1705 = arith.addi %broadcast_in_dim3A_1, %add3A_1704 : vector<16xi32>
      %gather3A_1706 = tpu.vector_load_idx %arg12[%add3A_1705] : memref<336xf32, #tpu.memory_space<vmem>>[vector<16xi32>], vector<16xf32>,
      %mul3A_1707 = arith.mulf %gather3A_1706, %mul3A_1250 : vector<16xf32>
      %add3A_1708 = arith.addf %add3A_1702, %mul3A_1707 : vector<16xf32>
      %add3A_1709 = arith.constant 85 : i32
      %add3A_1710 = vector.broadcast %add3A_1709 : i32 to vector<16xi32>
      %add3A_1711 = arith.addi %broadcast_in_dim3A_1, %add3A_1710 : vector<16xi32>
      %gather3A_1712 = tpu.vector_load_idx %arg12[%add3A_1711] : memref<336xf32, #tpu.memory_space<vmem>>[vector<16xi32>], vector<16xf32>,
      %mul3A_1713 = arith.mulf %gather3A_1712, %mul3A_1251 : vector<16xf32>
      %add3A_1714 = arith.addf %add3A_1708, %mul3A_1713 : vector<16xf32>
      %add3A_1715 = arith.constant 86 : i32
      %add3A_1716 = vector.broadcast %add3A_1715 : i32 to vector<16xi32>
      %add3A_1717 = arith.addi %broadcast_in_dim3A_1, %add3A_1716 : vector<16xi32>
      %gather3A_1718 = tpu.vector_load_idx %arg12[%add3A_1717] : memref<336xf32, #tpu.memory_space<vmem>>[vector<16xi32>], vector<16xf32>,
      %mul3A_1719 = arith.mulf %gather3A_1718, %mul3A_1252 : vector<16xf32>
      %add3A_1720 = arith.addf %add3A_1714, %mul3A_1719 : vector<16xf32>
      %add3A_1721 = arith.constant 87 : i32
      %add3A_1722 = vector.broadcast %add3A_1721 : i32 to vector<16xi32>
      %add3A_1723 = arith.addi %broadcast_in_dim3A_1, %add3A_1722 : vector<16xi32>
      %gather3A_1724 = tpu.vector_load_idx %arg12[%add3A_1723] : memref<336xf32, #tpu.memory_space<vmem>>[vector<16xi32>], vector<16xf32>,
      %mul3A_1725 = arith.mulf %gather3A_1724, %mul3A_1253 : vector<16xf32>
      %add3A_1726 = arith.addf %add3A_1720, %mul3A_1725 : vector<16xf32>
      %add3A_1727 = arith.constant 88 : i32
      %add3A_1728 = vector.broadcast %add3A_1727 : i32 to vector<16xi32>
      %add3A_1729 = arith.addi %broadcast_in_dim3A_1, %add3A_1728 : vector<16xi32>
      %gather3A_1730 = tpu.vector_load_idx %arg12[%add3A_1729] : memref<336xf32, #tpu.memory_space<vmem>>[vector<16xi32>], vector<16xf32>,
      %mul3A_1731 = arith.mulf %gather3A_1730, %mul3A_1254 : vector<16xf32>
      %add3A_1732 = arith.addf %add3A_1726, %mul3A_1731 : vector<16xf32>
      %add3A_1733 = arith.constant 89 : i32
      %add3A_1734 = vector.broadcast %add3A_1733 : i32 to vector<16xi32>
      %add3A_1735 = arith.addi %broadcast_in_dim3A_1, %add3A_1734 : vector<16xi32>
      %gather3A_1736 = tpu.vector_load_idx %arg12[%add3A_1735] : memref<336xf32, #tpu.memory_space<vmem>>[vector<16xi32>], vector<16xf32>,
      %mul3A_1737 = arith.mulf %gather3A_1736, %mul3A_1255 : vector<16xf32>
      %add3A_1738 = arith.addf %add3A_1732, %mul3A_1737 : vector<16xf32>
      %add3A_1739 = arith.constant 90 : i32
      %add3A_1740 = vector.broadcast %add3A_1739 : i32 to vector<16xi32>
      %add3A_1741 = arith.addi %broadcast_in_dim3A_1, %add3A_1740 : vector<16xi32>
      %gather3A_1742 = tpu.vector_load_idx %arg12[%add3A_1741] : memref<336xf32, #tpu.memory_space<vmem>>[vector<16xi32>], vector<16xf32>,
      %mul3A_1743 = arith.mulf %gather3A_1742, %mul3A_1256 : vector<16xf32>
      %add3A_1744 = arith.addf %add3A_1738, %mul3A_1743 : vector<16xf32>
      %add3A_1745 = arith.constant 91 : i32
      %add3A_1746 = vector.broadcast %add3A_1745 : i32 to vector<16xi32>
      %add3A_1747 = arith.addi %broadcast_in_dim3A_1, %add3A_1746 : vector<16xi32>
      %gather3A_1748 = tpu.vector_load_idx %arg12[%add3A_1747] : memref<336xf32, #tpu.memory_space<vmem>>[vector<16xi32>], vector<16xf32>,
      %mul3A_1749 = arith.mulf %gather3A_1748, %mul3A_1257 : vector<16xf32>
      %add3A_1750 = arith.addf %add3A_1744, %mul3A_1749 : vector<16xf32>
      %add3A_1751 = arith.constant 92 : i32
      %add3A_1752 = vector.broadcast %add3A_1751 : i32 to vector<16xi32>
      %add3A_1753 = arith.addi %broadcast_in_dim3A_1, %add3A_1752 : vector<16xi32>
      %gather3A_1754 = tpu.vector_load_idx %arg12[%add3A_1753] : memref<336xf32, #tpu.memory_space<vmem>>[vector<16xi32>], vector<16xf32>,
      %mul3A_1755 = arith.mulf %gather3A_1754, %mul3A_1258 : vector<16xf32>
      %add3A_1756 = arith.addf %add3A_1750, %mul3A_1755 : vector<16xf32>
      %add3A_1757 = arith.constant 93 : i32
      %add3A_1758 = vector.broadcast %add3A_1757 : i32 to vector<16xi32>
      %add3A_1759 = arith.addi %broadcast_in_dim3A_1, %add3A_1758 : vector<16xi32>
      %gather3A_1760 = tpu.vector_load_idx %arg12[%add3A_1759] : memref<336xf32, #tpu.memory_space<vmem>>[vector<16xi32>], vector<16xf32>,
      %mul3A_1761 = arith.mulf %gather3A_1760, %mul3A_1259 : vector<16xf32>
      %add3A_1762 = arith.addf %add3A_1756, %mul3A_1761 : vector<16xf32>
      %add3A_1763 = arith.constant 94 : i32
      %add3A_1764 = vector.broadcast %add3A_1763 : i32 to vector<16xi32>
      %add3A_1765 = arith.addi %broadcast_in_dim3A_1, %add3A_1764 : vector<16xi32>
      %gather3A_1766 = tpu.vector_load_idx %arg12[%add3A_1765] : memref<336xf32, #tpu.memory_space<vmem>>[vector<16xi32>], vector<16xf32>,
      %mul3A_1767 = arith.mulf %gather3A_1766, %mul3A_1260 : vector<16xf32>
      %add3A_1768 = arith.addf %add3A_1762, %mul3A_1767 : vector<16xf32>
      %add3A_1769 = arith.constant 95 : i32
      %add3A_1770 = vector.broadcast %add3A_1769 : i32 to vector<16xi32>
      %add3A_1771 = arith.addi %broadcast_in_dim3A_1, %add3A_1770 : vector<16xi32>
      %gather3A_1772 = tpu.vector_load_idx %arg12[%add3A_1771] : memref<336xf32, #tpu.memory_space<vmem>>[vector<16xi32>], vector<16xf32>,
      %mul3A_1773 = arith.mulf %gather3A_1772, %mul3A_1261 : vector<16xf32>
      %add3A_1774 = arith.addf %add3A_1768, %mul3A_1773 : vector<16xf32>
      %add3A_1775 = arith.constant 96 : i32
      %add3A_1776 = vector.broadcast %add3A_1775 : i32 to vector<16xi32>
      %add3A_1777 = arith.addi %broadcast_in_dim3A_1, %add3A_1776 : vector<16xi32>
      %gather3A_1778 = tpu.vector_load_idx %arg12[%add3A_1777] : memref<336xf32, #tpu.memory_space<vmem>>[vector<16xi32>], vector<16xf32>,
      %mul3A_1779 = arith.mulf %gather3A_1778, %mul3A_1262 : vector<16xf32>
      %add3A_1780 = arith.addf %add3A_1774, %mul3A_1779 : vector<16xf32>
      %add3A_1781 = arith.constant 97 : i32
      %add3A_1782 = vector.broadcast %add3A_1781 : i32 to vector<16xi32>
      %add3A_1783 = arith.addi %broadcast_in_dim3A_1, %add3A_1782 : vector<16xi32>
      %gather3A_1784 = tpu.vector_load_idx %arg12[%add3A_1783] : memref<336xf32, #tpu.memory_space<vmem>>[vector<16xi32>], vector<16xf32>,
      %mul3A_1785 = arith.mulf %gather3A_1784, %mul3A_1263 : vector<16xf32>
      %add3A_1786 = arith.addf %add3A_1780, %mul3A_1785 : vector<16xf32>
      %add3A_1787 = arith.constant 98 : i32
      %add3A_1788 = vector.broadcast %add3A_1787 : i32 to vector<16xi32>
      %add3A_1789 = arith.addi %broadcast_in_dim3A_1, %add3A_1788 : vector<16xi32>
      %gather3A_1790 = tpu.vector_load_idx %arg12[%add3A_1789] : memref<336xf32, #tpu.memory_space<vmem>>[vector<16xi32>], vector<16xf32>,
      %mul3A_1791 = arith.mulf %gather3A_1790, %mul3A_1264 : vector<16xf32>
      %add3A_1792 = arith.addf %add3A_1786, %mul3A_1791 : vector<16xf32>
      %add3A_1793 = arith.constant 99 : i32
      %add3A_1794 = vector.broadcast %add3A_1793 : i32 to vector<16xi32>
      %add3A_1795 = arith.addi %broadcast_in_dim3A_1, %add3A_1794 : vector<16xi32>
      %gather3A_1796 = tpu.vector_load_idx %arg12[%add3A_1795] : memref<336xf32, #tpu.memory_space<vmem>>[vector<16xi32>], vector<16xf32>,
      %mul3A_1797 = arith.mulf %gather3A_1796, %mul3A_1265 : vector<16xf32>
      %add3A_1798 = arith.addf %add3A_1792, %mul3A_1797 : vector<16xf32>
      %add3A_1799 = arith.constant 100 : i32
      %add3A_1800 = vector.broadcast %add3A_1799 : i32 to vector<16xi32>
      %add3A_1801 = arith.addi %broadcast_in_dim3A_1, %add3A_1800 : vector<16xi32>
      %gather3A_1802 = tpu.vector_load_idx %arg12[%add3A_1801] : memref<336xf32, #tpu.memory_space<vmem>>[vector<16xi32>], vector<16xf32>,
      %mul3A_1803 = arith.mulf %gather3A_1802, %mul3A_1266 : vector<16xf32>
      %add3A_1804 = arith.addf %add3A_1798, %mul3A_1803 : vector<16xf32>
      %add3A_1805 = arith.constant 101 : i32
      %add3A_1806 = vector.broadcast %add3A_1805 : i32 to vector<16xi32>
      %add3A_1807 = arith.addi %broadcast_in_dim3A_1, %add3A_1806 : vector<16xi32>
      %gather3A_1808 = tpu.vector_load_idx %arg12[%add3A_1807] : memref<336xf32, #tpu.memory_space<vmem>>[vector<16xi32>], vector<16xf32>,
      %mul3A_1809 = arith.mulf %gather3A_1808, %mul3A_1267 : vector<16xf32>
      %add3A_1810 = arith.addf %add3A_1804, %mul3A_1809 : vector<16xf32>
      %add3A_1811 = arith.constant 102 : i32
      %add3A_1812 = vector.broadcast %add3A_1811 : i32 to vector<16xi32>
      %add3A_1813 = arith.addi %broadcast_in_dim3A_1, %add3A_1812 : vector<16xi32>
      %gather3A_1814 = tpu.vector_load_idx %arg12[%add3A_1813] : memref<336xf32, #tpu.memory_space<vmem>>[vector<16xi32>], vector<16xf32>,
      %mul3A_1815 = arith.mulf %gather3A_1814, %mul3A_1268 : vector<16xf32>
      %add3A_1816 = arith.addf %add3A_1810, %mul3A_1815 : vector<16xf32>
      %add3A_1817 = arith.constant 103 : i32
      %add3A_1818 = vector.broadcast %add3A_1817 : i32 to vector<16xi32>
      %add3A_1819 = arith.addi %broadcast_in_dim3A_1, %add3A_1818 : vector<16xi32>
      %gather3A_1820 = tpu.vector_load_idx %arg12[%add3A_1819] : memref<336xf32, #tpu.memory_space<vmem>>[vector<16xi32>], vector<16xf32>,
      %mul3A_1821 = arith.mulf %gather3A_1820, %mul3A_1269 : vector<16xf32>
      %add3A_1822 = arith.addf %add3A_1816, %mul3A_1821 : vector<16xf32>
      %add3A_1823 = arith.constant 104 : i32
      %add3A_1824 = vector.broadcast %add3A_1823 : i32 to vector<16xi32>
      %add3A_1825 = arith.addi %broadcast_in_dim3A_1, %add3A_1824 : vector<16xi32>
      %gather3A_1826 = tpu.vector_load_idx %arg12[%add3A_1825] : memref<336xf32, #tpu.memory_space<vmem>>[vector<16xi32>], vector<16xf32>,
      %mul3A_1827 = arith.mulf %gather3A_1826, %mul3A_1270 : vector<16xf32>
      %add3A_1828 = arith.addf %add3A_1822, %mul3A_1827 : vector<16xf32>
      %add3A_1829 = arith.constant 105 : i32
      %add3A_1830 = vector.broadcast %add3A_1829 : i32 to vector<16xi32>
      %add3A_1831 = arith.addi %broadcast_in_dim3A_1, %add3A_1830 : vector<16xi32>
      %gather3A_1832 = tpu.vector_load_idx %arg12[%add3A_1831] : memref<336xf32, #tpu.memory_space<vmem>>[vector<16xi32>], vector<16xf32>,
      %mul3A_1833 = arith.mulf %gather3A_1832, %mul3A_1271 : vector<16xf32>
      %add3A_1834 = arith.addf %add3A_1828, %mul3A_1833 : vector<16xf32>
      %add3A_1835 = arith.constant 106 : i32
      %add3A_1836 = vector.broadcast %add3A_1835 : i32 to vector<16xi32>
      %add3A_1837 = arith.addi %broadcast_in_dim3A_1, %add3A_1836 : vector<16xi32>
      %gather3A_1838 = tpu.vector_load_idx %arg12[%add3A_1837] : memref<336xf32, #tpu.memory_space<vmem>>[vector<16xi32>], vector<16xf32>,
      %mul3A_1839 = arith.mulf %gather3A_1838, %mul3A_1272 : vector<16xf32>
      %add3A_1840 = arith.addf %add3A_1834, %mul3A_1839 : vector<16xf32>
      %add3A_1841 = arith.constant 107 : i32
      %add3A_1842 = vector.broadcast %add3A_1841 : i32 to vector<16xi32>
      %add3A_1843 = arith.addi %broadcast_in_dim3A_1, %add3A_1842 : vector<16xi32>
      %gather3A_1844 = tpu.vector_load_idx %arg12[%add3A_1843] : memref<336xf32, #tpu.memory_space<vmem>>[vector<16xi32>], vector<16xf32>,
      %mul3A_1845 = arith.mulf %gather3A_1844, %mul3A_1273 : vector<16xf32>
      %add3A_1846 = arith.addf %add3A_1840, %mul3A_1845 : vector<16xf32>
      %add3A_1847 = arith.constant 108 : i32
      %add3A_1848 = vector.broadcast %add3A_1847 : i32 to vector<16xi32>
      %add3A_1849 = arith.addi %broadcast_in_dim3A_1, %add3A_1848 : vector<16xi32>
      %gather3A_1850 = tpu.vector_load_idx %arg12[%add3A_1849] : memref<336xf32, #tpu.memory_space<vmem>>[vector<16xi32>], vector<16xf32>,
      %mul3A_1851 = arith.mulf %gather3A_1850, %mul3A_1274 : vector<16xf32>
      %add3A_1852 = arith.addf %add3A_1846, %mul3A_1851 : vector<16xf32>
      %add3A_1853 = arith.constant 109 : i32
      %add3A_1854 = vector.broadcast %add3A_1853 : i32 to vector<16xi32>
      %add3A_1855 = arith.addi %broadcast_in_dim3A_1, %add3A_1854 : vector<16xi32>
      %gather3A_1856 = tpu.vector_load_idx %arg12[%add3A_1855] : memref<336xf32, #tpu.memory_space<vmem>>[vector<16xi32>], vector<16xf32>,
      %mul3A_1857 = arith.mulf %gather3A_1856, %mul3A_1275 : vector<16xf32>
      %add3A_1858 = arith.addf %add3A_1852, %mul3A_1857 : vector<16xf32>
      %add3A_1859 = arith.constant 110 : i32
      %add3A_1860 = vector.broadcast %add3A_1859 : i32 to vector<16xi32>
      %add3A_1861 = arith.addi %broadcast_in_dim3A_1, %add3A_1860 : vector<16xi32>
      %gather3A_1862 = tpu.vector_load_idx %arg12[%add3A_1861] : memref<336xf32, #tpu.memory_space<vmem>>[vector<16xi32>], vector<16xf32>,
      %mul3A_1863 = arith.mulf %gather3A_1862, %mul3A_1276 : vector<16xf32>
      %add3A_1864 = arith.addf %add3A_1858, %mul3A_1863 : vector<16xf32>
      %add3A_1865 = arith.constant 111 : i32
      %add3A_1866 = vector.broadcast %add3A_1865 : i32 to vector<16xi32>
      %add3A_1867 = arith.addi %broadcast_in_dim3A_1, %add3A_1866 : vector<16xi32>
      %gather3A_1868 = tpu.vector_load_idx %arg12[%add3A_1867] : memref<336xf32, #tpu.memory_space<vmem>>[vector<16xi32>], vector<16xf32>,
      %mul3A_1869 = arith.mulf %gather3A_1868, %mul3A_1277 : vector<16xf32>
      %add3A_1870 = arith.addf %add3A_1864, %mul3A_1869 : vector<16xf32>
      %add3A_1871 = arith.constant 2 : i32
      %add3A_1872 = vector.broadcast %add3A_1871 : i32 to vector<16xi32>
      %add3A_1873 = arith.addi %broadcast_in_dim3A_1, %add3A_1872 : vector<16xi32>
      tpu.vector_store_idx %arg14[%iota3A, %add3A_1873], %add3A_1870 : memref<16x10xf32, #tpu.memory_space<vmem>>[vector<16xi32>, vector<16xi32>], vector<16xf32>,
      %add3A_1874 = arith.constant 19 : i32
      %add3A_1875 = vector.broadcast %add3A_1874 : i32 to vector<16xi32>
      %add3A_1876 = arith.addi %broadcast_in_dim3A_1, %add3A_1875 : vector<16xi32>
      %gather3A_1877 = tpu.vector_load_idx %arg13[%add3A_1876] : memref<32xf32, #tpu.memory_space<vmem>>[vector<16xi32>], vector<16xf32>,
      %add3A_1878 = arith.constant 112 : i32
      %add3A_1879 = vector.broadcast %add3A_1878 : i32 to vector<16xi32>
      %add3A_1880 = arith.addi %broadcast_in_dim3A_1, %add3A_1879 : vector<16xi32>
      %gather3A_1881 = tpu.vector_load_idx %arg12[%add3A_1880] : memref<336xf32, #tpu.memory_space<vmem>>[vector<16xi32>], vector<16xf32>,
      %mul3A_1882 = arith.mulf %gather3A_1881, %mul3A_1246 : vector<16xf32>
      %add3A_1883 = arith.addf %gather3A_1877, %mul3A_1882 : vector<16xf32>
      %add3A_1884 = arith.constant 113 : i32
      %add3A_1885 = vector.broadcast %add3A_1884 : i32 to vector<16xi32>
      %add3A_1886 = arith.addi %broadcast_in_dim3A_1, %add3A_1885 : vector<16xi32>
      %gather3A_1887 = tpu.vector_load_idx %arg12[%add3A_1886] : memref<336xf32, #tpu.memory_space<vmem>>[vector<16xi32>], vector<16xf32>,
      %mul3A_1888 = arith.mulf %gather3A_1887, %mul3A_1247 : vector<16xf32>
      %add3A_1889 = arith.addf %add3A_1883, %mul3A_1888 : vector<16xf32>
      %add3A_1890 = arith.constant 114 : i32
      %add3A_1891 = vector.broadcast %add3A_1890 : i32 to vector<16xi32>
      %add3A_1892 = arith.addi %broadcast_in_dim3A_1, %add3A_1891 : vector<16xi32>
      %gather3A_1893 = tpu.vector_load_idx %arg12[%add3A_1892] : memref<336xf32, #tpu.memory_space<vmem>>[vector<16xi32>], vector<16xf32>,
      %mul3A_1894 = arith.mulf %gather3A_1893, %mul3A_1248 : vector<16xf32>
      %add3A_1895 = arith.addf %add3A_1889, %mul3A_1894 : vector<16xf32>
      %add3A_1896 = arith.constant 115 : i32
      %add3A_1897 = vector.broadcast %add3A_1896 : i32 to vector<16xi32>
      %add3A_1898 = arith.addi %broadcast_in_dim3A_1, %add3A_1897 : vector<16xi32>
      %gather3A_1899 = tpu.vector_load_idx %arg12[%add3A_1898] : memref<336xf32, #tpu.memory_space<vmem>>[vector<16xi32>], vector<16xf32>,
      %mul3A_1900 = arith.mulf %gather3A_1899, %mul3A_1249 : vector<16xf32>
      %add3A_1901 = arith.addf %add3A_1895, %mul3A_1900 : vector<16xf32>
      %add3A_1902 = arith.constant 116 : i32
      %add3A_1903 = vector.broadcast %add3A_1902 : i32 to vector<16xi32>
      %add3A_1904 = arith.addi %broadcast_in_dim3A_1, %add3A_1903 : vector<16xi32>
      %gather3A_1905 = tpu.vector_load_idx %arg12[%add3A_1904] : memref<336xf32, #tpu.memory_space<vmem>>[vector<16xi32>], vector<16xf32>,
      %mul3A_1906 = arith.mulf %gather3A_1905, %mul3A_1250 : vector<16xf32>
      %add3A_1907 = arith.addf %add3A_1901, %mul3A_1906 : vector<16xf32>
      %add3A_1908 = arith.constant 117 : i32
      %add3A_1909 = vector.broadcast %add3A_1908 : i32 to vector<16xi32>
      %add3A_1910 = arith.addi %broadcast_in_dim3A_1, %add3A_1909 : vector<16xi32>
      %gather3A_1911 = tpu.vector_load_idx %arg12[%add3A_1910] : memref<336xf32, #tpu.memory_space<vmem>>[vector<16xi32>], vector<16xf32>,
      %mul3A_1912 = arith.mulf %gather3A_1911, %mul3A_1251 : vector<16xf32>
      %add3A_1913 = arith.addf %add3A_1907, %mul3A_1912 : vector<16xf32>
      %add3A_1914 = arith.constant 118 : i32
      %add3A_1915 = vector.broadcast %add3A_1914 : i32 to vector<16xi32>
      %add3A_1916 = arith.addi %broadcast_in_dim3A_1, %add3A_1915 : vector<16xi32>
      %gather3A_1917 = tpu.vector_load_idx %arg12[%add3A_1916] : memref<336xf32, #tpu.memory_space<vmem>>[vector<16xi32>], vector<16xf32>,
      %mul3A_1918 = arith.mulf %gather3A_1917, %mul3A_1252 : vector<16xf32>
      %add3A_1919 = arith.addf %add3A_1913, %mul3A_1918 : vector<16xf32>
      %add3A_1920 = arith.constant 119 : i32
      %add3A_1921 = vector.broadcast %add3A_1920 : i32 to vector<16xi32>
      %add3A_1922 = arith.addi %broadcast_in_dim3A_1, %add3A_1921 : vector<16xi32>
      %gather3A_1923 = tpu.vector_load_idx %arg12[%add3A_1922] : memref<336xf32, #tpu.memory_space<vmem>>[vector<16xi32>], vector<16xf32>,
      %mul3A_1924 = arith.mulf %gather3A_1923, %mul3A_1253 : vector<16xf32>
      %add3A_1925 = arith.addf %add3A_1919, %mul3A_1924 : vector<16xf32>
      %add3A_1926 = arith.constant 120 : i32
      %add3A_1927 = vector.broadcast %add3A_1926 : i32 to vector<16xi32>
      %add3A_1928 = arith.addi %broadcast_in_dim3A_1, %add3A_1927 : vector<16xi32>
      %gather3A_1929 = tpu.vector_load_idx %arg12[%add3A_1928] : memref<336xf32, #tpu.memory_space<vmem>>[vector<16xi32>], vector<16xf32>,
      %mul3A_1930 = arith.mulf %gather3A_1929, %mul3A_1254 : vector<16xf32>
      %add3A_1931 = arith.addf %add3A_1925, %mul3A_1930 : vector<16xf32>
      %add3A_1932 = arith.constant 121 : i32
      %add3A_1933 = vector.broadcast %add3A_1932 : i32 to vector<16xi32>
      %add3A_1934 = arith.addi %broadcast_in_dim3A_1, %add3A_1933 : vector<16xi32>
      %gather3A_1935 = tpu.vector_load_idx %arg12[%add3A_1934] : memref<336xf32, #tpu.memory_space<vmem>>[vector<16xi32>], vector<16xf32>,
      %mul3A_1936 = arith.mulf %gather3A_1935, %mul3A_1255 : vector<16xf32>
      %add3A_1937 = arith.addf %add3A_1931, %mul3A_1936 : vector<16xf32>
      %add3A_1938 = arith.constant 122 : i32
      %add3A_1939 = vector.broadcast %add3A_1938 : i32 to vector<16xi32>
      %add3A_1940 = arith.addi %broadcast_in_dim3A_1, %add3A_1939 : vector<16xi32>
      %gather3A_1941 = tpu.vector_load_idx %arg12[%add3A_1940] : memref<336xf32, #tpu.memory_space<vmem>>[vector<16xi32>], vector<16xf32>,
      %mul3A_1942 = arith.mulf %gather3A_1941, %mul3A_1256 : vector<16xf32>
      %add3A_1943 = arith.addf %add3A_1937, %mul3A_1942 : vector<16xf32>
      %add3A_1944 = arith.constant 123 : i32
      %add3A_1945 = vector.broadcast %add3A_1944 : i32 to vector<16xi32>
      %add3A_1946 = arith.addi %broadcast_in_dim3A_1, %add3A_1945 : vector<16xi32>
      %gather3A_1947 = tpu.vector_load_idx %arg12[%add3A_1946] : memref<336xf32, #tpu.memory_space<vmem>>[vector<16xi32>], vector<16xf32>,
      %mul3A_1948 = arith.mulf %gather3A_1947, %mul3A_1257 : vector<16xf32>
      %add3A_1949 = arith.addf %add3A_1943, %mul3A_1948 : vector<16xf32>
      %add3A_1950 = arith.constant 124 : i32
      %add3A_1951 = vector.broadcast %add3A_1950 : i32 to vector<16xi32>
      %add3A_1952 = arith.addi %broadcast_in_dim3A_1, %add3A_1951 : vector<16xi32>
      %gather3A_1953 = tpu.vector_load_idx %arg12[%add3A_1952] : memref<336xf32, #tpu.memory_space<vmem>>[vector<16xi32>], vector<16xf32>,
      %mul3A_1954 = arith.mulf %gather3A_1953, %mul3A_1258 : vector<16xf32>
      %add3A_1955 = arith.addf %add3A_1949, %mul3A_1954 : vector<16xf32>
      %add3A_1956 = arith.constant 125 : i32
      %add3A_1957 = vector.broadcast %add3A_1956 : i32 to vector<16xi32>
      %add3A_1958 = arith.addi %broadcast_in_dim3A_1, %add3A_1957 : vector<16xi32>
      %gather3A_1959 = tpu.vector_load_idx %arg12[%add3A_1958] : memref<336xf32, #tpu.memory_space<vmem>>[vector<16xi32>], vector<16xf32>,
      %mul3A_1960 = arith.mulf %gather3A_1959, %mul3A_1259 : vector<16xf32>
      %add3A_1961 = arith.addf %add3A_1955, %mul3A_1960 : vector<16xf32>
      %add3A_1962 = arith.constant 126 : i32
      %add3A_1963 = vector.broadcast %add3A_1962 : i32 to vector<16xi32>
      %add3A_1964 = arith.addi %broadcast_in_dim3A_1, %add3A_1963 : vector<16xi32>
      %gather3A_1965 = tpu.vector_load_idx %arg12[%add3A_1964] : memref<336xf32, #tpu.memory_space<vmem>>[vector<16xi32>], vector<16xf32>,
      %mul3A_1966 = arith.mulf %gather3A_1965, %mul3A_1260 : vector<16xf32>
      %add3A_1967 = arith.addf %add3A_1961, %mul3A_1966 : vector<16xf32>
      %add3A_1968 = arith.constant 127 : i32
      %add3A_1969 = vector.broadcast %add3A_1968 : i32 to vector<16xi32>
      %add3A_1970 = arith.addi %broadcast_in_dim3A_1, %add3A_1969 : vector<16xi32>
      %gather3A_1971 = tpu.vector_load_idx %arg12[%add3A_1970] : memref<336xf32, #tpu.memory_space<vmem>>[vector<16xi32>], vector<16xf32>,
      %mul3A_1972 = arith.mulf %gather3A_1971, %mul3A_1261 : vector<16xf32>
      %add3A_1973 = arith.addf %add3A_1967, %mul3A_1972 : vector<16xf32>
      %add3A_1974 = arith.constant 128 : i32
      %add3A_1975 = vector.broadcast %add3A_1974 : i32 to vector<16xi32>
      %add3A_1976 = arith.addi %broadcast_in_dim3A_1, %add3A_1975 : vector<16xi32>
      %gather3A_1977 = tpu.vector_load_idx %arg12[%add3A_1976] : memref<336xf32, #tpu.memory_space<vmem>>[vector<16xi32>], vector<16xf32>,
      %mul3A_1978 = arith.mulf %gather3A_1977, %mul3A_1262 : vector<16xf32>
      %add3A_1979 = arith.addf %add3A_1973, %mul3A_1978 : vector<16xf32>
      %add3A_1980 = arith.constant 129 : i32
      %add3A_1981 = vector.broadcast %add3A_1980 : i32 to vector<16xi32>
      %add3A_1982 = arith.addi %broadcast_in_dim3A_1, %add3A_1981 : vector<16xi32>
      %gather3A_1983 = tpu.vector_load_idx %arg12[%add3A_1982] : memref<336xf32, #tpu.memory_space<vmem>>[vector<16xi32>], vector<16xf32>,
      %mul3A_1984 = arith.mulf %gather3A_1983, %mul3A_1263 : vector<16xf32>
      %add3A_1985 = arith.addf %add3A_1979, %mul3A_1984 : vector<16xf32>
      %add3A_1986 = arith.constant 130 : i32
      %add3A_1987 = vector.broadcast %add3A_1986 : i32 to vector<16xi32>
      %add3A_1988 = arith.addi %broadcast_in_dim3A_1, %add3A_1987 : vector<16xi32>
      %gather3A_1989 = tpu.vector_load_idx %arg12[%add3A_1988] : memref<336xf32, #tpu.memory_space<vmem>>[vector<16xi32>], vector<16xf32>,
      %mul3A_1990 = arith.mulf %gather3A_1989, %mul3A_1264 : vector<16xf32>
      %add3A_1991 = arith.addf %add3A_1985, %mul3A_1990 : vector<16xf32>
      %add3A_1992 = arith.constant 131 : i32
      %add3A_1993 = vector.broadcast %add3A_1992 : i32 to vector<16xi32>
      %add3A_1994 = arith.addi %broadcast_in_dim3A_1, %add3A_1993 : vector<16xi32>
      %gather3A_1995 = tpu.vector_load_idx %arg12[%add3A_1994] : memref<336xf32, #tpu.memory_space<vmem>>[vector<16xi32>], vector<16xf32>,
      %mul3A_1996 = arith.mulf %gather3A_1995, %mul3A_1265 : vector<16xf32>
      %add3A_1997 = arith.addf %add3A_1991, %mul3A_1996 : vector<16xf32>
      %add3A_1998 = arith.constant 132 : i32
      %add3A_1999 = vector.broadcast %add3A_1998 : i32 to vector<16xi32>
      %add3A_2000 = arith.addi %broadcast_in_dim3A_1, %add3A_1999 : vector<16xi32>
      %gather3A_2001 = tpu.vector_load_idx %arg12[%add3A_2000] : memref<336xf32, #tpu.memory_space<vmem>>[vector<16xi32>], vector<16xf32>,
      %mul3A_2002 = arith.mulf %gather3A_2001, %mul3A_1266 : vector<16xf32>
      %add3A_2003 = arith.addf %add3A_1997, %mul3A_2002 : vector<16xf32>
      %add3A_2004 = arith.constant 133 : i32
      %add3A_2005 = vector.broadcast %add3A_2004 : i32 to vector<16xi32>
      %add3A_2006 = arith.addi %broadcast_in_dim3A_1, %add3A_2005 : vector<16xi32>
      %gather3A_2007 = tpu.vector_load_idx %arg12[%add3A_2006] : memref<336xf32, #tpu.memory_space<vmem>>[vector<16xi32>], vector<16xf32>,
      %mul3A_2008 = arith.mulf %gather3A_2007, %mul3A_1267 : vector<16xf32>
      %add3A_2009 = arith.addf %add3A_2003, %mul3A_2008 : vector<16xf32>
      %add3A_2010 = arith.constant 134 : i32
      %add3A_2011 = vector.broadcast %add3A_2010 : i32 to vector<16xi32>
      %add3A_2012 = arith.addi %broadcast_in_dim3A_1, %add3A_2011 : vector<16xi32>
      %gather3A_2013 = tpu.vector_load_idx %arg12[%add3A_2012] : memref<336xf32, #tpu.memory_space<vmem>>[vector<16xi32>], vector<16xf32>,
      %mul3A_2014 = arith.mulf %gather3A_2013, %mul3A_1268 : vector<16xf32>
      %add3A_2015 = arith.addf %add3A_2009, %mul3A_2014 : vector<16xf32>
      %add3A_2016 = arith.constant 135 : i32
      %add3A_2017 = vector.broadcast %add3A_2016 : i32 to vector<16xi32>
      %add3A_2018 = arith.addi %broadcast_in_dim3A_1, %add3A_2017 : vector<16xi32>
      %gather3A_2019 = tpu.vector_load_idx %arg12[%add3A_2018] : memref<336xf32, #tpu.memory_space<vmem>>[vector<16xi32>], vector<16xf32>,
      %mul3A_2020 = arith.mulf %gather3A_2019, %mul3A_1269 : vector<16xf32>
      %add3A_2021 = arith.addf %add3A_2015, %mul3A_2020 : vector<16xf32>
      %add3A_2022 = arith.constant 136 : i32
      %add3A_2023 = vector.broadcast %add3A_2022 : i32 to vector<16xi32>
      %add3A_2024 = arith.addi %broadcast_in_dim3A_1, %add3A_2023 : vector<16xi32>
      %gather3A_2025 = tpu.vector_load_idx %arg12[%add3A_2024] : memref<336xf32, #tpu.memory_space<vmem>>[vector<16xi32>], vector<16xf32>,
      %mul3A_2026 = arith.mulf %gather3A_2025, %mul3A_1270 : vector<16xf32>
      %add3A_2027 = arith.addf %add3A_2021, %mul3A_2026 : vector<16xf32>
      %add3A_2028 = arith.constant 137 : i32
      %add3A_2029 = vector.broadcast %add3A_2028 : i32 to vector<16xi32>
      %add3A_2030 = arith.addi %broadcast_in_dim3A_1, %add3A_2029 : vector<16xi32>
      %gather3A_2031 = tpu.vector_load_idx %arg12[%add3A_2030] : memref<336xf32, #tpu.memory_space<vmem>>[vector<16xi32>], vector<16xf32>,
      %mul3A_2032 = arith.mulf %gather3A_2031, %mul3A_1271 : vector<16xf32>
      %add3A_2033 = arith.addf %add3A_2027, %mul3A_2032 : vector<16xf32>
      %add3A_2034 = arith.constant 138 : i32
      %add3A_2035 = vector.broadcast %add3A_2034 : i32 to vector<16xi32>
      %add3A_2036 = arith.addi %broadcast_in_dim3A_1, %add3A_2035 : vector<16xi32>
      %gather3A_2037 = tpu.vector_load_idx %arg12[%add3A_2036] : memref<336xf32, #tpu.memory_space<vmem>>[vector<16xi32>], vector<16xf32>,
      %mul3A_2038 = arith.mulf %gather3A_2037, %mul3A_1272 : vector<16xf32>
      %add3A_2039 = arith.addf %add3A_2033, %mul3A_2038 : vector<16xf32>
      %add3A_2040 = arith.constant 139 : i32
      %add3A_2041 = vector.broadcast %add3A_2040 : i32 to vector<16xi32>
      %add3A_2042 = arith.addi %broadcast_in_dim3A_1, %add3A_2041 : vector<16xi32>
      %gather3A_2043 = tpu.vector_load_idx %arg12[%add3A_2042] : memref<336xf32, #tpu.memory_space<vmem>>[vector<16xi32>], vector<16xf32>,
      %mul3A_2044 = arith.mulf %gather3A_2043, %mul3A_1273 : vector<16xf32>
      %add3A_2045 = arith.addf %add3A_2039, %mul3A_2044 : vector<16xf32>
      %add3A_2046 = arith.constant 140 : i32
      %add3A_2047 = vector.broadcast %add3A_2046 : i32 to vector<16xi32>
      %add3A_2048 = arith.addi %broadcast_in_dim3A_1, %add3A_2047 : vector<16xi32>
      %gather3A_2049 = tpu.vector_load_idx %arg12[%add3A_2048] : memref<336xf32, #tpu.memory_space<vmem>>[vector<16xi32>], vector<16xf32>,
      %mul3A_2050 = arith.mulf %gather3A_2049, %mul3A_1274 : vector<16xf32>
      %add3A_2051 = arith.addf %add3A_2045, %mul3A_2050 : vector<16xf32>
      %add3A_2052 = arith.constant 141 : i32
      %add3A_2053 = vector.broadcast %add3A_2052 : i32 to vector<16xi32>
      %add3A_2054 = arith.addi %broadcast_in_dim3A_1, %add3A_2053 : vector<16xi32>
      %gather3A_2055 = tpu.vector_load_idx %arg12[%add3A_2054] : memref<336xf32, #tpu.memory_space<vmem>>[vector<16xi32>], vector<16xf32>,
      %mul3A_2056 = arith.mulf %gather3A_2055, %mul3A_1275 : vector<16xf32>
      %add3A_2057 = arith.addf %add3A_2051, %mul3A_2056 : vector<16xf32>
      %add3A_2058 = arith.constant 142 : i32
      %add3A_2059 = vector.broadcast %add3A_2058 : i32 to vector<16xi32>
      %add3A_2060 = arith.addi %broadcast_in_dim3A_1, %add3A_2059 : vector<16xi32>
      %gather3A_2061 = tpu.vector_load_idx %arg12[%add3A_2060] : memref<336xf32, #tpu.memory_space<vmem>>[vector<16xi32>], vector<16xf32>,
      %mul3A_2062 = arith.mulf %gather3A_2061, %mul3A_1276 : vector<16xf32>
      %add3A_2063 = arith.addf %add3A_2057, %mul3A_2062 : vector<16xf32>
      %add3A_2064 = arith.constant 143 : i32
      %add3A_2065 = vector.broadcast %add3A_2064 : i32 to vector<16xi32>
      %add3A_2066 = arith.addi %broadcast_in_dim3A_1, %add3A_2065 : vector<16xi32>
      %gather3A_2067 = tpu.vector_load_idx %arg12[%add3A_2066] : memref<336xf32, #tpu.memory_space<vmem>>[vector<16xi32>], vector<16xf32>,
      %mul3A_2068 = arith.mulf %gather3A_2067, %mul3A_1277 : vector<16xf32>
      %add3A_2069 = arith.addf %add3A_2063, %mul3A_2068 : vector<16xf32>
      %add3A_2070 = arith.constant 3 : i32
      %add3A_2071 = vector.broadcast %add3A_2070 : i32 to vector<16xi32>
      %add3A_2072 = arith.addi %broadcast_in_dim3A_1, %add3A_2071 : vector<16xi32>
      tpu.vector_store_idx %arg14[%iota3A, %add3A_2072], %add3A_2069 : memref<16x10xf32, #tpu.memory_space<vmem>>[vector<16xi32>, vector<16xi32>], vector<16xf32>,
      %add3A_2073 = arith.constant 20 : i32
      %add3A_2074 = vector.broadcast %add3A_2073 : i32 to vector<16xi32>
      %add3A_2075 = arith.addi %broadcast_in_dim3A_1, %add3A_2074 : vector<16xi32>
      %gather3A_2076 = tpu.vector_load_idx %arg13[%add3A_2075] : memref<32xf32, #tpu.memory_space<vmem>>[vector<16xi32>], vector<16xf32>,
      %add3A_2077 = arith.constant 144 : i32
      %add3A_2078 = vector.broadcast %add3A_2077 : i32 to vector<16xi32>
      %add3A_2079 = arith.addi %broadcast_in_dim3A_1, %add3A_2078 : vector<16xi32>
      %gather3A_2080 = tpu.vector_load_idx %arg12[%add3A_2079] : memref<336xf32, #tpu.memory_space<vmem>>[vector<16xi32>], vector<16xf32>,
      %mul3A_2081 = arith.mulf %gather3A_2080, %mul3A_1246 : vector<16xf32>
      %add3A_2082 = arith.addf %gather3A_2076, %mul3A_2081 : vector<16xf32>
      %add3A_2083 = arith.constant 145 : i32
      %add3A_2084 = vector.broadcast %add3A_2083 : i32 to vector<16xi32>
      %add3A_2085 = arith.addi %broadcast_in_dim3A_1, %add3A_2084 : vector<16xi32>
      %gather3A_2086 = tpu.vector_load_idx %arg12[%add3A_2085] : memref<336xf32, #tpu.memory_space<vmem>>[vector<16xi32>], vector<16xf32>,
      %mul3A_2087 = arith.mulf %gather3A_2086, %mul3A_1247 : vector<16xf32>
      %add3A_2088 = arith.addf %add3A_2082, %mul3A_2087 : vector<16xf32>
      %add3A_2089 = arith.constant 146 : i32
      %add3A_2090 = vector.broadcast %add3A_2089 : i32 to vector<16xi32>
      %add3A_2091 = arith.addi %broadcast_in_dim3A_1, %add3A_2090 : vector<16xi32>
      %gather3A_2092 = tpu.vector_load_idx %arg12[%add3A_2091] : memref<336xf32, #tpu.memory_space<vmem>>[vector<16xi32>], vector<16xf32>,
      %mul3A_2093 = arith.mulf %gather3A_2092, %mul3A_1248 : vector<16xf32>
      %add3A_2094 = arith.addf %add3A_2088, %mul3A_2093 : vector<16xf32>
      %add3A_2095 = arith.constant 147 : i32
      %add3A_2096 = vector.broadcast %add3A_2095 : i32 to vector<16xi32>
      %add3A_2097 = arith.addi %broadcast_in_dim3A_1, %add3A_2096 : vector<16xi32>
      %gather3A_2098 = tpu.vector_load_idx %arg12[%add3A_2097] : memref<336xf32, #tpu.memory_space<vmem>>[vector<16xi32>], vector<16xf32>,
      %mul3A_2099 = arith.mulf %gather3A_2098, %mul3A_1249 : vector<16xf32>
      %add3A_2100 = arith.addf %add3A_2094, %mul3A_2099 : vector<16xf32>
      %add3A_2101 = arith.constant 148 : i32
      %add3A_2102 = vector.broadcast %add3A_2101 : i32 to vector<16xi32>
      %add3A_2103 = arith.addi %broadcast_in_dim3A_1, %add3A_2102 : vector<16xi32>
      %gather3A_2104 = tpu.vector_load_idx %arg12[%add3A_2103] : memref<336xf32, #tpu.memory_space<vmem>>[vector<16xi32>], vector<16xf32>,
      %mul3A_2105 = arith.mulf %gather3A_2104, %mul3A_1250 : vector<16xf32>
      %add3A_2106 = arith.addf %add3A_2100, %mul3A_2105 : vector<16xf32>
      %add3A_2107 = arith.constant 149 : i32
      %add3A_2108 = vector.broadcast %add3A_2107 : i32 to vector<16xi32>
      %add3A_2109 = arith.addi %broadcast_in_dim3A_1, %add3A_2108 : vector<16xi32>
      %gather3A_2110 = tpu.vector_load_idx %arg12[%add3A_2109] : memref<336xf32, #tpu.memory_space<vmem>>[vector<16xi32>], vector<16xf32>,
      %mul3A_2111 = arith.mulf %gather3A_2110, %mul3A_1251 : vector<16xf32>
      %add3A_2112 = arith.addf %add3A_2106, %mul3A_2111 : vector<16xf32>
      %add3A_2113 = arith.constant 150 : i32
      %add3A_2114 = vector.broadcast %add3A_2113 : i32 to vector<16xi32>
      %add3A_2115 = arith.addi %broadcast_in_dim3A_1, %add3A_2114 : vector<16xi32>
      %gather3A_2116 = tpu.vector_load_idx %arg12[%add3A_2115] : memref<336xf32, #tpu.memory_space<vmem>>[vector<16xi32>], vector<16xf32>,
      %mul3A_2117 = arith.mulf %gather3A_2116, %mul3A_1252 : vector<16xf32>
      %add3A_2118 = arith.addf %add3A_2112, %mul3A_2117 : vector<16xf32>
      %add3A_2119 = arith.constant 151 : i32
      %add3A_2120 = vector.broadcast %add3A_2119 : i32 to vector<16xi32>
      %add3A_2121 = arith.addi %broadcast_in_dim3A_1, %add3A_2120 : vector<16xi32>
      %gather3A_2122 = tpu.vector_load_idx %arg12[%add3A_2121] : memref<336xf32, #tpu.memory_space<vmem>>[vector<16xi32>], vector<16xf32>,
      %mul3A_2123 = arith.mulf %gather3A_2122, %mul3A_1253 : vector<16xf32>
      %add3A_2124 = arith.addf %add3A_2118, %mul3A_2123 : vector<16xf32>
      %add3A_2125 = arith.constant 152 : i32
      %add3A_2126 = vector.broadcast %add3A_2125 : i32 to vector<16xi32>
      %add3A_2127 = arith.addi %broadcast_in_dim3A_1, %add3A_2126 : vector<16xi32>
      %gather3A_2128 = tpu.vector_load_idx %arg12[%add3A_2127] : memref<336xf32, #tpu.memory_space<vmem>>[vector<16xi32>], vector<16xf32>,
      %mul3A_2129 = arith.mulf %gather3A_2128, %mul3A_1254 : vector<16xf32>
      %add3A_2130 = arith.addf %add3A_2124, %mul3A_2129 : vector<16xf32>
      %add3A_2131 = arith.constant 153 : i32
      %add3A_2132 = vector.broadcast %add3A_2131 : i32 to vector<16xi32>
      %add3A_2133 = arith.addi %broadcast_in_dim3A_1, %add3A_2132 : vector<16xi32>
      %gather3A_2134 = tpu.vector_load_idx %arg12[%add3A_2133] : memref<336xf32, #tpu.memory_space<vmem>>[vector<16xi32>], vector<16xf32>,
      %mul3A_2135 = arith.mulf %gather3A_2134, %mul3A_1255 : vector<16xf32>
      %add3A_2136 = arith.addf %add3A_2130, %mul3A_2135 : vector<16xf32>
      %add3A_2137 = arith.constant 154 : i32
      %add3A_2138 = vector.broadcast %add3A_2137 : i32 to vector<16xi32>
      %add3A_2139 = arith.addi %broadcast_in_dim3A_1, %add3A_2138 : vector<16xi32>
      %gather3A_2140 = tpu.vector_load_idx %arg12[%add3A_2139] : memref<336xf32, #tpu.memory_space<vmem>>[vector<16xi32>], vector<16xf32>,
      %mul3A_2141 = arith.mulf %gather3A_2140, %mul3A_1256 : vector<16xf32>
      %add3A_2142 = arith.addf %add3A_2136, %mul3A_2141 : vector<16xf32>
      %add3A_2143 = arith.constant 155 : i32
      %add3A_2144 = vector.broadcast %add3A_2143 : i32 to vector<16xi32>
      %add3A_2145 = arith.addi %broadcast_in_dim3A_1, %add3A_2144 : vector<16xi32>
      %gather3A_2146 = tpu.vector_load_idx %arg12[%add3A_2145] : memref<336xf32, #tpu.memory_space<vmem>>[vector<16xi32>], vector<16xf32>,
      %mul3A_2147 = arith.mulf %gather3A_2146, %mul3A_1257 : vector<16xf32>
      %add3A_2148 = arith.addf %add3A_2142, %mul3A_2147 : vector<16xf32>
      %add3A_2149 = arith.constant 156 : i32
      %add3A_2150 = vector.broadcast %add3A_2149 : i32 to vector<16xi32>
      %add3A_2151 = arith.addi %broadcast_in_dim3A_1, %add3A_2150 : vector<16xi32>
      %gather3A_2152 = tpu.vector_load_idx %arg12[%add3A_2151] : memref<336xf32, #tpu.memory_space<vmem>>[vector<16xi32>], vector<16xf32>,
      %mul3A_2153 = arith.mulf %gather3A_2152, %mul3A_1258 : vector<16xf32>
      %add3A_2154 = arith.addf %add3A_2148, %mul3A_2153 : vector<16xf32>
      %add3A_2155 = arith.constant 157 : i32
      %add3A_2156 = vector.broadcast %add3A_2155 : i32 to vector<16xi32>
      %add3A_2157 = arith.addi %broadcast_in_dim3A_1, %add3A_2156 : vector<16xi32>
      %gather3A_2158 = tpu.vector_load_idx %arg12[%add3A_2157] : memref<336xf32, #tpu.memory_space<vmem>>[vector<16xi32>], vector<16xf32>,
      %mul3A_2159 = arith.mulf %gather3A_2158, %mul3A_1259 : vector<16xf32>
      %add3A_2160 = arith.addf %add3A_2154, %mul3A_2159 : vector<16xf32>
      %add3A_2161 = arith.constant 158 : i32
      %add3A_2162 = vector.broadcast %add3A_2161 : i32 to vector<16xi32>
      %add3A_2163 = arith.addi %broadcast_in_dim3A_1, %add3A_2162 : vector<16xi32>
      %gather3A_2164 = tpu.vector_load_idx %arg12[%add3A_2163] : memref<336xf32, #tpu.memory_space<vmem>>[vector<16xi32>], vector<16xf32>,
      %mul3A_2165 = arith.mulf %gather3A_2164, %mul3A_1260 : vector<16xf32>
      %add3A_2166 = arith.addf %add3A_2160, %mul3A_2165 : vector<16xf32>
      %add3A_2167 = arith.constant 159 : i32
      %add3A_2168 = vector.broadcast %add3A_2167 : i32 to vector<16xi32>
      %add3A_2169 = arith.addi %broadcast_in_dim3A_1, %add3A_2168 : vector<16xi32>
      %gather3A_2170 = tpu.vector_load_idx %arg12[%add3A_2169] : memref<336xf32, #tpu.memory_space<vmem>>[vector<16xi32>], vector<16xf32>,
      %mul3A_2171 = arith.mulf %gather3A_2170, %mul3A_1261 : vector<16xf32>
      %add3A_2172 = arith.addf %add3A_2166, %mul3A_2171 : vector<16xf32>
      %add3A_2173 = arith.constant 160 : i32
      %add3A_2174 = vector.broadcast %add3A_2173 : i32 to vector<16xi32>
      %add3A_2175 = arith.addi %broadcast_in_dim3A_1, %add3A_2174 : vector<16xi32>
      %gather3A_2176 = tpu.vector_load_idx %arg12[%add3A_2175] : memref<336xf32, #tpu.memory_space<vmem>>[vector<16xi32>], vector<16xf32>,
      %mul3A_2177 = arith.mulf %gather3A_2176, %mul3A_1262 : vector<16xf32>
      %add3A_2178 = arith.addf %add3A_2172, %mul3A_2177 : vector<16xf32>
      %add3A_2179 = arith.constant 161 : i32
      %add3A_2180 = vector.broadcast %add3A_2179 : i32 to vector<16xi32>
      %add3A_2181 = arith.addi %broadcast_in_dim3A_1, %add3A_2180 : vector<16xi32>
      %gather3A_2182 = tpu.vector_load_idx %arg12[%add3A_2181] : memref<336xf32, #tpu.memory_space<vmem>>[vector<16xi32>], vector<16xf32>,
      %mul3A_2183 = arith.mulf %gather3A_2182, %mul3A_1263 : vector<16xf32>
      %add3A_2184 = arith.addf %add3A_2178, %mul3A_2183 : vector<16xf32>
      %add3A_2185 = arith.constant 162 : i32
      %add3A_2186 = vector.broadcast %add3A_2185 : i32 to vector<16xi32>
      %add3A_2187 = arith.addi %broadcast_in_dim3A_1, %add3A_2186 : vector<16xi32>
      %gather3A_2188 = tpu.vector_load_idx %arg12[%add3A_2187] : memref<336xf32, #tpu.memory_space<vmem>>[vector<16xi32>], vector<16xf32>,
      %mul3A_2189 = arith.mulf %gather3A_2188, %mul3A_1264 : vector<16xf32>
      %add3A_2190 = arith.addf %add3A_2184, %mul3A_2189 : vector<16xf32>
      %add3A_2191 = arith.constant 163 : i32
      %add3A_2192 = vector.broadcast %add3A_2191 : i32 to vector<16xi32>
      %add3A_2193 = arith.addi %broadcast_in_dim3A_1, %add3A_2192 : vector<16xi32>
      %gather3A_2194 = tpu.vector_load_idx %arg12[%add3A_2193] : memref<336xf32, #tpu.memory_space<vmem>>[vector<16xi32>], vector<16xf32>,
      %mul3A_2195 = arith.mulf %gather3A_2194, %mul3A_1265 : vector<16xf32>
      %add3A_2196 = arith.addf %add3A_2190, %mul3A_2195 : vector<16xf32>
      %add3A_2197 = arith.constant 164 : i32
      %add3A_2198 = vector.broadcast %add3A_2197 : i32 to vector<16xi32>
      %add3A_2199 = arith.addi %broadcast_in_dim3A_1, %add3A_2198 : vector<16xi32>
      %gather3A_2200 = tpu.vector_load_idx %arg12[%add3A_2199] : memref<336xf32, #tpu.memory_space<vmem>>[vector<16xi32>], vector<16xf32>,
      %mul3A_2201 = arith.mulf %gather3A_2200, %mul3A_1266 : vector<16xf32>
      %add3A_2202 = arith.addf %add3A_2196, %mul3A_2201 : vector<16xf32>
      %add3A_2203 = arith.constant 165 : i32
      %add3A_2204 = vector.broadcast %add3A_2203 : i32 to vector<16xi32>
      %add3A_2205 = arith.addi %broadcast_in_dim3A_1, %add3A_2204 : vector<16xi32>
      %gather3A_2206 = tpu.vector_load_idx %arg12[%add3A_2205] : memref<336xf32, #tpu.memory_space<vmem>>[vector<16xi32>], vector<16xf32>,
      %mul3A_2207 = arith.mulf %gather3A_2206, %mul3A_1267 : vector<16xf32>
      %add3A_2208 = arith.addf %add3A_2202, %mul3A_2207 : vector<16xf32>
      %add3A_2209 = arith.constant 166 : i32
      %add3A_2210 = vector.broadcast %add3A_2209 : i32 to vector<16xi32>
      %add3A_2211 = arith.addi %broadcast_in_dim3A_1, %add3A_2210 : vector<16xi32>
      %gather3A_2212 = tpu.vector_load_idx %arg12[%add3A_2211] : memref<336xf32, #tpu.memory_space<vmem>>[vector<16xi32>], vector<16xf32>,
      %mul3A_2213 = arith.mulf %gather3A_2212, %mul3A_1268 : vector<16xf32>
      %add3A_2214 = arith.addf %add3A_2208, %mul3A_2213 : vector<16xf32>
      %add3A_2215 = arith.constant 167 : i32
      %add3A_2216 = vector.broadcast %add3A_2215 : i32 to vector<16xi32>
      %add3A_2217 = arith.addi %broadcast_in_dim3A_1, %add3A_2216 : vector<16xi32>
      %gather3A_2218 = tpu.vector_load_idx %arg12[%add3A_2217] : memref<336xf32, #tpu.memory_space<vmem>>[vector<16xi32>], vector<16xf32>,
      %mul3A_2219 = arith.mulf %gather3A_2218, %mul3A_1269 : vector<16xf32>
      %add3A_2220 = arith.addf %add3A_2214, %mul3A_2219 : vector<16xf32>
      %add3A_2221 = arith.constant 168 : i32
      %add3A_2222 = vector.broadcast %add3A_2221 : i32 to vector<16xi32>
      %add3A_2223 = arith.addi %broadcast_in_dim3A_1, %add3A_2222 : vector<16xi32>
      %gather3A_2224 = tpu.vector_load_idx %arg12[%add3A_2223] : memref<336xf32, #tpu.memory_space<vmem>>[vector<16xi32>], vector<16xf32>,
      %mul3A_2225 = arith.mulf %gather3A_2224, %mul3A_1270 : vector<16xf32>
      %add3A_2226 = arith.addf %add3A_2220, %mul3A_2225 : vector<16xf32>
      %add3A_2227 = arith.constant 169 : i32
      %add3A_2228 = vector.broadcast %add3A_2227 : i32 to vector<16xi32>
      %add3A_2229 = arith.addi %broadcast_in_dim3A_1, %add3A_2228 : vector<16xi32>
      %gather3A_2230 = tpu.vector_load_idx %arg12[%add3A_2229] : memref<336xf32, #tpu.memory_space<vmem>>[vector<16xi32>], vector<16xf32>,
      %mul3A_2231 = arith.mulf %gather3A_2230, %mul3A_1271 : vector<16xf32>
      %add3A_2232 = arith.addf %add3A_2226, %mul3A_2231 : vector<16xf32>
      %add3A_2233 = arith.constant 170 : i32
      %add3A_2234 = vector.broadcast %add3A_2233 : i32 to vector<16xi32>
      %add3A_2235 = arith.addi %broadcast_in_dim3A_1, %add3A_2234 : vector<16xi32>
      %gather3A_2236 = tpu.vector_load_idx %arg12[%add3A_2235] : memref<336xf32, #tpu.memory_space<vmem>>[vector<16xi32>], vector<16xf32>,
      %mul3A_2237 = arith.mulf %gather3A_2236, %mul3A_1272 : vector<16xf32>
      %add3A_2238 = arith.addf %add3A_2232, %mul3A_2237 : vector<16xf32>
      %add3A_2239 = arith.constant 171 : i32
      %add3A_2240 = vector.broadcast %add3A_2239 : i32 to vector<16xi32>
      %add3A_2241 = arith.addi %broadcast_in_dim3A_1, %add3A_2240 : vector<16xi32>
      %gather3A_2242 = tpu.vector_load_idx %arg12[%add3A_2241] : memref<336xf32, #tpu.memory_space<vmem>>[vector<16xi32>], vector<16xf32>,
      %mul3A_2243 = arith.mulf %gather3A_2242, %mul3A_1273 : vector<16xf32>
      %add3A_2244 = arith.addf %add3A_2238, %mul3A_2243 : vector<16xf32>
      %add3A_2245 = arith.constant 172 : i32
      %add3A_2246 = vector.broadcast %add3A_2245 : i32 to vector<16xi32>
      %add3A_2247 = arith.addi %broadcast_in_dim3A_1, %add3A_2246 : vector<16xi32>
      %gather3A_2248 = tpu.vector_load_idx %arg12[%add3A_2247] : memref<336xf32, #tpu.memory_space<vmem>>[vector<16xi32>], vector<16xf32>,
      %mul3A_2249 = arith.mulf %gather3A_2248, %mul3A_1274 : vector<16xf32>
      %add3A_2250 = arith.addf %add3A_2244, %mul3A_2249 : vector<16xf32>
      %add3A_2251 = arith.constant 173 : i32
      %add3A_2252 = vector.broadcast %add3A_2251 : i32 to vector<16xi32>
      %add3A_2253 = arith.addi %broadcast_in_dim3A_1, %add3A_2252 : vector<16xi32>
      %gather3A_2254 = tpu.vector_load_idx %arg12[%add3A_2253] : memref<336xf32, #tpu.memory_space<vmem>>[vector<16xi32>], vector<16xf32>,
      %mul3A_2255 = arith.mulf %gather3A_2254, %mul3A_1275 : vector<16xf32>
      %add3A_2256 = arith.addf %add3A_2250, %mul3A_2255 : vector<16xf32>
      %add3A_2257 = arith.constant 174 : i32
      %add3A_2258 = vector.broadcast %add3A_2257 : i32 to vector<16xi32>
      %add3A_2259 = arith.addi %broadcast_in_dim3A_1, %add3A_2258 : vector<16xi32>
      %gather3A_2260 = tpu.vector_load_idx %arg12[%add3A_2259] : memref<336xf32, #tpu.memory_space<vmem>>[vector<16xi32>], vector<16xf32>,
      %mul3A_2261 = arith.mulf %gather3A_2260, %mul3A_1276 : vector<16xf32>
      %add3A_2262 = arith.addf %add3A_2256, %mul3A_2261 : vector<16xf32>
      %add3A_2263 = arith.constant 175 : i32
      %add3A_2264 = vector.broadcast %add3A_2263 : i32 to vector<16xi32>
      %add3A_2265 = arith.addi %broadcast_in_dim3A_1, %add3A_2264 : vector<16xi32>
      %gather3A_2266 = tpu.vector_load_idx %arg12[%add3A_2265] : memref<336xf32, #tpu.memory_space<vmem>>[vector<16xi32>], vector<16xf32>,
      %mul3A_2267 = arith.mulf %gather3A_2266, %mul3A_1277 : vector<16xf32>
      %add3A_2268 = arith.addf %add3A_2262, %mul3A_2267 : vector<16xf32>
      %add3A_2269 = arith.constant 4 : i32
      %add3A_2270 = vector.broadcast %add3A_2269 : i32 to vector<16xi32>
      %add3A_2271 = arith.addi %broadcast_in_dim3A_1, %add3A_2270 : vector<16xi32>
      tpu.vector_store_idx %arg14[%iota3A, %add3A_2271], %add3A_2268 : memref<16x10xf32, #tpu.memory_space<vmem>>[vector<16xi32>, vector<16xi32>], vector<16xf32>,
      %add3A_2272 = arith.constant 21 : i32
      %add3A_2273 = vector.broadcast %add3A_2272 : i32 to vector<16xi32>
      %add3A_2274 = arith.addi %broadcast_in_dim3A_1, %add3A_2273 : vector<16xi32>
      %gather3A_2275 = tpu.vector_load_idx %arg13[%add3A_2274] : memref<32xf32, #tpu.memory_space<vmem>>[vector<16xi32>], vector<16xf32>,
      %add3A_2276 = arith.constant 176 : i32
      %add3A_2277 = vector.broadcast %add3A_2276 : i32 to vector<16xi32>
      %add3A_2278 = arith.addi %broadcast_in_dim3A_1, %add3A_2277 : vector<16xi32>
      %gather3A_2279 = tpu.vector_load_idx %arg12[%add3A_2278] : memref<336xf32, #tpu.memory_space<vmem>>[vector<16xi32>], vector<16xf32>,
      %mul3A_2280 = arith.mulf %gather3A_2279, %mul3A_1246 : vector<16xf32>
      %add3A_2281 = arith.addf %gather3A_2275, %mul3A_2280 : vector<16xf32>
      %add3A_2282 = arith.constant 177 : i32
      %add3A_2283 = vector.broadcast %add3A_2282 : i32 to vector<16xi32>
      %add3A_2284 = arith.addi %broadcast_in_dim3A_1, %add3A_2283 : vector<16xi32>
      %gather3A_2285 = tpu.vector_load_idx %arg12[%add3A_2284] : memref<336xf32, #tpu.memory_space<vmem>>[vector<16xi32>], vector<16xf32>,
      %mul3A_2286 = arith.mulf %gather3A_2285, %mul3A_1247 : vector<16xf32>
      %add3A_2287 = arith.addf %add3A_2281, %mul3A_2286 : vector<16xf32>
      %add3A_2288 = arith.constant 178 : i32
      %add3A_2289 = vector.broadcast %add3A_2288 : i32 to vector<16xi32>
      %add3A_2290 = arith.addi %broadcast_in_dim3A_1, %add3A_2289 : vector<16xi32>
      %gather3A_2291 = tpu.vector_load_idx %arg12[%add3A_2290] : memref<336xf32, #tpu.memory_space<vmem>>[vector<16xi32>], vector<16xf32>,
      %mul3A_2292 = arith.mulf %gather3A_2291, %mul3A_1248 : vector<16xf32>
      %add3A_2293 = arith.addf %add3A_2287, %mul3A_2292 : vector<16xf32>
      %add3A_2294 = arith.constant 179 : i32
      %add3A_2295 = vector.broadcast %add3A_2294 : i32 to vector<16xi32>
      %add3A_2296 = arith.addi %broadcast_in_dim3A_1, %add3A_2295 : vector<16xi32>
      %gather3A_2297 = tpu.vector_load_idx %arg12[%add3A_2296] : memref<336xf32, #tpu.memory_space<vmem>>[vector<16xi32>], vector<16xf32>,
      %mul3A_2298 = arith.mulf %gather3A_2297, %mul3A_1249 : vector<16xf32>
      %add3A_2299 = arith.addf %add3A_2293, %mul3A_2298 : vector<16xf32>
      %add3A_2300 = arith.constant 180 : i32
      %add3A_2301 = vector.broadcast %add3A_2300 : i32 to vector<16xi32>
      %add3A_2302 = arith.addi %broadcast_in_dim3A_1, %add3A_2301 : vector<16xi32>
      %gather3A_2303 = tpu.vector_load_idx %arg12[%add3A_2302] : memref<336xf32, #tpu.memory_space<vmem>>[vector<16xi32>], vector<16xf32>,
      %mul3A_2304 = arith.mulf %gather3A_2303, %mul3A_1250 : vector<16xf32>
      %add3A_2305 = arith.addf %add3A_2299, %mul3A_2304 : vector<16xf32>
      %add3A_2306 = arith.constant 181 : i32
      %add3A_2307 = vector.broadcast %add3A_2306 : i32 to vector<16xi32>
      %add3A_2308 = arith.addi %broadcast_in_dim3A_1, %add3A_2307 : vector<16xi32>
      %gather3A_2309 = tpu.vector_load_idx %arg12[%add3A_2308] : memref<336xf32, #tpu.memory_space<vmem>>[vector<16xi32>], vector<16xf32>,
      %mul3A_2310 = arith.mulf %gather3A_2309, %mul3A_1251 : vector<16xf32>
      %add3A_2311 = arith.addf %add3A_2305, %mul3A_2310 : vector<16xf32>
      %add3A_2312 = arith.constant 182 : i32
      %add3A_2313 = vector.broadcast %add3A_2312 : i32 to vector<16xi32>
      %add3A_2314 = arith.addi %broadcast_in_dim3A_1, %add3A_2313 : vector<16xi32>
      %gather3A_2315 = tpu.vector_load_idx %arg12[%add3A_2314] : memref<336xf32, #tpu.memory_space<vmem>>[vector<16xi32>], vector<16xf32>,
      %mul3A_2316 = arith.mulf %gather3A_2315, %mul3A_1252 : vector<16xf32>
      %add3A_2317 = arith.addf %add3A_2311, %mul3A_2316 : vector<16xf32>
      %add3A_2318 = arith.constant 183 : i32
      %add3A_2319 = vector.broadcast %add3A_2318 : i32 to vector<16xi32>
      %add3A_2320 = arith.addi %broadcast_in_dim3A_1, %add3A_2319 : vector<16xi32>
      %gather3A_2321 = tpu.vector_load_idx %arg12[%add3A_2320] : memref<336xf32, #tpu.memory_space<vmem>>[vector<16xi32>], vector<16xf32>,
      %mul3A_2322 = arith.mulf %gather3A_2321, %mul3A_1253 : vector<16xf32>
      %add3A_2323 = arith.addf %add3A_2317, %mul3A_2322 : vector<16xf32>
      %add3A_2324 = arith.constant 184 : i32
      %add3A_2325 = vector.broadcast %add3A_2324 : i32 to vector<16xi32>
      %add3A_2326 = arith.addi %broadcast_in_dim3A_1, %add3A_2325 : vector<16xi32>
      %gather3A_2327 = tpu.vector_load_idx %arg12[%add3A_2326] : memref<336xf32, #tpu.memory_space<vmem>>[vector<16xi32>], vector<16xf32>,
      %mul3A_2328 = arith.mulf %gather3A_2327, %mul3A_1254 : vector<16xf32>
      %add3A_2329 = arith.addf %add3A_2323, %mul3A_2328 : vector<16xf32>
      %add3A_2330 = arith.constant 185 : i32
      %add3A_2331 = vector.broadcast %add3A_2330 : i32 to vector<16xi32>
      %add3A_2332 = arith.addi %broadcast_in_dim3A_1, %add3A_2331 : vector<16xi32>
      %gather3A_2333 = tpu.vector_load_idx %arg12[%add3A_2332] : memref<336xf32, #tpu.memory_space<vmem>>[vector<16xi32>], vector<16xf32>,
      %mul3A_2334 = arith.mulf %gather3A_2333, %mul3A_1255 : vector<16xf32>
      %add3A_2335 = arith.addf %add3A_2329, %mul3A_2334 : vector<16xf32>
      %add3A_2336 = arith.constant 186 : i32
      %add3A_2337 = vector.broadcast %add3A_2336 : i32 to vector<16xi32>
      %add3A_2338 = arith.addi %broadcast_in_dim3A_1, %add3A_2337 : vector<16xi32>
      %gather3A_2339 = tpu.vector_load_idx %arg12[%add3A_2338] : memref<336xf32, #tpu.memory_space<vmem>>[vector<16xi32>], vector<16xf32>,
      %mul3A_2340 = arith.mulf %gather3A_2339, %mul3A_1256 : vector<16xf32>
      %add3A_2341 = arith.addf %add3A_2335, %mul3A_2340 : vector<16xf32>
      %add3A_2342 = arith.constant 187 : i32
      %add3A_2343 = vector.broadcast %add3A_2342 : i32 to vector<16xi32>
      %add3A_2344 = arith.addi %broadcast_in_dim3A_1, %add3A_2343 : vector<16xi32>
      %gather3A_2345 = tpu.vector_load_idx %arg12[%add3A_2344] : memref<336xf32, #tpu.memory_space<vmem>>[vector<16xi32>], vector<16xf32>,
      %mul3A_2346 = arith.mulf %gather3A_2345, %mul3A_1257 : vector<16xf32>
      %add3A_2347 = arith.addf %add3A_2341, %mul3A_2346 : vector<16xf32>
      %add3A_2348 = arith.constant 188 : i32
      %add3A_2349 = vector.broadcast %add3A_2348 : i32 to vector<16xi32>
      %add3A_2350 = arith.addi %broadcast_in_dim3A_1, %add3A_2349 : vector<16xi32>
      %gather3A_2351 = tpu.vector_load_idx %arg12[%add3A_2350] : memref<336xf32, #tpu.memory_space<vmem>>[vector<16xi32>], vector<16xf32>,
      %mul3A_2352 = arith.mulf %gather3A_2351, %mul3A_1258 : vector<16xf32>
      %add3A_2353 = arith.addf %add3A_2347, %mul3A_2352 : vector<16xf32>
      %add3A_2354 = arith.constant 189 : i32
      %add3A_2355 = vector.broadcast %add3A_2354 : i32 to vector<16xi32>
      %add3A_2356 = arith.addi %broadcast_in_dim3A_1, %add3A_2355 : vector<16xi32>
      %gather3A_2357 = tpu.vector_load_idx %arg12[%add3A_2356] : memref<336xf32, #tpu.memory_space<vmem>>[vector<16xi32>], vector<16xf32>,
      %mul3A_2358 = arith.mulf %gather3A_2357, %mul3A_1259 : vector<16xf32>
      %add3A_2359 = arith.addf %add3A_2353, %mul3A_2358 : vector<16xf32>
      %add3A_2360 = arith.constant 190 : i32
      %add3A_2361 = vector.broadcast %add3A_2360 : i32 to vector<16xi32>
      %add3A_2362 = arith.addi %broadcast_in_dim3A_1, %add3A_2361 : vector<16xi32>
      %gather3A_2363 = tpu.vector_load_idx %arg12[%add3A_2362] : memref<336xf32, #tpu.memory_space<vmem>>[vector<16xi32>], vector<16xf32>,
      %mul3A_2364 = arith.mulf %gather3A_2363, %mul3A_1260 : vector<16xf32>
      %add3A_2365 = arith.addf %add3A_2359, %mul3A_2364 : vector<16xf32>
      %add3A_2366 = arith.constant 191 : i32
      %add3A_2367 = vector.broadcast %add3A_2366 : i32 to vector<16xi32>
      %add3A_2368 = arith.addi %broadcast_in_dim3A_1, %add3A_2367 : vector<16xi32>
      %gather3A_2369 = tpu.vector_load_idx %arg12[%add3A_2368] : memref<336xf32, #tpu.memory_space<vmem>>[vector<16xi32>], vector<16xf32>,
      %mul3A_2370 = arith.mulf %gather3A_2369, %mul3A_1261 : vector<16xf32>
      %add3A_2371 = arith.addf %add3A_2365, %mul3A_2370 : vector<16xf32>
      %add3A_2372 = arith.constant 192 : i32
      %add3A_2373 = vector.broadcast %add3A_2372 : i32 to vector<16xi32>
      %add3A_2374 = arith.addi %broadcast_in_dim3A_1, %add3A_2373 : vector<16xi32>
      %gather3A_2375 = tpu.vector_load_idx %arg12[%add3A_2374] : memref<336xf32, #tpu.memory_space<vmem>>[vector<16xi32>], vector<16xf32>,
      %mul3A_2376 = arith.mulf %gather3A_2375, %mul3A_1262 : vector<16xf32>
      %add3A_2377 = arith.addf %add3A_2371, %mul3A_2376 : vector<16xf32>
      %add3A_2378 = arith.constant 193 : i32
      %add3A_2379 = vector.broadcast %add3A_2378 : i32 to vector<16xi32>
      %add3A_2380 = arith.addi %broadcast_in_dim3A_1, %add3A_2379 : vector<16xi32>
      %gather3A_2381 = tpu.vector_load_idx %arg12[%add3A_2380] : memref<336xf32, #tpu.memory_space<vmem>>[vector<16xi32>], vector<16xf32>,
      %mul3A_2382 = arith.mulf %gather3A_2381, %mul3A_1263 : vector<16xf32>
      %add3A_2383 = arith.addf %add3A_2377, %mul3A_2382 : vector<16xf32>
      %add3A_2384 = arith.constant 194 : i32
      %add3A_2385 = vector.broadcast %add3A_2384 : i32 to vector<16xi32>
      %add3A_2386 = arith.addi %broadcast_in_dim3A_1, %add3A_2385 : vector<16xi32>
      %gather3A_2387 = tpu.vector_load_idx %arg12[%add3A_2386] : memref<336xf32, #tpu.memory_space<vmem>>[vector<16xi32>], vector<16xf32>,
      %mul3A_2388 = arith.mulf %gather3A_2387, %mul3A_1264 : vector<16xf32>
      %add3A_2389 = arith.addf %add3A_2383, %mul3A_2388 : vector<16xf32>
      %add3A_2390 = arith.constant 195 : i32
      %add3A_2391 = vector.broadcast %add3A_2390 : i32 to vector<16xi32>
      %add3A_2392 = arith.addi %broadcast_in_dim3A_1, %add3A_2391 : vector<16xi32>
      %gather3A_2393 = tpu.vector_load_idx %arg12[%add3A_2392] : memref<336xf32, #tpu.memory_space<vmem>>[vector<16xi32>], vector<16xf32>,
      %mul3A_2394 = arith.mulf %gather3A_2393, %mul3A_1265 : vector<16xf32>
      %add3A_2395 = arith.addf %add3A_2389, %mul3A_2394 : vector<16xf32>
      %add3A_2396 = arith.constant 196 : i32
      %add3A_2397 = vector.broadcast %add3A_2396 : i32 to vector<16xi32>
      %add3A_2398 = arith.addi %broadcast_in_dim3A_1, %add3A_2397 : vector<16xi32>
      %gather3A_2399 = tpu.vector_load_idx %arg12[%add3A_2398] : memref<336xf32, #tpu.memory_space<vmem>>[vector<16xi32>], vector<16xf32>,
      %mul3A_2400 = arith.mulf %gather3A_2399, %mul3A_1266 : vector<16xf32>
      %add3A_2401 = arith.addf %add3A_2395, %mul3A_2400 : vector<16xf32>
      %add3A_2402 = arith.constant 197 : i32
      %add3A_2403 = vector.broadcast %add3A_2402 : i32 to vector<16xi32>
      %add3A_2404 = arith.addi %broadcast_in_dim3A_1, %add3A_2403 : vector<16xi32>
      %gather3A_2405 = tpu.vector_load_idx %arg12[%add3A_2404] : memref<336xf32, #tpu.memory_space<vmem>>[vector<16xi32>], vector<16xf32>,
      %mul3A_2406 = arith.mulf %gather3A_2405, %mul3A_1267 : vector<16xf32>
      %add3A_2407 = arith.addf %add3A_2401, %mul3A_2406 : vector<16xf32>
      %add3A_2408 = arith.constant 198 : i32
      %add3A_2409 = vector.broadcast %add3A_2408 : i32 to vector<16xi32>
      %add3A_2410 = arith.addi %broadcast_in_dim3A_1, %add3A_2409 : vector<16xi32>
      %gather3A_2411 = tpu.vector_load_idx %arg12[%add3A_2410] : memref<336xf32, #tpu.memory_space<vmem>>[vector<16xi32>], vector<16xf32>,
      %mul3A_2412 = arith.mulf %gather3A_2411, %mul3A_1268 : vector<16xf32>
      %add3A_2413 = arith.addf %add3A_2407, %mul3A_2412 : vector<16xf32>
      %add3A_2414 = arith.constant 199 : i32
      %add3A_2415 = vector.broadcast %add3A_2414 : i32 to vector<16xi32>
      %add3A_2416 = arith.addi %broadcast_in_dim3A_1, %add3A_2415 : vector<16xi32>
      %gather3A_2417 = tpu.vector_load_idx %arg12[%add3A_2416] : memref<336xf32, #tpu.memory_space<vmem>>[vector<16xi32>], vector<16xf32>,
      %mul3A_2418 = arith.mulf %gather3A_2417, %mul3A_1269 : vector<16xf32>
      %add3A_2419 = arith.addf %add3A_2413, %mul3A_2418 : vector<16xf32>
      %add3A_2420 = arith.constant 200 : i32
      %add3A_2421 = vector.broadcast %add3A_2420 : i32 to vector<16xi32>
      %add3A_2422 = arith.addi %broadcast_in_dim3A_1, %add3A_2421 : vector<16xi32>
      %gather3A_2423 = tpu.vector_load_idx %arg12[%add3A_2422] : memref<336xf32, #tpu.memory_space<vmem>>[vector<16xi32>], vector<16xf32>,
      %mul3A_2424 = arith.mulf %gather3A_2423, %mul3A_1270 : vector<16xf32>
      %add3A_2425 = arith.addf %add3A_2419, %mul3A_2424 : vector<16xf32>
      %add3A_2426 = arith.constant 201 : i32
      %add3A_2427 = vector.broadcast %add3A_2426 : i32 to vector<16xi32>
      %add3A_2428 = arith.addi %broadcast_in_dim3A_1, %add3A_2427 : vector<16xi32>
      %gather3A_2429 = tpu.vector_load_idx %arg12[%add3A_2428] : memref<336xf32, #tpu.memory_space<vmem>>[vector<16xi32>], vector<16xf32>,
      %mul3A_2430 = arith.mulf %gather3A_2429, %mul3A_1271 : vector<16xf32>
      %add3A_2431 = arith.addf %add3A_2425, %mul3A_2430 : vector<16xf32>
      %add3A_2432 = arith.constant 202 : i32
      %add3A_2433 = vector.broadcast %add3A_2432 : i32 to vector<16xi32>
      %add3A_2434 = arith.addi %broadcast_in_dim3A_1, %add3A_2433 : vector<16xi32>
      %gather3A_2435 = tpu.vector_load_idx %arg12[%add3A_2434] : memref<336xf32, #tpu.memory_space<vmem>>[vector<16xi32>], vector<16xf32>,
      %mul3A_2436 = arith.mulf %gather3A_2435, %mul3A_1272 : vector<16xf32>
      %add3A_2437 = arith.addf %add3A_2431, %mul3A_2436 : vector<16xf32>
      %add3A_2438 = arith.constant 203 : i32
      %add3A_2439 = vector.broadcast %add3A_2438 : i32 to vector<16xi32>
      %add3A_2440 = arith.addi %broadcast_in_dim3A_1, %add3A_2439 : vector<16xi32>
      %gather3A_2441 = tpu.vector_load_idx %arg12[%add3A_2440] : memref<336xf32, #tpu.memory_space<vmem>>[vector<16xi32>], vector<16xf32>,
      %mul3A_2442 = arith.mulf %gather3A_2441, %mul3A_1273 : vector<16xf32>
      %add3A_2443 = arith.addf %add3A_2437, %mul3A_2442 : vector<16xf32>
      %add3A_2444 = arith.constant 204 : i32
      %add3A_2445 = vector.broadcast %add3A_2444 : i32 to vector<16xi32>
      %add3A_2446 = arith.addi %broadcast_in_dim3A_1, %add3A_2445 : vector<16xi32>
      %gather3A_2447 = tpu.vector_load_idx %arg12[%add3A_2446] : memref<336xf32, #tpu.memory_space<vmem>>[vector<16xi32>], vector<16xf32>,
      %mul3A_2448 = arith.mulf %gather3A_2447, %mul3A_1274 : vector<16xf32>
      %add3A_2449 = arith.addf %add3A_2443, %mul3A_2448 : vector<16xf32>
      %add3A_2450 = arith.constant 205 : i32
      %add3A_2451 = vector.broadcast %add3A_2450 : i32 to vector<16xi32>
      %add3A_2452 = arith.addi %broadcast_in_dim3A_1, %add3A_2451 : vector<16xi32>
      %gather3A_2453 = tpu.vector_load_idx %arg12[%add3A_2452] : memref<336xf32, #tpu.memory_space<vmem>>[vector<16xi32>], vector<16xf32>,
      %mul3A_2454 = arith.mulf %gather3A_2453, %mul3A_1275 : vector<16xf32>
      %add3A_2455 = arith.addf %add3A_2449, %mul3A_2454 : vector<16xf32>
      %add3A_2456 = arith.constant 206 : i32
      %add3A_2457 = vector.broadcast %add3A_2456 : i32 to vector<16xi32>
      %add3A_2458 = arith.addi %broadcast_in_dim3A_1, %add3A_2457 : vector<16xi32>
      %gather3A_2459 = tpu.vector_load_idx %arg12[%add3A_2458] : memref<336xf32, #tpu.memory_space<vmem>>[vector<16xi32>], vector<16xf32>,
      %mul3A_2460 = arith.mulf %gather3A_2459, %mul3A_1276 : vector<16xf32>
      %add3A_2461 = arith.addf %add3A_2455, %mul3A_2460 : vector<16xf32>
      %add3A_2462 = arith.constant 207 : i32
      %add3A_2463 = vector.broadcast %add3A_2462 : i32 to vector<16xi32>
      %add3A_2464 = arith.addi %broadcast_in_dim3A_1, %add3A_2463 : vector<16xi32>
      %gather3A_2465 = tpu.vector_load_idx %arg12[%add3A_2464] : memref<336xf32, #tpu.memory_space<vmem>>[vector<16xi32>], vector<16xf32>,
      %mul3A_2466 = arith.mulf %gather3A_2465, %mul3A_1277 : vector<16xf32>
      %add3A_2467 = arith.addf %add3A_2461, %mul3A_2466 : vector<16xf32>
      %add3A_2468 = arith.constant 5 : i32
      %add3A_2469 = vector.broadcast %add3A_2468 : i32 to vector<16xi32>
      %add3A_2470 = arith.addi %broadcast_in_dim3A_1, %add3A_2469 : vector<16xi32>
      tpu.vector_store_idx %arg14[%iota3A, %add3A_2470], %add3A_2467 : memref<16x10xf32, #tpu.memory_space<vmem>>[vector<16xi32>, vector<16xi32>], vector<16xf32>,
      %add3A_2471 = arith.constant 22 : i32
      %add3A_2472 = vector.broadcast %add3A_2471 : i32 to vector<16xi32>
      %add3A_2473 = arith.addi %broadcast_in_dim3A_1, %add3A_2472 : vector<16xi32>
      %gather3A_2474 = tpu.vector_load_idx %arg13[%add3A_2473] : memref<32xf32, #tpu.memory_space<vmem>>[vector<16xi32>], vector<16xf32>,
      %add3A_2475 = arith.constant 208 : i32
      %add3A_2476 = vector.broadcast %add3A_2475 : i32 to vector<16xi32>
      %add3A_2477 = arith.addi %broadcast_in_dim3A_1, %add3A_2476 : vector<16xi32>
      %gather3A_2478 = tpu.vector_load_idx %arg12[%add3A_2477] : memref<336xf32, #tpu.memory_space<vmem>>[vector<16xi32>], vector<16xf32>,
      %mul3A_2479 = arith.mulf %gather3A_2478, %mul3A_1246 : vector<16xf32>
      %add3A_2480 = arith.addf %gather3A_2474, %mul3A_2479 : vector<16xf32>
      %add3A_2481 = arith.constant 209 : i32
      %add3A_2482 = vector.broadcast %add3A_2481 : i32 to vector<16xi32>
      %add3A_2483 = arith.addi %broadcast_in_dim3A_1, %add3A_2482 : vector<16xi32>
      %gather3A_2484 = tpu.vector_load_idx %arg12[%add3A_2483] : memref<336xf32, #tpu.memory_space<vmem>>[vector<16xi32>], vector<16xf32>,
      %mul3A_2485 = arith.mulf %gather3A_2484, %mul3A_1247 : vector<16xf32>
      %add3A_2486 = arith.addf %add3A_2480, %mul3A_2485 : vector<16xf32>
      %add3A_2487 = arith.constant 210 : i32
      %add3A_2488 = vector.broadcast %add3A_2487 : i32 to vector<16xi32>
      %add3A_2489 = arith.addi %broadcast_in_dim3A_1, %add3A_2488 : vector<16xi32>
      %gather3A_2490 = tpu.vector_load_idx %arg12[%add3A_2489] : memref<336xf32, #tpu.memory_space<vmem>>[vector<16xi32>], vector<16xf32>,
      %mul3A_2491 = arith.mulf %gather3A_2490, %mul3A_1248 : vector<16xf32>
      %add3A_2492 = arith.addf %add3A_2486, %mul3A_2491 : vector<16xf32>
      %add3A_2493 = arith.constant 211 : i32
      %add3A_2494 = vector.broadcast %add3A_2493 : i32 to vector<16xi32>
      %add3A_2495 = arith.addi %broadcast_in_dim3A_1, %add3A_2494 : vector<16xi32>
      %gather3A_2496 = tpu.vector_load_idx %arg12[%add3A_2495] : memref<336xf32, #tpu.memory_space<vmem>>[vector<16xi32>], vector<16xf32>,
      %mul3A_2497 = arith.mulf %gather3A_2496, %mul3A_1249 : vector<16xf32>
      %add3A_2498 = arith.addf %add3A_2492, %mul3A_2497 : vector<16xf32>
      %add3A_2499 = arith.constant 212 : i32
      %add3A_2500 = vector.broadcast %add3A_2499 : i32 to vector<16xi32>
      %add3A_2501 = arith.addi %broadcast_in_dim3A_1, %add3A_2500 : vector<16xi32>
      %gather3A_2502 = tpu.vector_load_idx %arg12[%add3A_2501] : memref<336xf32, #tpu.memory_space<vmem>>[vector<16xi32>], vector<16xf32>,
      %mul3A_2503 = arith.mulf %gather3A_2502, %mul3A_1250 : vector<16xf32>
      %add3A_2504 = arith.addf %add3A_2498, %mul3A_2503 : vector<16xf32>
      %add3A_2505 = arith.constant 213 : i32
      %add3A_2506 = vector.broadcast %add3A_2505 : i32 to vector<16xi32>
      %add3A_2507 = arith.addi %broadcast_in_dim3A_1, %add3A_2506 : vector<16xi32>
      %gather3A_2508 = tpu.vector_load_idx %arg12[%add3A_2507] : memref<336xf32, #tpu.memory_space<vmem>>[vector<16xi32>], vector<16xf32>,
      %mul3A_2509 = arith.mulf %gather3A_2508, %mul3A_1251 : vector<16xf32>
      %add3A_2510 = arith.addf %add3A_2504, %mul3A_2509 : vector<16xf32>
      %add3A_2511 = arith.constant 214 : i32
      %add3A_2512 = vector.broadcast %add3A_2511 : i32 to vector<16xi32>
      %add3A_2513 = arith.addi %broadcast_in_dim3A_1, %add3A_2512 : vector<16xi32>
      %gather3A_2514 = tpu.vector_load_idx %arg12[%add3A_2513] : memref<336xf32, #tpu.memory_space<vmem>>[vector<16xi32>], vector<16xf32>,
      %mul3A_2515 = arith.mulf %gather3A_2514, %mul3A_1252 : vector<16xf32>
      %add3A_2516 = arith.addf %add3A_2510, %mul3A_2515 : vector<16xf32>
      %add3A_2517 = arith.constant 215 : i32
      %add3A_2518 = vector.broadcast %add3A_2517 : i32 to vector<16xi32>
      %add3A_2519 = arith.addi %broadcast_in_dim3A_1, %add3A_2518 : vector<16xi32>
      %gather3A_2520 = tpu.vector_load_idx %arg12[%add3A_2519] : memref<336xf32, #tpu.memory_space<vmem>>[vector<16xi32>], vector<16xf32>,
      %mul3A_2521 = arith.mulf %gather3A_2520, %mul3A_1253 : vector<16xf32>
      %add3A_2522 = arith.addf %add3A_2516, %mul3A_2521 : vector<16xf32>
      %add3A_2523 = arith.constant 216 : i32
      %add3A_2524 = vector.broadcast %add3A_2523 : i32 to vector<16xi32>
      %add3A_2525 = arith.addi %broadcast_in_dim3A_1, %add3A_2524 : vector<16xi32>
      %gather3A_2526 = tpu.vector_load_idx %arg12[%add3A_2525] : memref<336xf32, #tpu.memory_space<vmem>>[vector<16xi32>], vector<16xf32>,
      %mul3A_2527 = arith.mulf %gather3A_2526, %mul3A_1254 : vector<16xf32>
      %add3A_2528 = arith.addf %add3A_2522, %mul3A_2527 : vector<16xf32>
      %add3A_2529 = arith.constant 217 : i32
      %add3A_2530 = vector.broadcast %add3A_2529 : i32 to vector<16xi32>
      %add3A_2531 = arith.addi %broadcast_in_dim3A_1, %add3A_2530 : vector<16xi32>
      %gather3A_2532 = tpu.vector_load_idx %arg12[%add3A_2531] : memref<336xf32, #tpu.memory_space<vmem>>[vector<16xi32>], vector<16xf32>,
      %mul3A_2533 = arith.mulf %gather3A_2532, %mul3A_1255 : vector<16xf32>
      %add3A_2534 = arith.addf %add3A_2528, %mul3A_2533 : vector<16xf32>
      %add3A_2535 = arith.constant 218 : i32
      %add3A_2536 = vector.broadcast %add3A_2535 : i32 to vector<16xi32>
      %add3A_2537 = arith.addi %broadcast_in_dim3A_1, %add3A_2536 : vector<16xi32>
      %gather3A_2538 = tpu.vector_load_idx %arg12[%add3A_2537] : memref<336xf32, #tpu.memory_space<vmem>>[vector<16xi32>], vector<16xf32>,
      %mul3A_2539 = arith.mulf %gather3A_2538, %mul3A_1256 : vector<16xf32>
      %add3A_2540 = arith.addf %add3A_2534, %mul3A_2539 : vector<16xf32>
      %add3A_2541 = arith.constant 219 : i32
      %add3A_2542 = vector.broadcast %add3A_2541 : i32 to vector<16xi32>
      %add3A_2543 = arith.addi %broadcast_in_dim3A_1, %add3A_2542 : vector<16xi32>
      %gather3A_2544 = tpu.vector_load_idx %arg12[%add3A_2543] : memref<336xf32, #tpu.memory_space<vmem>>[vector<16xi32>], vector<16xf32>,
      %mul3A_2545 = arith.mulf %gather3A_2544, %mul3A_1257 : vector<16xf32>
      %add3A_2546 = arith.addf %add3A_2540, %mul3A_2545 : vector<16xf32>
      %add3A_2547 = arith.constant 220 : i32
      %add3A_2548 = vector.broadcast %add3A_2547 : i32 to vector<16xi32>
      %add3A_2549 = arith.addi %broadcast_in_dim3A_1, %add3A_2548 : vector<16xi32>
      %gather3A_2550 = tpu.vector_load_idx %arg12[%add3A_2549] : memref<336xf32, #tpu.memory_space<vmem>>[vector<16xi32>], vector<16xf32>,
      %mul3A_2551 = arith.mulf %gather3A_2550, %mul3A_1258 : vector<16xf32>
      %add3A_2552 = arith.addf %add3A_2546, %mul3A_2551 : vector<16xf32>
      %add3A_2553 = arith.constant 221 : i32
      %add3A_2554 = vector.broadcast %add3A_2553 : i32 to vector<16xi32>
      %add3A_2555 = arith.addi %broadcast_in_dim3A_1, %add3A_2554 : vector<16xi32>
      %gather3A_2556 = tpu.vector_load_idx %arg12[%add3A_2555] : memref<336xf32, #tpu.memory_space<vmem>>[vector<16xi32>], vector<16xf32>,
      %mul3A_2557 = arith.mulf %gather3A_2556, %mul3A_1259 : vector<16xf32>
      %add3A_2558 = arith.addf %add3A_2552, %mul3A_2557 : vector<16xf32>
      %add3A_2559 = arith.constant 222 : i32
      %add3A_2560 = vector.broadcast %add3A_2559 : i32 to vector<16xi32>
      %add3A_2561 = arith.addi %broadcast_in_dim3A_1, %add3A_2560 : vector<16xi32>
      %gather3A_2562 = tpu.vector_load_idx %arg12[%add3A_2561] : memref<336xf32, #tpu.memory_space<vmem>>[vector<16xi32>], vector<16xf32>,
      %mul3A_2563 = arith.mulf %gather3A_2562, %mul3A_1260 : vector<16xf32>
      %add3A_2564 = arith.addf %add3A_2558, %mul3A_2563 : vector<16xf32>
      %add3A_2565 = arith.constant 223 : i32
      %add3A_2566 = vector.broadcast %add3A_2565 : i32 to vector<16xi32>
      %add3A_2567 = arith.addi %broadcast_in_dim3A_1, %add3A_2566 : vector<16xi32>
      %gather3A_2568 = tpu.vector_load_idx %arg12[%add3A_2567] : memref<336xf32, #tpu.memory_space<vmem>>[vector<16xi32>], vector<16xf32>,
      %mul3A_2569 = arith.mulf %gather3A_2568, %mul3A_1261 : vector<16xf32>
      %add3A_2570 = arith.addf %add3A_2564, %mul3A_2569 : vector<16xf32>
      %add3A_2571 = arith.constant 224 : i32
      %add3A_2572 = vector.broadcast %add3A_2571 : i32 to vector<16xi32>
      %add3A_2573 = arith.addi %broadcast_in_dim3A_1, %add3A_2572 : vector<16xi32>
      %gather3A_2574 = tpu.vector_load_idx %arg12[%add3A_2573] : memref<336xf32, #tpu.memory_space<vmem>>[vector<16xi32>], vector<16xf32>,
      %mul3A_2575 = arith.mulf %gather3A_2574, %mul3A_1262 : vector<16xf32>
      %add3A_2576 = arith.addf %add3A_2570, %mul3A_2575 : vector<16xf32>
      %add3A_2577 = arith.constant 225 : i32
      %add3A_2578 = vector.broadcast %add3A_2577 : i32 to vector<16xi32>
      %add3A_2579 = arith.addi %broadcast_in_dim3A_1, %add3A_2578 : vector<16xi32>
      %gather3A_2580 = tpu.vector_load_idx %arg12[%add3A_2579] : memref<336xf32, #tpu.memory_space<vmem>>[vector<16xi32>], vector<16xf32>,
      %mul3A_2581 = arith.mulf %gather3A_2580, %mul3A_1263 : vector<16xf32>
      %add3A_2582 = arith.addf %add3A_2576, %mul3A_2581 : vector<16xf32>
      %add3A_2583 = arith.constant 226 : i32
      %add3A_2584 = vector.broadcast %add3A_2583 : i32 to vector<16xi32>
      %add3A_2585 = arith.addi %broadcast_in_dim3A_1, %add3A_2584 : vector<16xi32>
      %gather3A_2586 = tpu.vector_load_idx %arg12[%add3A_2585] : memref<336xf32, #tpu.memory_space<vmem>>[vector<16xi32>], vector<16xf32>,
      %mul3A_2587 = arith.mulf %gather3A_2586, %mul3A_1264 : vector<16xf32>
      %add3A_2588 = arith.addf %add3A_2582, %mul3A_2587 : vector<16xf32>
      %add3A_2589 = arith.constant 227 : i32
      %add3A_2590 = vector.broadcast %add3A_2589 : i32 to vector<16xi32>
      %add3A_2591 = arith.addi %broadcast_in_dim3A_1, %add3A_2590 : vector<16xi32>
      %gather3A_2592 = tpu.vector_load_idx %arg12[%add3A_2591] : memref<336xf32, #tpu.memory_space<vmem>>[vector<16xi32>], vector<16xf32>,
      %mul3A_2593 = arith.mulf %gather3A_2592, %mul3A_1265 : vector<16xf32>
      %add3A_2594 = arith.addf %add3A_2588, %mul3A_2593 : vector<16xf32>
      %add3A_2595 = arith.constant 228 : i32
      %add3A_2596 = vector.broadcast %add3A_2595 : i32 to vector<16xi32>
      %add3A_2597 = arith.addi %broadcast_in_dim3A_1, %add3A_2596 : vector<16xi32>
      %gather3A_2598 = tpu.vector_load_idx %arg12[%add3A_2597] : memref<336xf32, #tpu.memory_space<vmem>>[vector<16xi32>], vector<16xf32>,
      %mul3A_2599 = arith.mulf %gather3A_2598, %mul3A_1266 : vector<16xf32>
      %add3A_2600 = arith.addf %add3A_2594, %mul3A_2599 : vector<16xf32>
      %add3A_2601 = arith.constant 229 : i32
      %add3A_2602 = vector.broadcast %add3A_2601 : i32 to vector<16xi32>
      %add3A_2603 = arith.addi %broadcast_in_dim3A_1, %add3A_2602 : vector<16xi32>
      %gather3A_2604 = tpu.vector_load_idx %arg12[%add3A_2603] : memref<336xf32, #tpu.memory_space<vmem>>[vector<16xi32>], vector<16xf32>,
      %mul3A_2605 = arith.mulf %gather3A_2604, %mul3A_1267 : vector<16xf32>
      %add3A_2606 = arith.addf %add3A_2600, %mul3A_2605 : vector<16xf32>
      %add3A_2607 = arith.constant 230 : i32
      %add3A_2608 = vector.broadcast %add3A_2607 : i32 to vector<16xi32>
      %add3A_2609 = arith.addi %broadcast_in_dim3A_1, %add3A_2608 : vector<16xi32>
      %gather3A_2610 = tpu.vector_load_idx %arg12[%add3A_2609] : memref<336xf32, #tpu.memory_space<vmem>>[vector<16xi32>], vector<16xf32>,
      %mul3A_2611 = arith.mulf %gather3A_2610, %mul3A_1268 : vector<16xf32>
      %add3A_2612 = arith.addf %add3A_2606, %mul3A_2611 : vector<16xf32>
      %add3A_2613 = arith.constant 231 : i32
      %add3A_2614 = vector.broadcast %add3A_2613 : i32 to vector<16xi32>
      %add3A_2615 = arith.addi %broadcast_in_dim3A_1, %add3A_2614 : vector<16xi32>
      %gather3A_2616 = tpu.vector_load_idx %arg12[%add3A_2615] : memref<336xf32, #tpu.memory_space<vmem>>[vector<16xi32>], vector<16xf32>,
      %mul3A_2617 = arith.mulf %gather3A_2616, %mul3A_1269 : vector<16xf32>
      %add3A_2618 = arith.addf %add3A_2612, %mul3A_2617 : vector<16xf32>
      %add3A_2619 = arith.constant 232 : i32
      %add3A_2620 = vector.broadcast %add3A_2619 : i32 to vector<16xi32>
      %add3A_2621 = arith.addi %broadcast_in_dim3A_1, %add3A_2620 : vector<16xi32>
      %gather3A_2622 = tpu.vector_load_idx %arg12[%add3A_2621] : memref<336xf32, #tpu.memory_space<vmem>>[vector<16xi32>], vector<16xf32>,
      %mul3A_2623 = arith.mulf %gather3A_2622, %mul3A_1270 : vector<16xf32>
      %add3A_2624 = arith.addf %add3A_2618, %mul3A_2623 : vector<16xf32>
      %add3A_2625 = arith.constant 233 : i32
      %add3A_2626 = vector.broadcast %add3A_2625 : i32 to vector<16xi32>
      %add3A_2627 = arith.addi %broadcast_in_dim3A_1, %add3A_2626 : vector<16xi32>
      %gather3A_2628 = tpu.vector_load_idx %arg12[%add3A_2627] : memref<336xf32, #tpu.memory_space<vmem>>[vector<16xi32>], vector<16xf32>,
      %mul3A_2629 = arith.mulf %gather3A_2628, %mul3A_1271 : vector<16xf32>
      %add3A_2630 = arith.addf %add3A_2624, %mul3A_2629 : vector<16xf32>
      %add3A_2631 = arith.constant 234 : i32
      %add3A_2632 = vector.broadcast %add3A_2631 : i32 to vector<16xi32>
      %add3A_2633 = arith.addi %broadcast_in_dim3A_1, %add3A_2632 : vector<16xi32>
      %gather3A_2634 = tpu.vector_load_idx %arg12[%add3A_2633] : memref<336xf32, #tpu.memory_space<vmem>>[vector<16xi32>], vector<16xf32>,
      %mul3A_2635 = arith.mulf %gather3A_2634, %mul3A_1272 : vector<16xf32>
      %add3A_2636 = arith.addf %add3A_2630, %mul3A_2635 : vector<16xf32>
      %add3A_2637 = arith.constant 235 : i32
      %add3A_2638 = vector.broadcast %add3A_2637 : i32 to vector<16xi32>
      %add3A_2639 = arith.addi %broadcast_in_dim3A_1, %add3A_2638 : vector<16xi32>
      %gather3A_2640 = tpu.vector_load_idx %arg12[%add3A_2639] : memref<336xf32, #tpu.memory_space<vmem>>[vector<16xi32>], vector<16xf32>,
      %mul3A_2641 = arith.mulf %gather3A_2640, %mul3A_1273 : vector<16xf32>
      %add3A_2642 = arith.addf %add3A_2636, %mul3A_2641 : vector<16xf32>
      %add3A_2643 = arith.constant 236 : i32
      %add3A_2644 = vector.broadcast %add3A_2643 : i32 to vector<16xi32>
      %add3A_2645 = arith.addi %broadcast_in_dim3A_1, %add3A_2644 : vector<16xi32>
      %gather3A_2646 = tpu.vector_load_idx %arg12[%add3A_2645] : memref<336xf32, #tpu.memory_space<vmem>>[vector<16xi32>], vector<16xf32>,
      %mul3A_2647 = arith.mulf %gather3A_2646, %mul3A_1274 : vector<16xf32>
      %add3A_2648 = arith.addf %add3A_2642, %mul3A_2647 : vector<16xf32>
      %add3A_2649 = arith.constant 237 : i32
      %add3A_2650 = vector.broadcast %add3A_2649 : i32 to vector<16xi32>
      %add3A_2651 = arith.addi %broadcast_in_dim3A_1, %add3A_2650 : vector<16xi32>
      %gather3A_2652 = tpu.vector_load_idx %arg12[%add3A_2651] : memref<336xf32, #tpu.memory_space<vmem>>[vector<16xi32>], vector<16xf32>,
      %mul3A_2653 = arith.mulf %gather3A_2652, %mul3A_1275 : vector<16xf32>
      %add3A_2654 = arith.addf %add3A_2648, %mul3A_2653 : vector<16xf32>
      %add3A_2655 = arith.constant 238 : i32
      %add3A_2656 = vector.broadcast %add3A_2655 : i32 to vector<16xi32>
      %add3A_2657 = arith.addi %broadcast_in_dim3A_1, %add3A_2656 : vector<16xi32>
      %gather3A_2658 = tpu.vector_load_idx %arg12[%add3A_2657] : memref<336xf32, #tpu.memory_space<vmem>>[vector<16xi32>], vector<16xf32>,
      %mul3A_2659 = arith.mulf %gather3A_2658, %mul3A_1276 : vector<16xf32>
      %add3A_2660 = arith.addf %add3A_2654, %mul3A_2659 : vector<16xf32>
      %add3A_2661 = arith.constant 239 : i32
      %add3A_2662 = vector.broadcast %add3A_2661 : i32 to vector<16xi32>
      %add3A_2663 = arith.addi %broadcast_in_dim3A_1, %add3A_2662 : vector<16xi32>
      %gather3A_2664 = tpu.vector_load_idx %arg12[%add3A_2663] : memref<336xf32, #tpu.memory_space<vmem>>[vector<16xi32>], vector<16xf32>,
      %mul3A_2665 = arith.mulf %gather3A_2664, %mul3A_1277 : vector<16xf32>
      %add3A_2666 = arith.addf %add3A_2660, %mul3A_2665 : vector<16xf32>
      %add3A_2667 = arith.constant 6 : i32
      %add3A_2668 = vector.broadcast %add3A_2667 : i32 to vector<16xi32>
      %add3A_2669 = arith.addi %broadcast_in_dim3A_1, %add3A_2668 : vector<16xi32>
      tpu.vector_store_idx %arg14[%iota3A, %add3A_2669], %add3A_2666 : memref<16x10xf32, #tpu.memory_space<vmem>>[vector<16xi32>, vector<16xi32>], vector<16xf32>,
      %add3A_2670 = arith.constant 23 : i32
      %add3A_2671 = vector.broadcast %add3A_2670 : i32 to vector<16xi32>
      %add3A_2672 = arith.addi %broadcast_in_dim3A_1, %add3A_2671 : vector<16xi32>
      %gather3A_2673 = tpu.vector_load_idx %arg13[%add3A_2672] : memref<32xf32, #tpu.memory_space<vmem>>[vector<16xi32>], vector<16xf32>,
      %add3A_2674 = arith.constant 240 : i32
      %add3A_2675 = vector.broadcast %add3A_2674 : i32 to vector<16xi32>
      %add3A_2676 = arith.addi %broadcast_in_dim3A_1, %add3A_2675 : vector<16xi32>
      %gather3A_2677 = tpu.vector_load_idx %arg12[%add3A_2676] : memref<336xf32, #tpu.memory_space<vmem>>[vector<16xi32>], vector<16xf32>,
      %mul3A_2678 = arith.mulf %gather3A_2677, %mul3A_1246 : vector<16xf32>
      %add3A_2679 = arith.addf %gather3A_2673, %mul3A_2678 : vector<16xf32>
      %add3A_2680 = arith.constant 241 : i32
      %add3A_2681 = vector.broadcast %add3A_2680 : i32 to vector<16xi32>
      %add3A_2682 = arith.addi %broadcast_in_dim3A_1, %add3A_2681 : vector<16xi32>
      %gather3A_2683 = tpu.vector_load_idx %arg12[%add3A_2682] : memref<336xf32, #tpu.memory_space<vmem>>[vector<16xi32>], vector<16xf32>,
      %mul3A_2684 = arith.mulf %gather3A_2683, %mul3A_1247 : vector<16xf32>
      %add3A_2685 = arith.addf %add3A_2679, %mul3A_2684 : vector<16xf32>
      %add3A_2686 = arith.constant 242 : i32
      %add3A_2687 = vector.broadcast %add3A_2686 : i32 to vector<16xi32>
      %add3A_2688 = arith.addi %broadcast_in_dim3A_1, %add3A_2687 : vector<16xi32>
      %gather3A_2689 = tpu.vector_load_idx %arg12[%add3A_2688] : memref<336xf32, #tpu.memory_space<vmem>>[vector<16xi32>], vector<16xf32>,
      %mul3A_2690 = arith.mulf %gather3A_2689, %mul3A_1248 : vector<16xf32>
      %add3A_2691 = arith.addf %add3A_2685, %mul3A_2690 : vector<16xf32>
      %add3A_2692 = arith.constant 243 : i32
      %add3A_2693 = vector.broadcast %add3A_2692 : i32 to vector<16xi32>
      %add3A_2694 = arith.addi %broadcast_in_dim3A_1, %add3A_2693 : vector<16xi32>
      %gather3A_2695 = tpu.vector_load_idx %arg12[%add3A_2694] : memref<336xf32, #tpu.memory_space<vmem>>[vector<16xi32>], vector<16xf32>,
      %mul3A_2696 = arith.mulf %gather3A_2695, %mul3A_1249 : vector<16xf32>
      %add3A_2697 = arith.addf %add3A_2691, %mul3A_2696 : vector<16xf32>
      %add3A_2698 = arith.constant 244 : i32
      %add3A_2699 = vector.broadcast %add3A_2698 : i32 to vector<16xi32>
      %add3A_2700 = arith.addi %broadcast_in_dim3A_1, %add3A_2699 : vector<16xi32>
      %gather3A_2701 = tpu.vector_load_idx %arg12[%add3A_2700] : memref<336xf32, #tpu.memory_space<vmem>>[vector<16xi32>], vector<16xf32>,
      %mul3A_2702 = arith.mulf %gather3A_2701, %mul3A_1250 : vector<16xf32>
      %add3A_2703 = arith.addf %add3A_2697, %mul3A_2702 : vector<16xf32>
      %add3A_2704 = arith.constant 245 : i32
      %add3A_2705 = vector.broadcast %add3A_2704 : i32 to vector<16xi32>
      %add3A_2706 = arith.addi %broadcast_in_dim3A_1, %add3A_2705 : vector<16xi32>
      %gather3A_2707 = tpu.vector_load_idx %arg12[%add3A_2706] : memref<336xf32, #tpu.memory_space<vmem>>[vector<16xi32>], vector<16xf32>,
      %mul3A_2708 = arith.mulf %gather3A_2707, %mul3A_1251 : vector<16xf32>
      %add3A_2709 = arith.addf %add3A_2703, %mul3A_2708 : vector<16xf32>
      %add3A_2710 = arith.constant 246 : i32
      %add3A_2711 = vector.broadcast %add3A_2710 : i32 to vector<16xi32>
      %add3A_2712 = arith.addi %broadcast_in_dim3A_1, %add3A_2711 : vector<16xi32>
      %gather3A_2713 = tpu.vector_load_idx %arg12[%add3A_2712] : memref<336xf32, #tpu.memory_space<vmem>>[vector<16xi32>], vector<16xf32>,
      %mul3A_2714 = arith.mulf %gather3A_2713, %mul3A_1252 : vector<16xf32>
      %add3A_2715 = arith.addf %add3A_2709, %mul3A_2714 : vector<16xf32>
      %add3A_2716 = arith.constant 247 : i32
      %add3A_2717 = vector.broadcast %add3A_2716 : i32 to vector<16xi32>
      %add3A_2718 = arith.addi %broadcast_in_dim3A_1, %add3A_2717 : vector<16xi32>
      %gather3A_2719 = tpu.vector_load_idx %arg12[%add3A_2718] : memref<336xf32, #tpu.memory_space<vmem>>[vector<16xi32>], vector<16xf32>,
      %mul3A_2720 = arith.mulf %gather3A_2719, %mul3A_1253 : vector<16xf32>
      %add3A_2721 = arith.addf %add3A_2715, %mul3A_2720 : vector<16xf32>
      %add3A_2722 = arith.constant 248 : i32
      %add3A_2723 = vector.broadcast %add3A_2722 : i32 to vector<16xi32>
      %add3A_2724 = arith.addi %broadcast_in_dim3A_1, %add3A_2723 : vector<16xi32>
      %gather3A_2725 = tpu.vector_load_idx %arg12[%add3A_2724] : memref<336xf32, #tpu.memory_space<vmem>>[vector<16xi32>], vector<16xf32>,
      %mul3A_2726 = arith.mulf %gather3A_2725, %mul3A_1254 : vector<16xf32>
      %add3A_2727 = arith.addf %add3A_2721, %mul3A_2726 : vector<16xf32>
      %add3A_2728 = arith.constant 249 : i32
      %add3A_2729 = vector.broadcast %add3A_2728 : i32 to vector<16xi32>
      %add3A_2730 = arith.addi %broadcast_in_dim3A_1, %add3A_2729 : vector<16xi32>
      %gather3A_2731 = tpu.vector_load_idx %arg12[%add3A_2730] : memref<336xf32, #tpu.memory_space<vmem>>[vector<16xi32>], vector<16xf32>,
      %mul3A_2732 = arith.mulf %gather3A_2731, %mul3A_1255 : vector<16xf32>
      %add3A_2733 = arith.addf %add3A_2727, %mul3A_2732 : vector<16xf32>
      %add3A_2734 = arith.constant 250 : i32
      %add3A_2735 = vector.broadcast %add3A_2734 : i32 to vector<16xi32>
      %add3A_2736 = arith.addi %broadcast_in_dim3A_1, %add3A_2735 : vector<16xi32>
      %gather3A_2737 = tpu.vector_load_idx %arg12[%add3A_2736] : memref<336xf32, #tpu.memory_space<vmem>>[vector<16xi32>], vector<16xf32>,
      %mul3A_2738 = arith.mulf %gather3A_2737, %mul3A_1256 : vector<16xf32>
      %add3A_2739 = arith.addf %add3A_2733, %mul3A_2738 : vector<16xf32>
      %add3A_2740 = arith.constant 251 : i32
      %add3A_2741 = vector.broadcast %add3A_2740 : i32 to vector<16xi32>
      %add3A_2742 = arith.addi %broadcast_in_dim3A_1, %add3A_2741 : vector<16xi32>
      %gather3A_2743 = tpu.vector_load_idx %arg12[%add3A_2742] : memref<336xf32, #tpu.memory_space<vmem>>[vector<16xi32>], vector<16xf32>,
      %mul3A_2744 = arith.mulf %gather3A_2743, %mul3A_1257 : vector<16xf32>
      %add3A_2745 = arith.addf %add3A_2739, %mul3A_2744 : vector<16xf32>
      %add3A_2746 = arith.constant 252 : i32
      %add3A_2747 = vector.broadcast %add3A_2746 : i32 to vector<16xi32>
      %add3A_2748 = arith.addi %broadcast_in_dim3A_1, %add3A_2747 : vector<16xi32>
      %gather3A_2749 = tpu.vector_load_idx %arg12[%add3A_2748] : memref<336xf32, #tpu.memory_space<vmem>>[vector<16xi32>], vector<16xf32>,
      %mul3A_2750 = arith.mulf %gather3A_2749, %mul3A_1258 : vector<16xf32>
      %add3A_2751 = arith.addf %add3A_2745, %mul3A_2750 : vector<16xf32>
      %add3A_2752 = arith.constant 253 : i32
      %add3A_2753 = vector.broadcast %add3A_2752 : i32 to vector<16xi32>
      %add3A_2754 = arith.addi %broadcast_in_dim3A_1, %add3A_2753 : vector<16xi32>
      %gather3A_2755 = tpu.vector_load_idx %arg12[%add3A_2754] : memref<336xf32, #tpu.memory_space<vmem>>[vector<16xi32>], vector<16xf32>,
      %mul3A_2756 = arith.mulf %gather3A_2755, %mul3A_1259 : vector<16xf32>
      %add3A_2757 = arith.addf %add3A_2751, %mul3A_2756 : vector<16xf32>
      %add3A_2758 = arith.constant 254 : i32
      %add3A_2759 = vector.broadcast %add3A_2758 : i32 to vector<16xi32>
      %add3A_2760 = arith.addi %broadcast_in_dim3A_1, %add3A_2759 : vector<16xi32>
      %gather3A_2761 = tpu.vector_load_idx %arg12[%add3A_2760] : memref<336xf32, #tpu.memory_space<vmem>>[vector<16xi32>], vector<16xf32>,
      %mul3A_2762 = arith.mulf %gather3A_2761, %mul3A_1260 : vector<16xf32>
      %add3A_2763 = arith.addf %add3A_2757, %mul3A_2762 : vector<16xf32>
      %add3A_2764 = arith.constant 255 : i32
      %add3A_2765 = vector.broadcast %add3A_2764 : i32 to vector<16xi32>
      %add3A_2766 = arith.addi %broadcast_in_dim3A_1, %add3A_2765 : vector<16xi32>
      %gather3A_2767 = tpu.vector_load_idx %arg12[%add3A_2766] : memref<336xf32, #tpu.memory_space<vmem>>[vector<16xi32>], vector<16xf32>,
      %mul3A_2768 = arith.mulf %gather3A_2767, %mul3A_1261 : vector<16xf32>
      %add3A_2769 = arith.addf %add3A_2763, %mul3A_2768 : vector<16xf32>
      %add3A_2770 = arith.constant 256 : i32
      %add3A_2771 = vector.broadcast %add3A_2770 : i32 to vector<16xi32>
      %add3A_2772 = arith.addi %broadcast_in_dim3A_1, %add3A_2771 : vector<16xi32>
      %gather3A_2773 = tpu.vector_load_idx %arg12[%add3A_2772] : memref<336xf32, #tpu.memory_space<vmem>>[vector<16xi32>], vector<16xf32>,
      %mul3A_2774 = arith.mulf %gather3A_2773, %mul3A_1262 : vector<16xf32>
      %add3A_2775 = arith.addf %add3A_2769, %mul3A_2774 : vector<16xf32>
      %add3A_2776 = arith.constant 257 : i32
      %add3A_2777 = vector.broadcast %add3A_2776 : i32 to vector<16xi32>
      %add3A_2778 = arith.addi %broadcast_in_dim3A_1, %add3A_2777 : vector<16xi32>
      %gather3A_2779 = tpu.vector_load_idx %arg12[%add3A_2778] : memref<336xf32, #tpu.memory_space<vmem>>[vector<16xi32>], vector<16xf32>,
      %mul3A_2780 = arith.mulf %gather3A_2779, %mul3A_1263 : vector<16xf32>
      %add3A_2781 = arith.addf %add3A_2775, %mul3A_2780 : vector<16xf32>
      %add3A_2782 = arith.constant 258 : i32
      %add3A_2783 = vector.broadcast %add3A_2782 : i32 to vector<16xi32>
      %add3A_2784 = arith.addi %broadcast_in_dim3A_1, %add3A_2783 : vector<16xi32>
      %gather3A_2785 = tpu.vector_load_idx %arg12[%add3A_2784] : memref<336xf32, #tpu.memory_space<vmem>>[vector<16xi32>], vector<16xf32>,
      %mul3A_2786 = arith.mulf %gather3A_2785, %mul3A_1264 : vector<16xf32>
      %add3A_2787 = arith.addf %add3A_2781, %mul3A_2786 : vector<16xf32>
      %add3A_2788 = arith.constant 259 : i32
      %add3A_2789 = vector.broadcast %add3A_2788 : i32 to vector<16xi32>
      %add3A_2790 = arith.addi %broadcast_in_dim3A_1, %add3A_2789 : vector<16xi32>
      %gather3A_2791 = tpu.vector_load_idx %arg12[%add3A_2790] : memref<336xf32, #tpu.memory_space<vmem>>[vector<16xi32>], vector<16xf32>,
      %mul3A_2792 = arith.mulf %gather3A_2791, %mul3A_1265 : vector<16xf32>
      %add3A_2793 = arith.addf %add3A_2787, %mul3A_2792 : vector<16xf32>
      %add3A_2794 = arith.constant 260 : i32
      %add3A_2795 = vector.broadcast %add3A_2794 : i32 to vector<16xi32>
      %add3A_2796 = arith.addi %broadcast_in_dim3A_1, %add3A_2795 : vector<16xi32>
      %gather3A_2797 = tpu.vector_load_idx %arg12[%add3A_2796] : memref<336xf32, #tpu.memory_space<vmem>>[vector<16xi32>], vector<16xf32>,
      %mul3A_2798 = arith.mulf %gather3A_2797, %mul3A_1266 : vector<16xf32>
      %add3A_2799 = arith.addf %add3A_2793, %mul3A_2798 : vector<16xf32>
      %add3A_2800 = arith.constant 261 : i32
      %add3A_2801 = vector.broadcast %add3A_2800 : i32 to vector<16xi32>
      %add3A_2802 = arith.addi %broadcast_in_dim3A_1, %add3A_2801 : vector<16xi32>
      %gather3A_2803 = tpu.vector_load_idx %arg12[%add3A_2802] : memref<336xf32, #tpu.memory_space<vmem>>[vector<16xi32>], vector<16xf32>,
      %mul3A_2804 = arith.mulf %gather3A_2803, %mul3A_1267 : vector<16xf32>
      %add3A_2805 = arith.addf %add3A_2799, %mul3A_2804 : vector<16xf32>
      %add3A_2806 = arith.constant 262 : i32
      %add3A_2807 = vector.broadcast %add3A_2806 : i32 to vector<16xi32>
      %add3A_2808 = arith.addi %broadcast_in_dim3A_1, %add3A_2807 : vector<16xi32>
      %gather3A_2809 = tpu.vector_load_idx %arg12[%add3A_2808] : memref<336xf32, #tpu.memory_space<vmem>>[vector<16xi32>], vector<16xf32>,
      %mul3A_2810 = arith.mulf %gather3A_2809, %mul3A_1268 : vector<16xf32>
      %add3A_2811 = arith.addf %add3A_2805, %mul3A_2810 : vector<16xf32>
      %add3A_2812 = arith.constant 263 : i32
      %add3A_2813 = vector.broadcast %add3A_2812 : i32 to vector<16xi32>
      %add3A_2814 = arith.addi %broadcast_in_dim3A_1, %add3A_2813 : vector<16xi32>
      %gather3A_2815 = tpu.vector_load_idx %arg12[%add3A_2814] : memref<336xf32, #tpu.memory_space<vmem>>[vector<16xi32>], vector<16xf32>,
      %mul3A_2816 = arith.mulf %gather3A_2815, %mul3A_1269 : vector<16xf32>
      %add3A_2817 = arith.addf %add3A_2811, %mul3A_2816 : vector<16xf32>
      %add3A_2818 = arith.constant 264 : i32
      %add3A_2819 = vector.broadcast %add3A_2818 : i32 to vector<16xi32>
      %add3A_2820 = arith.addi %broadcast_in_dim3A_1, %add3A_2819 : vector<16xi32>
      %gather3A_2821 = tpu.vector_load_idx %arg12[%add3A_2820] : memref<336xf32, #tpu.memory_space<vmem>>[vector<16xi32>], vector<16xf32>,
      %mul3A_2822 = arith.mulf %gather3A_2821, %mul3A_1270 : vector<16xf32>
      %add3A_2823 = arith.addf %add3A_2817, %mul3A_2822 : vector<16xf32>
      %add3A_2824 = arith.constant 265 : i32
      %add3A_2825 = vector.broadcast %add3A_2824 : i32 to vector<16xi32>
      %add3A_2826 = arith.addi %broadcast_in_dim3A_1, %add3A_2825 : vector<16xi32>
      %gather3A_2827 = tpu.vector_load_idx %arg12[%add3A_2826] : memref<336xf32, #tpu.memory_space<vmem>>[vector<16xi32>], vector<16xf32>,
      %mul3A_2828 = arith.mulf %gather3A_2827, %mul3A_1271 : vector<16xf32>
      %add3A_2829 = arith.addf %add3A_2823, %mul3A_2828 : vector<16xf32>
      %add3A_2830 = arith.constant 266 : i32
      %add3A_2831 = vector.broadcast %add3A_2830 : i32 to vector<16xi32>
      %add3A_2832 = arith.addi %broadcast_in_dim3A_1, %add3A_2831 : vector<16xi32>
      %gather3A_2833 = tpu.vector_load_idx %arg12[%add3A_2832] : memref<336xf32, #tpu.memory_space<vmem>>[vector<16xi32>], vector<16xf32>,
      %mul3A_2834 = arith.mulf %gather3A_2833, %mul3A_1272 : vector<16xf32>
      %add3A_2835 = arith.addf %add3A_2829, %mul3A_2834 : vector<16xf32>
      %add3A_2836 = arith.constant 267 : i32
      %add3A_2837 = vector.broadcast %add3A_2836 : i32 to vector<16xi32>
      %add3A_2838 = arith.addi %broadcast_in_dim3A_1, %add3A_2837 : vector<16xi32>
      %gather3A_2839 = tpu.vector_load_idx %arg12[%add3A_2838] : memref<336xf32, #tpu.memory_space<vmem>>[vector<16xi32>], vector<16xf32>,
      %mul3A_2840 = arith.mulf %gather3A_2839, %mul3A_1273 : vector<16xf32>
      %add3A_2841 = arith.addf %add3A_2835, %mul3A_2840 : vector<16xf32>
      %add3A_2842 = arith.constant 268 : i32
      %add3A_2843 = vector.broadcast %add3A_2842 : i32 to vector<16xi32>
      %add3A_2844 = arith.addi %broadcast_in_dim3A_1, %add3A_2843 : vector<16xi32>
      %gather3A_2845 = tpu.vector_load_idx %arg12[%add3A_2844] : memref<336xf32, #tpu.memory_space<vmem>>[vector<16xi32>], vector<16xf32>,
      %mul3A_2846 = arith.mulf %gather3A_2845, %mul3A_1274 : vector<16xf32>
      %add3A_2847 = arith.addf %add3A_2841, %mul3A_2846 : vector<16xf32>
      %add3A_2848 = arith.constant 269 : i32
      %add3A_2849 = vector.broadcast %add3A_2848 : i32 to vector<16xi32>
      %add3A_2850 = arith.addi %broadcast_in_dim3A_1, %add3A_2849 : vector<16xi32>
      %gather3A_2851 = tpu.vector_load_idx %arg12[%add3A_2850] : memref<336xf32, #tpu.memory_space<vmem>>[vector<16xi32>], vector<16xf32>,
      %mul3A_2852 = arith.mulf %gather3A_2851, %mul3A_1275 : vector<16xf32>
      %add3A_2853 = arith.addf %add3A_2847, %mul3A_2852 : vector<16xf32>
      %add3A_2854 = arith.constant 270 : i32
      %add3A_2855 = vector.broadcast %add3A_2854 : i32 to vector<16xi32>
      %add3A_2856 = arith.addi %broadcast_in_dim3A_1, %add3A_2855 : vector<16xi32>
      %gather3A_2857 = tpu.vector_load_idx %arg12[%add3A_2856] : memref<336xf32, #tpu.memory_space<vmem>>[vector<16xi32>], vector<16xf32>,
      %mul3A_2858 = arith.mulf %gather3A_2857, %mul3A_1276 : vector<16xf32>
      %add3A_2859 = arith.addf %add3A_2853, %mul3A_2858 : vector<16xf32>
      %add3A_2860 = arith.constant 271 : i32
      %add3A_2861 = vector.broadcast %add3A_2860 : i32 to vector<16xi32>
      %add3A_2862 = arith.addi %broadcast_in_dim3A_1, %add3A_2861 : vector<16xi32>
      %gather3A_2863 = tpu.vector_load_idx %arg12[%add3A_2862] : memref<336xf32, #tpu.memory_space<vmem>>[vector<16xi32>], vector<16xf32>,
      %mul3A_2864 = arith.mulf %gather3A_2863, %mul3A_1277 : vector<16xf32>
      %add3A_2865 = arith.addf %add3A_2859, %mul3A_2864 : vector<16xf32>
      %add3A_2866 = arith.constant 7 : i32
      %add3A_2867 = vector.broadcast %add3A_2866 : i32 to vector<16xi32>
      %add3A_2868 = arith.addi %broadcast_in_dim3A_1, %add3A_2867 : vector<16xi32>
      tpu.vector_store_idx %arg14[%iota3A, %add3A_2868], %add3A_2865 : memref<16x10xf32, #tpu.memory_space<vmem>>[vector<16xi32>, vector<16xi32>], vector<16xf32>,
      %add3A_2869 = arith.constant 24 : i32
      %add3A_2870 = vector.broadcast %add3A_2869 : i32 to vector<16xi32>
      %add3A_2871 = arith.addi %broadcast_in_dim3A_1, %add3A_2870 : vector<16xi32>
      %gather3A_2872 = tpu.vector_load_idx %arg13[%add3A_2871] : memref<32xf32, #tpu.memory_space<vmem>>[vector<16xi32>], vector<16xf32>,
      %add3A_2873 = arith.constant 272 : i32
      %add3A_2874 = vector.broadcast %add3A_2873 : i32 to vector<16xi32>
      %add3A_2875 = arith.addi %broadcast_in_dim3A_1, %add3A_2874 : vector<16xi32>
      %gather3A_2876 = tpu.vector_load_idx %arg12[%add3A_2875] : memref<336xf32, #tpu.memory_space<vmem>>[vector<16xi32>], vector<16xf32>,
      %mul3A_2877 = arith.mulf %gather3A_2876, %mul3A_1246 : vector<16xf32>
      %add3A_2878 = arith.addf %gather3A_2872, %mul3A_2877 : vector<16xf32>
      %add3A_2879 = arith.constant 273 : i32
      %add3A_2880 = vector.broadcast %add3A_2879 : i32 to vector<16xi32>
      %add3A_2881 = arith.addi %broadcast_in_dim3A_1, %add3A_2880 : vector<16xi32>
      %gather3A_2882 = tpu.vector_load_idx %arg12[%add3A_2881] : memref<336xf32, #tpu.memory_space<vmem>>[vector<16xi32>], vector<16xf32>,
      %mul3A_2883 = arith.mulf %gather3A_2882, %mul3A_1247 : vector<16xf32>
      %add3A_2884 = arith.addf %add3A_2878, %mul3A_2883 : vector<16xf32>
      %add3A_2885 = arith.constant 274 : i32
      %add3A_2886 = vector.broadcast %add3A_2885 : i32 to vector<16xi32>
      %add3A_2887 = arith.addi %broadcast_in_dim3A_1, %add3A_2886 : vector<16xi32>
      %gather3A_2888 = tpu.vector_load_idx %arg12[%add3A_2887] : memref<336xf32, #tpu.memory_space<vmem>>[vector<16xi32>], vector<16xf32>,
      %mul3A_2889 = arith.mulf %gather3A_2888, %mul3A_1248 : vector<16xf32>
      %add3A_2890 = arith.addf %add3A_2884, %mul3A_2889 : vector<16xf32>
      %add3A_2891 = arith.constant 275 : i32
      %add3A_2892 = vector.broadcast %add3A_2891 : i32 to vector<16xi32>
      %add3A_2893 = arith.addi %broadcast_in_dim3A_1, %add3A_2892 : vector<16xi32>
      %gather3A_2894 = tpu.vector_load_idx %arg12[%add3A_2893] : memref<336xf32, #tpu.memory_space<vmem>>[vector<16xi32>], vector<16xf32>,
      %mul3A_2895 = arith.mulf %gather3A_2894, %mul3A_1249 : vector<16xf32>
      %add3A_2896 = arith.addf %add3A_2890, %mul3A_2895 : vector<16xf32>
      %add3A_2897 = arith.constant 276 : i32
      %add3A_2898 = vector.broadcast %add3A_2897 : i32 to vector<16xi32>
      %add3A_2899 = arith.addi %broadcast_in_dim3A_1, %add3A_2898 : vector<16xi32>
      %gather3A_2900 = tpu.vector_load_idx %arg12[%add3A_2899] : memref<336xf32, #tpu.memory_space<vmem>>[vector<16xi32>], vector<16xf32>,
      %mul3A_2901 = arith.mulf %gather3A_2900, %mul3A_1250 : vector<16xf32>
      %add3A_2902 = arith.addf %add3A_2896, %mul3A_2901 : vector<16xf32>
      %add3A_2903 = arith.constant 277 : i32
      %add3A_2904 = vector.broadcast %add3A_2903 : i32 to vector<16xi32>
      %add3A_2905 = arith.addi %broadcast_in_dim3A_1, %add3A_2904 : vector<16xi32>
      %gather3A_2906 = tpu.vector_load_idx %arg12[%add3A_2905] : memref<336xf32, #tpu.memory_space<vmem>>[vector<16xi32>], vector<16xf32>,
      %mul3A_2907 = arith.mulf %gather3A_2906, %mul3A_1251 : vector<16xf32>
      %add3A_2908 = arith.addf %add3A_2902, %mul3A_2907 : vector<16xf32>
      %add3A_2909 = arith.constant 278 : i32
      %add3A_2910 = vector.broadcast %add3A_2909 : i32 to vector<16xi32>
      %add3A_2911 = arith.addi %broadcast_in_dim3A_1, %add3A_2910 : vector<16xi32>
      %gather3A_2912 = tpu.vector_load_idx %arg12[%add3A_2911] : memref<336xf32, #tpu.memory_space<vmem>>[vector<16xi32>], vector<16xf32>,
      %mul3A_2913 = arith.mulf %gather3A_2912, %mul3A_1252 : vector<16xf32>
      %add3A_2914 = arith.addf %add3A_2908, %mul3A_2913 : vector<16xf32>
      %add3A_2915 = arith.constant 279 : i32
      %add3A_2916 = vector.broadcast %add3A_2915 : i32 to vector<16xi32>
      %add3A_2917 = arith.addi %broadcast_in_dim3A_1, %add3A_2916 : vector<16xi32>
      %gather3A_2918 = tpu.vector_load_idx %arg12[%add3A_2917] : memref<336xf32, #tpu.memory_space<vmem>>[vector<16xi32>], vector<16xf32>,
      %mul3A_2919 = arith.mulf %gather3A_2918, %mul3A_1253 : vector<16xf32>
      %add3A_2920 = arith.addf %add3A_2914, %mul3A_2919 : vector<16xf32>
      %add3A_2921 = arith.constant 280 : i32
      %add3A_2922 = vector.broadcast %add3A_2921 : i32 to vector<16xi32>
      %add3A_2923 = arith.addi %broadcast_in_dim3A_1, %add3A_2922 : vector<16xi32>
      %gather3A_2924 = tpu.vector_load_idx %arg12[%add3A_2923] : memref<336xf32, #tpu.memory_space<vmem>>[vector<16xi32>], vector<16xf32>,
      %mul3A_2925 = arith.mulf %gather3A_2924, %mul3A_1254 : vector<16xf32>
      %add3A_2926 = arith.addf %add3A_2920, %mul3A_2925 : vector<16xf32>
      %add3A_2927 = arith.constant 281 : i32
      %add3A_2928 = vector.broadcast %add3A_2927 : i32 to vector<16xi32>
      %add3A_2929 = arith.addi %broadcast_in_dim3A_1, %add3A_2928 : vector<16xi32>
      %gather3A_2930 = tpu.vector_load_idx %arg12[%add3A_2929] : memref<336xf32, #tpu.memory_space<vmem>>[vector<16xi32>], vector<16xf32>,
      %mul3A_2931 = arith.mulf %gather3A_2930, %mul3A_1255 : vector<16xf32>
      %add3A_2932 = arith.addf %add3A_2926, %mul3A_2931 : vector<16xf32>
      %add3A_2933 = arith.constant 282 : i32
      %add3A_2934 = vector.broadcast %add3A_2933 : i32 to vector<16xi32>
      %add3A_2935 = arith.addi %broadcast_in_dim3A_1, %add3A_2934 : vector<16xi32>
      %gather3A_2936 = tpu.vector_load_idx %arg12[%add3A_2935] : memref<336xf32, #tpu.memory_space<vmem>>[vector<16xi32>], vector<16xf32>,
      %mul3A_2937 = arith.mulf %gather3A_2936, %mul3A_1256 : vector<16xf32>
      %add3A_2938 = arith.addf %add3A_2932, %mul3A_2937 : vector<16xf32>
      %add3A_2939 = arith.constant 283 : i32
      %add3A_2940 = vector.broadcast %add3A_2939 : i32 to vector<16xi32>
      %add3A_2941 = arith.addi %broadcast_in_dim3A_1, %add3A_2940 : vector<16xi32>
      %gather3A_2942 = tpu.vector_load_idx %arg12[%add3A_2941] : memref<336xf32, #tpu.memory_space<vmem>>[vector<16xi32>], vector<16xf32>,
      %mul3A_2943 = arith.mulf %gather3A_2942, %mul3A_1257 : vector<16xf32>
      %add3A_2944 = arith.addf %add3A_2938, %mul3A_2943 : vector<16xf32>
      %add3A_2945 = arith.constant 284 : i32
      %add3A_2946 = vector.broadcast %add3A_2945 : i32 to vector<16xi32>
      %add3A_2947 = arith.addi %broadcast_in_dim3A_1, %add3A_2946 : vector<16xi32>
      %gather3A_2948 = tpu.vector_load_idx %arg12[%add3A_2947] : memref<336xf32, #tpu.memory_space<vmem>>[vector<16xi32>], vector<16xf32>,
      %mul3A_2949 = arith.mulf %gather3A_2948, %mul3A_1258 : vector<16xf32>
      %add3A_2950 = arith.addf %add3A_2944, %mul3A_2949 : vector<16xf32>
      %add3A_2951 = arith.constant 285 : i32
      %add3A_2952 = vector.broadcast %add3A_2951 : i32 to vector<16xi32>
      %add3A_2953 = arith.addi %broadcast_in_dim3A_1, %add3A_2952 : vector<16xi32>
      %gather3A_2954 = tpu.vector_load_idx %arg12[%add3A_2953] : memref<336xf32, #tpu.memory_space<vmem>>[vector<16xi32>], vector<16xf32>,
      %mul3A_2955 = arith.mulf %gather3A_2954, %mul3A_1259 : vector<16xf32>
      %add3A_2956 = arith.addf %add3A_2950, %mul3A_2955 : vector<16xf32>
      %add3A_2957 = arith.constant 286 : i32
      %add3A_2958 = vector.broadcast %add3A_2957 : i32 to vector<16xi32>
      %add3A_2959 = arith.addi %broadcast_in_dim3A_1, %add3A_2958 : vector<16xi32>
      %gather3A_2960 = tpu.vector_load_idx %arg12[%add3A_2959] : memref<336xf32, #tpu.memory_space<vmem>>[vector<16xi32>], vector<16xf32>,
      %mul3A_2961 = arith.mulf %gather3A_2960, %mul3A_1260 : vector<16xf32>
      %add3A_2962 = arith.addf %add3A_2956, %mul3A_2961 : vector<16xf32>
      %add3A_2963 = arith.constant 287 : i32
      %add3A_2964 = vector.broadcast %add3A_2963 : i32 to vector<16xi32>
      %add3A_2965 = arith.addi %broadcast_in_dim3A_1, %add3A_2964 : vector<16xi32>
      %gather3A_2966 = tpu.vector_load_idx %arg12[%add3A_2965] : memref<336xf32, #tpu.memory_space<vmem>>[vector<16xi32>], vector<16xf32>,
      %mul3A_2967 = arith.mulf %gather3A_2966, %mul3A_1261 : vector<16xf32>
      %add3A_2968 = arith.addf %add3A_2962, %mul3A_2967 : vector<16xf32>
      %add3A_2969 = arith.constant 288 : i32
      %add3A_2970 = vector.broadcast %add3A_2969 : i32 to vector<16xi32>
      %add3A_2971 = arith.addi %broadcast_in_dim3A_1, %add3A_2970 : vector<16xi32>
      %gather3A_2972 = tpu.vector_load_idx %arg12[%add3A_2971] : memref<336xf32, #tpu.memory_space<vmem>>[vector<16xi32>], vector<16xf32>,
      %mul3A_2973 = arith.mulf %gather3A_2972, %mul3A_1262 : vector<16xf32>
      %add3A_2974 = arith.addf %add3A_2968, %mul3A_2973 : vector<16xf32>
      %add3A_2975 = arith.constant 289 : i32
      %add3A_2976 = vector.broadcast %add3A_2975 : i32 to vector<16xi32>
      %add3A_2977 = arith.addi %broadcast_in_dim3A_1, %add3A_2976 : vector<16xi32>
      %gather3A_2978 = tpu.vector_load_idx %arg12[%add3A_2977] : memref<336xf32, #tpu.memory_space<vmem>>[vector<16xi32>], vector<16xf32>,
      %mul3A_2979 = arith.mulf %gather3A_2978, %mul3A_1263 : vector<16xf32>
      %add3A_2980 = arith.addf %add3A_2974, %mul3A_2979 : vector<16xf32>
      %add3A_2981 = arith.constant 290 : i32
      %add3A_2982 = vector.broadcast %add3A_2981 : i32 to vector<16xi32>
      %add3A_2983 = arith.addi %broadcast_in_dim3A_1, %add3A_2982 : vector<16xi32>
      %gather3A_2984 = tpu.vector_load_idx %arg12[%add3A_2983] : memref<336xf32, #tpu.memory_space<vmem>>[vector<16xi32>], vector<16xf32>,
      %mul3A_2985 = arith.mulf %gather3A_2984, %mul3A_1264 : vector<16xf32>
      %add3A_2986 = arith.addf %add3A_2980, %mul3A_2985 : vector<16xf32>
      %add3A_2987 = arith.constant 291 : i32
      %add3A_2988 = vector.broadcast %add3A_2987 : i32 to vector<16xi32>
      %add3A_2989 = arith.addi %broadcast_in_dim3A_1, %add3A_2988 : vector<16xi32>
      %gather3A_2990 = tpu.vector_load_idx %arg12[%add3A_2989] : memref<336xf32, #tpu.memory_space<vmem>>[vector<16xi32>], vector<16xf32>,
      %mul3A_2991 = arith.mulf %gather3A_2990, %mul3A_1265 : vector<16xf32>
      %add3A_2992 = arith.addf %add3A_2986, %mul3A_2991 : vector<16xf32>
      %add3A_2993 = arith.constant 292 : i32
      %add3A_2994 = vector.broadcast %add3A_2993 : i32 to vector<16xi32>
      %add3A_2995 = arith.addi %broadcast_in_dim3A_1, %add3A_2994 : vector<16xi32>
      %gather3A_2996 = tpu.vector_load_idx %arg12[%add3A_2995] : memref<336xf32, #tpu.memory_space<vmem>>[vector<16xi32>], vector<16xf32>,
      %mul3A_2997 = arith.mulf %gather3A_2996, %mul3A_1266 : vector<16xf32>
      %add3A_2998 = arith.addf %add3A_2992, %mul3A_2997 : vector<16xf32>
      %add3A_2999 = arith.constant 293 : i32
      %add3A_3000 = vector.broadcast %add3A_2999 : i32 to vector<16xi32>
      %add3A_3001 = arith.addi %broadcast_in_dim3A_1, %add3A_3000 : vector<16xi32>
      %gather3A_3002 = tpu.vector_load_idx %arg12[%add3A_3001] : memref<336xf32, #tpu.memory_space<vmem>>[vector<16xi32>], vector<16xf32>,
      %mul3A_3003 = arith.mulf %gather3A_3002, %mul3A_1267 : vector<16xf32>
      %add3A_3004 = arith.addf %add3A_2998, %mul3A_3003 : vector<16xf32>
      %add3A_3005 = arith.constant 294 : i32
      %add3A_3006 = vector.broadcast %add3A_3005 : i32 to vector<16xi32>
      %add3A_3007 = arith.addi %broadcast_in_dim3A_1, %add3A_3006 : vector<16xi32>
      %gather3A_3008 = tpu.vector_load_idx %arg12[%add3A_3007] : memref<336xf32, #tpu.memory_space<vmem>>[vector<16xi32>], vector<16xf32>,
      %mul3A_3009 = arith.mulf %gather3A_3008, %mul3A_1268 : vector<16xf32>
      %add3A_3010 = arith.addf %add3A_3004, %mul3A_3009 : vector<16xf32>
      %add3A_3011 = arith.constant 295 : i32
      %add3A_3012 = vector.broadcast %add3A_3011 : i32 to vector<16xi32>
      %add3A_3013 = arith.addi %broadcast_in_dim3A_1, %add3A_3012 : vector<16xi32>
      %gather3A_3014 = tpu.vector_load_idx %arg12[%add3A_3013] : memref<336xf32, #tpu.memory_space<vmem>>[vector<16xi32>], vector<16xf32>,
      %mul3A_3015 = arith.mulf %gather3A_3014, %mul3A_1269 : vector<16xf32>
      %add3A_3016 = arith.addf %add3A_3010, %mul3A_3015 : vector<16xf32>
      %add3A_3017 = arith.constant 296 : i32
      %add3A_3018 = vector.broadcast %add3A_3017 : i32 to vector<16xi32>
      %add3A_3019 = arith.addi %broadcast_in_dim3A_1, %add3A_3018 : vector<16xi32>
      %gather3A_3020 = tpu.vector_load_idx %arg12[%add3A_3019] : memref<336xf32, #tpu.memory_space<vmem>>[vector<16xi32>], vector<16xf32>,
      %mul3A_3021 = arith.mulf %gather3A_3020, %mul3A_1270 : vector<16xf32>
      %add3A_3022 = arith.addf %add3A_3016, %mul3A_3021 : vector<16xf32>
      %add3A_3023 = arith.constant 297 : i32
      %add3A_3024 = vector.broadcast %add3A_3023 : i32 to vector<16xi32>
      %add3A_3025 = arith.addi %broadcast_in_dim3A_1, %add3A_3024 : vector<16xi32>
      %gather3A_3026 = tpu.vector_load_idx %arg12[%add3A_3025] : memref<336xf32, #tpu.memory_space<vmem>>[vector<16xi32>], vector<16xf32>,
      %mul3A_3027 = arith.mulf %gather3A_3026, %mul3A_1271 : vector<16xf32>
      %add3A_3028 = arith.addf %add3A_3022, %mul3A_3027 : vector<16xf32>
      %add3A_3029 = arith.constant 298 : i32
      %add3A_3030 = vector.broadcast %add3A_3029 : i32 to vector<16xi32>
      %add3A_3031 = arith.addi %broadcast_in_dim3A_1, %add3A_3030 : vector<16xi32>
      %gather3A_3032 = tpu.vector_load_idx %arg12[%add3A_3031] : memref<336xf32, #tpu.memory_space<vmem>>[vector<16xi32>], vector<16xf32>,
      %mul3A_3033 = arith.mulf %gather3A_3032, %mul3A_1272 : vector<16xf32>
      %add3A_3034 = arith.addf %add3A_3028, %mul3A_3033 : vector<16xf32>
      %add3A_3035 = arith.constant 299 : i32
      %add3A_3036 = vector.broadcast %add3A_3035 : i32 to vector<16xi32>
      %add3A_3037 = arith.addi %broadcast_in_dim3A_1, %add3A_3036 : vector<16xi32>
      %gather3A_3038 = tpu.vector_load_idx %arg12[%add3A_3037] : memref<336xf32, #tpu.memory_space<vmem>>[vector<16xi32>], vector<16xf32>,
      %mul3A_3039 = arith.mulf %gather3A_3038, %mul3A_1273 : vector<16xf32>
      %add3A_3040 = arith.addf %add3A_3034, %mul3A_3039 : vector<16xf32>
      %add3A_3041 = arith.constant 300 : i32
      %add3A_3042 = vector.broadcast %add3A_3041 : i32 to vector<16xi32>
      %add3A_3043 = arith.addi %broadcast_in_dim3A_1, %add3A_3042 : vector<16xi32>
      %gather3A_3044 = tpu.vector_load_idx %arg12[%add3A_3043] : memref<336xf32, #tpu.memory_space<vmem>>[vector<16xi32>], vector<16xf32>,
      %mul3A_3045 = arith.mulf %gather3A_3044, %mul3A_1274 : vector<16xf32>
      %add3A_3046 = arith.addf %add3A_3040, %mul3A_3045 : vector<16xf32>
      %add3A_3047 = arith.constant 301 : i32
      %add3A_3048 = vector.broadcast %add3A_3047 : i32 to vector<16xi32>
      %add3A_3049 = arith.addi %broadcast_in_dim3A_1, %add3A_3048 : vector<16xi32>
      %gather3A_3050 = tpu.vector_load_idx %arg12[%add3A_3049] : memref<336xf32, #tpu.memory_space<vmem>>[vector<16xi32>], vector<16xf32>,
      %mul3A_3051 = arith.mulf %gather3A_3050, %mul3A_1275 : vector<16xf32>
      %add3A_3052 = arith.addf %add3A_3046, %mul3A_3051 : vector<16xf32>
      %add3A_3053 = arith.constant 302 : i32
      %add3A_3054 = vector.broadcast %add3A_3053 : i32 to vector<16xi32>
      %add3A_3055 = arith.addi %broadcast_in_dim3A_1, %add3A_3054 : vector<16xi32>
      %gather3A_3056 = tpu.vector_load_idx %arg12[%add3A_3055] : memref<336xf32, #tpu.memory_space<vmem>>[vector<16xi32>], vector<16xf32>,
      %mul3A_3057 = arith.mulf %gather3A_3056, %mul3A_1276 : vector<16xf32>
      %add3A_3058 = arith.addf %add3A_3052, %mul3A_3057 : vector<16xf32>
      %add3A_3059 = arith.constant 303 : i32
      %add3A_3060 = vector.broadcast %add3A_3059 : i32 to vector<16xi32>
      %add3A_3061 = arith.addi %broadcast_in_dim3A_1, %add3A_3060 : vector<16xi32>
      %gather3A_3062 = tpu.vector_load_idx %arg12[%add3A_3061] : memref<336xf32, #tpu.memory_space<vmem>>[vector<16xi32>], vector<16xf32>,
      %mul3A_3063 = arith.mulf %gather3A_3062, %mul3A_1277 : vector<16xf32>
      %add3A_3064 = arith.addf %add3A_3058, %mul3A_3063 : vector<16xf32>
      %add3A_3065 = arith.constant 8 : i32
      %add3A_3066 = vector.broadcast %add3A_3065 : i32 to vector<16xi32>
      %add3A_3067 = arith.addi %broadcast_in_dim3A_1, %add3A_3066 : vector<16xi32>
      tpu.vector_store_idx %arg14[%iota3A, %add3A_3067], %add3A_3064 : memref<16x10xf32, #tpu.memory_space<vmem>>[vector<16xi32>, vector<16xi32>], vector<16xf32>,
      %add3A_3068 = arith.constant 25 : i32
      %add3A_3069 = vector.broadcast %add3A_3068 : i32 to vector<16xi32>
      %add3A_3070 = arith.addi %broadcast_in_dim3A_1, %add3A_3069 : vector<16xi32>
      %gather3A_3071 = tpu.vector_load_idx %arg13[%add3A_3070] : memref<32xf32, #tpu.memory_space<vmem>>[vector<16xi32>], vector<16xf32>,
      %add3A_3072 = arith.constant 304 : i32
      %add3A_3073 = vector.broadcast %add3A_3072 : i32 to vector<16xi32>
      %add3A_3074 = arith.addi %broadcast_in_dim3A_1, %add3A_3073 : vector<16xi32>
      %gather3A_3075 = tpu.vector_load_idx %arg12[%add3A_3074] : memref<336xf32, #tpu.memory_space<vmem>>[vector<16xi32>], vector<16xf32>,
      %mul3A_3076 = arith.mulf %gather3A_3075, %mul3A_1246 : vector<16xf32>
      %add3A_3077 = arith.addf %gather3A_3071, %mul3A_3076 : vector<16xf32>
      %add3A_3078 = arith.constant 305 : i32
      %add3A_3079 = vector.broadcast %add3A_3078 : i32 to vector<16xi32>
      %add3A_3080 = arith.addi %broadcast_in_dim3A_1, %add3A_3079 : vector<16xi32>
      %gather3A_3081 = tpu.vector_load_idx %arg12[%add3A_3080] : memref<336xf32, #tpu.memory_space<vmem>>[vector<16xi32>], vector<16xf32>,
      %mul3A_3082 = arith.mulf %gather3A_3081, %mul3A_1247 : vector<16xf32>
      %add3A_3083 = arith.addf %add3A_3077, %mul3A_3082 : vector<16xf32>
      %add3A_3084 = arith.constant 306 : i32
      %add3A_3085 = vector.broadcast %add3A_3084 : i32 to vector<16xi32>
      %add3A_3086 = arith.addi %broadcast_in_dim3A_1, %add3A_3085 : vector<16xi32>
      %gather3A_3087 = tpu.vector_load_idx %arg12[%add3A_3086] : memref<336xf32, #tpu.memory_space<vmem>>[vector<16xi32>], vector<16xf32>,
      %mul3A_3088 = arith.mulf %gather3A_3087, %mul3A_1248 : vector<16xf32>
      %add3A_3089 = arith.addf %add3A_3083, %mul3A_3088 : vector<16xf32>
      %add3A_3090 = arith.constant 307 : i32
      %add3A_3091 = vector.broadcast %add3A_3090 : i32 to vector<16xi32>
      %add3A_3092 = arith.addi %broadcast_in_dim3A_1, %add3A_3091 : vector<16xi32>
      %gather3A_3093 = tpu.vector_load_idx %arg12[%add3A_3092] : memref<336xf32, #tpu.memory_space<vmem>>[vector<16xi32>], vector<16xf32>,
      %mul3A_3094 = arith.mulf %gather3A_3093, %mul3A_1249 : vector<16xf32>
      %add3A_3095 = arith.addf %add3A_3089, %mul3A_3094 : vector<16xf32>
      %add3A_3096 = arith.constant 308 : i32
      %add3A_3097 = vector.broadcast %add3A_3096 : i32 to vector<16xi32>
      %add3A_3098 = arith.addi %broadcast_in_dim3A_1, %add3A_3097 : vector<16xi32>
      %gather3A_3099 = tpu.vector_load_idx %arg12[%add3A_3098] : memref<336xf32, #tpu.memory_space<vmem>>[vector<16xi32>], vector<16xf32>,
      %mul3A_3100 = arith.mulf %gather3A_3099, %mul3A_1250 : vector<16xf32>
      %add3A_3101 = arith.addf %add3A_3095, %mul3A_3100 : vector<16xf32>
      %add3A_3102 = arith.constant 309 : i32
      %add3A_3103 = vector.broadcast %add3A_3102 : i32 to vector<16xi32>
      %add3A_3104 = arith.addi %broadcast_in_dim3A_1, %add3A_3103 : vector<16xi32>
      %gather3A_3105 = tpu.vector_load_idx %arg12[%add3A_3104] : memref<336xf32, #tpu.memory_space<vmem>>[vector<16xi32>], vector<16xf32>,
      %mul3A_3106 = arith.mulf %gather3A_3105, %mul3A_1251 : vector<16xf32>
      %add3A_3107 = arith.addf %add3A_3101, %mul3A_3106 : vector<16xf32>
      %add3A_3108 = arith.constant 310 : i32
      %add3A_3109 = vector.broadcast %add3A_3108 : i32 to vector<16xi32>
      %add3A_3110 = arith.addi %broadcast_in_dim3A_1, %add3A_3109 : vector<16xi32>
      %gather3A_3111 = tpu.vector_load_idx %arg12[%add3A_3110] : memref<336xf32, #tpu.memory_space<vmem>>[vector<16xi32>], vector<16xf32>,
      %mul3A_3112 = arith.mulf %gather3A_3111, %mul3A_1252 : vector<16xf32>
      %add3A_3113 = arith.addf %add3A_3107, %mul3A_3112 : vector<16xf32>
      %add3A_3114 = arith.constant 311 : i32
      %add3A_3115 = vector.broadcast %add3A_3114 : i32 to vector<16xi32>
      %add3A_3116 = arith.addi %broadcast_in_dim3A_1, %add3A_3115 : vector<16xi32>
      %gather3A_3117 = tpu.vector_load_idx %arg12[%add3A_3116] : memref<336xf32, #tpu.memory_space<vmem>>[vector<16xi32>], vector<16xf32>,
      %mul3A_3118 = arith.mulf %gather3A_3117, %mul3A_1253 : vector<16xf32>
      %add3A_3119 = arith.addf %add3A_3113, %mul3A_3118 : vector<16xf32>
      %add3A_3120 = arith.constant 312 : i32
      %add3A_3121 = vector.broadcast %add3A_3120 : i32 to vector<16xi32>
      %add3A_3122 = arith.addi %broadcast_in_dim3A_1, %add3A_3121 : vector<16xi32>
      %gather3A_3123 = tpu.vector_load_idx %arg12[%add3A_3122] : memref<336xf32, #tpu.memory_space<vmem>>[vector<16xi32>], vector<16xf32>,
      %mul3A_3124 = arith.mulf %gather3A_3123, %mul3A_1254 : vector<16xf32>
      %add3A_3125 = arith.addf %add3A_3119, %mul3A_3124 : vector<16xf32>
      %add3A_3126 = arith.constant 313 : i32
      %add3A_3127 = vector.broadcast %add3A_3126 : i32 to vector<16xi32>
      %add3A_3128 = arith.addi %broadcast_in_dim3A_1, %add3A_3127 : vector<16xi32>
      %gather3A_3129 = tpu.vector_load_idx %arg12[%add3A_3128] : memref<336xf32, #tpu.memory_space<vmem>>[vector<16xi32>], vector<16xf32>,
      %mul3A_3130 = arith.mulf %gather3A_3129, %mul3A_1255 : vector<16xf32>
      %add3A_3131 = arith.addf %add3A_3125, %mul3A_3130 : vector<16xf32>
      %add3A_3132 = arith.constant 314 : i32
      %add3A_3133 = vector.broadcast %add3A_3132 : i32 to vector<16xi32>
      %add3A_3134 = arith.addi %broadcast_in_dim3A_1, %add3A_3133 : vector<16xi32>
      %gather3A_3135 = tpu.vector_load_idx %arg12[%add3A_3134] : memref<336xf32, #tpu.memory_space<vmem>>[vector<16xi32>], vector<16xf32>,
      %mul3A_3136 = arith.mulf %gather3A_3135, %mul3A_1256 : vector<16xf32>
      %add3A_3137 = arith.addf %add3A_3131, %mul3A_3136 : vector<16xf32>
      %add3A_3138 = arith.constant 315 : i32
      %add3A_3139 = vector.broadcast %add3A_3138 : i32 to vector<16xi32>
      %add3A_3140 = arith.addi %broadcast_in_dim3A_1, %add3A_3139 : vector<16xi32>
      %gather3A_3141 = tpu.vector_load_idx %arg12[%add3A_3140] : memref<336xf32, #tpu.memory_space<vmem>>[vector<16xi32>], vector<16xf32>,
      %mul3A_3142 = arith.mulf %gather3A_3141, %mul3A_1257 : vector<16xf32>
      %add3A_3143 = arith.addf %add3A_3137, %mul3A_3142 : vector<16xf32>
      %add3A_3144 = arith.constant 316 : i32
      %add3A_3145 = vector.broadcast %add3A_3144 : i32 to vector<16xi32>
      %add3A_3146 = arith.addi %broadcast_in_dim3A_1, %add3A_3145 : vector<16xi32>
      %gather3A_3147 = tpu.vector_load_idx %arg12[%add3A_3146] : memref<336xf32, #tpu.memory_space<vmem>>[vector<16xi32>], vector<16xf32>,
      %mul3A_3148 = arith.mulf %gather3A_3147, %mul3A_1258 : vector<16xf32>
      %add3A_3149 = arith.addf %add3A_3143, %mul3A_3148 : vector<16xf32>
      %add3A_3150 = arith.constant 317 : i32
      %add3A_3151 = vector.broadcast %add3A_3150 : i32 to vector<16xi32>
      %add3A_3152 = arith.addi %broadcast_in_dim3A_1, %add3A_3151 : vector<16xi32>
      %gather3A_3153 = tpu.vector_load_idx %arg12[%add3A_3152] : memref<336xf32, #tpu.memory_space<vmem>>[vector<16xi32>], vector<16xf32>,
      %mul3A_3154 = arith.mulf %gather3A_3153, %mul3A_1259 : vector<16xf32>
      %add3A_3155 = arith.addf %add3A_3149, %mul3A_3154 : vector<16xf32>
      %add3A_3156 = arith.constant 318 : i32
      %add3A_3157 = vector.broadcast %add3A_3156 : i32 to vector<16xi32>
      %add3A_3158 = arith.addi %broadcast_in_dim3A_1, %add3A_3157 : vector<16xi32>
      %gather3A_3159 = tpu.vector_load_idx %arg12[%add3A_3158] : memref<336xf32, #tpu.memory_space<vmem>>[vector<16xi32>], vector<16xf32>,
      %mul3A_3160 = arith.mulf %gather3A_3159, %mul3A_1260 : vector<16xf32>
      %add3A_3161 = arith.addf %add3A_3155, %mul3A_3160 : vector<16xf32>
      %add3A_3162 = arith.constant 319 : i32
      %add3A_3163 = vector.broadcast %add3A_3162 : i32 to vector<16xi32>
      %add3A_3164 = arith.addi %broadcast_in_dim3A_1, %add3A_3163 : vector<16xi32>
      %gather3A_3165 = tpu.vector_load_idx %arg12[%add3A_3164] : memref<336xf32, #tpu.memory_space<vmem>>[vector<16xi32>], vector<16xf32>,
      %mul3A_3166 = arith.mulf %gather3A_3165, %mul3A_1261 : vector<16xf32>
      %add3A_3167 = arith.addf %add3A_3161, %mul3A_3166 : vector<16xf32>
      %add3A_3168 = arith.constant 320 : i32
      %add3A_3169 = vector.broadcast %add3A_3168 : i32 to vector<16xi32>
      %add3A_3170 = arith.addi %broadcast_in_dim3A_1, %add3A_3169 : vector<16xi32>
      %gather3A_3171 = tpu.vector_load_idx %arg12[%add3A_3170] : memref<336xf32, #tpu.memory_space<vmem>>[vector<16xi32>], vector<16xf32>,
      %mul3A_3172 = arith.mulf %gather3A_3171, %mul3A_1262 : vector<16xf32>
      %add3A_3173 = arith.addf %add3A_3167, %mul3A_3172 : vector<16xf32>
      %add3A_3174 = arith.constant 321 : i32
      %add3A_3175 = vector.broadcast %add3A_3174 : i32 to vector<16xi32>
      %add3A_3176 = arith.addi %broadcast_in_dim3A_1, %add3A_3175 : vector<16xi32>
      %gather3A_3177 = tpu.vector_load_idx %arg12[%add3A_3176] : memref<336xf32, #tpu.memory_space<vmem>>[vector<16xi32>], vector<16xf32>,
      %mul3A_3178 = arith.mulf %gather3A_3177, %mul3A_1263 : vector<16xf32>
      %add3A_3179 = arith.addf %add3A_3173, %mul3A_3178 : vector<16xf32>
      %add3A_3180 = arith.constant 322 : i32
      %add3A_3181 = vector.broadcast %add3A_3180 : i32 to vector<16xi32>
      %add3A_3182 = arith.addi %broadcast_in_dim3A_1, %add3A_3181 : vector<16xi32>
      %gather3A_3183 = tpu.vector_load_idx %arg12[%add3A_3182] : memref<336xf32, #tpu.memory_space<vmem>>[vector<16xi32>], vector<16xf32>,
      %mul3A_3184 = arith.mulf %gather3A_3183, %mul3A_1264 : vector<16xf32>
      %add3A_3185 = arith.addf %add3A_3179, %mul3A_3184 : vector<16xf32>
      %add3A_3186 = arith.constant 323 : i32
      %add3A_3187 = vector.broadcast %add3A_3186 : i32 to vector<16xi32>
      %add3A_3188 = arith.addi %broadcast_in_dim3A_1, %add3A_3187 : vector<16xi32>
      %gather3A_3189 = tpu.vector_load_idx %arg12[%add3A_3188] : memref<336xf32, #tpu.memory_space<vmem>>[vector<16xi32>], vector<16xf32>,
      %mul3A_3190 = arith.mulf %gather3A_3189, %mul3A_1265 : vector<16xf32>
      %add3A_3191 = arith.addf %add3A_3185, %mul3A_3190 : vector<16xf32>
      %add3A_3192 = arith.constant 324 : i32
      %add3A_3193 = vector.broadcast %add3A_3192 : i32 to vector<16xi32>
      %add3A_3194 = arith.addi %broadcast_in_dim3A_1, %add3A_3193 : vector<16xi32>
      %gather3A_3195 = tpu.vector_load_idx %arg12[%add3A_3194] : memref<336xf32, #tpu.memory_space<vmem>>[vector<16xi32>], vector<16xf32>,
      %mul3A_3196 = arith.mulf %gather3A_3195, %mul3A_1266 : vector<16xf32>
      %add3A_3197 = arith.addf %add3A_3191, %mul3A_3196 : vector<16xf32>
      %add3A_3198 = arith.constant 325 : i32
      %add3A_3199 = vector.broadcast %add3A_3198 : i32 to vector<16xi32>
      %add3A_3200 = arith.addi %broadcast_in_dim3A_1, %add3A_3199 : vector<16xi32>
      %gather3A_3201 = tpu.vector_load_idx %arg12[%add3A_3200] : memref<336xf32, #tpu.memory_space<vmem>>[vector<16xi32>], vector<16xf32>,
      %mul3A_3202 = arith.mulf %gather3A_3201, %mul3A_1267 : vector<16xf32>
      %add3A_3203 = arith.addf %add3A_3197, %mul3A_3202 : vector<16xf32>
      %add3A_3204 = arith.constant 326 : i32
      %add3A_3205 = vector.broadcast %add3A_3204 : i32 to vector<16xi32>
      %add3A_3206 = arith.addi %broadcast_in_dim3A_1, %add3A_3205 : vector<16xi32>
      %gather3A_3207 = tpu.vector_load_idx %arg12[%add3A_3206] : memref<336xf32, #tpu.memory_space<vmem>>[vector<16xi32>], vector<16xf32>,
      %mul3A_3208 = arith.mulf %gather3A_3207, %mul3A_1268 : vector<16xf32>
      %add3A_3209 = arith.addf %add3A_3203, %mul3A_3208 : vector<16xf32>
      %add3A_3210 = arith.constant 327 : i32
      %add3A_3211 = vector.broadcast %add3A_3210 : i32 to vector<16xi32>
      %add3A_3212 = arith.addi %broadcast_in_dim3A_1, %add3A_3211 : vector<16xi32>
      %gather3A_3213 = tpu.vector_load_idx %arg12[%add3A_3212] : memref<336xf32, #tpu.memory_space<vmem>>[vector<16xi32>], vector<16xf32>,
      %mul3A_3214 = arith.mulf %gather3A_3213, %mul3A_1269 : vector<16xf32>
      %add3A_3215 = arith.addf %add3A_3209, %mul3A_3214 : vector<16xf32>
      %add3A_3216 = arith.constant 328 : i32
      %add3A_3217 = vector.broadcast %add3A_3216 : i32 to vector<16xi32>
      %add3A_3218 = arith.addi %broadcast_in_dim3A_1, %add3A_3217 : vector<16xi32>
      %gather3A_3219 = tpu.vector_load_idx %arg12[%add3A_3218] : memref<336xf32, #tpu.memory_space<vmem>>[vector<16xi32>], vector<16xf32>,
      %mul3A_3220 = arith.mulf %gather3A_3219, %mul3A_1270 : vector<16xf32>
      %add3A_3221 = arith.addf %add3A_3215, %mul3A_3220 : vector<16xf32>
      %add3A_3222 = arith.constant 329 : i32
      %add3A_3223 = vector.broadcast %add3A_3222 : i32 to vector<16xi32>
      %add3A_3224 = arith.addi %broadcast_in_dim3A_1, %add3A_3223 : vector<16xi32>
      %gather3A_3225 = tpu.vector_load_idx %arg12[%add3A_3224] : memref<336xf32, #tpu.memory_space<vmem>>[vector<16xi32>], vector<16xf32>,
      %mul3A_3226 = arith.mulf %gather3A_3225, %mul3A_1271 : vector<16xf32>
      %add3A_3227 = arith.addf %add3A_3221, %mul3A_3226 : vector<16xf32>
      %add3A_3228 = arith.constant 330 : i32
      %add3A_3229 = vector.broadcast %add3A_3228 : i32 to vector<16xi32>
      %add3A_3230 = arith.addi %broadcast_in_dim3A_1, %add3A_3229 : vector<16xi32>
      %gather3A_3231 = tpu.vector_load_idx %arg12[%add3A_3230] : memref<336xf32, #tpu.memory_space<vmem>>[vector<16xi32>], vector<16xf32>,
      %mul3A_3232 = arith.mulf %gather3A_3231, %mul3A_1272 : vector<16xf32>
      %add3A_3233 = arith.addf %add3A_3227, %mul3A_3232 : vector<16xf32>
      %add3A_3234 = arith.constant 331 : i32
      %add3A_3235 = vector.broadcast %add3A_3234 : i32 to vector<16xi32>
      %add3A_3236 = arith.addi %broadcast_in_dim3A_1, %add3A_3235 : vector<16xi32>
      %gather3A_3237 = tpu.vector_load_idx %arg12[%add3A_3236] : memref<336xf32, #tpu.memory_space<vmem>>[vector<16xi32>], vector<16xf32>,
      %mul3A_3238 = arith.mulf %gather3A_3237, %mul3A_1273 : vector<16xf32>
      %add3A_3239 = arith.addf %add3A_3233, %mul3A_3238 : vector<16xf32>
      %add3A_3240 = arith.constant 332 : i32
      %add3A_3241 = vector.broadcast %add3A_3240 : i32 to vector<16xi32>
      %add3A_3242 = arith.addi %broadcast_in_dim3A_1, %add3A_3241 : vector<16xi32>
      %gather3A_3243 = tpu.vector_load_idx %arg12[%add3A_3242] : memref<336xf32, #tpu.memory_space<vmem>>[vector<16xi32>], vector<16xf32>,
      %mul3A_3244 = arith.mulf %gather3A_3243, %mul3A_1274 : vector<16xf32>
      %add3A_3245 = arith.addf %add3A_3239, %mul3A_3244 : vector<16xf32>
      %add3A_3246 = arith.constant 333 : i32
      %add3A_3247 = vector.broadcast %add3A_3246 : i32 to vector<16xi32>
      %add3A_3248 = arith.addi %broadcast_in_dim3A_1, %add3A_3247 : vector<16xi32>
      %gather3A_3249 = tpu.vector_load_idx %arg12[%add3A_3248] : memref<336xf32, #tpu.memory_space<vmem>>[vector<16xi32>], vector<16xf32>,
      %mul3A_3250 = arith.mulf %gather3A_3249, %mul3A_1275 : vector<16xf32>
      %add3A_3251 = arith.addf %add3A_3245, %mul3A_3250 : vector<16xf32>
      %add3A_3252 = arith.constant 334 : i32
      %add3A_3253 = vector.broadcast %add3A_3252 : i32 to vector<16xi32>
      %add3A_3254 = arith.addi %broadcast_in_dim3A_1, %add3A_3253 : vector<16xi32>
      %gather3A_3255 = tpu.vector_load_idx %arg12[%add3A_3254] : memref<336xf32, #tpu.memory_space<vmem>>[vector<16xi32>], vector<16xf32>,
      %mul3A_3256 = arith.mulf %gather3A_3255, %mul3A_1276 : vector<16xf32>
      %add3A_3257 = arith.addf %add3A_3251, %mul3A_3256 : vector<16xf32>
      %add3A_3258 = arith.constant 335 : i32
      %add3A_3259 = vector.broadcast %add3A_3258 : i32 to vector<16xi32>
      %add3A_3260 = arith.addi %broadcast_in_dim3A_1, %add3A_3259 : vector<16xi32>
      %gather3A_3261 = tpu.vector_load_idx %arg12[%add3A_3260] : memref<336xf32, #tpu.memory_space<vmem>>[vector<16xi32>], vector<16xf32>,
      %mul3A_3262 = arith.mulf %gather3A_3261, %mul3A_1277 : vector<16xf32>
      %add3A_3263 = arith.addf %add3A_3257, %mul3A_3262 : vector<16xf32>
      %add3A_3264 = arith.constant 9 : i32
      %add3A_3265 = vector.broadcast %add3A_3264 : i32 to vector<16xi32>
      %add3A_3266 = arith.addi %broadcast_in_dim3A_1, %add3A_3265 : vector<16xi32>
      tpu.vector_store_idx %arg14[%iota3A, %add3A_3266], %add3A_3263 : memref<16x10xf32, #tpu.memory_space<vmem>>[vector<16xi32>, vector<16xi32>], vector<16xf32>,
      "tpu.region"() ({
        %run_scoped3A = tpu.sem_alloc : memref<!tpu.dma_semaphore, #tpu.memory_space<semaphore_mem>>
        %dma_start3A_3267 = arith.constant 0 : i32
        %dma_start3A_3268 = tpu.memref_slice %arg7[%mul3A_12, %dma_start3A_3267] : memref<4096x10xf32, #tpu.memory_space<hbm>> -> memref<16x10xf32, #tpu.memory_space<hbm>>
        %dma_start3A_3269 = arith.constant 0 : i32
        %dma_start3A_3270 = tpu.memref_slice %arg7[%mul3A_12, %dma_start3A_3269] : memref<4096x10xf32, #tpu.memory_space<hbm>> -> memref<16x10xf32, #tpu.memory_space<hbm>>
        tpu.enqueue_dma source(%arg14 : memref<16x10xf32, #tpu.memory_space<vmem>>) target(%dma_start3A_3270 : memref<16x10xf32, #tpu.memory_space<hbm>>) target_semaphore(%run_scoped3A : memref<!tpu.dma_semaphore, #tpu.memory_space<semaphore_mem>>)
        %dma_wait3A_3271 = arith.constant 0 : i32
        %dma_wait3A_3272 = tpu.memref_slice %arg7[%mul3A_12, %dma_wait3A_3271] : memref<4096x10xf32, #tpu.memory_space<hbm>> -> memref<16x10xf32, #tpu.memory_space<hbm>>
        %dma_wait3A_3273 = arith.constant 0 : i32
        %dma_wait3A_3274 = tpu.memref_slice %arg7[%mul3A_12, %dma_wait3A_3273] : memref<4096x10xf32, #tpu.memory_space<hbm>> -> memref<16x10xf32, #tpu.memory_space<hbm>>
        tpu.wait_dma2 semaphore(%run_scoped3A : memref<!tpu.dma_semaphore, #tpu.memory_space<semaphore_mem>>) src(%arg14 : memref<16x10xf32, #tpu.memory_space<vmem>>) dst(%dma_wait3A_3274 : memref<16x10xf32, #tpu.memory_space<hbm>>)
        tpu.yield
      }) : () -> ()
    }
    %scan3A_6 = arith.constant 8 : i32
    return
  }
}

</mosaic_0001>

<sc_bundles>
// kernel: kernel.3.cloned.1.call-start
scs
__scs_entry_jumppad:
0x0: {  	(pc) =	sbr.rel $0x88, $3  }
0x1: {  	(tag) =	ssettag $0x0;
	lr =	simm.s32 $0x1  }
0x2: {  	[smem:$0x3F9C] =	sst lr;
	_ =	strace $0xD0000000  }
0x3: {  	_ = 	snop  }
0x4: {  	_ = 	snop  }
0x5: {  	_ = 	snop  }
0x6: {  	_ = 	snop  }
0x7: {  	_ = 	snop  }
__scs_overlays_trampoline_lowered:
0x8: {  	[smem:$0x3FAB] =	sst s0  }
0x9: {  	[smem:$0x3FAC] =	sst s1  }
0xa: {  	[smem:$0x3FAD] =	sst s2  }
0xb: {  	[smem:$0x3FAE] =	sst s3  }
0xc: {  	[smem:$0x3FAF] =	sst s4  }
0xd: {  	[smem:$0x3FB0] =	sst s5  }
0xe: {  	[smem:$0x3FB1] =	sst s6  }
0xf: {  	[smem:$0x3FB2] =	sst s7  }
0x10: {  	[smem:$0x3FB3] =	sst s8  }
0x11: {  	[smem:$0x3FB4] =	sst s9;
	s0 =	simm.s32 @!p0 $0x0  }
0x12: {  	s1 =	sld [smem:$0x3F9A];
	s0 =	simm.s32 @p0 $0x1  }
0x13: {  	[smem:$0x3FB5] =	sst s0;
	s0 =	simm.s32 @!p1 $0x0  }
0x14: {  	s2 =	sld [smem:$0x3F99];
	s0 =	simm.s32 @p1 $0x1  }
0x15: {  	[smem:$0x3FB6] =	sst s0;
	s0 =	simm.s32 @!p2 $0x0  }
0x16: {  	s3 =	sld [smem:$0x3FDB];
	s0 =	simm.s32 @p2 $0x1  }
0x17: {  	s4 =	simm.s32 $0x1BF5;
	[smem:$0x3FB8] =	sst s0  }
0x18: {  	s0 =	sld [smem:$0x3F9B];
	_ =	swait.ge [sflag:s4], $0x0  }
0x19: {  	s7 =	sld [smem:$0x3F9C]  }
0x1a: {  	s8 =	sadd.s32 $0xFFFFE003, lr  }
0x1b: {  	s9 =	sadd.s32 $0xFFFFFEF7, lr;
	s5 =	simm.s32 $0xFFFFFFFF;
	p2 =	slt.u32 s8, $0xFFFFF086  }
0x1c: {  	p1 =	slt.u32 s9, $0xF7A;
	s5 =	simm.s32 @!p2 $0x0  }
0x1d: {  	s5 =	simm.s32 @p1 $0x1;
	p0 =	seq.s32 s7, s2  }
0x1e: {  	s7 =	smul.u32 @!p0 $0xF7A, s2;
	p2 =	seq.s32 @!p0 s5, $0x0  }
0x1f: {  	s9 =	smul.u32 $0xF7A, s1;
	s8 =	simm.s32 @!p0 $0x1BF5;
	p2 =	por !p2, p0  }
0x20: {  	[sflag:s8] =	ssyncset.s32 @!p0 $0xFFFFF086;
	s6 =	sadd.s32 @!p0 s3, s7;
	s7 =	simm.s32 @!p0 $0x108  }
0x21: {  	s3 =	sadd.s32 s3, s9;
	s6 =	sadd.s32 @!p0 $0x88, s6;
	s7 =	simm.s32 @p2 $0x1082  }
0x22: {  	[simem:s7], [sflag:s8] =	dma.local @!p0 [hbm:s6], $0xF7A  }
0x23: {  	s9 =	sor.u32 $0xD0000000, s2;
	s6 =	simm.s32 $0x108;
	_ =	swait.ge @!p0 [sflag:s8], $0x0  }
0x24: {  	s3 =	sadd.s32 $0x88, s3;
	s6 =	simm.s32 @!p1 $0x1082;
	[sflag:s4] =	ssyncset.s32 $0xFFFFF086  }
0x25: {  	[simem:s6], [sflag:s4] =	dma.local [hbm:s3], $0xF7A  }
0x26: {  	[smem:$0x3F9C] =	sst s1;
	(tag) =	ssettag s2;
	_ =	strace s9  }
0x27: {  	s1 =	sld [smem:$0x3FAC]  }
0x28: {  	s2 =	sld [smem:$0x3FAD]  }
0x29: {  	s4 =	sld [smem:$0x3FAF]  }
0x2a: {  	p0 =	seq.s32 s5, $0x0;
	s5 =	sld [smem:$0x3FB0]  }
0x2b: {  	s6 =	sld [smem:$0x3FB1]  }
0x2c: {  	s7 =	sld [smem:$0x3FB2]  }
0x2d: {  	s3 =	simm.s32 $0x108;
	s8 =	sld [smem:$0x3FB3]  }
0x2e: {  	s3 =	simm.s32 @!p0 $0x1082;
	s9 =	sld [smem:$0x3FB4]  }
0x2f: {  	lr =	sadd.s32 s0, s3;
	s0 =	sld [smem:$0x3FAB]  }
0x30: {  	s3 =	sld [smem:$0x3FAE]  }
0x31: {  	[smem:$0x3FB7] =	sst s10  }
0x32: {  	s10 =	sld [smem:$0x3FB5];
	_ =	sdelay $0x3  }
0x33: {  	p0 =	seq.s32 s10, $0x1;
	s10 =	sld [smem:$0x3FB7];
	_ =	sdelay $0x3  }
0x34: {  	[smem:$0x3FB7] =	sst s10  }
0x35: {  	s10 =	sld [smem:$0x3FB6];
	_ =	sdelay $0x3  }
0x36: {  	p1 =	seq.s32 s10, $0x1;
	s10 =	sld [smem:$0x3FB7];
	_ =	sdelay $0x3  }
0x37: {  	[smem:$0x3FB7] =	sst s10  }
0x38: {  	s10 =	sld [smem:$0x3FB8]  }
0x39: {  	_ = 	snop;
	(pc) =	sbr.ind lr, $3  }
0x3a: {  	_ = 	snop  }
0x3b: {  	_ = 	snop  }
0x3c: {  	p2 =	seq.s32 s10, $0x1;
	s10 =	sld [smem:$0x3FB7]  }
0x3d: {  	_ =	shalt  }
0x3e: {  	_ =	shalt  }
0x3f: {  	_ =	shalt  }
0x40: {  	_ =	shalt  }
0x41: {  	_ =	shalt  }
0x42: {  	_ =	shalt  }
0x43: {  	_ =	shalt  }
0x44: {  	_ =	shalt  }
0x45: {  	_ =	shalt  }
0x46: {  	_ =	shalt  }
0x47: {  	_ =	shalt  }
0x48: {  	_ =	shalt  }
0x49: {  	_ =	shalt  }
0x4a: {  	_ =	shalt  }
0x4b: {  	_ =	shalt  }
0x4c: {  	_ =	shalt  }
0x4d: {  	_ =	shalt  }
0x4e: {  	_ =	shalt  }
0x4f: {  	_ =	shalt  }
0x50: {  	_ =	shalt  }
0x51: {  	_ =	shalt  }
0x52: {  	_ =	shalt  }
0x53: {  	_ =	shalt  }
0x54: {  	_ =	shalt  }
0x55: {  	_ =	shalt  }
0x56: {  	_ =	shalt  }
0x57: {  	_ =	shalt  }
0x58: {  	_ =	shalt  }
0x59: {  	_ =	shalt  }
0x5a: {  	_ =	shalt  }
0x5b: {  	_ =	shalt  }
0x5c: {  	_ =	shalt  }
0x5d: {  	_ =	shalt  }
0x5e: {  	_ =	shalt  }
0x5f: {  	_ =	shalt  }
0x60: {  	_ =	shalt  }
0x61: {  	_ =	shalt  }
0x62: {  	_ =	shalt  }
0x63: {  	_ =	shalt  }
0x64: {  	_ =	shalt  }
0x65: {  	_ =	shalt  }
0x66: {  	_ =	shalt  }
0x67: {  	_ =	shalt  }
0x68: {  	_ =	shalt  }
0x69: {  	_ =	shalt  }
0x6a: {  	_ =	shalt  }
0x6b: {  	_ =	shalt  }
0x6c: {  	_ =	shalt  }
0x6d: {  	_ =	shalt  }
0x6e: {  	_ =	shalt  }
0x6f: {  	_ =	shalt  }
0x70: {  	_ =	shalt  }
0x71: {  	_ =	shalt  }
0x72: {  	_ =	shalt  }
0x73: {  	_ =	shalt  }
0x74: {  	_ =	shalt  }
0x75: {  	_ =	shalt  }
0x76: {  	_ =	shalt  }
0x77: {  	_ =	shalt  }
0x78: {  	_ =	shalt  }
0x79: {  	_ =	shalt  }
0x7a: {  	_ =	shalt  }
0x7b: {  	_ =	shalt  }
0x7c: {  	_ =	shalt  }
0x7d: {  	_ =	shalt  }
0x7e: {  	_ =	shalt  }
0x7f: {  	_ =	shalt  }
0x80: {  	_ =	shalt  }
0x81: {  	_ =	shalt  }
0x82: {  	_ =	shalt  }
0x83: {  	_ =	shalt  }
0x84: {  	_ =	shalt  }
0x85: {  	_ =	shalt  }
0x86: {  	_ =	shalt  }
0x87: {  	_ =	shalt  }
.Lfunc_end0:
.L_simem_size_0:
called_computation_lowered:
.L_overlay_start_0:
0x88: {  	s2 =	sld [smem:$0x3FD9]  }
0x89: {  	s3 =	sld [smem:$0x3FFE];
	_ =	sdelay $0x1  }
0x8a: {  	s1 =	srdreg.scid  }
0x8b: {  	s0 =	sand.u32 $0x1, s1  }
0x8c: {  	s17 =	sshll.u32 s0, $0xA;
	s2 =	sadd.s32 s3, s2  }
0x8d: {  	s2 =	sadd.s32 s2, s17  }
0x8e: {  	[smem:$0x3FC3] =	sst s2  }
0x8f: {  	_ = 	snop  }
0x90: {  	s2 =	sld [smem:$0x3FD0];
	(tm) =	ssettm $0x1  }
0x91: {  	s18 =	sld [smem:$0x3FFB];
	_ =	sdelay $0x3  }
0x92: {  	_ =	strace s18  }
0x93: {  	s3 =	sld [smem:$0x3FFC];
	_ =	sdelay $0x3  }
0x94: {  	_ =	strace s3  }
0x95: {  	s3 =	sld [smem:$0x3FFD];
	_ =	sdelay $0x3  }
0x96: {  	_ =	strace s3  }
0x97: {  	_ =	strace $0x8FFFFFFF  }
0x98: {  	s19 =	sld [smem:$0x3FDB];
	_ =	sdelay $0x1  }
0x99: {  	s4 =	simm.s32 $_scs_section_size  }
0x9a: {  	s5 =	simm.s32 $_size__tile_overlayer_lowered;
	s6 =	simm.s32 $_tile_overlayer_lowered  }
0x9b: {  	s22 =	simm.s32 $0x1BFF;
	s21 =	sshll.u32 s6, $0x1;
	s3 =	sadd.s32 s4, s19  }
0x9c: {  	s7 =	simm.s32 $0x0;
	s20 =	sshll.u32 s5, $0x1;
	s5 =	sadd.s32 s21, s3  }
0x9d: {  	[timem:s7], [sflag:s22] =	dma.local [hbm:s5], s20  }
0x9e: {  	_ =	swait.ge [sflag:s22], s20  }
0x9f: {  	s4 =	ssub.s32 $0x0, s20;
	[sflag:s22] =	ssyncset.done $0x0  }
0xa0: {  	[sflag:s22] =	ssyncadd.s32 s4;
	_ =	sdelay $0x1  }
0xa1: {  	s23 =	simm.s32 $0x1B8B  }
0xa2: {  	_ =	swait.ge [sflag:s23], $0x1  }
0xa3: {  	[sflag:s23] =	ssyncset.done $0x0  }
0xa4: {  	s25 =	simm.s32 $0x1B8E;
	s24 =	sld [smem:$0x3FFE];
	[sflag:s23] =	ssyncadd.s32 $0xFFFFFFFF  }
0xa5: {  	s26 =	simm.s32 $execute0_lowered;
	[smem:$0x3FD2] =	sst s25  }
0xa6: {  	s5 =	sshll.u32 s26, $0x1;
	_ =	strace $0x80000046;
	[dreg:$0x1] =	wrdreg $0xFFFFFFFF  }
0xa7: {  	s28 =	simm.s32 $_size_execute0_lowered;
	s3 =	sadd.s32 s3, s5;
	[dreg:$0x0] =	wrdreg $0x0  }
0xa8: {  	s5 =	sshll.u32 s28, $0x1;
	[dreg:$0x2] =	wrdreg s3  }
0xa9: {  	[dreg:$0x3] =	wrdreg s5  }
0xaa: {  	[dreg:$0x4] =	wrdreg $0xC0  }
0xab: {  	_ =	task [dreg:s7], $0x5FFFF  }
0xac: {  	[dreg:$0x1] =	wrdreg $0xFFFFFFFF  }
0xad: {  	[dreg:$0x0] =	wrdreg $0x60  }
0xae: {  	[dreg:$0x2] =	wrdreg s24  }
0xaf: {  	[dreg:$0x3] =	wrdreg s2  }
0xb0: {  	[dreg:$0x4] =	wrdreg $0x9  }
0xb1: {  	_ =	task.clear_ibuf [dreg:s7], $0x5FFFF;
	_ =	strace $0x90000046  }
0xb2: {  	s29 =	simm.s32 $0x9;
	_ =	strace $0x80000048  }
0xb3: {  	_ =	swait.ge [sflag:s29], $0x1  }
0xb4: {  	[sflag:s29] =	ssyncadd.s32 $0xFFFFFFFF  }
0xb5: {  	_ =	strace $0x90000048  }
0xb6: {  	_ =	sfence  }
0xb7: {  	s30 =	sld [smem:$0x0];
	_ =	sdelay $0x2  }
0xb8: {  	s31 =	sshll.u32 s1, $0xD;
	s1 =	sshrl.u32 s1, $0x2  }
0xb9: {  	s3 =	sand.u32 $0x4000, s31;
	s1 =	sadd.s32 s1, s30  }
0xba: {  	s0 =	sor.u32 s3, s0;
	s1 =	sshll.u32 s1, $0x11  }
0xbb: {  	s0 =	sor.u32 s1, s0  }
0xbc: {  	s0 =	sadd.s32 $0x8F2B, s0  }
0xbd: {  	[sflag:s0] =	ssyncadd.remote.s32 $0x1  }
0xbe: {  	_ =	sfence.sel $0xFFFF  }
0xbf: {  	[dreg:$0x0] =	wrdreg $0xFFFFFFFF;
	(pc) =	sbr.abs _section_cstart, $3  }
0xc0: {  	[dreg:$0x1] =	wrdreg $0xFFFFFFFF  }
0xc1: {  	_ =	task.clear_ibuf [dreg:s7], $0x2FFFF;
	_ =	strace $0x9FFFFFFF  }
0xc2: {  	(tm) =	ssettm $0x7FFFFFFF  }
0xc3: {  	_ =	shalt  }
tec
execute0_lowered:
.L_overlay_start_1:
0x0: {  	(tag) =	ssettag $0x1  }
0x1: {  	s0 =	srdreg.scid;
	s4 =	simm.s32 $0x0;
	s21 =	simm.s32 $0x1900  }
0x2: {  	s23 =	stileid.u32;
	s14 =	simm.s32 $0x2600;
	s24 =	rddreg [dreg:$0x0]  }
0x3: {  	s16 =	simm.s32 $0xC80;
	s0 =	sand.u32 $0x1, s0;
	[smem:$0x7FF] =	sst s4  }
0x4: {  	s10 =	sshll.u32 s23, $0x4;
	s25 =	sadd.s32 $0x800, s24;
	s7 =	sshll.u32 s0, $0x3  }
0x5: {  	s2 =	ssub.s32 $0x2, s0;
	[dreg:$0x4] =	wrdreg s25;
	s0 =	sor.u32 s7, s10  }
0x6: {  	v6 =	vlaneseq.u32;
	s1 =	simm.s32 $0x3;
	s28 =	sadd.s32 $0x19800, s24;
	[dreg:$0x3] =	wrdreg s0  }
0x7: {  	v4 =	vmul.u32 $0xC8, v6;
	s29 =	sadd.s32 $0xF42C00, s24;
	_ =	strace $0x80000047;
	[dreg:$0x6] =	wrdreg s28  }
0x8: {  	v37 =	vmul.u32 $0x1900, v6;
	s30 =	sadd.s32 $0x19A00, s24;
	s3 =	sshrl.u32 s2, $0x1;
	[dreg:$0x7] =	wrdreg s29  }
0x9: {  	v35 =	vmul.u32 $0xD0, v6;
	s31 =	sadd.s32 $0x19C00, s24;
	s3 =	ssub.s32 s2, s3;
	[dreg:$0x8] =	wrdreg s30;
	[tilespmem:$0x1FFD0] =	vst v4  }
0xa: {  	s5 =	simm.s32 $0x1B750;
	s26 =	smax.u32 s3, $0x1;
	[dreg:$0x9] =	wrdreg s31;
	[tilespmem:$0x1FFE0] =	vst v37  }
0xb: {  	v7 =	vimm.f32 $1.000000000e+00;
	s2 =	simm.s32 $0x1B600;
	s3 =	simm.s32 $0x0;
	[tilespmem:$0x1FFF0] =	vst v35;
	[dreg:$0x5] =	wrdreg s26  }
.LBB2_1:
0xc: {  	[dreg:$0xa] =	wrdreg s3  }
0xd: {  	s0 =	rddreg [dreg:$0x6]  }
0xe: {  	[tilespmem:s2], [sflag:$0x3] =	stream.linear.gather [hbm4b:s0+s4], $0x150, $0x38;
	[tilespmem:$0x1B870] =	vst v63  }
0xf: {  	_ =	swait.ge [sflag:s1], $0x150  }
0x10: {  	[sflag:s1] =	ssyncset.done $0x0  }
0x11: {  	s31 =	rddreg [dreg:$0x8];
	[sflag:s1] =	ssyncadd.s32 $0xFFFFFEB0  }
0x12: {  	[tilespmem:s5], [sflag:$0x3] =	stream.linear.gather [hbm4b:s31+s4], $0x20, $0x38;
	[tilespmem:$0x1B870] =	vst v63  }
0x13: {  	_ =	swait.ge [sflag:s1], $0x20  }
0x14: {  	[sflag:s1] =	ssyncset.done $0x0  }
0x15: {  	s3 =	simm.s32 $0x0;
	[sflag:s1] =	ssyncadd.s32 $0xFFFFFFE0  }
.LBB2_2:
0x16: {  	s15 =	simm.s32 $0x0;
	s0 =	rddreg [dreg:$0x3]  }
0x17: {  	[dreg:$0xb] =	wrdreg s3;
	s0 =	sadd.s32 s0, s3;
	v1 =	vmov s15  }
0x18: {  	s29 =	rddreg [dreg:$0x4];
	s30 =	simm.s32 $0x1000;
	s19 =	sshll.u32 s0, $0x1;
	v0 =	vshll.u32 v1, $0x4  }
0x19: {  	s2 =	simm.s32 $0x10;
	[dreg:$0xc] =	wrdreg s0;
	s19 =	sadd.s32 s29, s19;
	v2 =	vor.u32 v6, v0  }
0x1a: {  	[tilespmem:s15], [sflag:$0x3] =	stream.strided.gather [hbm4b:s19+s2], $0xC80, s30, s2, $0x38;
	[tilespmem:$0x1B870] =	vst v63  }
0x1b: {  	_ =	swait.ge [sflag:s1], $0xC80  }
0x1c: {  	s31 =	simm.s32 $0x1;
	[sflag:s1] =	ssyncset.done $0x0  }
0x1d: {  	v1 =	vand.u32 $0xFF, v1;
	v0 =	vmov s31;
	[sflag:s1] =	ssyncadd.s32 $0xFFFFF380  }
0x1e: {  	v3 =	vshll.u32 v0, $0x4;
	v32 =	vld.idx.msk [tilespmem:v2+s4+$0x0], $0xffff;
	v2 =	vadd.s32 v4, v1  }
0x1f: {  	v1 =	vor.u32 v6, v3;
	_ =	sdelay $0x2  }
0x20: {  	v31 =	vimm.f32 $0.0e+00;
	s15 =	simm.s32 $0x2;
	s19 =	simm.s32 $0x3  }
.LBB2_3:
0x21: {  	p0 =	sne.s32 s19, $0xC7;
	[tilespmem:v2+s16+$0x0] =	vst.idx.msk $0xffff, v32;
	vm0 =	veq.s32 v32, $0x0  }
0x22: {  	v32 =	vld.idx.msk [tilespmem:v1+s4+$0x0], $0xffff;
	v1 =	vand.u32 $0xFF, v0;
	v0 =	vmov s15;
	v3 =	vsel vm0, $0x0, v7;
	s15 =	smov.u32 s19  }
.Ltmp0:
0x23: {  	v5 =	vshll.u32 v0, $0x4;
	v2 =	vadd.s32 v4, v1;
	v31 =	vadd.f32 v3, v31;
	(pc) =	sbr.rel @p0 .LBB2_3-.Ltmp0, $2  }
0x24: {  	v1 =	vor.u32 v6, v5;
	_ =	sdelay $0x2  }
0x25: {  	s19 =	sadd.s32 $0x1, s19  }
0x26: {  	_ =	sdelay $0x3  }
0x27: {  	[tilespmem:v2+s16+$0x0] =	vst.idx.msk $0xffff, v32;
	v2 =	vmov s15;
	v0 =	vand.u32 $0xFF, v0  }
0x28: {  	v34 =	vld.idx.msk [tilespmem:v1+s4+$0x0], $0xffff;
	v1 =	vshll.u32 v2, $0x4;
	v0 =	vadd.s32 v4, v0  }
0x29: {  	v1 =	vor.u32 v6, v1;
	_ =	sdelay $0x3  }
0x2a: {  	[tilespmem:v0+s16+$0x0] =	vst.idx.msk $0xffff, v34;
	v0 =	vand.u32 $0xFF, v2  }
0x2b: {  	v33 =	vld.idx.msk [tilespmem:v1+s4+$0x0], $0xffff;
	v0 =	vadd.s32 v4, v0;
	_ =	sdelay $0x4  }
0x2c: {  	s29 =	simm.s32 $0x70;
	s1 =	rddreg [dreg:$0x9];
	[tilespmem:v0+s16+$0x0] =	vst.idx.msk $0xffff, v33  }
0x2d: {  	[tilespmem:s21], [sflag:$0x1] =	stream.indirect.gather [hbm4b:s1+s29], $0x1, s16, s29, $0xb8;
	[tilespmem:$0x1B870] =	vst v63  }
0x2e: {  	s0 =	simm.s32 $0xCF0;
	s19 =	simm.s32 $0x1970;
	s15 =	simm.s32 $0x58  }
0x2f: {  	[tilespmem:s19], [sflag:$0x1] =	stream.indirect.gather [hbm4b:s1+s15], $0x1, s0, s15, $0xb8;
	[tilespmem:$0x1B870] =	vst v63  }
0x30: {  	s23 =	simm.s32 $0x19D0;
	s19 =	simm.s32 $0xD48  }
0x31: {  	[tilespmem:s23], [sflag:$0x1] =	stream.indirect.gather [hbm4b:s1+s29], $0x1, s19, s29, $0xb8;
	[tilespmem:$0x1B870] =	vst v63  }
0x32: {  	s28 =	simm.s32 $0x1A40;
	s23 =	simm.s32 $0xDB8  }
0x33: {  	[tilespmem:s28], [sflag:$0x1] =	stream.indirect.gather [hbm4b:s1+s15], $0x1, s23, s15, $0xb8;
	[tilespmem:$0x1B870] =	vst v63  }
0x34: {  	s30 =	simm.s32 $0x1AA0;
	s28 =	simm.s32 $0xE10  }
0x35: {  	[tilespmem:s30], [sflag:$0x1] =	stream.indirect.gather [hbm4b:s1+s29], $0x1, s28, s29, $0xb8;
	[tilespmem:$0x1B870] =	vst v63  }
0x36: {  	s31 =	simm.s32 $0xE80;
	s9 =	simm.s32 $0x1B10  }
0x37: {  	[tilespmem:s9], [sflag:$0x1] =	stream.indirect.gather [hbm4b:s1+s15], $0x1, s31, s15, $0xb8;
	[tilespmem:$0x1B870] =	vst v63  }
0x38: {  	s17 =	simm.s32 $0x1B70;
	s9 =	simm.s32 $0xED8  }
0x39: {  	[tilespmem:s17], [sflag:$0x1] =	stream.indirect.gather [hbm4b:s1+s29], $0x1, s9, s29, $0xb8;
	[tilespmem:$0x1B870] =	vst v63  }
0x3a: {  	s30 =	simm.s32 $0x1BE0;
	s17 =	simm.s32 $0xF48  }
0x3b: {  	[tilespmem:s30], [sflag:$0x1] =	stream.indirect.gather [hbm4b:s1+s15], $0x1, s17, s15, $0xb8;
	[tilespmem:$0x1B870] =	vst v63  }
0x3c: {  	s13 =	simm.s32 $0x1C40;
	s30 =	simm.s32 $0xFA0  }
0x3d: {  	[tilespmem:s13], [sflag:$0x1] =	stream.indirect.gather [hbm4b:s1+s29], $0x1, s30, s29, $0xb8;
	[tilespmem:$0x1B870] =	vst v63  }
0x3e: {  	s5 =	simm.s32 $0x1CB0;
	s13 =	simm.s32 $0x1010  }
0x3f: {  	[tilespmem:s5], [sflag:$0x1] =	stream.indirect.gather [hbm4b:s1+s15], $0x1, s13, s15, $0xb8;
	[tilespmem:$0x1B870] =	vst v63  }
0x40: {  	s2 =	simm.s32 $0x1068;
	s25 =	simm.s32 $0x1D10  }
0x41: {  	[tilespmem:s25], [sflag:$0x1] =	stream.indirect.gather [hbm4b:s1+s29], $0x1, s2, s29, $0xb8;
	[tilespmem:$0x1B870] =	vst v63  }
0x42: {  	s6 =	simm.s32 $0x1D80;
	s25 =	simm.s32 $0x10D8  }
0x43: {  	[tilespmem:s6], [sflag:$0x1] =	stream.indirect.gather [hbm4b:s1+s15], $0x1, s25, s15, $0xb8;
	[tilespmem:$0x1B870] =	vst v63  }
0x44: {  	s3 =	simm.s32 $0x1130;
	s8 =	simm.s32 $0x1DE0  }
0x45: {  	[tilespmem:s8], [sflag:$0x1] =	stream.indirect.gather [hbm4b:s1+s29], $0x1, s3, s29, $0xb8;
	[tilespmem:$0x1B870] =	vst v63  }
0x46: {  	s10 =	simm.s32 $0x1E50;
	s8 =	simm.s32 $0x11A0  }
0x47: {  	[tilespmem:s10], [sflag:$0x1] =	stream.indirect.gather [hbm4b:s1+s15], $0x1, s8, s15, $0xb8;
	[tilespmem:$0x1B870] =	vst v63  }
0x48: {  	s18 =	simm.s32 $0x1EB0;
	s10 =	simm.s32 $0x11F8  }
0x49: {  	[tilespmem:s18], [sflag:$0x1] =	stream.indirect.gather [hbm4b:s1+s29], $0x1, s10, s29, $0xb8;
	[tilespmem:$0x1B870] =	vst v63  }
0x4a: {  	s20 =	simm.s32 $0x1F20;
	s18 =	simm.s32 $0x1268  }
0x4b: {  	[tilespmem:s20], [sflag:$0x1] =	stream.indirect.gather [hbm4b:s1+s15], $0x1, s18, s15, $0xb8;
	[tilespmem:$0x1B870] =	vst v63  }
0x4c: {  	s11 =	simm.s32 $0x1F80;
	s20 =	simm.s32 $0x12C0  }
0x4d: {  	[tilespmem:s11], [sflag:$0x1] =	stream.indirect.gather [hbm4b:s1+s29], $0x1, s20, s29, $0xb8;
	[tilespmem:$0x1B870] =	vst v63  }
0x4e: {  	s22 =	simm.s32 $0x1FF0;
	s11 =	simm.s32 $0x1330  }
0x4f: {  	[tilespmem:s22], [sflag:$0x1] =	stream.indirect.gather [hbm4b:s1+s15], $0x1, s11, s15, $0xb8;
	[tilespmem:$0x1B870] =	vst v63  }
0x50: {  	s31 =	simm.s32 $0x2050;
	s22 =	simm.s32 $0x1388  }
0x51: {  	[tilespmem:s31], [sflag:$0x1] =	stream.indirect.gather [hbm4b:s1+s29], $0x1, s22, s29, $0xb8;
	[tilespmem:$0x1B870] =	vst v63  }
0x52: {  	s7 =	simm.s32 $0x20C0;
	s31 =	simm.s32 $0x13F8  }
0x53: {  	[tilespmem:s7], [sflag:$0x1] =	stream.indirect.gather [hbm4b:s1+s15], $0x1, s31, s15, $0xb8;
	[tilespmem:$0x1B870] =	vst v63  }
0x54: {  	s2 =	simm.s32 $0x2120;
	s7 =	simm.s32 $0x1450  }
0x55: {  	[tilespmem:s2], [sflag:$0x1] =	stream.indirect.gather [hbm4b:s1+s29], $0x1, s7, s29, $0xb8;
	[tilespmem:$0x1B870] =	vst v63  }
0x56: {  	s12 =	simm.s32 $0x2190;
	s5 =	simm.s32 $0x14C0  }
0x57: {  	[tilespmem:s12], [sflag:$0x1] =	stream.indirect.gather [hbm4b:s1+s15], $0x1, s5, s15, $0xb8;
	[tilespmem:$0x1B870] =	vst v63  }
0x58: {  	s24 =	simm.s32 $0x21F0;
	s12 =	simm.s32 $0x1518  }
0x59: {  	[tilespmem:s24], [sflag:$0x1] =	stream.indirect.gather [hbm4b:s1+s29], $0x1, s12, s29, $0xb8;
	[tilespmem:$0x1B870] =	vst v63  }
0x5a: {  	s3 =	simm.s32 $0x2260;
	s24 =	simm.s32 $0x1588  }
0x5b: {  	[tilespmem:s3], [sflag:$0x1] =	stream.indirect.gather [hbm4b:s1+s15], $0x1, s24, s15, $0xb8;
	[tilespmem:$0x1B870] =	vst v63  }
0x5c: {  	s26 =	simm.s32 $0x22C0;
	s6 =	simm.s32 $0x15E0  }
0x5d: {  	[tilespmem:s26], [sflag:$0x1] =	stream.indirect.gather [hbm4b:s1+s29], $0x1, s6, s29, $0xb8;
	[tilespmem:$0x1B870] =	vst v63  }
0x5e: {  	s0 =	simm.s32 $0x2330;
	s26 =	simm.s32 $0x1650  }
0x5f: {  	[tilespmem:s0], [sflag:$0x1] =	stream.indirect.gather [hbm4b:s1+s15], $0x1, s26, s15, $0xb8;
	[tilespmem:$0x1B870] =	vst v63  }
0x60: {  	s2 =	simm.s32 $0x2390;
	s3 =	simm.s32 $0x70;
	s29 =	simm.s32 $0x16A8  }
0x61: {  	[tilespmem:s2], [sflag:$0x1] =	stream.indirect.gather [hbm4b:s1+s3], $0x1, s29, s3, $0xb8;
	[tilespmem:$0x1B870] =	vst v63  }
0x62: {  	s5 =	simm.s32 $0x1718;
	s6 =	simm.s32 $0x2400  }
0x63: {  	[tilespmem:s6], [sflag:$0x1] =	stream.indirect.gather [hbm4b:s1+s15], $0x1, s5, s15, $0xb8;
	[tilespmem:$0x1B870] =	vst v63  }
0x64: {  	s5 =	simm.s32 $0x1770;
	s6 =	simm.s32 $0x2460  }
0x65: {  	[tilespmem:s6], [sflag:$0x1] =	stream.indirect.gather [hbm4b:s1+s3], $0x1, s5, s3, $0xb8;
	[tilespmem:$0x1B870] =	vst v63  }
0x66: {  	s0 =	simm.s32 $0x17E0;
	s5 =	simm.s32 $0x24D0  }
0x67: {  	[tilespmem:s5], [sflag:$0x1] =	stream.indirect.gather [hbm4b:s1+s15], $0x1, s0, s15, $0xb8;
	[tilespmem:$0x1B870] =	vst v63  }
0x68: {  	s6 =	simm.s32 $0x2530;
	s5 =	simm.s32 $0x1838  }
0x69: {  	[tilespmem:s6], [sflag:$0x1] =	stream.indirect.gather [hbm4b:s1+s3], $0x1, s5, s3, $0xb8;
	[tilespmem:$0x1B870] =	vst v63  }
0x6a: {  	s2 =	simm.s32 $0x18A8;
	s0 =	simm.s32 $0x25A0  }
0x6b: {  	[tilespmem:s0], [sflag:$0x1] =	stream.indirect.gather [hbm4b:s1+s15], $0x1, s2, s15, $0xb8;
	[tilespmem:$0x1B870] =	vst v63  }
0x6c: {  	s0 =	rddreg [dreg:$0x7];
	s1 =	simm.s32 $0x70  }
0x6d: {  	[tilespmem:s14], [sflag:$0x2] =	stream.indirect.gather [hbm4b:s0+s1], $0x20, s16, s1, $0xb8;
	[tilespmem:$0x1B870] =	vst v63  }
0x6e: {  	s3 =	simm.s32 $0x3400;
	s6 =	simm.s32 $0xCF0  }
0x6f: {  	[tilespmem:s3], [sflag:$0x2] =	stream.indirect.gather [hbm4b:s0+s15], $0x20, s6, s15, $0xb8;
	[tilespmem:$0x1B870] =	vst v63  }
0x70: {  	s6 =	simm.s32 $0x3F00  }
0x71: {  	[tilespmem:s6], [sflag:$0x2] =	stream.indirect.gather [hbm4b:s0+s1], $0x20, s19, s1, $0xb8;
	[tilespmem:$0x1B870] =	vst v63  }
0x72: {  	s6 =	simm.s32 $0x4D00  }
0x73: {  	[tilespmem:s6], [sflag:$0x2] =	stream.indirect.gather [hbm4b:s0+s15], $0x20, s23, s15, $0xb8;
	[tilespmem:$0x1B870] =	vst v63  }
0x74: {  	s19 =	simm.s32 $0x5800  }
0x75: {  	[tilespmem:s19], [sflag:$0x2] =	stream.indirect.gather [hbm4b:s0+s1], $0x20, s28, s1, $0xb8;
	[tilespmem:$0x1B870] =	vst v63  }
0x76: {  	s23 =	simm.s32 $0x6600;
	s28 =	simm.s32 $0xE80  }
0x77: {  	[tilespmem:s23], [sflag:$0x2] =	stream.indirect.gather [hbm4b:s0+s15], $0x20, s28, s15, $0xb8;
	[tilespmem:$0x1B870] =	vst v63  }
0x78: {  	s6 =	simm.s32 $0x7100  }
0x79: {  	[tilespmem:s6], [sflag:$0x2] =	stream.indirect.gather [hbm4b:s0+s1], $0x20, s9, s1, $0xb8;
	[tilespmem:$0x1B870] =	vst v63  }
0x7a: {  	s9 =	simm.s32 $0x7F00  }
0x7b: {  	[tilespmem:s9], [sflag:$0x2] =	stream.indirect.gather [hbm4b:s0+s15], $0x20, s17, s15, $0xb8;
	[tilespmem:$0x1B870] =	vst v63  }
0x7c: {  	s17 =	simm.s32 $0x8A00  }
0x7d: {  	[tilespmem:s17], [sflag:$0x2] =	stream.indirect.gather [hbm4b:s0+s1], $0x20, s30, s1, $0xb8;
	[tilespmem:$0x1B870] =	vst v63  }
0x7e: {  	s19 =	simm.s32 $0x9800  }
0x7f: {  	[tilespmem:s19], [sflag:$0x2] =	stream.indirect.gather [hbm4b:s0+s15], $0x20, s13, s15, $0xb8;
	[tilespmem:$0x1B870] =	vst v63  }
0x80: {  	s23 =	simm.s32 $0xA300;
	s28 =	simm.s32 $0x1068  }
0x81: {  	[tilespmem:s23], [sflag:$0x2] =	stream.indirect.gather [hbm4b:s0+s1], $0x20, s28, s1, $0xb8;
	[tilespmem:$0x1B870] =	vst v63  }
0x82: {  	s30 =	simm.s32 $0xB100  }
0x83: {  	[tilespmem:s30], [sflag:$0x2] =	stream.indirect.gather [hbm4b:s0+s15], $0x20, s25, s15, $0xb8;
	[tilespmem:$0x1B870] =	vst v63  }
0x84: {  	s6 =	simm.s32 $0xBC00;
	s9 =	simm.s32 $0x1130  }
0x85: {  	[tilespmem:s6], [sflag:$0x2] =	stream.indirect.gather [hbm4b:s0+s1], $0x20, s9, s1, $0xb8;
	[tilespmem:$0x1B870] =	vst v63  }
0x86: {  	s13 =	simm.s32 $0xCA00  }
0x87: {  	[tilespmem:s13], [sflag:$0x2] =	stream.indirect.gather [hbm4b:s0+s15], $0x20, s8, s15, $0xb8;
	[tilespmem:$0x1B870] =	vst v63  }
0x88: {  	s17 =	simm.s32 $0xD500  }
0x89: {  	[tilespmem:s17], [sflag:$0x2] =	stream.indirect.gather [hbm4b:s0+s1], $0x20, s10, s1, $0xb8;
	[tilespmem:$0x1B870] =	vst v63  }
0x8a: {  	s19 =	simm.s32 $0xE300  }
0x8b: {  	[tilespmem:s19], [sflag:$0x2] =	stream.indirect.gather [hbm4b:s0+s15], $0x20, s18, s15, $0xb8;
	[tilespmem:$0x1B870] =	vst v63  }
0x8c: {  	s23 =	simm.s32 $0xEE00  }
0x8d: {  	[tilespmem:s23], [sflag:$0x2] =	stream.indirect.gather [hbm4b:s0+s1], $0x20, s20, s1, $0xb8;
	[tilespmem:$0x1B870] =	vst v63  }
0x8e: {  	s25 =	simm.s32 $0xFC00  }
0x8f: {  	[tilespmem:s25], [sflag:$0x2] =	stream.indirect.gather [hbm4b:s0+s15], $0x20, s11, s15, $0xb8;
	[tilespmem:$0x1B870] =	vst v63  }
0x90: {  	s28 =	simm.s32 $0x10700  }
0x91: {  	[tilespmem:s28], [sflag:$0x2] =	stream.indirect.gather [hbm4b:s0+s1], $0x20, s22, s1, $0xb8;
	[tilespmem:$0x1B870] =	vst v63  }
0x92: {  	s30 =	simm.s32 $0x11500  }
0x93: {  	[tilespmem:s30], [sflag:$0x2] =	stream.indirect.gather [hbm4b:s0+s15], $0x20, s31, s15, $0xb8;
	[tilespmem:$0x1B870] =	vst v63  }
0x94: {  	s31 =	simm.s32 $0x12000  }
0x95: {  	[tilespmem:s31], [sflag:$0x2] =	stream.indirect.gather [hbm4b:s0+s1], $0x20, s7, s1, $0xb8;
	[tilespmem:$0x1B870] =	vst v63  }
0x96: {  	s6 =	simm.s32 $0x12E00;
	s7 =	simm.s32 $0x14C0  }
0x97: {  	[tilespmem:s6], [sflag:$0x2] =	stream.indirect.gather [hbm4b:s0+s15], $0x20, s7, s15, $0xb8;
	[tilespmem:$0x1B870] =	vst v63  }
0x98: {  	s8 =	simm.s32 $0x13900  }
0x99: {  	[tilespmem:s8], [sflag:$0x2] =	stream.indirect.gather [hbm4b:s0+s1], $0x20, s12, s1, $0xb8;
	[tilespmem:$0x1B870] =	vst v63  }
0x9a: {  	s9 =	simm.s32 $0x14700  }
0x9b: {  	[tilespmem:s9], [sflag:$0x2] =	stream.indirect.gather [hbm4b:s0+s15], $0x20, s24, s15, $0xb8;
	[tilespmem:$0x1B870] =	vst v63  }
0x9c: {  	s10 =	simm.s32 $0x15200;
	s11 =	simm.s32 $0x15E0  }
0x9d: {  	[tilespmem:s10], [sflag:$0x2] =	stream.indirect.gather [hbm4b:s0+s1], $0x20, s11, s1, $0xb8;
	[tilespmem:$0x1B870] =	vst v63  }
0x9e: {  	s12 =	simm.s32 $0x16000  }
0x9f: {  	[tilespmem:s12], [sflag:$0x2] =	stream.indirect.gather [hbm4b:s0+s15], $0x20, s26, s15, $0xb8;
	[tilespmem:$0x1B870] =	vst v63  }
0xa0: {  	s13 =	simm.s32 $0x16B00  }
0xa1: {  	[tilespmem:s13], [sflag:$0x2] =	stream.indirect.gather [hbm4b:s0+s1], $0x20, s29, s1, $0xb8;
	[tilespmem:$0x1B870] =	vst v63  }
0xa2: {  	s17 =	simm.s32 $0x17900;
	s18 =	simm.s32 $0x1718  }
0xa3: {  	[tilespmem:s17], [sflag:$0x2] =	stream.indirect.gather [hbm4b:s0+s15], $0x20, s18, s15, $0xb8;
	[tilespmem:$0x1B870] =	vst v63  }
0xa4: {  	s19 =	simm.s32 $0x18400;
	s20 =	simm.s32 $0x1770  }
0xa5: {  	[tilespmem:s19], [sflag:$0x2] =	stream.indirect.gather [hbm4b:s0+s1], $0x20, s20, s1, $0xb8;
	[tilespmem:$0x1B870] =	vst v63  }
0xa6: {  	s23 =	simm.s32 $0x19200;
	s24 =	simm.s32 $0x17E0  }
0xa7: {  	[tilespmem:s23], [sflag:$0x2] =	stream.indirect.gather [hbm4b:s0+s15], $0x20, s24, s15, $0xb8;
	[tilespmem:$0x1B870] =	vst v63  }
0xa8: {  	s25 =	simm.s32 $0x19D00;
	s22 =	simm.s32 $0x70  }
0xa9: {  	[tilespmem:s25], [sflag:$0x2] =	stream.indirect.gather [hbm4b:s0+s22], $0x20, s5, s22, $0xb8;
	[tilespmem:$0x1B870] =	vst v63  }
0xaa: {  	s28 =	simm.s32 $0x1;
	s26 =	simm.s32 $0x1AB00  }
0xab: {  	[tilespmem:s26], [sflag:$0x2] =	stream.indirect.gather [hbm4b:s0+s15], $0x20, s2, s15, $0xb8;
	[tilespmem:$0x1B870] =	vst v63  }
0xac: {  	_ =	swait.ge [sflag:s28], $0x70  }
0xad: {  	[sflag:s28] =	ssyncset.done $0x0  }
0xae: {  	[sflag:s28] =	ssyncadd.s32 $0xFFFFFF90  }
0xaf: {  	_ =	swait.ge [sflag:s28], $0x58  }
0xb0: {  	[sflag:s28] =	ssyncset.done $0x0  }
0xb1: {  	[sflag:s28] =	ssyncadd.s32 $0xFFFFFFA8  }
0xb2: {  	_ =	swait.ge [sflag:s28], $0x70  }
0xb3: {  	[sflag:s28] =	ssyncset.done $0x0  }
0xb4: {  	[sflag:s28] =	ssyncadd.s32 $0xFFFFFF90  }
0xb5: {  	_ =	swait.ge [sflag:s28], $0x58  }
0xb6: {  	[sflag:s28] =	ssyncset.done $0x0  }
0xb7: {  	[sflag:s28] =	ssyncadd.s32 $0xFFFFFFA8  }
0xb8: {  	_ =	swait.ge [sflag:s28], $0x70  }
0xb9: {  	[sflag:s28] =	ssyncset.done $0x0  }
0xba: {  	[sflag:s28] =	ssyncadd.s32 $0xFFFFFF90  }
0xbb: {  	_ =	swait.ge [sflag:s28], $0x58  }
0xbc: {  	[sflag:s28] =	ssyncset.done $0x0  }
0xbd: {  	[sflag:s28] =	ssyncadd.s32 $0xFFFFFFA8  }
0xbe: {  	_ =	swait.ge [sflag:s28], $0x70  }
0xbf: {  	[sflag:s28] =	ssyncset.done $0x0  }
0xc0: {  	[sflag:s28] =	ssyncadd.s32 $0xFFFFFF90  }
0xc1: {  	_ =	swait.ge [sflag:s28], $0x58  }
0xc2: {  	[sflag:s28] =	ssyncset.done $0x0  }
0xc3: {  	[sflag:s28] =	ssyncadd.s32 $0xFFFFFFA8  }
0xc4: {  	_ =	swait.ge [sflag:s28], $0x70  }
0xc5: {  	[sflag:s28] =	ssyncset.done $0x0  }
0xc6: {  	[sflag:s28] =	ssyncadd.s32 $0xFFFFFF90  }
0xc7: {  	_ =	swait.ge [sflag:s28], $0x58  }
0xc8: {  	[sflag:s28] =	ssyncset.done $0x0  }
0xc9: {  	[sflag:s28] =	ssyncadd.s32 $0xFFFFFFA8  }
0xca: {  	_ =	swait.ge [sflag:s28], $0x70  }
0xcb: {  	[sflag:s28] =	ssyncset.done $0x0  }
0xcc: {  	[sflag:s28] =	ssyncadd.s32 $0xFFFFFF90  }
0xcd: {  	_ =	swait.ge [sflag:s28], $0x58  }
0xce: {  	[sflag:s28] =	ssyncset.done $0x0  }
0xcf: {  	[sflag:s28] =	ssyncadd.s32 $0xFFFFFFA8  }
0xd0: {  	_ =	swait.ge [sflag:s28], $0x70  }
0xd1: {  	[sflag:s28] =	ssyncset.done $0x0  }
0xd2: {  	[sflag:s28] =	ssyncadd.s32 $0xFFFFFF90  }
0xd3: {  	_ =	swait.ge [sflag:s28], $0x58  }
0xd4: {  	[sflag:s28] =	ssyncset.done $0x0  }
0xd5: {  	[sflag:s28] =	ssyncadd.s32 $0xFFFFFFA8  }
0xd6: {  	_ =	swait.ge [sflag:s28], $0x70  }
0xd7: {  	[sflag:s28] =	ssyncset.done $0x0  }
0xd8: {  	[sflag:s28] =	ssyncadd.s32 $0xFFFFFF90  }
0xd9: {  	_ =	swait.ge [sflag:s28], $0x58  }
0xda: {  	[sflag:s28] =	ssyncset.done $0x0  }
0xdb: {  	[sflag:s28] =	ssyncadd.s32 $0xFFFFFFA8  }
0xdc: {  	_ =	swait.ge [sflag:s28], $0x70  }
0xdd: {  	[sflag:s28] =	ssyncset.done $0x0  }
0xde: {  	[sflag:s28] =	ssyncadd.s32 $0xFFFFFF90  }
0xdf: {  	_ =	swait.ge [sflag:s28], $0x58  }
0xe0: {  	[sflag:s28] =	ssyncset.done $0x0  }
0xe1: {  	[sflag:s28] =	ssyncadd.s32 $0xFFFFFFA8  }
0xe2: {  	_ =	swait.ge [sflag:s28], $0x70  }
0xe3: {  	[sflag:s28] =	ssyncset.done $0x0  }
0xe4: {  	[sflag:s28] =	ssyncadd.s32 $0xFFFFFF90  }
0xe5: {  	_ =	swait.ge [sflag:s28], $0x58  }
0xe6: {  	[sflag:s28] =	ssyncset.done $0x0  }
0xe7: {  	[sflag:s28] =	ssyncadd.s32 $0xFFFFFFA8  }
0xe8: {  	_ =	swait.ge [sflag:s28], $0x70  }
0xe9: {  	[sflag:s28] =	ssyncset.done $0x0  }
0xea: {  	[sflag:s28] =	ssyncadd.s32 $0xFFFFFF90  }
0xeb: {  	_ =	swait.ge [sflag:s28], $0x58  }
0xec: {  	[sflag:s28] =	ssyncset.done $0x0  }
0xed: {  	[sflag:s28] =	ssyncadd.s32 $0xFFFFFFA8  }
0xee: {  	_ =	swait.ge [sflag:s28], $0x70  }
0xef: {  	[sflag:s28] =	ssyncset.done $0x0  }
0xf0: {  	[sflag:s28] =	ssyncadd.s32 $0xFFFFFF90  }
0xf1: {  	_ =	swait.ge [sflag:s28], $0x58  }
0xf2: {  	[sflag:s28] =	ssyncset.done $0x0  }
0xf3: {  	[sflag:s28] =	ssyncadd.s32 $0xFFFFFFA8  }
0xf4: {  	_ =	swait.ge [sflag:s28], $0x70  }
0xf5: {  	[sflag:s28] =	ssyncset.done $0x0  }
0xf6: {  	[sflag:s28] =	ssyncadd.s32 $0xFFFFFF90  }
0xf7: {  	_ =	swait.ge [sflag:s28], $0x58  }
0xf8: {  	[sflag:s28] =	ssyncset.done $0x0  }
0xf9: {  	[sflag:s28] =	ssyncadd.s32 $0xFFFFFFA8  }
0xfa: {  	_ =	swait.ge [sflag:s28], $0x70  }
0xfb: {  	[sflag:s28] =	ssyncset.done $0x0  }
0xfc: {  	[sflag:s28] =	ssyncadd.s32 $0xFFFFFF90  }
0xfd: {  	_ =	swait.ge [sflag:s28], $0x58  }
0xfe: {  	[sflag:s28] =	ssyncset.done $0x0  }
0xff: {  	[sflag:s28] =	ssyncadd.s32 $0xFFFFFFA8  }
0x100: {  	_ =	swait.ge [sflag:s28], $0x70  }
0x101: {  	[sflag:s28] =	ssyncset.done $0x0  }
0x102: {  	[sflag:s28] =	ssyncadd.s32 $0xFFFFFF90  }
0x103: {  	_ =	swait.ge [sflag:s28], $0x58  }
0x104: {  	[sflag:s28] =	ssyncset.done $0x0  }
0x105: {  	[sflag:s28] =	ssyncadd.s32 $0xFFFFFFA8  }
0x106: {  	_ =	swait.ge [sflag:s28], $0x70  }
0x107: {  	[sflag:s28] =	ssyncset.done $0x0  }
0x108: {  	[sflag:s28] =	ssyncadd.s32 $0xFFFFFF90  }
0x109: {  	_ =	swait.ge [sflag:s28], $0x58  }
0x10a: {  	[sflag:s28] =	ssyncset.done $0x0  }
0x10b: {  	s29 =	simm.s32 $0x2;
	[sflag:s28] =	ssyncadd.s32 $0xFFFFFFA8  }
0x10c: {  	_ =	swait.ge [sflag:s29], $0xE00  }
0x10d: {  	[sflag:s29] =	ssyncset.done $0x0  }
0x10e: {  	[sflag:s29] =	ssyncadd.s32 $0xFFFFF200  }
0x10f: {  	_ =	swait.ge [sflag:s29], $0xB00  }
0x110: {  	[sflag:s29] =	ssyncset.done $0x0  }
0x111: {  	[sflag:s29] =	ssyncadd.s32 $0xFFFFF500  }
0x112: {  	_ =	swait.ge [sflag:s29], $0xE00  }
0x113: {  	[sflag:s29] =	ssyncset.done $0x0  }
0x114: {  	[sflag:s29] =	ssyncadd.s32 $0xFFFFF200  }
0x115: {  	_ =	swait.ge [sflag:s29], $0xB00  }
0x116: {  	[sflag:s29] =	ssyncset.done $0x0  }
0x117: {  	[sflag:s29] =	ssyncadd.s32 $0xFFFFF500  }
0x118: {  	_ =	swait.ge [sflag:s29], $0xE00  }
0x119: {  	[sflag:s29] =	ssyncset.done $0x0  }
0x11a: {  	[sflag:s29] =	ssyncadd.s32 $0xFFFFF200  }
0x11b: {  	_ =	swait.ge [sflag:s29], $0xB00  }
0x11c: {  	[sflag:s29] =	ssyncset.done $0x0  }
0x11d: {  	[sflag:s29] =	ssyncadd.s32 $0xFFFFF500  }
0x11e: {  	_ =	swait.ge [sflag:s29], $0xE00  }
0x11f: {  	[sflag:s29] =	ssyncset.done $0x0  }
0x120: {  	[sflag:s29] =	ssyncadd.s32 $0xFFFFF200  }
0x121: {  	_ =	swait.ge [sflag:s29], $0xB00  }
0x122: {  	[sflag:s29] =	ssyncset.done $0x0  }
0x123: {  	[sflag:s29] =	ssyncadd.s32 $0xFFFFF500  }
0x124: {  	_ =	swait.ge [sflag:s29], $0xE00  }
0x125: {  	[sflag:s29] =	ssyncset.done $0x0  }
0x126: {  	[sflag:s29] =	ssyncadd.s32 $0xFFFFF200  }
0x127: {  	_ =	swait.ge [sflag:s29], $0xB00  }
0x128: {  	[sflag:s29] =	ssyncset.done $0x0  }
0x129: {  	[sflag:s29] =	ssyncadd.s32 $0xFFFFF500  }
0x12a: {  	_ =	swait.ge [sflag:s29], $0xE00  }
0x12b: {  	[sflag:s29] =	ssyncset.done $0x0  }
0x12c: {  	[sflag:s29] =	ssyncadd.s32 $0xFFFFF200  }
0x12d: {  	_ =	swait.ge [sflag:s29], $0xB00  }
0x12e: {  	[sflag:s29] =	ssyncset.done $0x0  }
0x12f: {  	[sflag:s29] =	ssyncadd.s32 $0xFFFFF500  }
0x130: {  	_ =	swait.ge [sflag:s29], $0xE00  }
0x131: {  	[sflag:s29] =	ssyncset.done $0x0  }
0x132: {  	[sflag:s29] =	ssyncadd.s32 $0xFFFFF200  }
0x133: {  	_ =	swait.ge [sflag:s29], $0xB00  }
0x134: {  	[sflag:s29] =	ssyncset.done $0x0  }
0x135: {  	[sflag:s29] =	ssyncadd.s32 $0xFFFFF500  }
0x136: {  	_ =	swait.ge [sflag:s29], $0xE00  }
0x137: {  	[sflag:s29] =	ssyncset.done $0x0  }
0x138: {  	[sflag:s29] =	ssyncadd.s32 $0xFFFFF200  }
0x139: {  	_ =	swait.ge [sflag:s29], $0xB00  }
0x13a: {  	[sflag:s29] =	ssyncset.done $0x0  }
0x13b: {  	[sflag:s29] =	ssyncadd.s32 $0xFFFFF500  }
0x13c: {  	_ =	swait.ge [sflag:s29], $0xE00  }
0x13d: {  	[sflag:s29] =	ssyncset.done $0x0  }
0x13e: {  	[sflag:s29] =	ssyncadd.s32 $0xFFFFF200  }
0x13f: {  	_ =	swait.ge [sflag:s29], $0xB00  }
0x140: {  	[sflag:s29] =	ssyncset.done $0x0  }
0x141: {  	[sflag:s29] =	ssyncadd.s32 $0xFFFFF500  }
0x142: {  	_ =	swait.ge [sflag:s29], $0xE00  }
0x143: {  	[sflag:s29] =	ssyncset.done $0x0  }
0x144: {  	[sflag:s29] =	ssyncadd.s32 $0xFFFFF200  }
0x145: {  	_ =	swait.ge [sflag:s29], $0xB00  }
0x146: {  	[sflag:s29] =	ssyncset.done $0x0  }
0x147: {  	[sflag:s29] =	ssyncadd.s32 $0xFFFFF500  }
0x148: {  	_ =	swait.ge [sflag:s29], $0xE00  }
0x149: {  	[sflag:s29] =	ssyncset.done $0x0  }
0x14a: {  	[sflag:s29] =	ssyncadd.s32 $0xFFFFF200  }
0x14b: {  	_ =	swait.ge [sflag:s29], $0xB00  }
0x14c: {  	[sflag:s29] =	ssyncset.done $0x0  }
0x14d: {  	[sflag:s29] =	ssyncadd.s32 $0xFFFFF500  }
0x14e: {  	_ =	swait.ge [sflag:s29], $0xE00  }
0x14f: {  	[sflag:s29] =	ssyncset.done $0x0  }
0x150: {  	[sflag:s29] =	ssyncadd.s32 $0xFFFFF200  }
0x151: {  	_ =	swait.ge [sflag:s29], $0xB00  }
0x152: {  	[sflag:s29] =	ssyncset.done $0x0  }
0x153: {  	[sflag:s29] =	ssyncadd.s32 $0xFFFFF500  }
0x154: {  	_ =	swait.ge [sflag:s29], $0xE00  }
0x155: {  	[sflag:s29] =	ssyncset.done $0x0  }
0x156: {  	[sflag:s29] =	ssyncadd.s32 $0xFFFFF200  }
0x157: {  	_ =	swait.ge [sflag:s29], $0xB00  }
0x158: {  	[sflag:s29] =	ssyncset.done $0x0  }
0x159: {  	[sflag:s29] =	ssyncadd.s32 $0xFFFFF500  }
0x15a: {  	_ =	swait.ge [sflag:s29], $0xE00  }
0x15b: {  	[sflag:s29] =	ssyncset.done $0x0  }
0x15c: {  	[sflag:s29] =	ssyncadd.s32 $0xFFFFF200  }
0x15d: {  	_ =	swait.ge [sflag:s29], $0xB00  }
0x15e: {  	[sflag:s29] =	ssyncset.done $0x0  }
0x15f: {  	[sflag:s29] =	ssyncadd.s32 $0xFFFFF500  }
0x160: {  	_ =	swait.ge [sflag:s29], $0xE00  }
0x161: {  	[sflag:s29] =	ssyncset.done $0x0  }
0x162: {  	[sflag:s29] =	ssyncadd.s32 $0xFFFFF200  }
0x163: {  	_ =	swait.ge [sflag:s29], $0xB00  }
0x164: {  	[sflag:s29] =	ssyncset.done $0x0  }
0x165: {  	[sflag:s29] =	ssyncadd.s32 $0xFFFFF500  }
0x166: {  	s30 =	simm.s32 $0x0;
	_ =	swait.ge [sflag:s29], $0xE00  }
0x167: {  	v0 =	vadd.s32 s30, v35;
	[sflag:s29] =	ssyncset.done $0x0  }
0x168: {  	[sflag:s29] =	ssyncadd.s32 $0xFFFFF200  }
0x169: {  	_ =	swait.ge [sflag:s29], $0xB00  }
0x16a: {  	v1 =	vmov s30;
	[sflag:s29] =	ssyncset.done $0x0  }
0x16b: {  	v1 =	vshll.u32 v1, $0x5;
	[sflag:s29] =	ssyncadd.s32 $0xFFFFF500  }
0x16c: {  	vm0 =	veq.s32 v32, $0x0;
	v1 =	vadd.s32 v37, v1;
	v0 =	vld.idx.msk [tilespmem:v0+s21+$0x0], $0xffff  }
0x16d: {  	v2 =	vsel vm0, $0x0, v7;
	v3 =	vor.u32 $0x1F, v1  }
0x16e: {  	vm14 =	veq.s32 v34, $0x0;
	v2 =	vadd.f32 v2, v31;
	v5 =	vor.u32 $0x1, v1  }
0x16f: {  	v6 =	vsel vm14, $0x0, v7;
	v7 =	vor.u32 $0x2, v1  }
0x170: {  	v2 =	vadd.f32 v6, v2;
	v6 =	vor.u32 $0x3, v1  }
0x171: {  	v8 =	vor.u32 $0x4, v1;
	v0 =	vmul.f32 $1.442695020e+00, v0  }
0x172: {  	v4 =	vimm.f32 $1.000000000e+00;
	vm15 =	veq.s32 v33, $0x0;
	v10 =	vor.u32 $0x5, v1;
	v3 =	vld.idx.msk [tilespmem:v3+s14+$0x0], $0xffff  }
0x173: {  	v9 =	vsel vm15, $0x0, v4;
	v5 =	vld.idx.msk [tilespmem:v5+s14+$0x0], $0xffff;
	(erf) = vpow2.f32 v0  }
0x174: {  	v2 =	vadd.f32 v9, v2;
	v9 =	vor.u32 $0x7, v1;
	v7 =	vld.idx.msk [tilespmem:v7+s14+$0x0], $0xffff  }
0x175: {  	v11 =	vor.u32 $0x8, v1;
	v6 =	vld.idx.msk [tilespmem:v6+s14+$0x0], $0xffff  }
0x176: {  	v17 =	vor.u32 $0xD, v1;
	v8 =	vld.idx.msk [tilespmem:v8+s14+$0x0], $0xffff  }
0x177: {  	s31 =	simm.s32 $0x1;
	[tilespmem:$0x1FEF0] =	vst v2;
	v2 =	vor.u32 $0x6, v1;
	v10 =	vld.idx.msk [tilespmem:v10+s14+$0x0], $0xffff  }
0x178: {  	v32 =	vimm.f32 $0.0e+00;
	v59 =	vadd.s32 s31, v35;
	v16 =	vor.u32 $0xC, v1;
	v0 =	vld.idx.msk [tilespmem:v1+s14+$0x0], $0xffff  }
0x179: {  	v12 =	vor.u32 $0x9, v1;
	v13 =	vor.u32 $0xA, v1;
	v14 =	vor.u32 $0xB, v1;
	v9 =	vld.idx.msk [tilespmem:v9+s14+$0x0], $0xffff  }
0x17a: {  	v18 =	vor.u32 $0xE, v1;
	v19 =	vor.u32 $0xF, v1;
	v20 =	vor.u32 $0x10, v1;
	v11 =	vld.idx.msk [tilespmem:v11+s14+$0x0], $0xffff  }
0x17b: {  	v21 =	vor.u32 $0x11, v1;
	v22 =	vor.u32 $0x12, v1;
	v23 =	vor.u32 $0x13, v1;
	v17 =	vld.idx.msk [tilespmem:v17+s14+$0x0], $0xffff  }
0x17c: {  	v24 =	vor.u32 $0x14, v1;
	v25 =	vor.u32 $0x15, v1;
	v26 =	vor.u32 $0x16, v1;
	v2 =	vld.idx.msk [tilespmem:v2+s14+$0x0], $0xffff;
	v15 =	vpop (erf)  }
0x17d: {  	v27 =	vor.u32 $0x17, v1;
	v16 =	vld.idx.msk [tilespmem:v16+s14+$0x0], $0xffff;
	v0 =	vmul.f32 v15, v0;
	v8 =	vmul.f32 v8, v15  }
0x17e: {  	v28 =	vor.u32 $0x18, v1;
	v12 =	vld.idx.msk [tilespmem:v12+s14+$0x0], $0xffff;
	v3 =	vmul.f32 v3, v15;
	v5 =	vmul.f32 v5, v15  }
0x17f: {  	v13 =	vld.idx.msk [tilespmem:v13+s14+$0x0], $0xffff;
	v10 =	vmul.f32 v10, v15;
	v50 =	vadd.f32 v0, v32;
	v0 =	vadd.f32 v8, v32  }
0x180: {  	v29 =	vor.u32 $0x19, v1;
	v14 =	vld.idx.msk [tilespmem:v14+s14+$0x0], $0xffff;
	v7 =	vmul.f32 v7, v15;
	v6 =	vmul.f32 v6, v15  }
0x181: {  	v2 =	vmul.f32 v2, v15;
	v17 =	vmul.f32 v17, v15;
	[tilespmem:$0x1FF70] =	vst v0;
	v0 =	vadd.f32 v10, v32  }
0x182: {  	v30 =	vor.u32 $0x1A, v1;
	v18 =	vld.idx.msk [tilespmem:v18+s14+$0x0], $0xffff;
	v9 =	vmul.f32 v9, v15;
	v16 =	vmul.f32 v16, v15  }
0x183: {  	v31 =	vor.u32 $0x1B, v1;
	v44 =	vadd.f32 v17, v32;
	v17 =	vld.idx.msk [tilespmem:v25+s14+$0x0], $0xffff;
	[tilespmem:$0x1FF80] =	vst v0;
	v0 =	vadd.f32 v2, v32  }
0x184: {  	v42 =	vor.u32 $0x1C, v1;
	v10 =	vmul.f32 v11, v15;
	v11 =	vld.idx.msk [tilespmem:v19+s14+$0x0], $0xffff;
	v2 =	vmul.f32 v12, v15  }
0x185: {  	v43 =	vor.u32 $0x1D, v1;
	v52 =	vadd.f32 v3, v32;
	[tilespmem:$0x1FF90] =	vst v0;
	v0 =	vadd.f32 v9, v32;
	v9 =	vld.idx.msk [tilespmem:v20+s14+$0x0], $0xffff  }
0x186: {  	v5 =	vadd.f32 v5, v32;
	v12 =	vmul.f32 v14, v15;
	v4 =	vadd.f32 v2, v32;
	v2 =	vld.idx.msk [tilespmem:v21+s14+$0x0], $0xffff  }
0x187: {  	v51 =	vor.u32 $0x1E, v1;
	[tilespmem:$0x1FFA0] =	vst v0;
	v0 =	vadd.f32 v10, v32;
	v10 =	vmul.f32 v13, v15;
	v13 =	vld.idx.msk [tilespmem:v59+s21+$0x0], $0xffff  }
0x188: {  	v62 =	vadd.f32 v7, v32;
	v61 =	vadd.f32 v12, v32;
	v12 =	vmul.f32 v18, v15;
	v18 =	vld.idx.msk [tilespmem:v23+s14+$0x0], $0xffff  }
0x189: {  	v46 =	vadd.f32 v16, v32;
	v8 =	vmul.f32 v17, v15;
	v11 =	vmul.f32 v11, v15  }
0x18a: {  	v16 =	vld.idx.msk [tilespmem:v24+s14+$0x0], $0xffff;
	v24 =	vadd.f32 v12, v32;
	v12 =	vmov s31;
	v9 =	vmul.f32 v9, v15  }
0x18b: {  	v42 =	vld.idx.msk [tilespmem:v42+s14+$0x0], $0xffff;
	v38 =	vadd.f32 v11, v32;
	v11 =	vshll.u32 v12, $0x5;
	v2 =	vmul.f32 v2, v15  }
0x18c: {  	v23 =	vld.idx.msk [tilespmem:v30+s14+$0x0], $0xffff;
	[tilespmem:$0x1FFB0] =	vst v0;
	v0 =	vadd.f32 v10, v32;
	v12 =	vmul.f32 $1.442695020e+00, v13;
	v39 =	vadd.f32 v9, v32  }
0x18d: {  	v59 =	vld.idx.msk [tilespmem:v29+s14+$0x0], $0xffff;
	v9 =	vadd.s32 v37, v11;
	v33 =	vadd.f32 v2, v32;
	v2 =	vmul.f32 v18, v15  }
0x18e: {  	v10 =	vld.idx.msk [tilespmem:v22+s14+$0x0], $0xffff;
	v19 =	vor.u32 $0x1F, v9;
	v18 =	vor.u32 $0x1, v9;
	v17 =	vor.u32 $0x2, v9  }
0x18f: {  	v13 =	vld.idx.msk [tilespmem:v26+s14+$0x0], $0xffff;
	v20 =	vor.u32 $0x3, v9;
	v21 =	vor.u32 $0x4, v9;
	(erf) = vpow2.f32 v12  }
0x190: {  	v11 =	vld.idx.msk [tilespmem:v27+s14+$0x0], $0xffff;
	v30 =	vor.u32 $0x5, v9;
	v49 =	vor.u32 $0x7, v9;
	v53 =	vor.u32 $0x8, v9  }
0x191: {  	v55 =	vor.u32 $0x9, v9;
	v56 =	vor.u32 $0xA, v9;
	v7 =	vor.u32 $0xC, v9;
	v12 =	vld.idx.msk [tilespmem:v28+s14+$0x0], $0xffff  }
0x192: {  	v47 =	vor.u32 $0xD, v9;
	v48 =	vor.u32 $0xE, v9;
	v60 =	vor.u32 $0xF, v9;
	v22 =	vld.idx.msk [tilespmem:v9+s14+$0x0], $0xffff  }
0x193: {  	[tilespmem:$0x1FF00] =	vst v0;
	v63 =	vor.u32 $0x10, v9;
	v0 =	vor.u32 $0x11, v9;
	v10 =	vmul.f32 v10, v15;
	v19 =	vld.idx.msk [tilespmem:v19+s14+$0x0], $0xffff  }
0x194: {  	v29 =	vor.u32 $0x12, v9;
	v27 =	vor.u32 $0x13, v9;
	v26 =	vor.u32 $0x15, v9;
	v18 =	vld.idx.msk [tilespmem:v18+s14+$0x0], $0xffff  }
0x195: {  	v25 =	vor.u32 $0x16, v9;
	v34 =	vadd.f32 v10, v32;
	v10 =	vmul.f32 v16, v15;
	v58 =	vld.idx.msk [tilespmem:v17+s14+$0x0], $0xffff  }
0x196: {  	v45 =	vor.u32 $0x1C, v9;
	v40 =	vadd.f32 v2, v32;
	v2 =	vor.u32 $0xB, v9;
	v3 =	vld.idx.msk [tilespmem:v55+s14+$0x0], $0xffff  }
0x197: {  	v28 =	vor.u32 $0x14, v9;
	v41 =	vadd.f32 v10, v32;
	v10 =	vld.idx.msk [tilespmem:v31+s14+$0x0], $0xffff;
	v31 =	vor.u32 $0x6, v9  }
0x198: {  	[tilespmem:$0x1FFC0] =	vst v0;
	v0 =	vor.u32 $0x17, v9;
	v16 =	vld.idx.msk [tilespmem:v51+s14+$0x0], $0xffff;
	v14 =	vmul.f32 v11, v15;
	v11 =	vmul.f32 v42, v15;
	v36 =	vpop (erf)  }
0x199: {  	[tilespmem:$0x1FF10] =	vst v0;
	v0 =	vor.u32 $0x18, v9;
	v57 =	vld.idx.msk [tilespmem:v21+s14+$0x0], $0xffff;
	v17 =	vmul.f32 v19, v36;
	v19 =	vmul.f32 v36, v22  }
0x19a: {  	[tilespmem:$0x1FF20] =	vst v0;
	v20 =	vld.idx.msk [tilespmem:v20+s14+$0x0], $0xffff;
	v18 =	vmul.f32 v18, v36;
	v58 =	vmul.f32 v58, v36;
	v22 =	vor.u32 $0x1B, v9  }
0x19b: {  	v30 =	vld.idx.msk [tilespmem:v30+s14+$0x0], $0xffff;
	v3 =	vmul.f32 v3, v36;
	v0 =	vadd.f32 v17, v52;
	v52 =	vadd.f32 v19, v50  }
0x19c: {  	v1 =	vadd.f32 v18, v5;
	v51 =	vadd.f32 v58, v62;
	v18 =	vld.idx.msk [tilespmem:v31+s14+$0x0], $0xffff;
	v62 =	vor.u32 $0x1D, v9  }
0x19d: {  	v50 =	vor.u32 $0x1E, v9;
	v42 =	vadd.f32 v3, v4;
	v4 =	vld [tilespmem:$0x1FFC0];
	[tilespmem:$0x1FF30] =	vst v0;
	v0 =	vor.u32 $0x19, v9  }
0x19e: {  	[tilespmem:$0x1FF40] =	vst v0;
	v0 =	vor.u32 $0x1A, v9;
	v9 =	vmul.f32 v57, v36;
	v57 =	vadd.f32 v8, v32;
	v8 =	vld.idx.msk [tilespmem:v7+s14+$0x0], $0xffff  }
0x19f: {  	v31 =	vmul.f32 v13, v15;
	v7 =	vld [tilespmem:$0x1FF90]  }
0x1a0: {  	v6 =	vadd.f32 v6, v32;
	[tilespmem:$0x1FF60] =	vst v1;
	v1 =	vld.idx.msk [tilespmem:v49+s14+$0x0], $0xffff  }
0x1a1: {  	v58 =	vadd.f32 v31, v32;
	v31 =	vld.idx.msk [tilespmem:v2+s14+$0x0], $0xffff;
	[tilespmem:$0x1FF50] =	vst v0;
	v0 =	vmul.f32 v20, v36  }
0x1a2: {  	v2 =	vld [tilespmem:$0x1FF70];
	v18 =	vmul.f32 v18, v36  }
0x1a3: {  	v49 =	vadd.f32 v0, v6;
	v0 =	vld.idx.msk [tilespmem:v53+s14+$0x0], $0xffff  }
0x1a4: {  	v53 =	vadd.f32 v18, v7;
	v7 =	vld [tilespmem:$0x1FFA0];
	_ =	sdelay $0x1  }
0x1a5: {  	v43 =	vld.idx.msk [tilespmem:v43+s14+$0x0], $0xffff  }
0x1a6: {  	v13 =	vmul.f32 v23, v15;
	v23 =	vld.idx.msk [tilespmem:v56+s14+$0x0], $0xffff;
	v1 =	vmul.f32 v1, v36  }
0x1a7: {  	v56 =	vadd.f32 v9, v2;
	v2 =	vld [tilespmem:$0x1FF80]  }
0x1a8: {  	v30 =	vmul.f32 v30, v36;
	v5 =	vmul.f32 v59, v15;
	v59 =	vadd.f32 v1, v7;
	v1 =	vld [tilespmem:$0x1FFB0]  }
0x1a9: {  	v54 =	vadd.f32 v15, v32;
	v6 =	vmul.f32 v12, v15;
	v12 =	vmul.f32 v10, v15  }
0x1aa: {  	v10 =	vmul.f32 v43, v15;
	v43 =	vadd.f32 v14, v32;
	v3 =	vmul.f32 v31, v36;
	v31 =	vld.idx.msk [tilespmem:v63+s14+$0x0], $0xffff  }
0x1ab: {  	v9 =	vmul.f32 v16, v15;
	v63 =	vimm.f32 $0.0e+00;
	v14 =	vld.idx.msk [tilespmem:v4+s14+$0x0], $0xffff;
	v0 =	vmul.f32 v0, v36  }
0x1ac: {  	v16 =	vimm.f32 $0.0e+00;
	v15 =	vimm.f32 $0.0e+00;
	v55 =	vadd.f32 v30, v2;
	v30 =	vld.idx.msk [tilespmem:v60+s14+$0x0], $0xffff  }
0x1ad: {  	s15 =	simm.s32 $0x2;
	v18 =	vimm.f32 $0.0e+00;
	v60 =	vimm.f32 $0.0e+00;
	v7 =	vld.idx.msk [tilespmem:v48+s14+$0x0], $0xffff;
	v48 =	vadd.f32 v0, v1  }
0x1ae: {  	s19 =	simm.s32 $0x3;
	v2 =	vld.idx.msk [tilespmem:v47+s14+$0x0], $0xffff;
	v1 =	vmul.f32 v23, v36;
	v0 =	vadd.s32 s15, v35;
	v23 =	vimm.f32 $0.0e+00  }
.LBB2_5:
0x1af: {  	v4 =	vld [tilespmem:$0x1FF00];
	_ =	sdelay $0x4  }
0x1b0: {  	v4 =	vadd.f32 v1, v4  }
0x1b1: {  	v61 =	vadd.f32 v3, v61;
	v3 =	vld.idx.msk [tilespmem:v27+s14+$0x0], $0xffff;
	v2 =	vmul.f32 v2, v36  }
0x1b2: {  	v1 =	vmul.f32 v8, v36;
	[tilespmem:$0x1FF00] =	vst v4;
	v4 =	vld [tilespmem:$0x1FF10]  }
0x1b3: {  	v8 =	vld.idx.msk [tilespmem:v29+s14+$0x0], $0xffff;
	v44 =	vadd.f32 v2, v44;
	v2 =	vmul.f32 v30, v36  }
0x1b4: {  	v32 =	vadd.f32 v6, v32;
	v6 =	vld.idx.msk [tilespmem:v26+s14+$0x0], $0xffff;
	v46 =	vadd.f32 v1, v46;
	v1 =	vmul.f32 v7, v36  }
0x1b5: {  	v23 =	vadd.f32 v5, v23;
	v5 =	vld.idx.msk [tilespmem:v28+s14+$0x0], $0xffff;
	v17 =	vadd.f32 v2, v38;
	v2 =	vmul.f32 v14, v36  }
0x1b6: {  	v0 =	vld.idx.msk [tilespmem:v0+s21+$0x0], $0xffff;
	v18 =	vadd.f32 v9, v18;
	v24 =	vadd.f32 v1, v24;
	v1 =	vmul.f32 v31, v36  }
0x1b7: {  	[tilespmem:$0x1FED0] =	vst v42;
	v42 =	vld.idx.msk [tilespmem:v45+s14+$0x0], $0xffff;
	v33 =	vadd.f32 v2, v33;
	v2 =	vmul.f32 v3, v36  }
0x1b8: {  	v9 =	vmov s15;
	v3 =	vld [tilespmem:$0x1FF20];
	v39 =	vadd.f32 v1, v39;
	v1 =	vmul.f32 v8, v36  }
0x1b9: {  	v9 =	vshll.u32 v9, $0x5;
	v7 =	vld.idx.msk [tilespmem:v25+s14+$0x0], $0xffff;
	v40 =	vadd.f32 v2, v40;
	v2 =	vmul.f32 v6, v36  }
0x1ba: {  	v6 =	vadd.s32 v37, v9;
	v34 =	vadd.f32 v1, v34;
	v1 =	vmul.f32 v5, v36;
	v8 =	vld.idx.msk [tilespmem:v4+s14+$0x0], $0xffff  }
0x1bb: {  	v4 =	vld [tilespmem:$0x1FF40]  }
0x1bc: {  	v63 =	vadd.f32 v12, v63;
	[tilespmem:$0x1FEB0] =	vst v46;
	v46 =	vld.idx.msk [tilespmem:v62+s14+$0x0], $0xffff;
	v12 =	vor.u32 $0x1F, v6;
	v41 =	vadd.f32 v1, v41  }
0x1bd: {  	v9 =	vor.u32 $0x1, v6;
	v1 =	vld.idx.msk [tilespmem:v22+s14+$0x0], $0xffff  }
0x1be: {  	[tilespmem:$0x1FE90] =	vst v41;
	v41 =	vld.idx.msk [tilespmem:v50+s14+$0x0], $0xffff  }
0x1bf: {  	[tilespmem:$0x1FEC0] =	vst v33;
	v33 =	vld.idx.msk [tilespmem:v6+s14+$0x0], $0xffff  }
0x1c0: {  	v16 =	vadd.f32 v11, v16;
	v0 =	vmul.f32 $1.442695020e+00, v0;
	v11 =	vor.u32 $0x2, v6;
	v3 =	vld.idx.msk [tilespmem:v3+s14+$0x0], $0xffff  }
0x1c1: {  	v60 =	vadd.f32 v13, v60;
	v13 =	vor.u32 $0x3, v6;
	v12 =	vld.idx.msk [tilespmem:v12+s14+$0x0], $0xffff  }
0x1c2: {  	(erf) = vpow2.f32 v0;
	v19 =	vor.u32 $0x4, v6;
	v9 =	vld.idx.msk [tilespmem:v9+s14+$0x0], $0xffff  }
0x1c3: {  	v15 =	vadd.f32 v10, v15;
	[tilespmem:$0x1FE80] =	vst v32;
	v30 =	vor.u32 $0x5, v6;
	v5 =	vld.idx.msk [tilespmem:v4+s14+$0x0], $0xffff  }
0x1c4: {  	[tilespmem:$0x1FEA0] =	vst v24;
	v31 =	vor.u32 $0x6, v6;
	v24 =	vor.u32 $0x8, v6;
	v21 =	vor.u32 $0x17, v6;
	v4 =	vld [tilespmem:$0x1FF50]  }
0x1c5: {  	v32 =	vor.u32 $0x9, v6;
	v0 =	vor.u32 $0xA, v6;
	v35 =	vor.u32 $0xC, v6;
	[tilespmem:$0x1FF10] =	vst v21;
	v11 =	vld.idx.msk [tilespmem:v11+s14+$0x0], $0xffff  }
0x1c6: {  	v37 =	vor.u32 $0xD, v6;
	v21 =	vor.u32 $0x18, v6;
	[tilespmem:$0x1FEE0] =	vst v34;
	v34 =	vor.u32 $0xB, v6;
	v13 =	vld.idx.msk [tilespmem:v13+s14+$0x0], $0xffff  }
0x1c7: {  	v14 =	vmovc v48;
	v48 =	vmovc v43;
	v38 =	vor.u32 $0xE, v6;
	v43 =	vor.u32 $0xF, v6;
	[tilespmem:$0x1FF20] =	vst v21;
	v21 =	vor.u32 $0x19, v6;
	v19 =	vld.idx.msk [tilespmem:v19+s14+$0x0], $0xffff  }
0x1c8: {  	v20 =	vor.u32 $0x10, v6;
	v47 =	vor.u32 $0x11, v6;
	[tilespmem:$0x1FF40] =	vst v21;
	v21 =	vor.u32 $0x1A, v6;
	v30 =	vld.idx.msk [tilespmem:v30+s14+$0x0], $0xffff  }
0x1c9: {  	v29 =	vor.u32 $0x12, v6;
	v27 =	vor.u32 $0x13, v6;
	v28 =	vor.u32 $0x14, v6;
	v31 =	vld.idx.msk [tilespmem:v31+s14+$0x0], $0xffff  }
0x1ca: {  	v26 =	vor.u32 $0x15, v6;
	v25 =	vor.u32 $0x16, v6;
	v45 =	vor.u32 $0x1C, v6;
	v32 =	vld.idx.msk [tilespmem:v32+s14+$0x0], $0xffff  }
0x1cb: {  	v62 =	vor.u32 $0x1D, v6;
	v22 =	vor.u32 $0x1B, v6;
	v50 =	vor.u32 $0x1E, v6;
	v34 =	vld.idx.msk [tilespmem:v34+s14+$0x0], $0xffff;
	[tilespmem:$0x1FF50] =	vst v21;
	v21 =	vpop (erf)  }
0x1cc: {  	v10 =	vld.idx.msk [tilespmem:v4+s14+$0x0], $0xffff;
	v4 =	vor.u32 $0x7, v6;
	v6 =	vmul.f32 v7, v36;
	v7 =	vmul.f32 v21, v33  }
0x1cd: {  	v57 =	vadd.f32 v2, v57;
	v2 =	vmul.f32 v9, v21;
	v9 =	vld.idx.msk [tilespmem:v24+s14+$0x0], $0xffff  }
0x1ce: {  	v52 =	vadd.f32 v7, v52;
	v7 =	vld [tilespmem:$0x1FF60]  }
0x1cf: {  	v24 =	vld [tilespmem:$0x1FEA0];
	v33 =	vmul.f32 v8, v36;
	v8 =	vmul.f32 v11, v21  }
0x1d0: {  	v58 =	vadd.f32 v6, v58;
	v6 =	vld [tilespmem:$0x1FF30]  }
0x1d1: {  	v51 =	vadd.f32 v8, v51;
	v8 =	vld.idx.msk [tilespmem:v35+s14+$0x0], $0xffff  }
0x1d2: {  	v4 =	vld.idx.msk [tilespmem:v4+s14+$0x0], $0xffff  }
0x1d3: {  	v12 =	vmul.f32 v12, v21;
	v7 =	vadd.f32 v2, v7;
	v2 =	vmul.f32 v19, v21;
	v19 =	vld.idx.msk [tilespmem:v0+s14+$0x0], $0xffff  }
0x1d4: {  	v0 =	vmul.f32 v9, v21;
	v9 =	vmul.f32 v41, v36;
	v41 =	vld [tilespmem:$0x1FE90]  }
0x1d5: {  	v6 =	vadd.f32 v12, v6;
	v12 =	vmul.f32 v1, v36;
	v1 =	vmul.f32 v31, v21;
	v31 =	vld.idx.msk [tilespmem:v20+s14+$0x0], $0xffff  }
0x1d6: {  	v56 =	vadd.f32 v2, v56;
	v2 =	vld.idx.msk [tilespmem:v37+s14+$0x0], $0xffff  }
0x1d7: {  	[tilespmem:$0x1FF30] =	vst v6;
	v6 =	vmul.f32 v3, v36;
	v3 =	vmul.f32 v13, v21;
	v37 =	vld [tilespmem:$0x1FFE0]  }
0x1d8: {  	v13 =	vmul.f32 v10, v36;
	v10 =	vmul.f32 v46, v36;
	v46 =	vld [tilespmem:$0x1FEB0]  }
0x1d9: {  	[tilespmem:$0x1FF60] =	vst v7;
	v7 =	vmul.f32 v30, v21;
	v30 =	vld.idx.msk [tilespmem:v43+s14+$0x0], $0xffff  }
0x1da: {  	v54 =	vadd.f32 v36, v54;
	v5 =	vmul.f32 v5, v36;
	v11 =	vmul.f32 v42, v36;
	v36 =	vld [tilespmem:$0x1FED0]  }
0x1db: {  	p0 =	sne.s32 s19, $0xC7;
	v35 =	vmov v48;
	v48 =	vadd.f32 v0, v14;
	v0 =	vld [tilespmem:$0x1FFF0]  }
.Ltmp1:
0x1dc: {  	v43 =	vadd.f32 v33, v35;
	v33 =	vld [tilespmem:$0x1FEC0];
	v49 =	vadd.f32 v3, v49;
	v3 =	vmul.f32 v4, v21;
	(pc) =	sbr.rel @p0 .LBB2_5-.Ltmp1, $4  }
0x1dd: {  	v14 =	vld.idx.msk [tilespmem:v47+s14+$0x0], $0xffff  }
0x1de: {  	v55 =	vadd.f32 v7, v55;
	v7 =	vld.idx.msk [tilespmem:v38+s14+$0x0], $0xffff;
	v59 =	vadd.f32 v3, v59;
	v3 =	vmul.f32 v32, v21  }
0x1df: {  	s15 =	smov.u32 s19;
	v53 =	vadd.f32 v1, v53;
	v1 =	vmul.f32 v19, v21;
	v32 =	vld [tilespmem:$0x1FE80]  }
0x1e0: {  	s19 =	sadd.s32 $0x1, s19;
	v38 =	vmovc v17;
	v0 =	vadd.s32 s15, v0;
	v42 =	vadd.f32 v3, v36;
	v3 =	vmul.f32 v34, v21;
	v34 =	vld [tilespmem:$0x1FEE0];
	v36 =	vmovc v21  }
0x1e1: {  	_ =	sdelay $0x3  }
0x1e2: {  	v0 =	vld.idx.msk [tilespmem:v0+s21+$0x0], $0xffff  }
0x1e3: {  	v19 =	vld.idx.msk [tilespmem:v28+s14+$0x0], $0xffff  }
0x1e4: {  	v28 =	vld [tilespmem:$0x1FF20]  }
0x1e5: {  	v17 =	vld [tilespmem:$0x1FF00];
	_ =	sdelay $0x2  }
0x1e6: {  	v0 =	vmul.f32 $1.442695020e+00, v0;
	_ =	sdelay $0x1  }
0x1e7: {  	v4 =	vld.idx.msk [tilespmem:v27+s14+$0x0], $0xffff;
	v27 =	vadd.f32 v1, v17;
	v17 =	vmul.f32 v8, v36;
	(erf) = vpow2.f32 v0  }
0x1e8: {  	v23 =	vadd.f32 v5, v23;
	v7 =	vmul.f32 v7, v36  }
0x1e9: {  	v5 =	vadd.f32 v17, v46;
	v46 =	vadd.f32 v13, v60;
	v13 =	vld.idx.msk [tilespmem:v28+s14+$0x0], $0xffff  }
0x1ea: {  	v28 =	vadd.f32 v7, v24;
	v7 =	vld [tilespmem:$0x1FF50];
	_ =	sdelay $0x1  }
0x1eb: {  	v20 =	vld.idx.msk [tilespmem:v26+s14+$0x0], $0xffff  }
0x1ec: {  	v26 =	vld [tilespmem:$0x1FF10]  }
0x1ed: {  	v30 =	vmul.f32 v30, v36;
	v47 =	vld [tilespmem:$0x1FEF0]  }
0x1ee: {  	v21 =	vmov s15;
	v16 =	vadd.f32 v11, v16;
	v11 =	vld.idx.msk [tilespmem:v45+s14+$0x0], $0xffff;
	v8 =	vadd.f32 v36, v54  }
0x1ef: {  	v21 =	vshll.u32 v21, $0x5;
	v45 =	vadd.f32 v30, v38;
	v30 =	vld.idx.msk [tilespmem:v62+s14+$0x0], $0xffff;
	v60 =	vpop (erf)  }
0x1f0: {  	v0 =	vld.idx.msk [tilespmem:v29+s14+$0x0], $0xffff;
	v17 =	vadd.s32 v37, v21;
	v8 =	vadd.f32 v60, v8  }
0x1f1: {  	v63 =	vadd.f32 v12, v63;
	v12 =	vld.idx.msk [tilespmem:v7+s14+$0x0], $0xffff;
	v7 =	vor.u32 $0x1, v17  }
0x1f2: {  	v29 =	vld [tilespmem:$0x1FF40];
	v54 =	vor.u32 $0x2, v17;
	v8 =	vmul.f32 v8, v47  }
0x1f3: {  	v32 =	vadd.f32 v6, v32;
	v6 =	vadd.f32 v3, v61;
	v3 =	vld.idx.msk [tilespmem:v25+s14+$0x0], $0xffff  }
0x1f4: {  	v4 =	vmul.f32 v4, v36;
	v1 =	vld.idx.msk [tilespmem:v26+s14+$0x0], $0xffff;
	v38 =	vor.u32 $0x4, v17;
	(erf) = vrcp.f32 v8  }
0x1f5: {  	v47 =	vld.idx.msk [tilespmem:v17+s14+$0x0], $0xffff  }
0x1f6: {  	v26 =	vadd.f32 v4, v40;
	v40 =	vimm.s32 $0x10;
	v7 =	vld.idx.msk [tilespmem:v7+s14+$0x0], $0xffff  }
0x1f7: {  	v2 =	vmul.f32 v2, v36;
	v62 =	vadd.f32 v9, v18;
	v18 =	vld.idx.msk [tilespmem:v54+s14+$0x0], $0xffff  }
0x1f8: {  	v35 =	vmul.f32 v31, v36;
	v24 =	vld.idx.msk [tilespmem:v22+s14+$0x0], $0xffff;
	v37 =	vor.u32 $0x3, v17;
	v4 =	vmul.f32 v20, v36  }
0x1f9: {  	v15 =	vadd.f32 v10, v15;
	v44 =	vadd.f32 v2, v44;
	v3 =	vmul.f32 v3, v36;
	v38 =	vld.idx.msk [tilespmem:v38+s14+$0x0], $0xffff  }
0x1fa: {  	s0 =	simm.s32 $0x1B600;
	v10 =	vor.u32 $0x5, v17;
	v22 =	vadd.f32 v4, v57;
	v2 =	vld.idx.msk [tilespmem:v29+s14+$0x0], $0xffff;
	v47 =	vmul.f32 v60, v47  }
0x1fb: {  	v20 =	vadd.f32 v3, v58;
	v29 =	vadd.f32 v35, v39;
	v4 =	vmul.f32 v7, v60;
	v7 =	vld.idx.msk [tilespmem:v40+s0+$0x0], $0xffff  }
0x1fc: {  	v39 =	vor.u32 $0x7, v17;
	v3 =	vmul.f32 v18, v60;
	v21 =	vadd.f32 v47, v52  }
0x1fd: {  	v0 =	vmul.f32 v0, v36;
	v37 =	vld.idx.msk [tilespmem:v37+s14+$0x0], $0xffff;
	v35 =	vmul.f32 v19, v36;
	v18 =	vpop (erf)  }
0x1fe: {  	v3 =	vadd.f32 v3, v51;
	v51 =	vimm.s32 $0x11;
	v31 =	vmul.f32 v18, v21  }
0x1ff: {  	v25 =	vadd.f32 v35, v41;
	v41 =	vld [tilespmem:$0x1FF60];
	v8 =	vmul.f32 v14, v36;
	v14 =	vor.u32 $0x6, v17  }
0x200: {  	v10 =	vld.idx.msk [tilespmem:v10+s14+$0x0], $0xffff;
	v9 =	vmul.f32 v38, v60;
	v52 =	vmul.f32 v7, v31;
	v7 =	vimm.s32 $0x12  }
0x201: {  	s2 =	simm.s32 $0x1B750;
	v19 =	vld.idx.msk [tilespmem:v39+s14+$0x0], $0xffff;
	v54 =	vadd.f32 v8, v33;
	v8 =	vadd.f32 v0, v34  }
0x202: {  	v0 =	vmul.f32 v37, v60;
	v37 =	vadd.f32 v9, v56;
	v56 =	vimm.s32 $0x13;
	v47 =	vld.idx.msk [tilespmem:v40+s2+$0x0], $0xffff  }
0x203: {  	v21 =	vld.idx.msk [tilespmem:v51+s0+$0x0], $0xffff  }
0x204: {  	v61 =	vor.u32 $0x8, v17;
	v14 =	vld.idx.msk [tilespmem:v14+s14+$0x0], $0xffff;
	v4 =	vadd.f32 v4, v41  }
0x205: {  	v10 =	vmul.f32 v10, v60;
	v39 =	vor.u32 $0xA, v17;
	v38 =	vld.idx.msk [tilespmem:v7+s0+$0x0], $0xffff  }
0x206: {  	v58 =	vld.idx.msk [tilespmem:v50+s14+$0x0], $0xffff;
	v50 =	vor.u32 $0xB, v17;
	v35 =	vor.u32 $0x9, v17;
	v7 =	vmul.f32 v18, v4  }
0x207: {  	v10 =	vadd.f32 v10, v55;
	v0 =	vadd.f32 v0, v49;
	v57 =	vld.idx.msk [tilespmem:v56+s0+$0x0], $0xffff;
	v33 =	vmul.f32 v3, v18  }
0x208: {  	v55 =	vadd.f32 v52, v47;
	v52 =	vimm.s32 $0x14;
	v3 =	vmul.f32 v21, v7  }
0x209: {  	v1 =	vmul.f32 v1, v36;
	v40 =	vld.idx.msk [tilespmem:v61+s14+$0x0], $0xffff;
	v56 =	vimm.s32 $0x15;
	v4 =	vmul.f32 v14, v60  }
0x20a: {  	v39 =	vld.idx.msk [tilespmem:v39+s14+$0x0], $0xffff;
	v34 =	vmul.f32 v0, v18;
	v47 =	vadd.f32 v3, v55;
	v3 =	vmul.f32 v38, v33  }
0x20b: {  	v13 =	vmul.f32 v13, v36;
	v1 =	vadd.f32 v1, v43;
	v4 =	vadd.f32 v4, v53  }
0x20c: {  	v61 =	vld.idx.msk [tilespmem:v35+s14+$0x0], $0xffff;
	v53 =	vor.u32 $0xC, v17;
	v0 =	vadd.f32 v3, v47;
	v3 =	vmul.f32 v57, v34  }
0x20d: {  	v2 =	vmul.f32 v2, v36;
	v12 =	vmul.f32 v12, v36;
	v14 =	vld.idx.msk [tilespmem:v52+s0+$0x0], $0xffff;
	v52 =	vimm.s32 $0x18  }
0x20e: {  	v40 =	vmul.f32 v40, v60;
	v0 =	vadd.f32 v3, v0;
	v3 =	vimm.s32 $0x16  }
0x20f: {  	v13 =	vadd.f32 v13, v32;
	v9 =	vmul.f32 v24, v36;
	v39 =	vmul.f32 v39, v60;
	v57 =	vld.idx.msk [tilespmem:v56+s0+$0x0], $0xffff  }
0x210: {  	v21 =	vmul.f32 v30, v36;
	v30 =	vadd.f32 v40, v48;
	v48 =	vimm.s32 $0x17;
	v47 =	vld.idx.msk [tilespmem:v50+s14+$0x0], $0xffff  }
0x211: {  	v2 =	vadd.f32 v2, v23;
	v24 =	vmul.f32 v11, v36;
	v35 =	vmul.f32 v37, v18;
	v50 =	vld.idx.msk [tilespmem:v53+s14+$0x0], $0xffff  }
0x212: {  	v61 =	vmul.f32 v61, v60;
	v27 =	vadd.f32 v39, v27;
	v55 =	vmul.f32 v19, v60;
	v53 =	vld.idx.msk [tilespmem:v52+s0+$0x0], $0xffff  }
0x213: {  	v19 =	vmul.f32 v58, v36;
	v58 =	vor.u32 $0xD, v17;
	v56 =	vimm.s32 $0x19;
	v3 =	vld.idx.msk [tilespmem:v3+s0+$0x0], $0xffff  }
0x214: {  	v36 =	vmul.f32 v10, v18;
	v11 =	vadd.f32 v55, v59;
	v59 =	vmul.f32 v14, v35  }
0x215: {  	v37 =	vmul.f32 v4, v18;
	v39 =	vmul.f32 v30, v18;
	v49 =	vld.idx.msk [tilespmem:v48+s0+$0x0], $0xffff;
	v48 =	vor.u32 $0x11, v17  }
0x216: {  	v14 =	vadd.f32 v61, v42;
	v0 =	vadd.f32 v59, v0;
	v4 =	vmul.f32 v57, v36  }
0x217: {  	v38 =	vmul.f32 v11, v18;
	v59 =	vimm.s32 $0x1A;
	v61 =	vmul.f32 v53, v39  }
0x218: {  	v32 =	vld.idx.msk [tilespmem:v56+s0+$0x0], $0xffff;
	v53 =	vimm.s32 $0x1C;
	v0 =	vadd.f32 v4, v0;
	v3 =	vmul.f32 v3, v37  }
0x219: {  	v55 =	vmul.f32 v47, v60;
	v57 =	vld.idx.msk [tilespmem:v58+s14+$0x0], $0xffff;
	v58 =	vor.u32 $0x10, v17;
	v10 =	vmul.f32 v50, v60  }
0x21a: {  	v23 =	vld.idx.msk [tilespmem:v48+s14+$0x0], $0xffff;
	v0 =	vadd.f32 v3, v0;
	v3 =	vmul.f32 v49, v38;
	v49 =	vimm.s32 $0x1B  }
0x21b: {  	v12 =	vadd.f32 v12, v46;
	v4 =	vor.u32 $0xF, v17;
	v6 =	vadd.f32 v55, v6  }
0x21c: {  	v51 =	vor.u32 $0xE, v17;
	v40 =	vmul.f32 v14, v18;
	v5 =	vadd.f32 v10, v5;
	v11 =	vld.idx.msk [tilespmem:v59+s0+$0x0], $0xffff  }
0x21d: {  	v41 =	vmul.f32 v27, v18;
	v56 =	vor.u32 $0x13, v17;
	v42 =	vmul.f32 v6, v18;
	v55 =	vld.idx.msk [tilespmem:v53+s0+$0x0], $0xffff  }
0x21e: {  	v43 =	vmul.f32 v5, v18;
	v50 =	vmul.f32 v32, v40;
	v30 =	vld.idx.msk [tilespmem:v58+s14+$0x0], $0xffff;
	v0 =	vadd.f32 v3, v0  }
0x21f: {  	v59 =	vimm.s32 $0x1E;
	v52 =	vmul.f32 v57, v60;
	v23 =	vmul.f32 v23, v60;
	v10 =	vld.idx.msk [tilespmem:v49+s0+$0x0], $0xffff  }
0x220: {  	v58 =	vimm.s32 $0x1D;
	v53 =	vor.u32 $0x18, v17;
	v4 =	vld.idx.msk [tilespmem:v4+s14+$0x0], $0xffff;
	v0 =	vadd.f32 v61, v0  }
0x221: {  	v57 =	vadd.f32 v52, v44;
	v23 =	vadd.f32 v23, v54;
	v3 =	vld.idx.msk [tilespmem:v51+s14+$0x0], $0xffff;
	v51 =	vor.u32 $0x12, v17  }
0x222: {  	v52 =	vimm.s32 $0x21;
	v6 =	vmul.f32 v11, v41;
	v0 =	vadd.f32 v50, v0  }
0x223: {  	v54 =	vimm.s32 $0x22;
	v44 =	vmul.f32 v57, v18;
	v61 =	vor.u32 $0x15, v17  }
0x224: {  	v11 =	vld.idx.msk [tilespmem:v56+s14+$0x0], $0xffff;
	v49 =	vimm.s32 $0x1F;
	v0 =	vadd.f32 v6, v0;
	v5 =	vmul.f32 v10, v42  }
0x225: {  	v56 =	vimm.s32 $0x23;
	v32 =	vld.idx.msk [tilespmem:v58+s0+$0x0], $0xffff;
	v4 =	vmul.f32 v4, v60;
	v50 =	vimm.s32 $0x20  }
0x226: {  	v3 =	vmul.f32 v3, v60;
	v27 =	vld.idx.msk [tilespmem:v51+s14+$0x0], $0xffff;
	v0 =	vadd.f32 v5, v0;
	v5 =	vmul.f32 v55, v43  }
0x227: {  	v48 =	vmul.f32 v30, v60;
	v4 =	vadd.f32 v4, v45;
	v6 =	vor.u32 $0x14, v17;
	v10 =	vld.idx.msk [tilespmem:v59+s0+$0x0], $0xffff  }
0x228: {  	v3 =	vadd.f32 v3, v28;
	v14 =	vld.idx.msk [tilespmem:v61+s14+$0x0], $0xffff;
	v0 =	vadd.f32 v5, v0;
	v5 =	vor.u32 $0x16, v17  }
0x229: {  	v11 =	vmul.f32 v11, v60;
	v46 =	vmul.f32 v4, v18;
	v4 =	vor.u32 $0x17, v17;
	v30 =	vld.idx.msk [tilespmem:v49+s0+$0x0], $0xffff  }
0x22a: {  	v28 =	vadd.f32 v48, v29;
	v45 =	vmul.f32 v3, v18;
	v3 =	vmul.f32 v32, v44;
	v29 =	vld.idx.msk [tilespmem:v50+s0+$0x0], $0xffff  }
0x22b: {  	v57 =	vimm.s32 $0x24;
	v11 =	vadd.f32 v11, v26;
	v51 =	vmul.f32 v27, v60;
	v27 =	vld.idx.msk [tilespmem:v52+s0+$0x0], $0xffff  }
0x22c: {  	v48 =	vmul.f32 v23, v18;
	v6 =	vld.idx.msk [tilespmem:v6+s14+$0x0], $0xffff;
	v0 =	vadd.f32 v3, v0;
	v3 =	vmul.f32 v10, v45  }
0x22d: {  	v59 =	vor.u32 $0x1B, v17;
	v47 =	vmul.f32 v28, v18;
	v50 =	vmul.f32 v11, v18;
	v5 =	vld.idx.msk [tilespmem:v5+s14+$0x0], $0xffff  }
0x22e: {  	v28 =	vimm.s32 $0x25;
	v4 =	vld.idx.msk [tilespmem:v4+s14+$0x0], $0xffff;
	v0 =	vadd.f32 v3, v0;
	v3 =	vmul.f32 v30, v46  }
0x22f: {  	v55 =	vor.u32 $0x19, v17;
	v8 =	vadd.f32 v51, v8;
	v10 =	vld.idx.msk [tilespmem:v54+s0+$0x0], $0xffff;
	v30 =	vimm.s32 $0x26  }
0x230: {  	v14 =	vmul.f32 v14, v60;
	v0 =	vadd.f32 v3, v0;
	v3 =	vmul.f32 v29, v47  }
0x231: {  	v26 =	vld.idx.msk [tilespmem:v56+s0+$0x0], $0xffff;
	v49 =	vmul.f32 v8, v18;
	v8 =	vor.u32 $0x1A, v17;
	v6 =	vmul.f32 v6, v60  }
0x232: {  	v58 =	vld.idx.msk [tilespmem:v53+s14+$0x0], $0xffff;
	v0 =	vadd.f32 v3, v0;
	v3 =	vmul.f32 v27, v48;
	v5 =	vmul.f32 v5, v60  }
0x233: {  	v61 =	vadd.f32 v14, v22;
	v4 =	vmul.f32 v4, v60;
	v6 =	vadd.f32 v6, v25;
	v25 =	vld.idx.msk [tilespmem:v57+s0+$0x0], $0xffff  }
0x234: {  	v0 =	vadd.f32 v3, v0;
	v3 =	vmul.f32 v10, v49;
	v5 =	vadd.f32 v5, v20;
	v20 =	vld.idx.msk [tilespmem:v30+s0+$0x0], $0xffff  }
0x235: {  	v14 =	vld.idx.msk [tilespmem:v28+s0+$0x0], $0xffff;
	v1 =	vadd.f32 v4, v1;
	v4 =	vimm.s32 $0x27  }
0x236: {  	v52 =	vmul.f32 v61, v18;
	v29 =	vld.idx.msk [tilespmem:v55+s14+$0x0], $0xffff;
	v0 =	vadd.f32 v3, v0;
	v3 =	vmul.f32 v26, v50  }
0x237: {  	v51 =	vmul.f32 v6, v18;
	v10 =	vld.idx.msk [tilespmem:v59+s14+$0x0], $0xffff;
	v59 =	vimm.s32 $0x28;
	v53 =	vmul.f32 v5, v18  }
0x238: {  	v57 =	vmul.f32 v58, v60;
	v6 =	vor.u32 $0x1C, v17;
	v0 =	vadd.f32 v3, v0  }
0x239: {  	v8 =	vld.idx.msk [tilespmem:v8+s14+$0x0], $0xffff;
	v3 =	vmul.f32 v25, v51;
	v61 =	vmul.f32 v20, v53;
	v20 =	vimm.s32 $0x29  }
0x23a: {  	v9 =	vadd.f32 v9, v63;
	v32 =	vor.u32 $0x1D, v17;
	v13 =	vadd.f32 v57, v13;
	v4 =	vld.idx.msk [tilespmem:v4+s0+$0x0], $0xffff  }
0x23b: {  	v25 =	vimm.s32 $0x2A;
	v0 =	vadd.f32 v3, v0;
	v3 =	vmul.f32 v14, v52  }
0x23c: {  	v54 =	vmul.f32 v1, v18;
	v27 =	vimm.s32 $0x2B;
	v58 =	vmul.f32 v29, v60;
	v22 =	vld.idx.msk [tilespmem:v59+s0+$0x0], $0xffff  }
0x23d: {  	v55 =	vmul.f32 v13, v18;
	v5 =	vor.u32 $0x1E, v17;
	v0 =	vadd.f32 v3, v0;
	v3 =	vld.idx.msk [tilespmem:v6+s14+$0x0], $0xffff  }
0x23e: {  	v8 =	vmul.f32 v8, v60;
	v2 =	vadd.f32 v58, v2;
	v6 =	vor.u32 $0x1F, v17;
	v14 =	vld.idx.msk [tilespmem:v20+s0+$0x0], $0xffff  }
0x23f: {  	v23 =	vld.idx.msk [tilespmem:v32+s14+$0x0], $0xffff;
	v4 =	vmul.f32 v4, v54;
	v10 =	vmul.f32 v10, v60;
	v0 =	vadd.f32 v61, v0  }
0x240: {  	v8 =	vadd.f32 v8, v12;
	v56 =	vmul.f32 v2, v18;
	v11 =	vld.idx.msk [tilespmem:v25+s0+$0x0], $0xffff  }
0x241: {  	v9 =	vadd.f32 v10, v9;
	v10 =	vld.idx.msk [tilespmem:v27+s0+$0x0], $0xffff;
	v26 =	vmul.f32 v22, v55;
	v0 =	vadd.f32 v4, v0  }
0x242: {  	v57 =	vmul.f32 v8, v18;
	v4 =	vld.idx.msk [tilespmem:v5+s14+$0x0], $0xffff;
	v5 =	vadd.f32 v24, v16  }
0x243: {  	v3 =	vmul.f32 v3, v60;
	v28 =	vld.idx.msk [tilespmem:v6+s14+$0x0], $0xffff;
	v0 =	vadd.f32 v26, v0;
	v6 =	vmul.f32 v14, v56  }
0x244: {  	v58 =	vmul.f32 v9, v18  }
0x245: {  	v3 =	vadd.f32 v3, v5;
	v0 =	vadd.f32 v6, v0;
	v6 =	vmul.f32 v11, v57;
	_ =	sdelay $0x1  }
0x246: {  	v59 =	vmul.f32 v3, v18;
	v3 =	vmul.f32 v10, v58;
	v0 =	vadd.f32 v6, v0  }
0x247: {  	v1 =	vmul.f32 v23, v60;
	v8 =	vadd.f32 v21, v15;
	v5 =	vimm.s32 $0x2C  }
0x248: {  	v0 =	vadd.f32 v3, v0;
	v3 =	vld [tilespmem:$0x1FF30]  }
0x249: {  	v1 =	vadd.f32 v1, v8;
	v8 =	vimm.s32 $0x2D  }
0x24a: {  	v6 =	vimm.s32 $0x2E  }
0x24b: {  	v2 =	vmul.f32 v28, v60  }
0x24c: {  	v5 =	vld.idx.msk [tilespmem:v5+s0+$0x0], $0xffff  }
0x24d: {  	v2 =	vadd.f32 v2, v3;
	v3 =	vimm.s32 $0x2F  }
0x24e: {  	v29 =	vadd.f32 v19, v62;
	v8 =	vld.idx.msk [tilespmem:v8+s0+$0x0], $0xffff;
	v4 =	vmul.f32 v4, v60  }
0x24f: {  	v6 =	vld.idx.msk [tilespmem:v6+s0+$0x0], $0xffff  }
0x250: {  	v4 =	vadd.f32 v4, v29  }
0x251: {  	v60 =	vmul.f32 v1, v18;
	v30 =	vmul.f32 v5, v59  }
0x252: {  	v61 =	vmul.f32 v4, v18;
	v3 =	vld.idx.msk [tilespmem:v3+s0+$0x0], $0xffff  }
0x253: {  	v32 =	vmul.f32 v8, v60;
	v0 =	vadd.f32 v30, v0  }
0x254: {  	v9 =	vmul.f32 v6, v61;
	v6 =	vlaneseq.u32  }
0x255: {  	v0 =	vadd.f32 v32, v0;
	v62 =	vmul.f32 v2, v18;
	v63 =	vmul.u32 $0x10, v6;
	_ =	sdelay $0x1  }
0x256: {  	v0 =	vadd.f32 v9, v0;
	v10 =	vmul.f32 v3, v62;
	v3 =	vimm.s32 $0x32;
	_ =	sdelay $0x1  }
0x257: {  	v4 =	vimm.s32 $0x33;
	v0 =	vadd.f32 v10, v0  }
0x258: {  	s3 =	simm.s32 $0x1B770  }
0x259: {  	[tilespmem:v63+s3+$0x0] =	vst.idx.msk $0xffff, v0  }
0x25a: {  	v3 =	vld.idx.msk [tilespmem:v3+s0+$0x0], $0xffff;
	_ =	sdelay $0x1  }
0x25b: {  	v4 =	vld.idx.msk [tilespmem:v4+s0+$0x0], $0xffff;
	_ =	sdelay $0x2  }
0x25c: {  	v16 =	vmul.f32 v3, v33;
	v3 =	vimm.s32 $0x35;
	_ =	sdelay $0x1  }
0x25d: {  	v17 =	vmul.f32 v4, v34;
	v4 =	vimm.s32 $0x36;
	_ =	sdelay $0x2  }
0x25e: {  	v3 =	vld.idx.msk [tilespmem:v3+s0+$0x0], $0xffff;
	_ =	sdelay $0x1  }
0x25f: {  	v4 =	vld.idx.msk [tilespmem:v4+s0+$0x0], $0xffff;
	_ =	sdelay $0x2  }
0x260: {  	v20 =	vmul.f32 v3, v36;
	v3 =	vimm.s32 $0x38;
	_ =	sdelay $0x1  }
0x261: {  	v21 =	vmul.f32 v4, v37;
	v4 =	vimm.s32 $0x39;
	_ =	sdelay $0x2  }
0x262: {  	v3 =	vld.idx.msk [tilespmem:v3+s0+$0x0], $0xffff;
	_ =	sdelay $0x1  }
0x263: {  	v4 =	vld.idx.msk [tilespmem:v4+s0+$0x0], $0xffff;
	_ =	sdelay $0x2  }
0x264: {  	v24 =	vmul.f32 v3, v39;
	v3 =	vimm.s32 $0x3B  }
0x265: {  	v11 =	vimm.s32 $0x30  }
0x266: {  	v25 =	vmul.f32 v4, v40;
	v4 =	vimm.s32 $0x3C  }
0x267: {  	v12 =	vimm.s32 $0x11  }
0x268: {  	v13 =	vimm.s32 $0x31  }
0x269: {  	v3 =	vld.idx.msk [tilespmem:v3+s0+$0x0], $0xffff  }
0x26a: {  	v0 =	vld.idx.msk [tilespmem:v11+s0+$0x0], $0xffff  }
0x26b: {  	v4 =	vld.idx.msk [tilespmem:v4+s0+$0x0], $0xffff  }
0x26c: {  	v1 =	vld.idx.msk [tilespmem:v12+s2+$0x0], $0xffff  }
0x26d: {  	v15 =	vimm.s32 $0x34;
	v2 =	vld.idx.msk [tilespmem:v13+s0+$0x0], $0xffff  }
0x26e: {  	v28 =	vmul.f32 v3, v42;
	v3 =	vimm.s32 $0x3E;
	_ =	sdelay $0x1  }
0x26f: {  	v0 =	vmul.f32 v0, v31;
	v29 =	vmul.f32 v4, v43;
	v4 =	vimm.s32 $0x3F;
	_ =	sdelay $0x1  }
0x270: {  	v14 =	vmul.f32 v2, v7;
	v2 =	vld.idx.msk [tilespmem:v15+s0+$0x0], $0xffff;
	v0 =	vadd.f32 v0, v1  }
0x271: {  	v3 =	vld.idx.msk [tilespmem:v3+s0+$0x0], $0xffff  }
0x272: {  	v19 =	vimm.s32 $0x37;
	v0 =	vadd.f32 v14, v0  }
0x273: {  	v4 =	vld.idx.msk [tilespmem:v4+s0+$0x0], $0xffff  }
0x274: {  	v0 =	vadd.f32 v16, v0  }
0x275: {  	v18 =	vmul.f32 v2, v35  }
0x276: {  	v0 =	vadd.f32 v17, v0;
	v9 =	vmul.f32 v3, v45;
	v3 =	vimm.s32 $0x41  }
0x277: {  	v23 =	vimm.s32 $0x3A;
	v2 =	vld.idx.msk [tilespmem:v19+s0+$0x0], $0xffff  }
0x278: {  	v0 =	vadd.f32 v18, v0;
	v10 =	vmul.f32 v4, v46;
	v4 =	vimm.s32 $0x42;
	_ =	sdelay $0x1  }
0x279: {  	v0 =	vadd.f32 v20, v0  }
0x27a: {  	v3 =	vld.idx.msk [tilespmem:v3+s0+$0x0], $0xffff  }
0x27b: {  	v22 =	vmul.f32 v2, v38;
	v2 =	vld.idx.msk [tilespmem:v23+s0+$0x0], $0xffff;
	v0 =	vadd.f32 v21, v0  }
0x27c: {  	v4 =	vld.idx.msk [tilespmem:v4+s0+$0x0], $0xffff  }
0x27d: {  	v27 =	vimm.s32 $0x3D;
	v0 =	vadd.f32 v22, v0;
	_ =	sdelay $0x1  }
0x27e: {  	v0 =	vadd.f32 v24, v0;
	v13 =	vmul.f32 v3, v48;
	v3 =	vimm.s32 $0x44  }
0x27f: {  	v26 =	vmul.f32 v2, v41  }
0x280: {  	v0 =	vadd.f32 v25, v0;
	v14 =	vmul.f32 v4, v49;
	v4 =	vimm.s32 $0x45  }
0x281: {  	v2 =	vld.idx.msk [tilespmem:v27+s0+$0x0], $0xffff  }
0x282: {  	v32 =	vimm.s32 $0x40;
	v0 =	vadd.f32 v26, v0  }
0x283: {  	v3 =	vld.idx.msk [tilespmem:v3+s0+$0x0], $0xffff  }
0x284: {  	v0 =	vadd.f32 v28, v0  }
0x285: {  	v4 =	vld.idx.msk [tilespmem:v4+s0+$0x0], $0xffff  }
0x286: {  	v30 =	vmul.f32 v2, v44;
	v0 =	vadd.f32 v29, v0  }
0x287: {  	v12 =	vimm.s32 $0x43;
	v2 =	vld.idx.msk [tilespmem:v32+s0+$0x0], $0xffff  }
0x288: {  	v0 =	vadd.f32 v30, v0;
	v17 =	vmul.f32 v3, v51;
	v3 =	vimm.s32 $0x47;
	_ =	sdelay $0x1  }
0x289: {  	v0 =	vadd.f32 v9, v0;
	v18 =	vmul.f32 v4, v52;
	v4 =	vimm.s32 $0x48;
	_ =	sdelay $0x1  }
0x28a: {  	v11 =	vmul.f32 v2, v47;
	v2 =	vld.idx.msk [tilespmem:v12+s0+$0x0], $0xffff;
	v0 =	vadd.f32 v10, v0  }
0x28b: {  	v3 =	vld.idx.msk [tilespmem:v3+s0+$0x0], $0xffff  }
0x28c: {  	v16 =	vimm.s32 $0x46;
	v0 =	vadd.f32 v11, v0  }
0x28d: {  	v4 =	vld.idx.msk [tilespmem:v4+s0+$0x0], $0xffff  }
0x28e: {  	v0 =	vadd.f32 v13, v0  }
0x28f: {  	v15 =	vmul.f32 v2, v50  }
0x290: {  	v0 =	vadd.f32 v14, v0;
	v21 =	vmul.f32 v3, v54;
	v3 =	vimm.s32 $0x4A  }
0x291: {  	v20 =	vimm.s32 $0x49;
	v2 =	vld.idx.msk [tilespmem:v16+s0+$0x0], $0xffff  }
0x292: {  	v0 =	vadd.f32 v15, v0;
	v22 =	vmul.f32 v4, v55;
	v4 =	vimm.s32 $0x4B;
	_ =	sdelay $0x1  }
0x293: {  	v0 =	vadd.f32 v17, v0  }
0x294: {  	v3 =	vld.idx.msk [tilespmem:v3+s0+$0x0], $0xffff  }
0x295: {  	v19 =	vmul.f32 v2, v53;
	v2 =	vld.idx.msk [tilespmem:v20+s0+$0x0], $0xffff;
	v0 =	vadd.f32 v18, v0  }
0x296: {  	v4 =	vld.idx.msk [tilespmem:v4+s0+$0x0], $0xffff  }
0x297: {  	v24 =	vimm.s32 $0x4C;
	v0 =	vadd.f32 v19, v0;
	_ =	sdelay $0x1  }
0x298: {  	v0 =	vadd.f32 v21, v0;
	v25 =	vmul.f32 v3, v57;
	v3 =	vimm.s32 $0x4D  }
0x299: {  	v23 =	vmul.f32 v2, v56  }
0x29a: {  	v0 =	vadd.f32 v22, v0;
	v26 =	vmul.f32 v4, v58;
	v4 =	vimm.s32 $0x4E  }
0x29b: {  	v2 =	vld.idx.msk [tilespmem:v24+s0+$0x0], $0xffff  }
0x29c: {  	v28 =	vimm.s32 $0x4F;
	v0 =	vadd.f32 v23, v0  }
0x29d: {  	v3 =	vld.idx.msk [tilespmem:v3+s0+$0x0], $0xffff  }
0x29e: {  	v0 =	vadd.f32 v25, v0  }
0x29f: {  	v4 =	vld.idx.msk [tilespmem:v4+s0+$0x0], $0xffff  }
0x2a0: {  	v27 =	vmul.f32 v2, v59;
	v0 =	vadd.f32 v26, v0  }
0x2a1: {  	v2 =	vld.idx.msk [tilespmem:v28+s0+$0x0], $0xffff  }
0x2a2: {  	v0 =	vadd.f32 v27, v0;
	v29 =	vmul.f32 v3, v60;
	_ =	sdelay $0x1  }
0x2a3: {  	v30 =	vmul.f32 v4, v61;
	v0 =	vadd.f32 v29, v0  }
0x2a4: {  	v3 =	vor.u32 $0x1, v63  }
0x2a5: {  	v32 =	vmul.f32 v2, v62;
	v0 =	vadd.f32 v30, v0;
	_ =	sdelay $0x1  }
0x2a6: {  	v0 =	vadd.f32 v32, v0;
	_ =	sdelay $0x1  }
0x2a7: {  	[tilespmem:v3+s3+$0x0] =	vst.idx.msk $0xffff, v0;
	v3 =	vimm.s32 $0x52;
	_ =	sdelay $0x1  }
0x2a8: {  	v4 =	vimm.s32 $0x53;
	_ =	sdelay $0x2  }
0x2a9: {  	v3 =	vld.idx.msk [tilespmem:v3+s0+$0x0], $0xffff;
	_ =	sdelay $0x1  }
0x2aa: {  	v4 =	vld.idx.msk [tilespmem:v4+s0+$0x0], $0xffff;
	_ =	sdelay $0x2  }
0x2ab: {  	v14 =	vmul.f32 v3, v33;
	v3 =	vimm.s32 $0x55;
	_ =	sdelay $0x1  }
0x2ac: {  	v15 =	vmul.f32 v4, v34;
	v4 =	vimm.s32 $0x56;
	_ =	sdelay $0x2  }
0x2ad: {  	v3 =	vld.idx.msk [tilespmem:v3+s0+$0x0], $0xffff;
	_ =	sdelay $0x1  }
0x2ae: {  	v4 =	vld.idx.msk [tilespmem:v4+s0+$0x0], $0xffff;
	_ =	sdelay $0x2  }
0x2af: {  	v18 =	vmul.f32 v3, v36;
	v3 =	vimm.s32 $0x58;
	_ =	sdelay $0x1  }
0x2b0: {  	v19 =	vmul.f32 v4, v37;
	v4 =	vimm.s32 $0x59;
	_ =	sdelay $0x2  }
0x2b1: {  	v3 =	vld.idx.msk [tilespmem:v3+s0+$0x0], $0xffff;
	_ =	sdelay $0x1  }
0x2b2: {  	v4 =	vld.idx.msk [tilespmem:v4+s0+$0x0], $0xffff;
	_ =	sdelay $0x2  }
0x2b3: {  	v22 =	vmul.f32 v3, v39;
	v3 =	vimm.s32 $0x5B  }
0x2b4: {  	v9 =	vimm.s32 $0x50  }
0x2b5: {  	v23 =	vmul.f32 v4, v40;
	v4 =	vimm.s32 $0x5C  }
0x2b6: {  	v10 =	vimm.s32 $0x12  }
0x2b7: {  	v11 =	vimm.s32 $0x51  }
0x2b8: {  	v3 =	vld.idx.msk [tilespmem:v3+s0+$0x0], $0xffff  }
0x2b9: {  	v0 =	vld.idx.msk [tilespmem:v9+s0+$0x0], $0xffff  }
0x2ba: {  	v4 =	vld.idx.msk [tilespmem:v4+s0+$0x0], $0xffff  }
0x2bb: {  	v1 =	vld.idx.msk [tilespmem:v10+s2+$0x0], $0xffff  }
0x2bc: {  	v13 =	vimm.s32 $0x54;
	v2 =	vld.idx.msk [tilespmem:v11+s0+$0x0], $0xffff  }
0x2bd: {  	v26 =	vmul.f32 v3, v42;
	v3 =	vimm.s32 $0x5E;
	_ =	sdelay $0x1  }
0x2be: {  	v0 =	vmul.f32 v0, v31;
	v27 =	vmul.f32 v4, v43;
	v4 =	vimm.s32 $0x5F;
	_ =	sdelay $0x1  }
0x2bf: {  	v12 =	vmul.f32 v2, v7;
	v2 =	vld.idx.msk [tilespmem:v13+s0+$0x0], $0xffff;
	v0 =	vadd.f32 v0, v1  }
0x2c0: {  	v3 =	vld.idx.msk [tilespmem:v3+s0+$0x0], $0xffff  }
0x2c1: {  	v17 =	vimm.s32 $0x57;
	v0 =	vadd.f32 v12, v0  }
0x2c2: {  	v4 =	vld.idx.msk [tilespmem:v4+s0+$0x0], $0xffff  }
0x2c3: {  	v0 =	vadd.f32 v14, v0  }
0x2c4: {  	v16 =	vmul.f32 v2, v35  }
0x2c5: {  	v0 =	vadd.f32 v15, v0;
	v30 =	vmul.f32 v3, v45;
	v3 =	vimm.s32 $0x61  }
0x2c6: {  	v21 =	vimm.s32 $0x5A;
	v2 =	vld.idx.msk [tilespmem:v17+s0+$0x0], $0xffff  }
0x2c7: {  	v0 =	vadd.f32 v16, v0;
	v32 =	vmul.f32 v4, v46;
	v4 =	vimm.s32 $0x62;
	_ =	sdelay $0x1  }
0x2c8: {  	v0 =	vadd.f32 v18, v0  }
0x2c9: {  	v3 =	vld.idx.msk [tilespmem:v3+s0+$0x0], $0xffff  }
0x2ca: {  	v20 =	vmul.f32 v2, v38;
	v2 =	vld.idx.msk [tilespmem:v21+s0+$0x0], $0xffff;
	v0 =	vadd.f32 v19, v0  }
0x2cb: {  	v4 =	vld.idx.msk [tilespmem:v4+s0+$0x0], $0xffff  }
0x2cc: {  	v25 =	vimm.s32 $0x5D;
	v0 =	vadd.f32 v20, v0;
	_ =	sdelay $0x1  }
0x2cd: {  	v0 =	vadd.f32 v22, v0;
	v11 =	vmul.f32 v3, v48;
	v3 =	vimm.s32 $0x64  }
0x2ce: {  	v24 =	vmul.f32 v2, v41  }
0x2cf: {  	v0 =	vadd.f32 v23, v0;
	v12 =	vmul.f32 v4, v49;
	v4 =	vimm.s32 $0x65  }
0x2d0: {  	v2 =	vld.idx.msk [tilespmem:v25+s0+$0x0], $0xffff  }
0x2d1: {  	v29 =	vimm.s32 $0x60;
	v0 =	vadd.f32 v24, v0  }
0x2d2: {  	v3 =	vld.idx.msk [tilespmem:v3+s0+$0x0], $0xffff  }
0x2d3: {  	v0 =	vadd.f32 v26, v0  }
0x2d4: {  	v4 =	vld.idx.msk [tilespmem:v4+s0+$0x0], $0xffff  }
0x2d5: {  	v28 =	vmul.f32 v2, v44;
	v0 =	vadd.f32 v27, v0  }
0x2d6: {  	v10 =	vimm.s32 $0x63;
	v2 =	vld.idx.msk [tilespmem:v29+s0+$0x0], $0xffff  }
0x2d7: {  	v0 =	vadd.f32 v28, v0;
	v15 =	vmul.f32 v3, v51;
	v3 =	vimm.s32 $0x67;
	_ =	sdelay $0x1  }
0x2d8: {  	v0 =	vadd.f32 v30, v0;
	v16 =	vmul.f32 v4, v52;
	v4 =	vimm.s32 $0x68;
	_ =	sdelay $0x1  }
0x2d9: {  	v9 =	vmul.f32 v2, v47;
	v2 =	vld.idx.msk [tilespmem:v10+s0+$0x0], $0xffff;
	v0 =	vadd.f32 v32, v0  }
0x2da: {  	v3 =	vld.idx.msk [tilespmem:v3+s0+$0x0], $0xffff  }
0x2db: {  	v14 =	vimm.s32 $0x66;
	v0 =	vadd.f32 v9, v0  }
0x2dc: {  	v4 =	vld.idx.msk [tilespmem:v4+s0+$0x0], $0xffff  }
0x2dd: {  	v0 =	vadd.f32 v11, v0  }
0x2de: {  	v13 =	vmul.f32 v2, v50  }
0x2df: {  	v0 =	vadd.f32 v12, v0;
	v19 =	vmul.f32 v3, v54;
	v3 =	vimm.s32 $0x6A  }
0x2e0: {  	v18 =	vimm.s32 $0x69;
	v2 =	vld.idx.msk [tilespmem:v14+s0+$0x0], $0xffff  }
0x2e1: {  	v0 =	vadd.f32 v13, v0;
	v20 =	vmul.f32 v4, v55;
	v4 =	vimm.s32 $0x6B;
	_ =	sdelay $0x1  }
0x2e2: {  	v0 =	vadd.f32 v15, v0  }
0x2e3: {  	v3 =	vld.idx.msk [tilespmem:v3+s0+$0x0], $0xffff  }
0x2e4: {  	v17 =	vmul.f32 v2, v53;
	v2 =	vld.idx.msk [tilespmem:v18+s0+$0x0], $0xffff;
	v0 =	vadd.f32 v16, v0  }
0x2e5: {  	v4 =	vld.idx.msk [tilespmem:v4+s0+$0x0], $0xffff  }
0x2e6: {  	v22 =	vimm.s32 $0x6C;
	v0 =	vadd.f32 v17, v0;
	_ =	sdelay $0x1  }
0x2e7: {  	v0 =	vadd.f32 v19, v0;
	v23 =	vmul.f32 v3, v57;
	v3 =	vimm.s32 $0x6D  }
0x2e8: {  	v21 =	vmul.f32 v2, v56  }
0x2e9: {  	v0 =	vadd.f32 v20, v0;
	v24 =	vmul.f32 v4, v58;
	v4 =	vimm.s32 $0x6E  }
0x2ea: {  	v2 =	vld.idx.msk [tilespmem:v22+s0+$0x0], $0xffff  }
0x2eb: {  	v26 =	vimm.s32 $0x6F;
	v0 =	vadd.f32 v21, v0  }
0x2ec: {  	v3 =	vld.idx.msk [tilespmem:v3+s0+$0x0], $0xffff  }
0x2ed: {  	v0 =	vadd.f32 v23, v0  }
0x2ee: {  	v4 =	vld.idx.msk [tilespmem:v4+s0+$0x0], $0xffff  }
0x2ef: {  	v25 =	vmul.f32 v2, v59;
	v0 =	vadd.f32 v24, v0  }
0x2f0: {  	v2 =	vld.idx.msk [tilespmem:v26+s0+$0x0], $0xffff  }
0x2f1: {  	v0 =	vadd.f32 v25, v0;
	v27 =	vmul.f32 v3, v60;
	_ =	sdelay $0x1  }
0x2f2: {  	v28 =	vmul.f32 v4, v61;
	v0 =	vadd.f32 v27, v0  }
0x2f3: {  	v3 =	vor.u32 $0x2, v63  }
0x2f4: {  	v29 =	vmul.f32 v2, v62;
	v0 =	vadd.f32 v28, v0;
	_ =	sdelay $0x1  }
0x2f5: {  	v0 =	vadd.f32 v29, v0;
	_ =	sdelay $0x1  }
0x2f6: {  	[tilespmem:v3+s3+$0x0] =	vst.idx.msk $0xffff, v0;
	v3 =	vimm.s32 $0x72;
	_ =	sdelay $0x1  }
0x2f7: {  	v4 =	vimm.s32 $0x73;
	_ =	sdelay $0x2  }
0x2f8: {  	v3 =	vld.idx.msk [tilespmem:v3+s0+$0x0], $0xffff;
	_ =	sdelay $0x1  }
0x2f9: {  	v4 =	vld.idx.msk [tilespmem:v4+s0+$0x0], $0xffff;
	_ =	sdelay $0x2  }
0x2fa: {  	v12 =	vmul.f32 v3, v33;
	v3 =	vimm.s32 $0x75;
	_ =	sdelay $0x1  }
0x2fb: {  	v13 =	vmul.f32 v4, v34;
	v4 =	vimm.s32 $0x76;
	_ =	sdelay $0x2  }
0x2fc: {  	v3 =	vld.idx.msk [tilespmem:v3+s0+$0x0], $0xffff;
	_ =	sdelay $0x1  }
0x2fd: {  	v4 =	vld.idx.msk [tilespmem:v4+s0+$0x0], $0xffff;
	_ =	sdelay $0x2  }
0x2fe: {  	v16 =	vmul.f32 v3, v36;
	v3 =	vimm.s32 $0x78;
	_ =	sdelay $0x1  }
0x2ff: {  	v17 =	vmul.f32 v4, v37;
	v4 =	vimm.s32 $0x79;
	_ =	sdelay $0x2  }
0x300: {  	v3 =	vld.idx.msk [tilespmem:v3+s0+$0x0], $0xffff;
	_ =	sdelay $0x1  }
0x301: {  	v4 =	vld.idx.msk [tilespmem:v4+s0+$0x0], $0xffff;
	_ =	sdelay $0x2  }
0x302: {  	v20 =	vmul.f32 v3, v39;
	v3 =	vimm.s32 $0x7B  }
0x303: {  	v30 =	vimm.s32 $0x70  }
0x304: {  	v21 =	vmul.f32 v4, v40;
	v4 =	vimm.s32 $0x7C  }
0x305: {  	v32 =	vimm.s32 $0x13  }
0x306: {  	v9 =	vimm.s32 $0x71  }
0x307: {  	v3 =	vld.idx.msk [tilespmem:v3+s0+$0x0], $0xffff  }
0x308: {  	v0 =	vld.idx.msk [tilespmem:v30+s0+$0x0], $0xffff  }
0x309: {  	v4 =	vld.idx.msk [tilespmem:v4+s0+$0x0], $0xffff  }
0x30a: {  	v1 =	vld.idx.msk [tilespmem:v32+s2+$0x0], $0xffff  }
0x30b: {  	v11 =	vimm.s32 $0x74;
	v2 =	vld.idx.msk [tilespmem:v9+s0+$0x0], $0xffff  }
0x30c: {  	v24 =	vmul.f32 v3, v42;
	v3 =	vimm.s32 $0x7E;
	_ =	sdelay $0x1  }
0x30d: {  	v0 =	vmul.f32 v0, v31;
	v25 =	vmul.f32 v4, v43;
	v4 =	vimm.s32 $0x7F;
	_ =	sdelay $0x1  }
0x30e: {  	v10 =	vmul.f32 v2, v7;
	v2 =	vld.idx.msk [tilespmem:v11+s0+$0x0], $0xffff;
	v0 =	vadd.f32 v0, v1  }
0x30f: {  	v3 =	vld.idx.msk [tilespmem:v3+s0+$0x0], $0xffff  }
0x310: {  	v15 =	vimm.s32 $0x77;
	v0 =	vadd.f32 v10, v0  }
0x311: {  	v4 =	vld.idx.msk [tilespmem:v4+s0+$0x0], $0xffff  }
0x312: {  	v0 =	vadd.f32 v12, v0  }
0x313: {  	v14 =	vmul.f32 v2, v35  }
0x314: {  	v0 =	vadd.f32 v13, v0;
	v28 =	vmul.f32 v3, v45;
	v3 =	vimm.s32 $0x81  }
0x315: {  	v19 =	vimm.s32 $0x7A;
	v2 =	vld.idx.msk [tilespmem:v15+s0+$0x0], $0xffff  }
0x316: {  	v0 =	vadd.f32 v14, v0;
	v29 =	vmul.f32 v4, v46;
	v4 =	vimm.s32 $0x82;
	_ =	sdelay $0x1  }
0x317: {  	v0 =	vadd.f32 v16, v0  }
0x318: {  	v3 =	vld.idx.msk [tilespmem:v3+s0+$0x0], $0xffff  }
0x319: {  	v18 =	vmul.f32 v2, v38;
	v2 =	vld.idx.msk [tilespmem:v19+s0+$0x0], $0xffff;
	v0 =	vadd.f32 v17, v0  }
0x31a: {  	v4 =	vld.idx.msk [tilespmem:v4+s0+$0x0], $0xffff  }
0x31b: {  	v23 =	vimm.s32 $0x7D;
	v0 =	vadd.f32 v18, v0;
	_ =	sdelay $0x1  }
0x31c: {  	v0 =	vadd.f32 v20, v0;
	v9 =	vmul.f32 v3, v48;
	v3 =	vimm.s32 $0x84  }
0x31d: {  	v22 =	vmul.f32 v2, v41  }
0x31e: {  	v0 =	vadd.f32 v21, v0;
	v10 =	vmul.f32 v4, v49;
	v4 =	vimm.s32 $0x85  }
0x31f: {  	v2 =	vld.idx.msk [tilespmem:v23+s0+$0x0], $0xffff  }
0x320: {  	v27 =	vimm.s32 $0x80;
	v0 =	vadd.f32 v22, v0  }
0x321: {  	v3 =	vld.idx.msk [tilespmem:v3+s0+$0x0], $0xffff  }
0x322: {  	v0 =	vadd.f32 v24, v0  }
0x323: {  	v4 =	vld.idx.msk [tilespmem:v4+s0+$0x0], $0xffff  }
0x324: {  	v26 =	vmul.f32 v2, v44;
	v0 =	vadd.f32 v25, v0  }
0x325: {  	v32 =	vimm.s32 $0x83;
	v2 =	vld.idx.msk [tilespmem:v27+s0+$0x0], $0xffff  }
0x326: {  	v0 =	vadd.f32 v26, v0;
	v13 =	vmul.f32 v3, v51;
	v3 =	vimm.s32 $0x87;
	_ =	sdelay $0x1  }
0x327: {  	v0 =	vadd.f32 v28, v0;
	v14 =	vmul.f32 v4, v52;
	v4 =	vimm.s32 $0x88;
	_ =	sdelay $0x1  }
0x328: {  	v30 =	vmul.f32 v2, v47;
	v2 =	vld.idx.msk [tilespmem:v32+s0+$0x0], $0xffff;
	v0 =	vadd.f32 v29, v0  }
0x329: {  	v3 =	vld.idx.msk [tilespmem:v3+s0+$0x0], $0xffff  }
0x32a: {  	v12 =	vimm.s32 $0x86;
	v0 =	vadd.f32 v30, v0  }
0x32b: {  	v4 =	vld.idx.msk [tilespmem:v4+s0+$0x0], $0xffff  }
0x32c: {  	v0 =	vadd.f32 v9, v0  }
0x32d: {  	v11 =	vmul.f32 v2, v50  }
0x32e: {  	v0 =	vadd.f32 v10, v0;
	v17 =	vmul.f32 v3, v54;
	v3 =	vimm.s32 $0x8A  }
0x32f: {  	v16 =	vimm.s32 $0x89;
	v2 =	vld.idx.msk [tilespmem:v12+s0+$0x0], $0xffff  }
0x330: {  	v0 =	vadd.f32 v11, v0;
	v18 =	vmul.f32 v4, v55;
	v4 =	vimm.s32 $0x8B;
	_ =	sdelay $0x1  }
0x331: {  	v0 =	vadd.f32 v13, v0  }
0x332: {  	v3 =	vld.idx.msk [tilespmem:v3+s0+$0x0], $0xffff  }
0x333: {  	v15 =	vmul.f32 v2, v53;
	v2 =	vld.idx.msk [tilespmem:v16+s0+$0x0], $0xffff;
	v0 =	vadd.f32 v14, v0  }
0x334: {  	v4 =	vld.idx.msk [tilespmem:v4+s0+$0x0], $0xffff  }
0x335: {  	v20 =	vimm.s32 $0x8C;
	v0 =	vadd.f32 v15, v0;
	_ =	sdelay $0x1  }
0x336: {  	v0 =	vadd.f32 v17, v0;
	v21 =	vmul.f32 v3, v57;
	v3 =	vimm.s32 $0x8D  }
0x337: {  	v19 =	vmul.f32 v2, v56  }
0x338: {  	v0 =	vadd.f32 v18, v0;
	v22 =	vmul.f32 v4, v58;
	v4 =	vimm.s32 $0x8E  }
0x339: {  	v2 =	vld.idx.msk [tilespmem:v20+s0+$0x0], $0xffff  }
0x33a: {  	v24 =	vimm.s32 $0x8F;
	v0 =	vadd.f32 v19, v0  }
0x33b: {  	v3 =	vld.idx.msk [tilespmem:v3+s0+$0x0], $0xffff  }
0x33c: {  	v0 =	vadd.f32 v21, v0  }
0x33d: {  	v4 =	vld.idx.msk [tilespmem:v4+s0+$0x0], $0xffff  }
0x33e: {  	v23 =	vmul.f32 v2, v59;
	v0 =	vadd.f32 v22, v0  }
0x33f: {  	v2 =	vld.idx.msk [tilespmem:v24+s0+$0x0], $0xffff  }
0x340: {  	v0 =	vadd.f32 v23, v0;
	v25 =	vmul.f32 v3, v60;
	_ =	sdelay $0x1  }
0x341: {  	v26 =	vmul.f32 v4, v61;
	v0 =	vadd.f32 v25, v0  }
0x342: {  	v3 =	vor.u32 $0x3, v63  }
0x343: {  	v27 =	vmul.f32 v2, v62;
	v0 =	vadd.f32 v26, v0;
	_ =	sdelay $0x1  }
0x344: {  	v0 =	vadd.f32 v27, v0;
	_ =	sdelay $0x1  }
0x345: {  	[tilespmem:v3+s3+$0x0] =	vst.idx.msk $0xffff, v0;
	v3 =	vimm.s32 $0x92;
	_ =	sdelay $0x1  }
0x346: {  	v4 =	vimm.s32 $0x93;
	_ =	sdelay $0x2  }
0x347: {  	v3 =	vld.idx.msk [tilespmem:v3+s0+$0x0], $0xffff;
	_ =	sdelay $0x1  }
0x348: {  	v4 =	vld.idx.msk [tilespmem:v4+s0+$0x0], $0xffff;
	_ =	sdelay $0x2  }
0x349: {  	v10 =	vmul.f32 v3, v33;
	v3 =	vimm.s32 $0x95;
	_ =	sdelay $0x1  }
0x34a: {  	v11 =	vmul.f32 v4, v34;
	v4 =	vimm.s32 $0x96;
	_ =	sdelay $0x2  }
0x34b: {  	v3 =	vld.idx.msk [tilespmem:v3+s0+$0x0], $0xffff;
	_ =	sdelay $0x1  }
0x34c: {  	v4 =	vld.idx.msk [tilespmem:v4+s0+$0x0], $0xffff;
	_ =	sdelay $0x2  }
0x34d: {  	v14 =	vmul.f32 v3, v36;
	v3 =	vimm.s32 $0x98;
	_ =	sdelay $0x1  }
0x34e: {  	v15 =	vmul.f32 v4, v37;
	v4 =	vimm.s32 $0x99;
	_ =	sdelay $0x2  }
0x34f: {  	v3 =	vld.idx.msk [tilespmem:v3+s0+$0x0], $0xffff;
	_ =	sdelay $0x1  }
0x350: {  	v4 =	vld.idx.msk [tilespmem:v4+s0+$0x0], $0xffff;
	_ =	sdelay $0x2  }
0x351: {  	v18 =	vmul.f32 v3, v39;
	v3 =	vimm.s32 $0x9B  }
0x352: {  	v28 =	vimm.s32 $0x90  }
0x353: {  	v19 =	vmul.f32 v4, v40;
	v4 =	vimm.s32 $0x9C  }
0x354: {  	v29 =	vimm.s32 $0x14  }
0x355: {  	v30 =	vimm.s32 $0x91  }
0x356: {  	v3 =	vld.idx.msk [tilespmem:v3+s0+$0x0], $0xffff  }
0x357: {  	v0 =	vld.idx.msk [tilespmem:v28+s0+$0x0], $0xffff  }
0x358: {  	v4 =	vld.idx.msk [tilespmem:v4+s0+$0x0], $0xffff  }
0x359: {  	v1 =	vld.idx.msk [tilespmem:v29+s2+$0x0], $0xffff  }
0x35a: {  	v9 =	vimm.s32 $0x94;
	v2 =	vld.idx.msk [tilespmem:v30+s0+$0x0], $0xffff  }
0x35b: {  	v22 =	vmul.f32 v3, v42;
	v3 =	vimm.s32 $0x9E;
	_ =	sdelay $0x1  }
0x35c: {  	v0 =	vmul.f32 v0, v31;
	v23 =	vmul.f32 v4, v43;
	v4 =	vimm.s32 $0x9F;
	_ =	sdelay $0x1  }
0x35d: {  	v32 =	vmul.f32 v2, v7;
	v2 =	vld.idx.msk [tilespmem:v9+s0+$0x0], $0xffff;
	v0 =	vadd.f32 v0, v1  }
0x35e: {  	v3 =	vld.idx.msk [tilespmem:v3+s0+$0x0], $0xffff  }
0x35f: {  	v13 =	vimm.s32 $0x97;
	v0 =	vadd.f32 v32, v0  }
0x360: {  	v4 =	vld.idx.msk [tilespmem:v4+s0+$0x0], $0xffff  }
0x361: {  	v0 =	vadd.f32 v10, v0  }
0x362: {  	v12 =	vmul.f32 v2, v35  }
0x363: {  	v0 =	vadd.f32 v11, v0;
	v26 =	vmul.f32 v3, v45;
	v3 =	vimm.s32 $0xA1  }
0x364: {  	v17 =	vimm.s32 $0x9A;
	v2 =	vld.idx.msk [tilespmem:v13+s0+$0x0], $0xffff  }
0x365: {  	v0 =	vadd.f32 v12, v0;
	v27 =	vmul.f32 v4, v46;
	v4 =	vimm.s32 $0xA2;
	_ =	sdelay $0x1  }
0x366: {  	v0 =	vadd.f32 v14, v0  }
0x367: {  	v3 =	vld.idx.msk [tilespmem:v3+s0+$0x0], $0xffff  }
0x368: {  	v16 =	vmul.f32 v2, v38;
	v2 =	vld.idx.msk [tilespmem:v17+s0+$0x0], $0xffff;
	v0 =	vadd.f32 v15, v0  }
0x369: {  	v4 =	vld.idx.msk [tilespmem:v4+s0+$0x0], $0xffff  }
0x36a: {  	v21 =	vimm.s32 $0x9D;
	v0 =	vadd.f32 v16, v0;
	_ =	sdelay $0x1  }
0x36b: {  	v0 =	vadd.f32 v18, v0;
	v30 =	vmul.f32 v3, v48;
	v3 =	vimm.s32 $0xA4  }
0x36c: {  	v20 =	vmul.f32 v2, v41  }
0x36d: {  	v0 =	vadd.f32 v19, v0;
	v32 =	vmul.f32 v4, v49;
	v4 =	vimm.s32 $0xA5  }
0x36e: {  	v2 =	vld.idx.msk [tilespmem:v21+s0+$0x0], $0xffff  }
0x36f: {  	v25 =	vimm.s32 $0xA0;
	v0 =	vadd.f32 v20, v0  }
0x370: {  	v3 =	vld.idx.msk [tilespmem:v3+s0+$0x0], $0xffff  }
0x371: {  	v0 =	vadd.f32 v22, v0  }
0x372: {  	v4 =	vld.idx.msk [tilespmem:v4+s0+$0x0], $0xffff  }
0x373: {  	v24 =	vmul.f32 v2, v44;
	v0 =	vadd.f32 v23, v0  }
0x374: {  	v29 =	vimm.s32 $0xA3;
	v2 =	vld.idx.msk [tilespmem:v25+s0+$0x0], $0xffff  }
0x375: {  	v0 =	vadd.f32 v24, v0;
	v11 =	vmul.f32 v3, v51;
	v3 =	vimm.s32 $0xA7;
	_ =	sdelay $0x1  }
0x376: {  	v0 =	vadd.f32 v26, v0;
	v12 =	vmul.f32 v4, v52;
	v4 =	vimm.s32 $0xA8;
	_ =	sdelay $0x1  }
0x377: {  	v28 =	vmul.f32 v2, v47;
	v2 =	vld.idx.msk [tilespmem:v29+s0+$0x0], $0xffff;
	v0 =	vadd.f32 v27, v0  }
0x378: {  	v3 =	vld.idx.msk [tilespmem:v3+s0+$0x0], $0xffff  }
0x379: {  	v10 =	vimm.s32 $0xA6;
	v0 =	vadd.f32 v28, v0  }
0x37a: {  	v4 =	vld.idx.msk [tilespmem:v4+s0+$0x0], $0xffff  }
0x37b: {  	v0 =	vadd.f32 v30, v0  }
0x37c: {  	v9 =	vmul.f32 v2, v50  }
0x37d: {  	v0 =	vadd.f32 v32, v0;
	v15 =	vmul.f32 v3, v54;
	v3 =	vimm.s32 $0xAA  }
0x37e: {  	v14 =	vimm.s32 $0xA9;
	v2 =	vld.idx.msk [tilespmem:v10+s0+$0x0], $0xffff  }
0x37f: {  	v0 =	vadd.f32 v9, v0;
	v16 =	vmul.f32 v4, v55;
	v4 =	vimm.s32 $0xAB;
	_ =	sdelay $0x1  }
0x380: {  	v0 =	vadd.f32 v11, v0  }
0x381: {  	v3 =	vld.idx.msk [tilespmem:v3+s0+$0x0], $0xffff  }
0x382: {  	v13 =	vmul.f32 v2, v53;
	v2 =	vld.idx.msk [tilespmem:v14+s0+$0x0], $0xffff;
	v0 =	vadd.f32 v12, v0  }
0x383: {  	v4 =	vld.idx.msk [tilespmem:v4+s0+$0x0], $0xffff  }
0x384: {  	v18 =	vimm.s32 $0xAC;
	v0 =	vadd.f32 v13, v0;
	_ =	sdelay $0x1  }
0x385: {  	v0 =	vadd.f32 v15, v0;
	v19 =	vmul.f32 v3, v57;
	v3 =	vimm.s32 $0xAD  }
0x386: {  	v17 =	vmul.f32 v2, v56  }
0x387: {  	v0 =	vadd.f32 v16, v0;
	v20 =	vmul.f32 v4, v58;
	v4 =	vimm.s32 $0xAE  }
0x388: {  	v2 =	vld.idx.msk [tilespmem:v18+s0+$0x0], $0xffff  }
0x389: {  	v22 =	vimm.s32 $0xAF;
	v0 =	vadd.f32 v17, v0  }
0x38a: {  	v3 =	vld.idx.msk [tilespmem:v3+s0+$0x0], $0xffff  }
0x38b: {  	v0 =	vadd.f32 v19, v0  }
0x38c: {  	v4 =	vld.idx.msk [tilespmem:v4+s0+$0x0], $0xffff  }
0x38d: {  	v21 =	vmul.f32 v2, v59;
	v0 =	vadd.f32 v20, v0  }
0x38e: {  	v2 =	vld.idx.msk [tilespmem:v22+s0+$0x0], $0xffff  }
0x38f: {  	v0 =	vadd.f32 v21, v0;
	v23 =	vmul.f32 v3, v60;
	_ =	sdelay $0x1  }
0x390: {  	v24 =	vmul.f32 v4, v61;
	v0 =	vadd.f32 v23, v0  }
0x391: {  	v3 =	vor.u32 $0x4, v63  }
0x392: {  	v25 =	vmul.f32 v2, v62;
	v0 =	vadd.f32 v24, v0;
	_ =	sdelay $0x1  }
0x393: {  	v0 =	vadd.f32 v25, v0;
	_ =	sdelay $0x1  }
0x394: {  	[tilespmem:v3+s3+$0x0] =	vst.idx.msk $0xffff, v0;
	v3 =	vimm.s32 $0xB2;
	_ =	sdelay $0x1  }
0x395: {  	v4 =	vimm.s32 $0xB3;
	_ =	sdelay $0x2  }
0x396: {  	v3 =	vld.idx.msk [tilespmem:v3+s0+$0x0], $0xffff;
	_ =	sdelay $0x1  }
0x397: {  	v4 =	vld.idx.msk [tilespmem:v4+s0+$0x0], $0xffff;
	_ =	sdelay $0x2  }
0x398: {  	v32 =	vmul.f32 v3, v33;
	v3 =	vimm.s32 $0xB5;
	_ =	sdelay $0x1  }
0x399: {  	v9 =	vmul.f32 v4, v34;
	v4 =	vimm.s32 $0xB6;
	_ =	sdelay $0x2  }
0x39a: {  	v3 =	vld.idx.msk [tilespmem:v3+s0+$0x0], $0xffff;
	_ =	sdelay $0x1  }
0x39b: {  	v4 =	vld.idx.msk [tilespmem:v4+s0+$0x0], $0xffff;
	_ =	sdelay $0x2  }
0x39c: {  	v12 =	vmul.f32 v3, v36;
	v3 =	vimm.s32 $0xB8;
	_ =	sdelay $0x1  }
0x39d: {  	v13 =	vmul.f32 v4, v37;
	v4 =	vimm.s32 $0xB9;
	_ =	sdelay $0x2  }
0x39e: {  	v3 =	vld.idx.msk [tilespmem:v3+s0+$0x0], $0xffff;
	_ =	sdelay $0x1  }
0x39f: {  	v4 =	vld.idx.msk [tilespmem:v4+s0+$0x0], $0xffff;
	_ =	sdelay $0x2  }
0x3a0: {  	v16 =	vmul.f32 v3, v39;
	v3 =	vimm.s32 $0xBB  }
0x3a1: {  	v26 =	vimm.s32 $0xB0  }
0x3a2: {  	v17 =	vmul.f32 v4, v40;
	v4 =	vimm.s32 $0xBC  }
0x3a3: {  	v27 =	vimm.s32 $0x15  }
0x3a4: {  	v28 =	vimm.s32 $0xB1  }
0x3a5: {  	v3 =	vld.idx.msk [tilespmem:v3+s0+$0x0], $0xffff  }
0x3a6: {  	v0 =	vld.idx.msk [tilespmem:v26+s0+$0x0], $0xffff  }
0x3a7: {  	v4 =	vld.idx.msk [tilespmem:v4+s0+$0x0], $0xffff  }
0x3a8: {  	v1 =	vld.idx.msk [tilespmem:v27+s2+$0x0], $0xffff  }
0x3a9: {  	v30 =	vimm.s32 $0xB4;
	v2 =	vld.idx.msk [tilespmem:v28+s0+$0x0], $0xffff  }
0x3aa: {  	v20 =	vmul.f32 v3, v42;
	v3 =	vimm.s32 $0xBE;
	_ =	sdelay $0x1  }
0x3ab: {  	v0 =	vmul.f32 v0, v31;
	v21 =	vmul.f32 v4, v43;
	v4 =	vimm.s32 $0xBF;
	_ =	sdelay $0x1  }
0x3ac: {  	v29 =	vmul.f32 v2, v7;
	v2 =	vld.idx.msk [tilespmem:v30+s0+$0x0], $0xffff;
	v0 =	vadd.f32 v0, v1  }
0x3ad: {  	v3 =	vld.idx.msk [tilespmem:v3+s0+$0x0], $0xffff  }
0x3ae: {  	v11 =	vimm.s32 $0xB7;
	v0 =	vadd.f32 v29, v0  }
0x3af: {  	v4 =	vld.idx.msk [tilespmem:v4+s0+$0x0], $0xffff  }
0x3b0: {  	v0 =	vadd.f32 v32, v0  }
0x3b1: {  	v10 =	vmul.f32 v2, v35  }
0x3b2: {  	v0 =	vadd.f32 v9, v0;
	v24 =	vmul.f32 v3, v45;
	v3 =	vimm.s32 $0xC1  }
0x3b3: {  	v15 =	vimm.s32 $0xBA;
	v2 =	vld.idx.msk [tilespmem:v11+s0+$0x0], $0xffff  }
0x3b4: {  	v0 =	vadd.f32 v10, v0;
	v25 =	vmul.f32 v4, v46;
	v4 =	vimm.s32 $0xC2;
	_ =	sdelay $0x1  }
0x3b5: {  	v0 =	vadd.f32 v12, v0  }
0x3b6: {  	v3 =	vld.idx.msk [tilespmem:v3+s0+$0x0], $0xffff  }
0x3b7: {  	v14 =	vmul.f32 v2, v38;
	v2 =	vld.idx.msk [tilespmem:v15+s0+$0x0], $0xffff;
	v0 =	vadd.f32 v13, v0  }
0x3b8: {  	v4 =	vld.idx.msk [tilespmem:v4+s0+$0x0], $0xffff  }
0x3b9: {  	v19 =	vimm.s32 $0xBD;
	v0 =	vadd.f32 v14, v0;
	_ =	sdelay $0x1  }
0x3ba: {  	v0 =	vadd.f32 v16, v0;
	v28 =	vmul.f32 v3, v48;
	v3 =	vimm.s32 $0xC4  }
0x3bb: {  	v18 =	vmul.f32 v2, v41  }
0x3bc: {  	v0 =	vadd.f32 v17, v0;
	v29 =	vmul.f32 v4, v49;
	v4 =	vimm.s32 $0xC5  }
0x3bd: {  	v2 =	vld.idx.msk [tilespmem:v19+s0+$0x0], $0xffff  }
0x3be: {  	v23 =	vimm.s32 $0xC0;
	v0 =	vadd.f32 v18, v0  }
0x3bf: {  	v3 =	vld.idx.msk [tilespmem:v3+s0+$0x0], $0xffff  }
0x3c0: {  	v0 =	vadd.f32 v20, v0  }
0x3c1: {  	v4 =	vld.idx.msk [tilespmem:v4+s0+$0x0], $0xffff  }
0x3c2: {  	v22 =	vmul.f32 v2, v44;
	v0 =	vadd.f32 v21, v0  }
0x3c3: {  	v27 =	vimm.s32 $0xC3;
	v2 =	vld.idx.msk [tilespmem:v23+s0+$0x0], $0xffff  }
0x3c4: {  	v0 =	vadd.f32 v22, v0;
	v9 =	vmul.f32 v3, v51;
	v3 =	vimm.s32 $0xC7;
	_ =	sdelay $0x1  }
0x3c5: {  	v0 =	vadd.f32 v24, v0;
	v10 =	vmul.f32 v4, v52;
	v4 =	vimm.s32 $0xC8;
	_ =	sdelay $0x1  }
0x3c6: {  	v26 =	vmul.f32 v2, v47;
	v2 =	vld.idx.msk [tilespmem:v27+s0+$0x0], $0xffff;
	v0 =	vadd.f32 v25, v0  }
0x3c7: {  	v3 =	vld.idx.msk [tilespmem:v3+s0+$0x0], $0xffff  }
0x3c8: {  	v32 =	vimm.s32 $0xC6;
	v0 =	vadd.f32 v26, v0  }
0x3c9: {  	v4 =	vld.idx.msk [tilespmem:v4+s0+$0x0], $0xffff  }
0x3ca: {  	v0 =	vadd.f32 v28, v0  }
0x3cb: {  	v30 =	vmul.f32 v2, v50  }
0x3cc: {  	v0 =	vadd.f32 v29, v0;
	v13 =	vmul.f32 v3, v54;
	v3 =	vimm.s32 $0xCA  }
0x3cd: {  	v12 =	vimm.s32 $0xC9;
	v2 =	vld.idx.msk [tilespmem:v32+s0+$0x0], $0xffff  }
0x3ce: {  	v0 =	vadd.f32 v30, v0;
	v14 =	vmul.f32 v4, v55;
	v4 =	vimm.s32 $0xCB;
	_ =	sdelay $0x1  }
0x3cf: {  	v0 =	vadd.f32 v9, v0  }
0x3d0: {  	v3 =	vld.idx.msk [tilespmem:v3+s0+$0x0], $0xffff  }
0x3d1: {  	v11 =	vmul.f32 v2, v53;
	v2 =	vld.idx.msk [tilespmem:v12+s0+$0x0], $0xffff;
	v0 =	vadd.f32 v10, v0  }
0x3d2: {  	v4 =	vld.idx.msk [tilespmem:v4+s0+$0x0], $0xffff  }
0x3d3: {  	v16 =	vimm.s32 $0xCC;
	v0 =	vadd.f32 v11, v0;
	_ =	sdelay $0x1  }
0x3d4: {  	v0 =	vadd.f32 v13, v0;
	v17 =	vmul.f32 v3, v57;
	v3 =	vimm.s32 $0xCD  }
0x3d5: {  	v15 =	vmul.f32 v2, v56  }
0x3d6: {  	v0 =	vadd.f32 v14, v0;
	v18 =	vmul.f32 v4, v58;
	v4 =	vimm.s32 $0xCE  }
0x3d7: {  	v2 =	vld.idx.msk [tilespmem:v16+s0+$0x0], $0xffff  }
0x3d8: {  	v20 =	vimm.s32 $0xCF;
	v0 =	vadd.f32 v15, v0  }
0x3d9: {  	v3 =	vld.idx.msk [tilespmem:v3+s0+$0x0], $0xffff  }
0x3da: {  	v0 =	vadd.f32 v17, v0  }
0x3db: {  	v4 =	vld.idx.msk [tilespmem:v4+s0+$0x0], $0xffff  }
0x3dc: {  	v19 =	vmul.f32 v2, v59;
	v0 =	vadd.f32 v18, v0  }
0x3dd: {  	v2 =	vld.idx.msk [tilespmem:v20+s0+$0x0], $0xffff  }
0x3de: {  	v0 =	vadd.f32 v19, v0;
	v21 =	vmul.f32 v3, v60;
	_ =	sdelay $0x1  }
0x3df: {  	v22 =	vmul.f32 v4, v61;
	v0 =	vadd.f32 v21, v0  }
0x3e0: {  	v3 =	vor.u32 $0x5, v63  }
0x3e1: {  	v23 =	vmul.f32 v2, v62;
	v0 =	vadd.f32 v22, v0;
	_ =	sdelay $0x1  }
0x3e2: {  	v0 =	vadd.f32 v23, v0;
	_ =	sdelay $0x1  }
0x3e3: {  	[tilespmem:v3+s3+$0x0] =	vst.idx.msk $0xffff, v0;
	v3 =	vimm.s32 $0xD2;
	_ =	sdelay $0x1  }
0x3e4: {  	v4 =	vimm.s32 $0xD3;
	_ =	sdelay $0x2  }
0x3e5: {  	v3 =	vld.idx.msk [tilespmem:v3+s0+$0x0], $0xffff;
	_ =	sdelay $0x1  }
0x3e6: {  	v4 =	vld.idx.msk [tilespmem:v4+s0+$0x0], $0xffff;
	_ =	sdelay $0x2  }
0x3e7: {  	v29 =	vmul.f32 v3, v33;
	v3 =	vimm.s32 $0xD5;
	_ =	sdelay $0x1  }
0x3e8: {  	v30 =	vmul.f32 v4, v34;
	v4 =	vimm.s32 $0xD6;
	_ =	sdelay $0x2  }
0x3e9: {  	v3 =	vld.idx.msk [tilespmem:v3+s0+$0x0], $0xffff;
	_ =	sdelay $0x1  }
0x3ea: {  	v4 =	vld.idx.msk [tilespmem:v4+s0+$0x0], $0xffff;
	_ =	sdelay $0x2  }
0x3eb: {  	v10 =	vmul.f32 v3, v36;
	v3 =	vimm.s32 $0xD8;
	_ =	sdelay $0x1  }
0x3ec: {  	v11 =	vmul.f32 v4, v37;
	v4 =	vimm.s32 $0xD9;
	_ =	sdelay $0x2  }
0x3ed: {  	v3 =	vld.idx.msk [tilespmem:v3+s0+$0x0], $0xffff;
	_ =	sdelay $0x1  }
0x3ee: {  	v4 =	vld.idx.msk [tilespmem:v4+s0+$0x0], $0xffff;
	_ =	sdelay $0x2  }
0x3ef: {  	v14 =	vmul.f32 v3, v39;
	v3 =	vimm.s32 $0xDB  }
0x3f0: {  	v24 =	vimm.s32 $0xD0  }
0x3f1: {  	v15 =	vmul.f32 v4, v40;
	v4 =	vimm.s32 $0xDC  }
0x3f2: {  	v25 =	vimm.s32 $0x16  }
0x3f3: {  	v26 =	vimm.s32 $0xD1  }
0x3f4: {  	v3 =	vld.idx.msk [tilespmem:v3+s0+$0x0], $0xffff  }
0x3f5: {  	v0 =	vld.idx.msk [tilespmem:v24+s0+$0x0], $0xffff  }
0x3f6: {  	v4 =	vld.idx.msk [tilespmem:v4+s0+$0x0], $0xffff  }
0x3f7: {  	v1 =	vld.idx.msk [tilespmem:v25+s2+$0x0], $0xffff  }
0x3f8: {  	v28 =	vimm.s32 $0xD4;
	v2 =	vld.idx.msk [tilespmem:v26+s0+$0x0], $0xffff  }
0x3f9: {  	v18 =	vmul.f32 v3, v42;
	v3 =	vimm.s32 $0xDE;
	_ =	sdelay $0x1  }
0x3fa: {  	v0 =	vmul.f32 v0, v31;
	v19 =	vmul.f32 v4, v43;
	v4 =	vimm.s32 $0xDF;
	_ =	sdelay $0x1  }
0x3fb: {  	v27 =	vmul.f32 v2, v7;
	v2 =	vld.idx.msk [tilespmem:v28+s0+$0x0], $0xffff;
	v0 =	vadd.f32 v0, v1  }
0x3fc: {  	v3 =	vld.idx.msk [tilespmem:v3+s0+$0x0], $0xffff  }
0x3fd: {  	v9 =	vimm.s32 $0xD7;
	v0 =	vadd.f32 v27, v0  }
0x3fe: {  	v4 =	vld.idx.msk [tilespmem:v4+s0+$0x0], $0xffff  }
0x3ff: {  	v0 =	vadd.f32 v29, v0  }
0x400: {  	v32 =	vmul.f32 v2, v35  }
0x401: {  	v0 =	vadd.f32 v30, v0;
	v22 =	vmul.f32 v3, v45;
	v3 =	vimm.s32 $0xE1  }
0x402: {  	v13 =	vimm.s32 $0xDA;
	v2 =	vld.idx.msk [tilespmem:v9+s0+$0x0], $0xffff  }
0x403: {  	v0 =	vadd.f32 v32, v0;
	v23 =	vmul.f32 v4, v46;
	v4 =	vimm.s32 $0xE2;
	_ =	sdelay $0x1  }
0x404: {  	v0 =	vadd.f32 v10, v0  }
0x405: {  	v3 =	vld.idx.msk [tilespmem:v3+s0+$0x0], $0xffff  }
0x406: {  	v12 =	vmul.f32 v2, v38;
	v2 =	vld.idx.msk [tilespmem:v13+s0+$0x0], $0xffff;
	v0 =	vadd.f32 v11, v0  }
0x407: {  	v4 =	vld.idx.msk [tilespmem:v4+s0+$0x0], $0xffff  }
0x408: {  	v17 =	vimm.s32 $0xDD;
	v0 =	vadd.f32 v12, v0;
	_ =	sdelay $0x1  }
0x409: {  	v0 =	vadd.f32 v14, v0;
	v26 =	vmul.f32 v3, v48;
	v3 =	vimm.s32 $0xE4  }
0x40a: {  	v16 =	vmul.f32 v2, v41  }
0x40b: {  	v0 =	vadd.f32 v15, v0;
	v27 =	vmul.f32 v4, v49;
	v4 =	vimm.s32 $0xE5  }
0x40c: {  	v2 =	vld.idx.msk [tilespmem:v17+s0+$0x0], $0xffff  }
0x40d: {  	v21 =	vimm.s32 $0xE0;
	v0 =	vadd.f32 v16, v0  }
0x40e: {  	v3 =	vld.idx.msk [tilespmem:v3+s0+$0x0], $0xffff  }
0x40f: {  	v0 =	vadd.f32 v18, v0  }
0x410: {  	v4 =	vld.idx.msk [tilespmem:v4+s0+$0x0], $0xffff  }
0x411: {  	v20 =	vmul.f32 v2, v44;
	v0 =	vadd.f32 v19, v0  }
0x412: {  	v25 =	vimm.s32 $0xE3;
	v2 =	vld.idx.msk [tilespmem:v21+s0+$0x0], $0xffff  }
0x413: {  	v0 =	vadd.f32 v20, v0;
	v30 =	vmul.f32 v3, v51;
	v3 =	vimm.s32 $0xE7;
	_ =	sdelay $0x1  }
0x414: {  	v0 =	vadd.f32 v22, v0;
	v32 =	vmul.f32 v4, v52;
	v4 =	vimm.s32 $0xE8;
	_ =	sdelay $0x1  }
0x415: {  	v24 =	vmul.f32 v2, v47;
	v2 =	vld.idx.msk [tilespmem:v25+s0+$0x0], $0xffff;
	v0 =	vadd.f32 v23, v0  }
0x416: {  	v3 =	vld.idx.msk [tilespmem:v3+s0+$0x0], $0xffff  }
0x417: {  	v29 =	vimm.s32 $0xE6;
	v0 =	vadd.f32 v24, v0  }
0x418: {  	v4 =	vld.idx.msk [tilespmem:v4+s0+$0x0], $0xffff  }
0x419: {  	v0 =	vadd.f32 v26, v0  }
0x41a: {  	v28 =	vmul.f32 v2, v50  }
0x41b: {  	v0 =	vadd.f32 v27, v0;
	v11 =	vmul.f32 v3, v54;
	v3 =	vimm.s32 $0xEA  }
0x41c: {  	v10 =	vimm.s32 $0xE9;
	v2 =	vld.idx.msk [tilespmem:v29+s0+$0x0], $0xffff  }
0x41d: {  	v0 =	vadd.f32 v28, v0;
	v12 =	vmul.f32 v4, v55;
	v4 =	vimm.s32 $0xEB;
	_ =	sdelay $0x1  }
0x41e: {  	v0 =	vadd.f32 v30, v0  }
0x41f: {  	v3 =	vld.idx.msk [tilespmem:v3+s0+$0x0], $0xffff  }
0x420: {  	v9 =	vmul.f32 v2, v53;
	v2 =	vld.idx.msk [tilespmem:v10+s0+$0x0], $0xffff;
	v0 =	vadd.f32 v32, v0  }
0x421: {  	v4 =	vld.idx.msk [tilespmem:v4+s0+$0x0], $0xffff  }
0x422: {  	v14 =	vimm.s32 $0xEC;
	v0 =	vadd.f32 v9, v0;
	_ =	sdelay $0x1  }
0x423: {  	v0 =	vadd.f32 v11, v0;
	v15 =	vmul.f32 v3, v57;
	v3 =	vimm.s32 $0xED  }
0x424: {  	v13 =	vmul.f32 v2, v56  }
0x425: {  	v0 =	vadd.f32 v12, v0;
	v16 =	vmul.f32 v4, v58;
	v4 =	vimm.s32 $0xEE  }
0x426: {  	v2 =	vld.idx.msk [tilespmem:v14+s0+$0x0], $0xffff  }
0x427: {  	v18 =	vimm.s32 $0xEF;
	v0 =	vadd.f32 v13, v0  }
0x428: {  	v3 =	vld.idx.msk [tilespmem:v3+s0+$0x0], $0xffff  }
0x429: {  	v0 =	vadd.f32 v15, v0  }
0x42a: {  	v4 =	vld.idx.msk [tilespmem:v4+s0+$0x0], $0xffff  }
0x42b: {  	v17 =	vmul.f32 v2, v59;
	v0 =	vadd.f32 v16, v0  }
0x42c: {  	v2 =	vld.idx.msk [tilespmem:v18+s0+$0x0], $0xffff  }
0x42d: {  	v0 =	vadd.f32 v17, v0;
	v19 =	vmul.f32 v3, v60;
	_ =	sdelay $0x1  }
0x42e: {  	v20 =	vmul.f32 v4, v61;
	v0 =	vadd.f32 v19, v0  }
0x42f: {  	v3 =	vor.u32 $0x6, v63  }
0x430: {  	v21 =	vmul.f32 v2, v62;
	v0 =	vadd.f32 v20, v0;
	_ =	sdelay $0x1  }
0x431: {  	v0 =	vadd.f32 v21, v0;
	_ =	sdelay $0x1  }
0x432: {  	[tilespmem:v3+s3+$0x0] =	vst.idx.msk $0xffff, v0;
	v3 =	vimm.s32 $0xF2;
	_ =	sdelay $0x1  }
0x433: {  	v4 =	vimm.s32 $0xF3;
	_ =	sdelay $0x2  }
0x434: {  	v3 =	vld.idx.msk [tilespmem:v3+s0+$0x0], $0xffff;
	_ =	sdelay $0x1  }
0x435: {  	v4 =	vld.idx.msk [tilespmem:v4+s0+$0x0], $0xffff;
	_ =	sdelay $0x2  }
0x436: {  	v27 =	vmul.f32 v3, v33;
	v3 =	vimm.s32 $0xF5;
	_ =	sdelay $0x1  }
0x437: {  	v28 =	vmul.f32 v4, v34;
	v4 =	vimm.s32 $0xF6;
	_ =	sdelay $0x2  }
0x438: {  	v3 =	vld.idx.msk [tilespmem:v3+s0+$0x0], $0xffff;
	_ =	sdelay $0x1  }
0x439: {  	v4 =	vld.idx.msk [tilespmem:v4+s0+$0x0], $0xffff;
	_ =	sdelay $0x2  }
0x43a: {  	v32 =	vmul.f32 v3, v36;
	v3 =	vimm.s32 $0xF8;
	_ =	sdelay $0x1  }
0x43b: {  	v9 =	vmul.f32 v4, v37;
	v4 =	vimm.s32 $0xF9;
	_ =	sdelay $0x2  }
0x43c: {  	v3 =	vld.idx.msk [tilespmem:v3+s0+$0x0], $0xffff;
	_ =	sdelay $0x1  }
0x43d: {  	v4 =	vld.idx.msk [tilespmem:v4+s0+$0x0], $0xffff;
	_ =	sdelay $0x2  }
0x43e: {  	v12 =	vmul.f32 v3, v39;
	v3 =	vimm.s32 $0xFB  }
0x43f: {  	v22 =	vimm.s32 $0xF0  }
0x440: {  	v13 =	vmul.f32 v4, v40;
	v4 =	vimm.s32 $0xFC  }
0x441: {  	v23 =	vimm.s32 $0x17  }
0x442: {  	v24 =	vimm.s32 $0xF1  }
0x443: {  	v3 =	vld.idx.msk [tilespmem:v3+s0+$0x0], $0xffff  }
0x444: {  	v0 =	vld.idx.msk [tilespmem:v22+s0+$0x0], $0xffff  }
0x445: {  	v4 =	vld.idx.msk [tilespmem:v4+s0+$0x0], $0xffff  }
0x446: {  	v1 =	vld.idx.msk [tilespmem:v23+s2+$0x0], $0xffff  }
0x447: {  	v26 =	vimm.s32 $0xF4;
	v2 =	vld.idx.msk [tilespmem:v24+s0+$0x0], $0xffff  }
0x448: {  	v16 =	vmul.f32 v3, v42;
	v3 =	vimm.s32 $0xFE;
	_ =	sdelay $0x1  }
0x449: {  	v0 =	vmul.f32 v0, v31;
	v17 =	vmul.f32 v4, v43;
	v4 =	vimm.s32 $0xFF;
	_ =	sdelay $0x1  }
0x44a: {  	v25 =	vmul.f32 v2, v7;
	v2 =	vld.idx.msk [tilespmem:v26+s0+$0x0], $0xffff;
	v0 =	vadd.f32 v0, v1  }
0x44b: {  	v3 =	vld.idx.msk [tilespmem:v3+s0+$0x0], $0xffff  }
0x44c: {  	v30 =	vimm.s32 $0xF7;
	v0 =	vadd.f32 v25, v0  }
0x44d: {  	v4 =	vld.idx.msk [tilespmem:v4+s0+$0x0], $0xffff  }
0x44e: {  	v0 =	vadd.f32 v27, v0  }
0x44f: {  	v29 =	vmul.f32 v2, v35  }
0x450: {  	v0 =	vadd.f32 v28, v0;
	v20 =	vmul.f32 v3, v45;
	v3 =	vimm.s32 $0x101  }
0x451: {  	v11 =	vimm.s32 $0xFA;
	v2 =	vld.idx.msk [tilespmem:v30+s0+$0x0], $0xffff  }
0x452: {  	v0 =	vadd.f32 v29, v0;
	v21 =	vmul.f32 v4, v46;
	v4 =	vimm.s32 $0x102;
	_ =	sdelay $0x1  }
0x453: {  	v0 =	vadd.f32 v32, v0  }
0x454: {  	v3 =	vld.idx.msk [tilespmem:v3+s0+$0x0], $0xffff  }
0x455: {  	v10 =	vmul.f32 v2, v38;
	v2 =	vld.idx.msk [tilespmem:v11+s0+$0x0], $0xffff;
	v0 =	vadd.f32 v9, v0  }
0x456: {  	v4 =	vld.idx.msk [tilespmem:v4+s0+$0x0], $0xffff  }
0x457: {  	v15 =	vimm.s32 $0xFD;
	v0 =	vadd.f32 v10, v0;
	_ =	sdelay $0x1  }
0x458: {  	v0 =	vadd.f32 v12, v0;
	v24 =	vmul.f32 v3, v48;
	v3 =	vimm.s32 $0x104  }
0x459: {  	v14 =	vmul.f32 v2, v41  }
0x45a: {  	v0 =	vadd.f32 v13, v0;
	v25 =	vmul.f32 v4, v49;
	v4 =	vimm.s32 $0x105  }
0x45b: {  	v2 =	vld.idx.msk [tilespmem:v15+s0+$0x0], $0xffff  }
0x45c: {  	v19 =	vimm.s32 $0x100;
	v0 =	vadd.f32 v14, v0  }
0x45d: {  	v3 =	vld.idx.msk [tilespmem:v3+s0+$0x0], $0xffff  }
0x45e: {  	v0 =	vadd.f32 v16, v0  }
0x45f: {  	v4 =	vld.idx.msk [tilespmem:v4+s0+$0x0], $0xffff  }
0x460: {  	v18 =	vmul.f32 v2, v44;
	v0 =	vadd.f32 v17, v0  }
0x461: {  	v23 =	vimm.s32 $0x103;
	v2 =	vld.idx.msk [tilespmem:v19+s0+$0x0], $0xffff  }
0x462: {  	v0 =	vadd.f32 v18, v0;
	v28 =	vmul.f32 v3, v51;
	v3 =	vimm.s32 $0x107;
	_ =	sdelay $0x1  }
0x463: {  	v0 =	vadd.f32 v20, v0;
	v29 =	vmul.f32 v4, v52;
	v4 =	vimm.s32 $0x108;
	_ =	sdelay $0x1  }
0x464: {  	v22 =	vmul.f32 v2, v47;
	v2 =	vld.idx.msk [tilespmem:v23+s0+$0x0], $0xffff;
	v0 =	vadd.f32 v21, v0  }
0x465: {  	v3 =	vld.idx.msk [tilespmem:v3+s0+$0x0], $0xffff  }
0x466: {  	v27 =	vimm.s32 $0x106;
	v0 =	vadd.f32 v22, v0  }
0x467: {  	v4 =	vld.idx.msk [tilespmem:v4+s0+$0x0], $0xffff  }
0x468: {  	v0 =	vadd.f32 v24, v0  }
0x469: {  	v26 =	vmul.f32 v2, v50  }
0x46a: {  	v0 =	vadd.f32 v25, v0;
	v9 =	vmul.f32 v3, v54;
	v3 =	vimm.s32 $0x10A  }
0x46b: {  	v32 =	vimm.s32 $0x109;
	v2 =	vld.idx.msk [tilespmem:v27+s0+$0x0], $0xffff  }
0x46c: {  	v0 =	vadd.f32 v26, v0;
	v10 =	vmul.f32 v4, v55;
	v4 =	vimm.s32 $0x10B;
	_ =	sdelay $0x1  }
0x46d: {  	v0 =	vadd.f32 v28, v0  }
0x46e: {  	v3 =	vld.idx.msk [tilespmem:v3+s0+$0x0], $0xffff  }
0x46f: {  	v30 =	vmul.f32 v2, v53;
	v2 =	vld.idx.msk [tilespmem:v32+s0+$0x0], $0xffff;
	v0 =	vadd.f32 v29, v0  }
0x470: {  	v4 =	vld.idx.msk [tilespmem:v4+s0+$0x0], $0xffff  }
0x471: {  	v12 =	vimm.s32 $0x10C;
	v0 =	vadd.f32 v30, v0;
	_ =	sdelay $0x1  }
0x472: {  	v0 =	vadd.f32 v9, v0;
	v13 =	vmul.f32 v3, v57;
	v3 =	vimm.s32 $0x10D  }
0x473: {  	v11 =	vmul.f32 v2, v56  }
0x474: {  	v0 =	vadd.f32 v10, v0;
	v14 =	vmul.f32 v4, v58;
	v4 =	vimm.s32 $0x10E  }
0x475: {  	v2 =	vld.idx.msk [tilespmem:v12+s0+$0x0], $0xffff  }
0x476: {  	v16 =	vimm.s32 $0x10F;
	v0 =	vadd.f32 v11, v0  }
0x477: {  	v3 =	vld.idx.msk [tilespmem:v3+s0+$0x0], $0xffff  }
0x478: {  	v0 =	vadd.f32 v13, v0  }
0x479: {  	v4 =	vld.idx.msk [tilespmem:v4+s0+$0x0], $0xffff  }
0x47a: {  	v15 =	vmul.f32 v2, v59;
	v0 =	vadd.f32 v14, v0  }
0x47b: {  	v2 =	vld.idx.msk [tilespmem:v16+s0+$0x0], $0xffff  }
0x47c: {  	v0 =	vadd.f32 v15, v0;
	v17 =	vmul.f32 v3, v60;
	_ =	sdelay $0x1  }
0x47d: {  	v18 =	vmul.f32 v4, v61;
	v0 =	vadd.f32 v17, v0  }
0x47e: {  	v3 =	vor.u32 $0x7, v63  }
0x47f: {  	v19 =	vmul.f32 v2, v62;
	v0 =	vadd.f32 v18, v0;
	_ =	sdelay $0x1  }
0x480: {  	v0 =	vadd.f32 v19, v0;
	_ =	sdelay $0x1  }
0x481: {  	[tilespmem:v3+s3+$0x0] =	vst.idx.msk $0xffff, v0;
	v3 =	vimm.s32 $0x112;
	_ =	sdelay $0x1  }
0x482: {  	v4 =	vimm.s32 $0x113;
	_ =	sdelay $0x2  }
0x483: {  	v3 =	vld.idx.msk [tilespmem:v3+s0+$0x0], $0xffff;
	_ =	sdelay $0x1  }
0x484: {  	v4 =	vld.idx.msk [tilespmem:v4+s0+$0x0], $0xffff;
	_ =	sdelay $0x2  }
0x485: {  	v25 =	vmul.f32 v3, v33;
	v3 =	vimm.s32 $0x115;
	_ =	sdelay $0x1  }
0x486: {  	v26 =	vmul.f32 v4, v34;
	v4 =	vimm.s32 $0x116;
	_ =	sdelay $0x2  }
0x487: {  	v3 =	vld.idx.msk [tilespmem:v3+s0+$0x0], $0xffff;
	_ =	sdelay $0x1  }
0x488: {  	v4 =	vld.idx.msk [tilespmem:v4+s0+$0x0], $0xffff;
	_ =	sdelay $0x2  }
0x489: {  	v29 =	vmul.f32 v3, v36;
	v3 =	vimm.s32 $0x118;
	_ =	sdelay $0x1  }
0x48a: {  	v30 =	vmul.f32 v4, v37;
	v4 =	vimm.s32 $0x119;
	_ =	sdelay $0x2  }
0x48b: {  	v3 =	vld.idx.msk [tilespmem:v3+s0+$0x0], $0xffff;
	_ =	sdelay $0x1  }
0x48c: {  	v4 =	vld.idx.msk [tilespmem:v4+s0+$0x0], $0xffff;
	_ =	sdelay $0x2  }
0x48d: {  	v10 =	vmul.f32 v3, v39;
	v3 =	vimm.s32 $0x11B  }
0x48e: {  	v20 =	vimm.s32 $0x110  }
0x48f: {  	v11 =	vmul.f32 v4, v40;
	v4 =	vimm.s32 $0x11C  }
0x490: {  	v21 =	vimm.s32 $0x18  }
0x491: {  	v22 =	vimm.s32 $0x111  }
0x492: {  	v3 =	vld.idx.msk [tilespmem:v3+s0+$0x0], $0xffff  }
0x493: {  	v0 =	vld.idx.msk [tilespmem:v20+s0+$0x0], $0xffff  }
0x494: {  	v4 =	vld.idx.msk [tilespmem:v4+s0+$0x0], $0xffff  }
0x495: {  	v1 =	vld.idx.msk [tilespmem:v21+s2+$0x0], $0xffff  }
0x496: {  	v24 =	vimm.s32 $0x114;
	v2 =	vld.idx.msk [tilespmem:v22+s0+$0x0], $0xffff  }
0x497: {  	v14 =	vmul.f32 v3, v42;
	v3 =	vimm.s32 $0x11E;
	_ =	sdelay $0x1  }
0x498: {  	v0 =	vmul.f32 v0, v31;
	v15 =	vmul.f32 v4, v43;
	v4 =	vimm.s32 $0x11F;
	_ =	sdelay $0x1  }
0x499: {  	v23 =	vmul.f32 v2, v7;
	v2 =	vld.idx.msk [tilespmem:v24+s0+$0x0], $0xffff;
	v0 =	vadd.f32 v0, v1  }
0x49a: {  	v3 =	vld.idx.msk [tilespmem:v3+s0+$0x0], $0xffff  }
0x49b: {  	v28 =	vimm.s32 $0x117;
	v0 =	vadd.f32 v23, v0  }
0x49c: {  	v4 =	vld.idx.msk [tilespmem:v4+s0+$0x0], $0xffff  }
0x49d: {  	v0 =	vadd.f32 v25, v0  }
0x49e: {  	v27 =	vmul.f32 v2, v35  }
0x49f: {  	v0 =	vadd.f32 v26, v0;
	v18 =	vmul.f32 v3, v45;
	v3 =	vimm.s32 $0x121  }
0x4a0: {  	v9 =	vimm.s32 $0x11A;
	v2 =	vld.idx.msk [tilespmem:v28+s0+$0x0], $0xffff  }
0x4a1: {  	v0 =	vadd.f32 v27, v0;
	v19 =	vmul.f32 v4, v46;
	v4 =	vimm.s32 $0x122;
	_ =	sdelay $0x1  }
0x4a2: {  	v0 =	vadd.f32 v29, v0  }
0x4a3: {  	v3 =	vld.idx.msk [tilespmem:v3+s0+$0x0], $0xffff  }
0x4a4: {  	v32 =	vmul.f32 v2, v38;
	v2 =	vld.idx.msk [tilespmem:v9+s0+$0x0], $0xffff;
	v0 =	vadd.f32 v30, v0  }
0x4a5: {  	v4 =	vld.idx.msk [tilespmem:v4+s0+$0x0], $0xffff  }
0x4a6: {  	v13 =	vimm.s32 $0x11D;
	v0 =	vadd.f32 v32, v0;
	_ =	sdelay $0x1  }
0x4a7: {  	v0 =	vadd.f32 v10, v0;
	v22 =	vmul.f32 v3, v48;
	v3 =	vimm.s32 $0x124  }
0x4a8: {  	v12 =	vmul.f32 v2, v41  }
0x4a9: {  	v0 =	vadd.f32 v11, v0;
	v23 =	vmul.f32 v4, v49;
	v4 =	vimm.s32 $0x125  }
0x4aa: {  	v2 =	vld.idx.msk [tilespmem:v13+s0+$0x0], $0xffff  }
0x4ab: {  	v17 =	vimm.s32 $0x120;
	v0 =	vadd.f32 v12, v0  }
0x4ac: {  	v3 =	vld.idx.msk [tilespmem:v3+s0+$0x0], $0xffff  }
0x4ad: {  	v0 =	vadd.f32 v14, v0  }
0x4ae: {  	v4 =	vld.idx.msk [tilespmem:v4+s0+$0x0], $0xffff  }
0x4af: {  	v16 =	vmul.f32 v2, v44;
	v0 =	vadd.f32 v15, v0  }
0x4b0: {  	v21 =	vimm.s32 $0x123;
	v2 =	vld.idx.msk [tilespmem:v17+s0+$0x0], $0xffff  }
0x4b1: {  	v0 =	vadd.f32 v16, v0;
	v26 =	vmul.f32 v3, v51;
	v3 =	vimm.s32 $0x127;
	_ =	sdelay $0x1  }
0x4b2: {  	v0 =	vadd.f32 v18, v0;
	v27 =	vmul.f32 v4, v52;
	v4 =	vimm.s32 $0x128;
	_ =	sdelay $0x1  }
0x4b3: {  	v20 =	vmul.f32 v2, v47;
	v2 =	vld.idx.msk [tilespmem:v21+s0+$0x0], $0xffff;
	v0 =	vadd.f32 v19, v0  }
0x4b4: {  	v3 =	vld.idx.msk [tilespmem:v3+s0+$0x0], $0xffff  }
0x4b5: {  	v25 =	vimm.s32 $0x126;
	v0 =	vadd.f32 v20, v0  }
0x4b6: {  	v4 =	vld.idx.msk [tilespmem:v4+s0+$0x0], $0xffff  }
0x4b7: {  	v0 =	vadd.f32 v22, v0  }
0x4b8: {  	v24 =	vmul.f32 v2, v50  }
0x4b9: {  	v0 =	vadd.f32 v23, v0;
	v30 =	vmul.f32 v3, v54;
	v3 =	vimm.s32 $0x12A  }
0x4ba: {  	v29 =	vimm.s32 $0x129;
	v2 =	vld.idx.msk [tilespmem:v25+s0+$0x0], $0xffff  }
0x4bb: {  	v0 =	vadd.f32 v24, v0;
	v32 =	vmul.f32 v4, v55;
	v4 =	vimm.s32 $0x12B;
	_ =	sdelay $0x1  }
0x4bc: {  	v0 =	vadd.f32 v26, v0  }
0x4bd: {  	v3 =	vld.idx.msk [tilespmem:v3+s0+$0x0], $0xffff  }
0x4be: {  	v28 =	vmul.f32 v2, v53;
	v2 =	vld.idx.msk [tilespmem:v29+s0+$0x0], $0xffff;
	v0 =	vadd.f32 v27, v0  }
0x4bf: {  	v4 =	vld.idx.msk [tilespmem:v4+s0+$0x0], $0xffff  }
0x4c0: {  	v10 =	vimm.s32 $0x12C;
	v0 =	vadd.f32 v28, v0;
	_ =	sdelay $0x1  }
0x4c1: {  	v0 =	vadd.f32 v30, v0;
	v11 =	vmul.f32 v3, v57;
	v3 =	vimm.s32 $0x12D  }
0x4c2: {  	v9 =	vmul.f32 v2, v56  }
0x4c3: {  	v0 =	vadd.f32 v32, v0;
	v12 =	vmul.f32 v4, v58;
	v4 =	vimm.s32 $0x12E  }
0x4c4: {  	v2 =	vld.idx.msk [tilespmem:v10+s0+$0x0], $0xffff  }
0x4c5: {  	v14 =	vimm.s32 $0x12F;
	v0 =	vadd.f32 v9, v0  }
0x4c6: {  	v3 =	vld.idx.msk [tilespmem:v3+s0+$0x0], $0xffff  }
0x4c7: {  	v0 =	vadd.f32 v11, v0  }
0x4c8: {  	v4 =	vld.idx.msk [tilespmem:v4+s0+$0x0], $0xffff  }
0x4c9: {  	v13 =	vmul.f32 v2, v59;
	v0 =	vadd.f32 v12, v0  }
0x4ca: {  	v2 =	vld.idx.msk [tilespmem:v14+s0+$0x0], $0xffff  }
0x4cb: {  	v0 =	vadd.f32 v13, v0;
	v15 =	vmul.f32 v3, v60;
	_ =	sdelay $0x1  }
0x4cc: {  	v16 =	vmul.f32 v4, v61;
	v0 =	vadd.f32 v15, v0  }
0x4cd: {  	v3 =	vor.u32 $0x8, v63  }
0x4ce: {  	v17 =	vmul.f32 v2, v62;
	v0 =	vadd.f32 v16, v0;
	_ =	sdelay $0x1  }
0x4cf: {  	v0 =	vadd.f32 v17, v0;
	_ =	sdelay $0x1  }
0x4d0: {  	[tilespmem:v3+s3+$0x0] =	vst.idx.msk $0xffff, v0;
	v3 =	vimm.s32 $0x132;
	_ =	sdelay $0x1  }
0x4d1: {  	v4 =	vimm.s32 $0x133;
	_ =	sdelay $0x2  }
0x4d2: {  	v3 =	vld.idx.msk [tilespmem:v3+s0+$0x0], $0xffff;
	_ =	sdelay $0x1  }
0x4d3: {  	v4 =	vld.idx.msk [tilespmem:v4+s0+$0x0], $0xffff;
	_ =	sdelay $0x2  }
0x4d4: {  	v23 =	vmul.f32 v3, v33;
	v3 =	vimm.s32 $0x135;
	_ =	sdelay $0x1  }
0x4d5: {  	v24 =	vmul.f32 v4, v34;
	v4 =	vimm.s32 $0x136;
	_ =	sdelay $0x2  }
0x4d6: {  	v3 =	vld.idx.msk [tilespmem:v3+s0+$0x0], $0xffff;
	_ =	sdelay $0x1  }
0x4d7: {  	v4 =	vld.idx.msk [tilespmem:v4+s0+$0x0], $0xffff;
	_ =	sdelay $0x1  }
0x4d8: {  	v18 =	vimm.s32 $0x130  }
0x4d9: {  	v27 =	vmul.f32 v3, v36;
	v3 =	vimm.s32 $0x138;
	_ =	sdelay $0x1  }
0x4da: {  	v28 =	vmul.f32 v4, v37;
	v4 =	vimm.s32 $0x139;
	_ =	sdelay $0x1  }
0x4db: {  	v20 =	vimm.s32 $0x131;
	v0 =	vld.idx.msk [tilespmem:v18+s0+$0x0], $0xffff  }
0x4dc: {  	v3 =	vld.idx.msk [tilespmem:v3+s0+$0x0], $0xffff;
	_ =	sdelay $0x1  }
0x4dd: {  	v4 =	vld.idx.msk [tilespmem:v4+s0+$0x0], $0xffff;
	_ =	sdelay $0x1  }
0x4de: {  	v22 =	vimm.s32 $0x134;
	v2 =	vld.idx.msk [tilespmem:v20+s0+$0x0], $0xffff  }
0x4df: {  	v0 =	vmul.f32 v0, v31;
	v31 =	vmul.f32 v3, v39;
	v3 =	vimm.s32 $0x13B;
	_ =	sdelay $0x1  }
0x4e0: {  	v32 =	vmul.f32 v4, v40;
	v4 =	vimm.s32 $0x13C  }
0x4e1: {  	v19 =	vimm.s32 $0x19  }
0x4e2: {  	v21 =	vmul.f32 v2, v7;
	v2 =	vld.idx.msk [tilespmem:v22+s0+$0x0], $0xffff  }
0x4e3: {  	v3 =	vld.idx.msk [tilespmem:v3+s0+$0x0], $0xffff  }
0x4e4: {  	v26 =	vimm.s32 $0x137  }
0x4e5: {  	v4 =	vld.idx.msk [tilespmem:v4+s0+$0x0], $0xffff  }
0x4e6: {  	v1 =	vld.idx.msk [tilespmem:v19+s2+$0x0], $0xffff;
	_ =	sdelay $0x1  }
0x4e7: {  	v25 =	vmul.f32 v2, v35;
	v35 =	vmul.f32 v3, v42;
	v3 =	vimm.s32 $0x13E  }
0x4e8: {  	v30 =	vimm.s32 $0x13A;
	v2 =	vld.idx.msk [tilespmem:v26+s0+$0x0], $0xffff  }
0x4e9: {  	v36 =	vmul.f32 v4, v43;
	v4 =	vimm.s32 $0x13F  }
0x4ea: {  	v0 =	vadd.f32 v0, v1;
	_ =	sdelay $0x1  }
0x4eb: {  	v0 =	vadd.f32 v21, v0;
	v3 =	vld.idx.msk [tilespmem:v3+s0+$0x0], $0xffff  }
0x4ec: {  	v29 =	vmul.f32 v2, v38;
	v2 =	vld.idx.msk [tilespmem:v30+s0+$0x0], $0xffff  }
0x4ed: {  	v0 =	vadd.f32 v23, v0;
	v4 =	vld.idx.msk [tilespmem:v4+s0+$0x0], $0xffff;
	_ =	sdelay $0x1  }
0x4ee: {  	v34 =	vimm.s32 $0x13D;
	v0 =	vadd.f32 v24, v0  }
0x4ef: {  	v40 =	vmul.f32 v3, v45;
	v3 =	vimm.s32 $0x141  }
0x4f0: {  	v0 =	vadd.f32 v25, v0  }
0x4f1: {  	v33 =	vmul.f32 v2, v41;
	v41 =	vmul.f32 v4, v46;
	v4 =	vimm.s32 $0x142;
	_ =	sdelay $0x1  }
0x4f2: {  	v2 =	vld.idx.msk [tilespmem:v34+s0+$0x0], $0xffff;
	v0 =	vadd.f32 v27, v0  }
0x4f3: {  	v3 =	vld.idx.msk [tilespmem:v3+s0+$0x0], $0xffff  }
0x4f4: {  	v0 =	vadd.f32 v28, v0  }
0x4f5: {  	v4 =	vld.idx.msk [tilespmem:v4+s0+$0x0], $0xffff  }
0x4f6: {  	v0 =	vadd.f32 v29, v0  }
0x4f7: {  	v38 =	vmul.f32 v2, v44  }
0x4f8: {  	v0 =	vadd.f32 v31, v0;
	v44 =	vmul.f32 v3, v48;
	v3 =	vimm.s32 $0x144  }
0x4f9: {  	v39 =	vimm.s32 $0x140  }
0x4fa: {  	v0 =	vadd.f32 v32, v0;
	v45 =	vmul.f32 v4, v49;
	v4 =	vimm.s32 $0x145;
	_ =	sdelay $0x1  }
0x4fb: {  	v0 =	vadd.f32 v33, v0  }
0x4fc: {  	v3 =	vld.idx.msk [tilespmem:v3+s0+$0x0], $0xffff  }
0x4fd: {  	v2 =	vld.idx.msk [tilespmem:v39+s0+$0x0], $0xffff;
	v43 =	vimm.s32 $0x143;
	v0 =	vadd.f32 v35, v0  }
0x4fe: {  	v4 =	vld.idx.msk [tilespmem:v4+s0+$0x0], $0xffff  }
0x4ff: {  	v0 =	vadd.f32 v36, v0;
	_ =	sdelay $0x1  }
0x500: {  	v0 =	vadd.f32 v38, v0;
	v48 =	vmul.f32 v3, v51;
	v3 =	vimm.s32 $0x147  }
0x501: {  	v42 =	vmul.f32 v2, v47;
	v47 =	vimm.s32 $0x146;
	v2 =	vld.idx.msk [tilespmem:v43+s0+$0x0], $0xffff  }
0x502: {  	v0 =	vadd.f32 v40, v0;
	v49 =	vmul.f32 v4, v52;
	v4 =	vimm.s32 $0x148;
	_ =	sdelay $0x1  }
0x503: {  	v0 =	vadd.f32 v41, v0  }
0x504: {  	v3 =	vld.idx.msk [tilespmem:v3+s0+$0x0], $0xffff  }
0x505: {  	v46 =	vmul.f32 v2, v50;
	v2 =	vld.idx.msk [tilespmem:v47+s0+$0x0], $0xffff;
	v0 =	vadd.f32 v42, v0  }
0x506: {  	v4 =	vld.idx.msk [tilespmem:v4+s0+$0x0], $0xffff  }
0x507: {  	v0 =	vadd.f32 v44, v0  }
0x508: {  	v51 =	vimm.s32 $0x149  }
0x509: {  	v0 =	vadd.f32 v45, v0;
	v52 =	vmul.f32 v3, v54;
	v3 =	vimm.s32 $0x14A  }
0x50a: {  	v50 =	vmul.f32 v2, v53  }
0x50b: {  	v0 =	vadd.f32 v46, v0;
	v53 =	vmul.f32 v4, v55;
	v4 =	vimm.s32 $0x14B;
	_ =	sdelay $0x1  }
0x50c: {  	v0 =	vadd.f32 v48, v0;
	v2 =	vld.idx.msk [tilespmem:v51+s0+$0x0], $0xffff;
	v55 =	vimm.s32 $0x14C  }
0x50d: {  	v3 =	vld.idx.msk [tilespmem:v3+s0+$0x0], $0xffff  }
0x50e: {  	v0 =	vadd.f32 v49, v0  }
0x50f: {  	v4 =	vld.idx.msk [tilespmem:v4+s0+$0x0], $0xffff  }
0x510: {  	v0 =	vadd.f32 v50, v0  }
0x511: {  	v54 =	vmul.f32 v2, v56;
	v2 =	vld.idx.msk [tilespmem:v55+s0+$0x0], $0xffff  }
0x512: {  	v0 =	vadd.f32 v52, v0;
	v56 =	vmul.f32 v3, v57;
	v3 =	vimm.s32 $0x14D;
	_ =	sdelay $0x1  }
0x513: {  	v0 =	vadd.f32 v53, v0;
	v57 =	vmul.f32 v4, v58;
	v4 =	vimm.s32 $0x14E;
	_ =	sdelay $0x1  }
0x514: {  	v0 =	vadd.f32 v54, v0;
	v58 =	vmul.f32 v2, v59;
	v59 =	vimm.s32 $0x14F  }
0x515: {  	v3 =	vld.idx.msk [tilespmem:v3+s0+$0x0], $0xffff  }
0x516: {  	v0 =	vadd.f32 v56, v0  }
0x517: {  	v4 =	vld.idx.msk [tilespmem:v4+s0+$0x0], $0xffff  }
0x518: {  	v0 =	vadd.f32 v57, v0  }
0x519: {  	v2 =	vld.idx.msk [tilespmem:v59+s0+$0x0], $0xffff  }
0x51a: {  	v0 =	vadd.f32 v58, v0;
	v60 =	vmul.f32 v3, v60;
	_ =	sdelay $0x1  }
0x51b: {  	v61 =	vmul.f32 v4, v61;
	v0 =	vadd.f32 v60, v0  }
0x51c: {  	v3 =	vor.u32 $0x9, v63  }
0x51d: {  	v63 =	vmul.f32 v2, v62;
	v0 =	vadd.f32 v61, v0;
	_ =	sdelay $0x1  }
0x51e: {  	s29 =	rddreg [dreg:$0xc];
	v0 =	vadd.f32 v63, v0  }
0x51f: {  	s30 =	rddreg [dreg:$0x1];
	s11 =	sshll.u32 s29, $0x5  }
0x520: {  	s1 =	simm.s32 $0x3;
	s11 =	sadd.s32 s30, s11;
	[tilespmem:v3+s3+$0x0] =	vst.idx.msk $0xffff, v0  }
0x521: {  	[hbm4b:s11+s4] =	stream.linear.scatter [tilespmem:s3], [sflag:$0x3], $0x100, $0x38;
	[tilespmem:$0x1B870] =	vst v63  }
0x522: {  	v37 =	vld [tilespmem:$0x1FFE0];
	_ =	swait.ge [sflag:s1], $0x100  }
0x523: {  	s31 =	rddreg [dreg:$0xb]  }
0x524: {  	s3 =	sadd.s32 $0x1, s31  }
0x525: {  	p0 =	sne.s32 s3, $0x8  }
.Ltmp2:
0x526: {  	_ = 	snop;
	(pc) =	sbr.rel @p0 .LBB2_2-.Ltmp2, $4  }
0x527: {  	_ = 	snop  }
0x528: {  	v4 =	vld [tilespmem:$0x1FFD0]  }
0x529: {  	[sflag:s1] =	ssyncset.done $0x0  }
0x52a: {  	s5 =	simm.s32 $0x1B750;
	s2 =	simm.s32 $0x1B600;
	v7 =	vimm.f32 $1.000000000e+00;
	v35 =	vld [tilespmem:$0x1FFF0];
	[sflag:s1] =	ssyncadd.s32 $0xFFFFFF00  }
0x52b: {  	s3 =	rddreg [dreg:$0xa]  }
0x52c: {  	s0 =	rddreg [dreg:$0x5];
	s3 =	sadd.s32 $0x1, s3  }
0x52d: {  	p0 =	sne.s32 s3, s0  }
.Ltmp3:
0x52e: {  	_ = 	snop;
	(pc) =	sbr.rel @p0 .LBB2_1-.Ltmp3, $1  }
0x52f: {  	_ =	sdelay $0x3  }
0x530: {  	_ =	sfence.sel $0x180000  }
0x531: {  	[bflag:$0x0] =	sbarrier.arrive $0xFFFF  }
0x532: {  	_ =	strace $0x90000047  }
0x533: {  	s0 =	stileid.u32;
	[bflag:$0x2] =	sbarrier.arrive $0xFFFF  }
0x534: {  	p0 =	sne.s32 s0, $0x0;
	s0 =	rddreg [dreg:$0x2]  }
0x535: {  	s0 =	sadd.s32 @!p0 $0x100000, s0  }
0x536: {  	[sflag:s0] =	ssyncadd.tile.s32 @!p0 $0x1;
	_ =	shalt  }
.Lfunc_end2:
_tile_overlayer_lowered:
.L_overlay_start_2:
0x537: {  	(tag) =	ssettag $0x2  }
0x538: {  	s0 =	rddreg [dreg:$0x0];
	s2 =	stileid.u32  }
0x539: {  	s1 =	rddreg [dreg:$0x1];
	p0 =	sne.s32 s2, $0x0  }
0x53a: {  	s3 =	rddreg [dreg:$0x2];
	[bflag:$0x3] =	sbarrier.arrive $0xFFFF;
	s2 =	simm.s32 @!p0 $0x1C03  }
0x53b: {  	[timem:s3], [sflag:s2] =	dma.local @!p0 [hbm:s0], s1  }
0x53c: {  	s0 =	simm.s32 @!p0 $0x3  }
0x53d: {  	_ =	swait.ge @!p0 [sflag:s0], s1  }
0x53e: {  	s1 =	ssub.s32 @!p0 $0x0, s1;
	[sflag:s0] =	ssyncset.done @!p0 $0x0  }
0x53f: {  	[sflag:s0] =	ssyncadd.s32 @!p0 s1  }
0x540: {  	[bflag:$0x3] =	sbarrier.arrive $0xFFFF  }
0x541: {  	_ =	shalt  }

</sc_bundles>
